<compile_context>
chip_gen: v7x
topology: tpu7x:2x2x1
jax: 0.10.2.dev20260603
libtpu: 0.0.44.dev20260713+nightly
codegen_flags: <defaults>
</compile_context>

<pallas_src>
import functools

import jax
import jax.numpy as jnp
from jax import lax
from jax.experimental import pallas as pl
from jax.experimental.pallas import tpu as pltpu
from jax.experimental.pallas import tpu_sc as plsc

N = 10000
E = 320000
H = 128
NG = 64
EPS = 1e-5

NC = 2
NS = 16
NW = NC * NS
CH = 128
PC = 40
PHASES = 2
CPT = PC * PHASES
EPT = CPT * CH
EPAD = NW * EPT

DUMP = N
ACC_ROWS = 10112
ROWS_INIT = ACC_ROWS // NS
ROWS_OUT = 624

DEG_LEN = 10240
DEG_PT = DEG_LEN // NS


def _mesh():
    return plsc.VectorSubcoreMesh(
        core_axis_name="c", subcore_axis_name="s", num_cores=NC,
        num_subcores=NS)


def _deg_body(idx_hbm, out_hbm, idx_v, ones_v, zbuf_v, acc_sh):
    c = lax.axis_index("c")
    s = lax.axis_index("s")
    wid = s * NC + c
    for k in range(CH // 16):
        ones_v[pl.ds(k * 16, 16)] = jnp.ones((16,), jnp.float32)
    for k in range(DEG_PT // 16):
        zbuf_v[pl.ds(k * 16, 16)] = jnp.zeros((16,), jnp.float32)
    pltpu.sync_copy(zbuf_v, acc_sh.at[pl.ds(s * DEG_PT, DEG_PT)])
    pltpu.sync_copy(idx_hbm.at[wid, 1], idx_v)
    plsc.subcore_barrier()

    def body(j, carry):
        pltpu.sync_copy(ones_v, acc_sh.at[idx_v.at[j]], add=True)
        return carry

    lax.fori_loop(0, CPT, body, 0)
    plsc.subcore_barrier()
    pltpu.sync_copy(acc_sh.at[pl.ds(s * DEG_PT, DEG_PT)],
                    out_hbm.at[c, pl.ds(s * DEG_PT, DEG_PT)])


@functools.cache
def _deg_call():
    return pl.kernel(
        _deg_body,
        out_type=jax.ShapeDtypeStruct((NC, DEG_LEN), jnp.float32),
        mesh=_mesh(),
        scratch_types=[
            pltpu.VMEM((CPT, CH), jnp.int32),
            pltpu.VMEM((CH,), jnp.float32),
            pltpu.VMEM((DEG_PT,), jnp.float32),
            pltpu.VMEM_SHARED((DEG_LEN,), jnp.float32),
        ],
    )


def _agg_body(hs_hbm, idx_hbm, out_hbm, idx_v, rows_v, acc_sh, sem):
    c = lax.axis_index("c")
    s = lax.axis_index("s")
    wid = s * NC + c

    def zrow(j, carry):
        for k in range(H // 16):
            rows_v[0, j, pl.ds(k * 16, 16)] = jnp.zeros((16,), jnp.float32)
        return carry

    lax.fori_loop(0, CH, zrow, 0)
    base = s * ROWS_INIT
    nfull, rem = divmod(ROWS_INIT, CH)
    off = 0
    for nblk in [CH] * nfull + ([rem] if rem else []):
        pltpu.sync_copy(rows_v.at[0].at[pl.ds(0, nblk)],
                        acc_sh.at[pl.ds(base + off, nblk)])
        off += nblk
    plsc.subcore_barrier()
    srcv = idx_v.at[0]
    dstv = idx_v.at[1]

    for p in range(PHASES):
        pltpu.sync_copy(idx_hbm.at[wid, :, pl.ds(p * PC, PC)], idx_v)
        pltpu.async_copy(hs_hbm.at[srcv.at[0]], rows_v.at[0], sem)

        def body(j, carry):
            buf = rows_v.at[j % 2]
            pltpu.make_async_copy(hs_hbm.at[srcv.at[j]], buf, sem).wait()

            @pl.when(j + 1 < PC)
            def _prefetch():
                pltpu.async_copy(hs_hbm.at[srcv.at[j + 1]],
                                 rows_v.at[(j + 1) % 2], sem)

            pltpu.sync_copy(buf, acc_sh.at[dstv.at[j]], add=True)
            return carry

        lax.fori_loop(0, PC, body, 0)
    plsc.subcore_barrier()
    pltpu.sync_copy(acc_sh.at[pl.ds(s * ROWS_OUT, ROWS_OUT)],
                    out_hbm.at[c, pl.ds(s * ROWS_OUT, ROWS_OUT)])

    @pl.when(s == NS - 1)
    def _tail():
        pltpu.sync_copy(acc_sh.at[pl.ds(NS * ROWS_OUT, N - NS * ROWS_OUT)],
                        out_hbm.at[c, pl.ds(NS * ROWS_OUT, N - NS * ROWS_OUT)])


@functools.cache
def _agg_call():
    return pl.kernel(
        _agg_body,
        out_type=jax.ShapeDtypeStruct((NC, N, H), jnp.float32),
        mesh=_mesh(),
        scratch_types=[
            pltpu.VMEM((2, PC, CH), jnp.int32),
            pltpu.VMEM((2, CH, H), jnp.float32),
            pltpu.VMEM_SHARED((ACC_ROWS, H), jnp.float32),
            pltpu.SemaphoreType.DMA,
        ],
    )


def _prep_body(degp_ref, x_ref, w_ref, hs_ref, dinv_ref):
    deg = degp_ref[0] + degp_ref[1] + 1.0
    dinv = lax.rsqrt(deg)
    dinv_ref[...] = dinv
    hs_ref[...] = dinv * jnp.dot(x_ref[...], w_ref[...],
                                 preferred_element_type=jnp.float32)


def _mid_body(accs_ref, hsp_ref, dinv_ref, b_ref, g_ref, be_ref, m_ref,
              v_ref, w_ref, out_ref):
    dinv = dinv_ref[...]
    agg = dinv * (accs_ref[0] + accs_ref[1] + hsp_ref[...]) + b_ref[...]
    sc = g_ref[...] * lax.rsqrt(v_ref[...] + EPS)
    h = jnp.maximum(agg * sc + (be_ref[...] - m_ref[...] * sc), 0.0)
    out_ref[...] = dinv * jnp.dot(h, w_ref[...],
                                  preferred_element_type=jnp.float32)


def _final_body(accs_ref, hsp_ref, dinv_ref, b_ref, g_ref, be_ref, m_ref,
                v_ref, batch_ref, fw1_ref, fb1_ref, fw2_ref, fb2_ref,
                out_ref):
    dinv = dinv_ref[...]
    agg = dinv * (accs_ref[0] + accs_ref[1] + hsp_ref[...]) + b_ref[...]
    sc = g_ref[...] * lax.rsqrt(v_ref[...] + EPS)
    h = jnp.maximum(agg * sc + (be_ref[...] - m_ref[...] * sc), 0.0)
    gid = lax.broadcasted_iota(jnp.int32, (NG, N), 0)
    mask = jnp.where(gid == batch_ref[...], 1.0, 0.0)
    sums = jnp.dot(mask, h, preferred_element_type=jnp.float32)
    cnt = jnp.sum(mask, axis=1, keepdims=True)
    pooled = sums / jnp.maximum(cnt, 1.0)
    r = jnp.maximum(
        jnp.dot(pooled, fw1_ref[...], preferred_element_type=jnp.float32)
        + fb1_ref[...], 0.0)
    o = (jnp.dot(r, fw2_ref[...], preferred_element_type=jnp.float32)
         + fb2_ref[...])
    mx = jnp.max(o, axis=1, keepdims=True)
    ex = jnp.exp(o - mx)
    out_ref[...] = o - mx - jnp.log(jnp.sum(ex, axis=1, keepdims=True))


def _tc(body, out_shape, *args):
    return pl.pallas_call(body, out_shape=out_shape)(*args)


def kernel(x, edge_index, batch, W1, b1, W2, b2, W3, b3, g1, be1, m1, v1,
           g2, be2, m2, v2, g3, be3, m3, v3, fw1, fb1, fw2, fb2):
    f32 = jnp.float32
    src = edge_index[0]
    dst = edge_index[1]
    pad = EPAD - E
    src3 = jnp.concatenate([src, jnp.zeros((pad,), jnp.int32)]).reshape(
        NW, CPT, CH)
    dst3 = jnp.concatenate([dst, jnp.full((pad,), DUMP, jnp.int32)]).reshape(
        NW, CPT, CH)
    idx3 = jnp.stack([src3, dst3], axis=1)

    deg_p = _deg_call()(idx3)
    degp = deg_p[:, :N].reshape(NC, N, 1)

    row = lambda a: a.reshape(1, -1)
    hs1, dinv = _tc(
        _prep_body,
        (jax.ShapeDtypeStruct((N, H), f32), jax.ShapeDtypeStruct((N, 1), f32)),
        degp, x, W1)

    accs1 = _agg_call()(hs1, idx3)
    hs2 = _tc(_mid_body, jax.ShapeDtypeStruct((N, H), f32),
              accs1, hs1, dinv, row(b1), row(g1), row(be1), row(m1), row(v1),
              W2)
    accs2 = _agg_call()(hs2, idx3)
    hs3 = _tc(_mid_body, jax.ShapeDtypeStruct((N, H), f32),
              accs2, hs2, dinv, row(b2), row(g2), row(be2), row(m2), row(v2),
              W3)
    accs3 = _agg_call()(hs3, idx3)
    out = _tc(_final_body, jax.ShapeDtypeStruct((NG, 2), f32),
              accs3, hs3, dinv, row(b3), row(g3), row(be3), row(m3), row(v3),
              row(batch.astype(jnp.int32)), fw1, row(fb1), fw2, row(fb2))
    return out

# --- scband reference (transcript-rebuilt; emitter-appended) ---
"""Pipeline reference for scband-enhanced-gcnn-69286412419205 (READ-ONLY COPY).

The authoritative reference and input builder live on the scoring server;
editing this copy changes nothing except your own understanding.
"""

import jax, jax.numpy as jnp
import numpy as np

N_NODES = 10000
N_EDGES = 320000
D_IN = 128
H = 128
OUT = 2
NG = 64
EPS = 1e-5


def setup_inputs(seed: int = 0):
    key = jax.random.key(seed)
    ks = jax.random.split(key, 16)
    x = jax.random.normal(ks[0], (N_NODES, D_IN), dtype=jnp.float32)
    edge_index = jax.random.randint(ks[1], (2, N_EDGES), 0, N_NODES, dtype=jnp.int32)
    batch = jnp.sort(jax.random.randint(ks[2], (N_NODES,), 0, NG, dtype=jnp.int32))

    def lin(k, i, o):
        s = 1.0 / np.sqrt(i)
        return jax.random.uniform(k, (i, o), minval=-s, maxval=s, dtype=jnp.float32)

    inp = {"x": x, "edge_index": edge_index, "batch": batch}
    inp["W1"] = lin(ks[3], D_IN, H); inp["b1"] = jnp.zeros((H,), jnp.float32)
    inp["W2"] = lin(ks[4], H, H); inp["b2"] = jnp.zeros((H,), jnp.float32)
    inp["W3"] = lin(ks[5], H, H); inp["b3"] = jnp.zeros((H,), jnp.float32)
    for i in (1, 2, 3):
        inp["g%d" % i] = jnp.ones((H,), jnp.float32)
        inp["be%d" % i] = jnp.zeros((H,), jnp.float32)
        inp["m%d" % i] = jnp.zeros((H,), jnp.float32)
        inp["v%d" % i] = jnp.ones((H,), jnp.float32)
    inp["fw1"] = lin(ks[6], H, H); inp["fb1"] = jnp.zeros((H,), jnp.float32)
    inp["fw2"] = lin(ks[7], H, OUT); inp["fb2"] = jnp.zeros((OUT,), jnp.float32)
    return inp


def gcn_conv(x, src, dst, W, b):
    # PyG GCNConv: x' = D^{-1/2} (A+I) D^{-1/2} X W + b  (self-loops already in src/dst)
    N = x.shape[0]
    deg = jax.ops.segment_sum(jnp.ones_like(dst, dtype=x.dtype), dst, num_segments=N)
    dinv = jnp.where(deg > 0, jax.lax.rsqrt(jnp.maximum(deg, 1e-12)), 0.0)
    norm = dinv[src] * dinv[dst]
    h = x @ W
    msg = h[src] * norm[:, None]
    return jax.ops.segment_sum(msg, dst, num_segments=N) + b


def batch_norm(x, g, be, m, v):
    # eval-mode BatchNorm1d with running stats
    return (x - m) * jax.lax.rsqrt(v + EPS) * g + be


def reference(x, edge_index, batch, W1, b1, W2, b2, W3, b3, g1, be1, m1, v1, g2, be2, m2, v2, g3, be3, m3, v3, fw1, fb1, fw2, fb2):
    N = x.shape[0]
    loop = jnp.arange(N, dtype=edge_index.dtype)
    src = jnp.concatenate([edge_index[0], loop])
    dst = jnp.concatenate([edge_index[1], loop])
    h = jax.nn.relu(batch_norm(gcn_conv(x, src, dst, W1, b1), g1, be1, m1, v1))
    h = jax.nn.relu(batch_norm(gcn_conv(h, src, dst, W2, b2), g2, be2, m2, v2))
    h = jax.nn.relu(batch_norm(gcn_conv(h, src, dst, W3, b3), g3, be3, m3, v3))
    sums = jax.ops.segment_sum(h, batch, num_segments=NG)
    cnt = jax.ops.segment_sum(jnp.ones((N,), h.dtype), batch, num_segments=NG)
    pooled = sums / jnp.maximum(cnt, 1.0)[:, None]
    h = jax.nn.relu(pooled @ fw1 + fb1)
    h = h @ fw2 + fb2
    return jax.nn.log_softmax(h, axis=1)

if __name__ == "__main__":
    import jax
    _d = setup_inputs()
    print(jax.jit(kernel)(*tuple(_d.values())))

</pallas_src>

<mosaic_0001>
#map = affine_map<(d0, d1) -> (0, 0, 0, 0)>
#map1 = affine_map<(d0, d1) -> (0, 0)>
module attributes {stable_mosaic.version = 14 : i64} {
  func.func @_deg_body(%arg0: i32, %arg1: i32, %arg2: memref<32x2x80x128xi32, #tpu.memory_space<hbm>>, %arg3: memref<2x10240xf32, #tpu.memory_space<hbm>>, %arg4: memref<80x128xi32, #tpu.memory_space<vmem>>, %arg5: memref<128xf32, #tpu.memory_space<vmem>>, %arg6: memref<640xf32, #tpu.memory_space<vmem>>, %arg7: memref<10240xf32, #tpu.memory_space<vmem_shared>>) attributes {dimension_semantics = [#tpu.dimension_semantics<core_parallel>, #tpu.dimension_semantics<subcore_parallel>], iteration_bounds = array<i64: 2, 16>, scalar_prefetch = 0 : i64, scratch_operands = 4 : i64, tpu.core_type = #tpu.core_type<sc_vector_subcore>, window_params = [{transform_indices = #map}, {transform_indices = #map1}]} {
    %mul3A = arith.constant 2 : i32
    %mul3A_0 = arith.muli %arg1, %mul3A : i32
    %add3A = arith.addi %mul3A_0, %arg0 : i32
    %broadcast_in_dim3A = arith.constant 1.000000e+00 : f32
    %broadcast_in_dim3A_1 = vector.broadcast %broadcast_in_dim3A : f32 to vector<16xf32>
    %swap3A = arith.constant 0 : index
    %swap3A_2 = tpu.vector_load %arg5[%swap3A] {strides = array<i32>} : memref<128xf32, #tpu.memory_space<vmem>>, vector<16xf32>,
    %swap3A_3 = vector.shape_cast %swap3A_2 : vector<16xf32> to vector<16xf32>
    %swap3A_4 = vector.shape_cast %broadcast_in_dim3A_1 : vector<16xf32> to vector<16xf32>
    tpu.vector_store %arg5[%swap3A], %swap3A_4 {strides = array<i32>} : memref<128xf32, #tpu.memory_space<vmem>>, vector<16xf32>,
    %broadcast_in_dim3A_5 = arith.constant 1.000000e+00 : f32
    %broadcast_in_dim3A_6 = vector.broadcast %broadcast_in_dim3A_5 : f32 to vector<16xf32>
    %swap3A_7 = arith.constant 16 : index
    %swap3A_8 = tpu.vector_load %arg5[%swap3A_7] {strides = array<i32>} : memref<128xf32, #tpu.memory_space<vmem>>, vector<16xf32>,
    %swap3A_9 = vector.shape_cast %swap3A_8 : vector<16xf32> to vector<16xf32>
    %swap3A_10 = vector.shape_cast %broadcast_in_dim3A_6 : vector<16xf32> to vector<16xf32>
    tpu.vector_store %arg5[%swap3A_7], %swap3A_10 {strides = array<i32>} : memref<128xf32, #tpu.memory_space<vmem>>, vector<16xf32>,
    %broadcast_in_dim3A_11 = arith.constant 1.000000e+00 : f32
    %broadcast_in_dim3A_12 = vector.broadcast %broadcast_in_dim3A_11 : f32 to vector<16xf32>
    %swap3A_13 = arith.constant 32 : index
    %swap3A_14 = tpu.vector_load %arg5[%swap3A_13] {strides = array<i32>} : memref<128xf32, #tpu.memory_space<vmem>>, vector<16xf32>,
    %swap3A_15 = vector.shape_cast %swap3A_14 : vector<16xf32> to vector<16xf32>
    %swap3A_16 = vector.shape_cast %broadcast_in_dim3A_12 : vector<16xf32> to vector<16xf32>
    tpu.vector_store %arg5[%swap3A_13], %swap3A_16 {strides = array<i32>} : memref<128xf32, #tpu.memory_space<vmem>>, vector<16xf32>,
    %broadcast_in_dim3A_17 = arith.constant 1.000000e+00 : f32
    %broadcast_in_dim3A_18 = vector.broadcast %broadcast_in_dim3A_17 : f32 to vector<16xf32>
    %swap3A_19 = arith.constant 48 : index
    %swap3A_20 = tpu.vector_load %arg5[%swap3A_19] {strides = array<i32>} : memref<128xf32, #tpu.memory_space<vmem>>, vector<16xf32>,
    %swap3A_21 = vector.shape_cast %swap3A_20 : vector<16xf32> to vector<16xf32>
    %swap3A_22 = vector.shape_cast %broadcast_in_dim3A_18 : vector<16xf32> to vector<16xf32>
    tpu.vector_store %arg5[%swap3A_19], %swap3A_22 {strides = array<i32>} : memref<128xf32, #tpu.memory_space<vmem>>, vector<16xf32>,
    %broadcast_in_dim3A_23 = arith.constant 1.000000e+00 : f32
    %broadcast_in_dim3A_24 = vector.broadcast %broadcast_in_dim3A_23 : f32 to vector<16xf32>
    %swap3A_25 = arith.constant 64 : index
    %swap3A_26 = tpu.vector_load %arg5[%swap3A_25] {strides = array<i32>} : memref<128xf32, #tpu.memory_space<vmem>>, vector<16xf32>,
    %swap3A_27 = vector.shape_cast %swap3A_26 : vector<16xf32> to vector<16xf32>
    %swap3A_28 = vector.shape_cast %broadcast_in_dim3A_24 : vector<16xf32> to vector<16xf32>
    tpu.vector_store %arg5[%swap3A_25], %swap3A_28 {strides = array<i32>} : memref<128xf32, #tpu.memory_space<vmem>>, vector<16xf32>,
    %broadcast_in_dim3A_29 = arith.constant 1.000000e+00 : f32
    %broadcast_in_dim3A_30 = vector.broadcast %broadcast_in_dim3A_29 : f32 to vector<16xf32>
    %swap3A_31 = arith.constant 80 : index
    %swap3A_32 = tpu.vector_load %arg5[%swap3A_31] {strides = array<i32>} : memref<128xf32, #tpu.memory_space<vmem>>, vector<16xf32>,
    %swap3A_33 = vector.shape_cast %swap3A_32 : vector<16xf32> to vector<16xf32>
    %swap3A_34 = vector.shape_cast %broadcast_in_dim3A_30 : vector<16xf32> to vector<16xf32>
    tpu.vector_store %arg5[%swap3A_31], %swap3A_34 {strides = array<i32>} : memref<128xf32, #tpu.memory_space<vmem>>, vector<16xf32>,
    %broadcast_in_dim3A_35 = arith.constant 1.000000e+00 : f32
    %broadcast_in_dim3A_36 = vector.broadcast %broadcast_in_dim3A_35 : f32 to vector<16xf32>
    %swap3A_37 = arith.constant 96 : index
    %swap3A_38 = tpu.vector_load %arg5[%swap3A_37] {strides = array<i32>} : memref<128xf32, #tpu.memory_space<vmem>>, vector<16xf32>,
    %swap3A_39 = vector.shape_cast %swap3A_38 : vector<16xf32> to vector<16xf32>
    %swap3A_40 = vector.shape_cast %broadcast_in_dim3A_36 : vector<16xf32> to vector<16xf32>
    tpu.vector_store %arg5[%swap3A_37], %swap3A_40 {strides = array<i32>} : memref<128xf32, #tpu.memory_space<vmem>>, vector<16xf32>,
    %broadcast_in_dim3A_41 = arith.constant 1.000000e+00 : f32
    %broadcast_in_dim3A_42 = vector.broadcast %broadcast_in_dim3A_41 : f32 to vector<16xf32>
    %swap3A_43 = arith.constant 112 : index
    %swap3A_44 = tpu.vector_load %arg5[%swap3A_43] {strides = array<i32>} : memref<128xf32, #tpu.memory_space<vmem>>, vector<16xf32>,
    %swap3A_45 = vector.shape_cast %swap3A_44 : vector<16xf32> to vector<16xf32>
    %swap3A_46 = vector.shape_cast %broadcast_in_dim3A_42 : vector<16xf32> to vector<16xf32>
    tpu.vector_store %arg5[%swap3A_43], %swap3A_46 {strides = array<i32>} : memref<128xf32, #tpu.memory_space<vmem>>, vector<16xf32>,
    %broadcast_in_dim3A_47 = arith.constant 0.000000e+00 : f32
    %broadcast_in_dim3A_48 = vector.broadcast %broadcast_in_dim3A_47 : f32 to vector<16xf32>
    %swap3A_49 = arith.constant 0 : index
    %swap3A_50 = tpu.vector_load %arg6[%swap3A_49] {strides = array<i32>} : memref<640xf32, #tpu.memory_space<vmem>>, vector<16xf32>,
    %swap3A_51 = vector.shape_cast %swap3A_50 : vector<16xf32> to vector<16xf32>
    %swap3A_52 = vector.shape_cast %broadcast_in_dim3A_48 : vector<16xf32> to vector<16xf32>
    tpu.vector_store %arg6[%swap3A_49], %swap3A_52 {strides = array<i32>} : memref<640xf32, #tpu.memory_space<vmem>>, vector<16xf32>,
    %broadcast_in_dim3A_53 = arith.constant 0.000000e+00 : f32
    %broadcast_in_dim3A_54 = vector.broadcast %broadcast_in_dim3A_53 : f32 to vector<16xf32>
    %swap3A_55 = arith.constant 16 : index
    %swap3A_56 = tpu.vector_load %arg6[%swap3A_55] {strides = array<i32>} : memref<640xf32, #tpu.memory_space<vmem>>, vector<16xf32>,
    %swap3A_57 = vector.shape_cast %swap3A_56 : vector<16xf32> to vector<16xf32>
    %swap3A_58 = vector.shape_cast %broadcast_in_dim3A_54 : vector<16xf32> to vector<16xf32>
    tpu.vector_store %arg6[%swap3A_55], %swap3A_58 {strides = array<i32>} : memref<640xf32, #tpu.memory_space<vmem>>, vector<16xf32>,
    %broadcast_in_dim3A_59 = arith.constant 0.000000e+00 : f32
    %broadcast_in_dim3A_60 = vector.broadcast %broadcast_in_dim3A_59 : f32 to vector<16xf32>
    %swap3A_61 = arith.constant 32 : index
    %swap3A_62 = tpu.vector_load %arg6[%swap3A_61] {strides = array<i32>} : memref<640xf32, #tpu.memory_space<vmem>>, vector<16xf32>,
    %swap3A_63 = vector.shape_cast %swap3A_62 : vector<16xf32> to vector<16xf32>
    %swap3A_64 = vector.shape_cast %broadcast_in_dim3A_60 : vector<16xf32> to vector<16xf32>
    tpu.vector_store %arg6[%swap3A_61], %swap3A_64 {strides = array<i32>} : memref<640xf32, #tpu.memory_space<vmem>>, vector<16xf32>,
    %broadcast_in_dim3A_65 = arith.constant 0.000000e+00 : f32
    %broadcast_in_dim3A_66 = vector.broadcast %broadcast_in_dim3A_65 : f32 to vector<16xf32>
    %swap3A_67 = arith.constant 48 : index
    %swap3A_68 = tpu.vector_load %arg6[%swap3A_67] {strides = array<i32>} : memref<640xf32, #tpu.memory_space<vmem>>, vector<16xf32>,
    %swap3A_69 = vector.shape_cast %swap3A_68 : vector<16xf32> to vector<16xf32>
    %swap3A_70 = vector.shape_cast %broadcast_in_dim3A_66 : vector<16xf32> to vector<16xf32>
    tpu.vector_store %arg6[%swap3A_67], %swap3A_70 {strides = array<i32>} : memref<640xf32, #tpu.memory_space<vmem>>, vector<16xf32>,
    %broadcast_in_dim3A_71 = arith.constant 0.000000e+00 : f32
    %broadcast_in_dim3A_72 = vector.broadcast %broadcast_in_dim3A_71 : f32 to vector<16xf32>
    %swap3A_73 = arith.constant 64 : index
    %swap3A_74 = tpu.vector_load %arg6[%swap3A_73] {strides = array<i32>} : memref<640xf32, #tpu.memory_space<vmem>>, vector<16xf32>,
    %swap3A_75 = vector.shape_cast %swap3A_74 : vector<16xf32> to vector<16xf32>
    %swap3A_76 = vector.shape_cast %broadcast_in_dim3A_72 : vector<16xf32> to vector<16xf32>
    tpu.vector_store %arg6[%swap3A_73], %swap3A_76 {strides = array<i32>} : memref<640xf32, #tpu.memory_space<vmem>>, vector<16xf32>,
    %broadcast_in_dim3A_77 = arith.constant 0.000000e+00 : f32
    %broadcast_in_dim3A_78 = vector.broadcast %broadcast_in_dim3A_77 : f32 to vector<16xf32>
    %swap3A_79 = arith.constant 80 : index
    %swap3A_80 = tpu.vector_load %arg6[%swap3A_79] {strides = array<i32>} : memref<640xf32, #tpu.memory_space<vmem>>, vector<16xf32>,
    %swap3A_81 = vector.shape_cast %swap3A_80 : vector<16xf32> to vector<16xf32>
    %swap3A_82 = vector.shape_cast %broadcast_in_dim3A_78 : vector<16xf32> to vector<16xf32>
    tpu.vector_store %arg6[%swap3A_79], %swap3A_82 {strides = array<i32>} : memref<640xf32, #tpu.memory_space<vmem>>, vector<16xf32>,
    %broadcast_in_dim3A_83 = arith.constant 0.000000e+00 : f32
    %broadcast_in_dim3A_84 = vector.broadcast %broadcast_in_dim3A_83 : f32 to vector<16xf32>
    %swap3A_85 = arith.constant 96 : index
    %swap3A_86 = tpu.vector_load %arg6[%swap3A_85] {strides = array<i32>} : memref<640xf32, #tpu.memory_space<vmem>>, vector<16xf32>,
    %swap3A_87 = vector.shape_cast %swap3A_86 : vector<16xf32> to vector<16xf32>
    %swap3A_88 = vector.shape_cast %broadcast_in_dim3A_84 : vector<16xf32> to vector<16xf32>
    tpu.vector_store %arg6[%swap3A_85], %swap3A_88 {strides = array<i32>} : memref<640xf32, #tpu.memory_space<vmem>>, vector<16xf32>,
    %broadcast_in_dim3A_89 = arith.constant 0.000000e+00 : f32
    %broadcast_in_dim3A_90 = vector.broadcast %broadcast_in_dim3A_89 : f32 to vector<16xf32>
    %swap3A_91 = arith.constant 112 : index
    %swap3A_92 = tpu.vector_load %arg6[%swap3A_91] {strides = array<i32>} : memref<640xf32, #tpu.memory_space<vmem>>, vector<16xf32>,
    %swap3A_93 = vector.shape_cast %swap3A_92 : vector<16xf32> to vector<16xf32>
    %swap3A_94 = vector.shape_cast %broadcast_in_dim3A_90 : vector<16xf32> to vector<16xf32>
    tpu.vector_store %arg6[%swap3A_91], %swap3A_94 {strides = array<i32>} : memref<640xf32, #tpu.memory_space<vmem>>, vector<16xf32>,
    %broadcast_in_dim3A_95 = arith.constant 0.000000e+00 : f32
    %broadcast_in_dim3A_96 = vector.broadcast %broadcast_in_dim3A_95 : f32 to vector<16xf32>
    %swap3A_97 = arith.constant 128 : index
    %swap3A_98 = tpu.vector_load %arg6[%swap3A_97] {strides = array<i32>} : memref<640xf32, #tpu.memory_space<vmem>>, vector<16xf32>,
    %swap3A_99 = vector.shape_cast %swap3A_98 : vector<16xf32> to vector<16xf32>
    %swap3A_100 = vector.shape_cast %broadcast_in_dim3A_96 : vector<16xf32> to vector<16xf32>
    tpu.vector_store %arg6[%swap3A_97], %swap3A_100 {strides = array<i32>} : memref<640xf32, #tpu.memory_space<vmem>>, vector<16xf32>,
    %broadcast_in_dim3A_101 = arith.constant 0.000000e+00 : f32
    %broadcast_in_dim3A_102 = vector.broadcast %broadcast_in_dim3A_101 : f32 to vector<16xf32>
    %swap3A_103 = arith.constant 144 : index
    %swap3A_104 = tpu.vector_load %arg6[%swap3A_103] {strides = array<i32>} : memref<640xf32, #tpu.memory_space<vmem>>, vector<16xf32>,
    %swap3A_105 = vector.shape_cast %swap3A_104 : vector<16xf32> to vector<16xf32>
    %swap3A_106 = vector.shape_cast %broadcast_in_dim3A_102 : vector<16xf32> to vector<16xf32>
    tpu.vector_store %arg6[%swap3A_103], %swap3A_106 {strides = array<i32>} : memref<640xf32, #tpu.memory_space<vmem>>, vector<16xf32>,
    %broadcast_in_dim3A_107 = arith.constant 0.000000e+00 : f32
    %broadcast_in_dim3A_108 = vector.broadcast %broadcast_in_dim3A_107 : f32 to vector<16xf32>
    %swap3A_109 = arith.constant 160 : index
    %swap3A_110 = tpu.vector_load %arg6[%swap3A_109] {strides = array<i32>} : memref<640xf32, #tpu.memory_space<vmem>>, vector<16xf32>,
    %swap3A_111 = vector.shape_cast %swap3A_110 : vector<16xf32> to vector<16xf32>
    %swap3A_112 = vector.shape_cast %broadcast_in_dim3A_108 : vector<16xf32> to vector<16xf32>
    tpu.vector_store %arg6[%swap3A_109], %swap3A_112 {strides = array<i32>} : memref<640xf32, #tpu.memory_space<vmem>>, vector<16xf32>,
    %broadcast_in_dim3A_113 = arith.constant 0.000000e+00 : f32
    %broadcast_in_dim3A_114 = vector.broadcast %broadcast_in_dim3A_113 : f32 to vector<16xf32>
    %swap3A_115 = arith.constant 176 : index
    %swap3A_116 = tpu.vector_load %arg6[%swap3A_115] {strides = array<i32>} : memref<640xf32, #tpu.memory_space<vmem>>, vector<16xf32>,
    %swap3A_117 = vector.shape_cast %swap3A_116 : vector<16xf32> to vector<16xf32>
    %swap3A_118 = vector.shape_cast %broadcast_in_dim3A_114 : vector<16xf32> to vector<16xf32>
    tpu.vector_store %arg6[%swap3A_115], %swap3A_118 {strides = array<i32>} : memref<640xf32, #tpu.memory_space<vmem>>, vector<16xf32>,
    %broadcast_in_dim3A_119 = arith.constant 0.000000e+00 : f32
    %broadcast_in_dim3A_120 = vector.broadcast %broadcast_in_dim3A_119 : f32 to vector<16xf32>
    %swap3A_121 = arith.constant 192 : index
    %swap3A_122 = tpu.vector_load %arg6[%swap3A_121] {strides = array<i32>} : memref<640xf32, #tpu.memory_space<vmem>>, vector<16xf32>,
    %swap3A_123 = vector.shape_cast %swap3A_122 : vector<16xf32> to vector<16xf32>
    %swap3A_124 = vector.shape_cast %broadcast_in_dim3A_120 : vector<16xf32> to vector<16xf32>
    tpu.vector_store %arg6[%swap3A_121], %swap3A_124 {strides = array<i32>} : memref<640xf32, #tpu.memory_space<vmem>>, vector<16xf32>,
    %broadcast_in_dim3A_125 = arith.constant 0.000000e+00 : f32
    %broadcast_in_dim3A_126 = vector.broadcast %broadcast_in_dim3A_125 : f32 to vector<16xf32>
    %swap3A_127 = arith.constant 208 : index
    %swap3A_128 = tpu.vector_load %arg6[%swap3A_127] {strides = array<i32>} : memref<640xf32, #tpu.memory_space<vmem>>, vector<16xf32>,
    %swap3A_129 = vector.shape_cast %swap3A_128 : vector<16xf32> to vector<16xf32>
    %swap3A_130 = vector.shape_cast %broadcast_in_dim3A_126 : vector<16xf32> to vector<16xf32>
    tpu.vector_store %arg6[%swap3A_127], %swap3A_130 {strides = array<i32>} : memref<640xf32, #tpu.memory_space<vmem>>, vector<16xf32>,
    %broadcast_in_dim3A_131 = arith.constant 0.000000e+00 : f32
    %broadcast_in_dim3A_132 = vector.broadcast %broadcast_in_dim3A_131 : f32 to vector<16xf32>
    %swap3A_133 = arith.constant 224 : index
    %swap3A_134 = tpu.vector_load %arg6[%swap3A_133] {strides = array<i32>} : memref<640xf32, #tpu.memory_space<vmem>>, vector<16xf32>,
    %swap3A_135 = vector.shape_cast %swap3A_134 : vector<16xf32> to vector<16xf32>
    %swap3A_136 = vector.shape_cast %broadcast_in_dim3A_132 : vector<16xf32> to vector<16xf32>
    tpu.vector_store %arg6[%swap3A_133], %swap3A_136 {strides = array<i32>} : memref<640xf32, #tpu.memory_space<vmem>>, vector<16xf32>,
    %broadcast_in_dim3A_137 = arith.constant 0.000000e+00 : f32
    %broadcast_in_dim3A_138 = vector.broadcast %broadcast_in_dim3A_137 : f32 to vector<16xf32>
    %swap3A_139 = arith.constant 240 : index
    %swap3A_140 = tpu.vector_load %arg6[%swap3A_139] {strides = array<i32>} : memref<640xf32, #tpu.memory_space<vmem>>, vector<16xf32>,
    %swap3A_141 = vector.shape_cast %swap3A_140 : vector<16xf32> to vector<16xf32>
    %swap3A_142 = vector.shape_cast %broadcast_in_dim3A_138 : vector<16xf32> to vector<16xf32>
    tpu.vector_store %arg6[%swap3A_139], %swap3A_142 {strides = array<i32>} : memref<640xf32, #tpu.memory_space<vmem>>, vector<16xf32>,
    %broadcast_in_dim3A_143 = arith.constant 0.000000e+00 : f32
    %broadcast_in_dim3A_144 = vector.broadcast %broadcast_in_dim3A_143 : f32 to vector<16xf32>
    %swap3A_145 = arith.constant 256 : index
    %swap3A_146 = tpu.vector_load %arg6[%swap3A_145] {strides = array<i32>} : memref<640xf32, #tpu.memory_space<vmem>>, vector<16xf32>,
    %swap3A_147 = vector.shape_cast %swap3A_146 : vector<16xf32> to vector<16xf32>
    %swap3A_148 = vector.shape_cast %broadcast_in_dim3A_144 : vector<16xf32> to vector<16xf32>
    tpu.vector_store %arg6[%swap3A_145], %swap3A_148 {strides = array<i32>} : memref<640xf32, #tpu.memory_space<vmem>>, vector<16xf32>,
    %broadcast_in_dim3A_149 = arith.constant 0.000000e+00 : f32
    %broadcast_in_dim3A_150 = vector.broadcast %broadcast_in_dim3A_149 : f32 to vector<16xf32>
    %swap3A_151 = arith.constant 272 : index
    %swap3A_152 = tpu.vector_load %arg6[%swap3A_151] {strides = array<i32>} : memref<640xf32, #tpu.memory_space<vmem>>, vector<16xf32>,
    %swap3A_153 = vector.shape_cast %swap3A_152 : vector<16xf32> to vector<16xf32>
    %swap3A_154 = vector.shape_cast %broadcast_in_dim3A_150 : vector<16xf32> to vector<16xf32>
    tpu.vector_store %arg6[%swap3A_151], %swap3A_154 {strides = array<i32>} : memref<640xf32, #tpu.memory_space<vmem>>, vector<16xf32>,
    %broadcast_in_dim3A_155 = arith.constant 0.000000e+00 : f32
    %broadcast_in_dim3A_156 = vector.broadcast %broadcast_in_dim3A_155 : f32 to vector<16xf32>
    %swap3A_157 = arith.constant 288 : index
    %swap3A_158 = tpu.vector_load %arg6[%swap3A_157] {strides = array<i32>} : memref<640xf32, #tpu.memory_space<vmem>>, vector<16xf32>,
    %swap3A_159 = vector.shape_cast %swap3A_158 : vector<16xf32> to vector<16xf32>
    %swap3A_160 = vector.shape_cast %broadcast_in_dim3A_156 : vector<16xf32> to vector<16xf32>
    tpu.vector_store %arg6[%swap3A_157], %swap3A_160 {strides = array<i32>} : memref<640xf32, #tpu.memory_space<vmem>>, vector<16xf32>,
    %broadcast_in_dim3A_161 = arith.constant 0.000000e+00 : f32
    %broadcast_in_dim3A_162 = vector.broadcast %broadcast_in_dim3A_161 : f32 to vector<16xf32>
    %swap3A_163 = arith.constant 304 : index
    %swap3A_164 = tpu.vector_load %arg6[%swap3A_163] {strides = array<i32>} : memref<640xf32, #tpu.memory_space<vmem>>, vector<16xf32>,
    %swap3A_165 = vector.shape_cast %swap3A_164 : vector<16xf32> to vector<16xf32>
    %swap3A_166 = vector.shape_cast %broadcast_in_dim3A_162 : vector<16xf32> to vector<16xf32>
    tpu.vector_store %arg6[%swap3A_163], %swap3A_166 {strides = array<i32>} : memref<640xf32, #tpu.memory_space<vmem>>, vector<16xf32>,
    %broadcast_in_dim3A_167 = arith.constant 0.000000e+00 : f32
    %broadcast_in_dim3A_168 = vector.broadcast %broadcast_in_dim3A_167 : f32 to vector<16xf32>
    %swap3A_169 = arith.constant 320 : index
    %swap3A_170 = tpu.vector_load %arg6[%swap3A_169] {strides = array<i32>} : memref<640xf32, #tpu.memory_space<vmem>>, vector<16xf32>,
    %swap3A_171 = vector.shape_cast %swap3A_170 : vector<16xf32> to vector<16xf32>
    %swap3A_172 = vector.shape_cast %broadcast_in_dim3A_168 : vector<16xf32> to vector<16xf32>
    tpu.vector_store %arg6[%swap3A_169], %swap3A_172 {strides = array<i32>} : memref<640xf32, #tpu.memory_space<vmem>>, vector<16xf32>,
    %broadcast_in_dim3A_173 = arith.constant 0.000000e+00 : f32
    %broadcast_in_dim3A_174 = vector.broadcast %broadcast_in_dim3A_173 : f32 to vector<16xf32>
    %swap3A_175 = arith.constant 336 : index
    %swap3A_176 = tpu.vector_load %arg6[%swap3A_175] {strides = array<i32>} : memref<640xf32, #tpu.memory_space<vmem>>, vector<16xf32>,
    %swap3A_177 = vector.shape_cast %swap3A_176 : vector<16xf32> to vector<16xf32>
    %swap3A_178 = vector.shape_cast %broadcast_in_dim3A_174 : vector<16xf32> to vector<16xf32>
    tpu.vector_store %arg6[%swap3A_175], %swap3A_178 {strides = array<i32>} : memref<640xf32, #tpu.memory_space<vmem>>, vector<16xf32>,
    %broadcast_in_dim3A_179 = arith.constant 0.000000e+00 : f32
    %broadcast_in_dim3A_180 = vector.broadcast %broadcast_in_dim3A_179 : f32 to vector<16xf32>
    %swap3A_181 = arith.constant 352 : index
    %swap3A_182 = tpu.vector_load %arg6[%swap3A_181] {strides = array<i32>} : memref<640xf32, #tpu.memory_space<vmem>>, vector<16xf32>,
    %swap3A_183 = vector.shape_cast %swap3A_182 : vector<16xf32> to vector<16xf32>
    %swap3A_184 = vector.shape_cast %broadcast_in_dim3A_180 : vector<16xf32> to vector<16xf32>
    tpu.vector_store %arg6[%swap3A_181], %swap3A_184 {strides = array<i32>} : memref<640xf32, #tpu.memory_space<vmem>>, vector<16xf32>,
    %broadcast_in_dim3A_185 = arith.constant 0.000000e+00 : f32
    %broadcast_in_dim3A_186 = vector.broadcast %broadcast_in_dim3A_185 : f32 to vector<16xf32>
    %swap3A_187 = arith.constant 368 : index
    %swap3A_188 = tpu.vector_load %arg6[%swap3A_187] {strides = array<i32>} : memref<640xf32, #tpu.memory_space<vmem>>, vector<16xf32>,
    %swap3A_189 = vector.shape_cast %swap3A_188 : vector<16xf32> to vector<16xf32>
    %swap3A_190 = vector.shape_cast %broadcast_in_dim3A_186 : vector<16xf32> to vector<16xf32>
    tpu.vector_store %arg6[%swap3A_187], %swap3A_190 {strides = array<i32>} : memref<640xf32, #tpu.memory_space<vmem>>, vector<16xf32>,
    %broadcast_in_dim3A_191 = arith.constant 0.000000e+00 : f32
    %broadcast_in_dim3A_192 = vector.broadcast %broadcast_in_dim3A_191 : f32 to vector<16xf32>
    %swap3A_193 = arith.constant 384 : index
    %swap3A_194 = tpu.vector_load %arg6[%swap3A_193] {strides = array<i32>} : memref<640xf32, #tpu.memory_space<vmem>>, vector<16xf32>,
    %swap3A_195 = vector.shape_cast %swap3A_194 : vector<16xf32> to vector<16xf32>
    %swap3A_196 = vector.shape_cast %broadcast_in_dim3A_192 : vector<16xf32> to vector<16xf32>
    tpu.vector_store %arg6[%swap3A_193], %swap3A_196 {strides = array<i32>} : memref<640xf32, #tpu.memory_space<vmem>>, vector<16xf32>,
    %broadcast_in_dim3A_197 = arith.constant 0.000000e+00 : f32
    %broadcast_in_dim3A_198 = vector.broadcast %broadcast_in_dim3A_197 : f32 to vector<16xf32>
    %swap3A_199 = arith.constant 400 : index
    %swap3A_200 = tpu.vector_load %arg6[%swap3A_199] {strides = array<i32>} : memref<640xf32, #tpu.memory_space<vmem>>, vector<16xf32>,
    %swap3A_201 = vector.shape_cast %swap3A_200 : vector<16xf32> to vector<16xf32>
    %swap3A_202 = vector.shape_cast %broadcast_in_dim3A_198 : vector<16xf32> to vector<16xf32>
    tpu.vector_store %arg6[%swap3A_199], %swap3A_202 {strides = array<i32>} : memref<640xf32, #tpu.memory_space<vmem>>, vector<16xf32>,
    %broadcast_in_dim3A_203 = arith.constant 0.000000e+00 : f32
    %broadcast_in_dim3A_204 = vector.broadcast %broadcast_in_dim3A_203 : f32 to vector<16xf32>
    %swap3A_205 = arith.constant 416 : index
    %swap3A_206 = tpu.vector_load %arg6[%swap3A_205] {strides = array<i32>} : memref<640xf32, #tpu.memory_space<vmem>>, vector<16xf32>,
    %swap3A_207 = vector.shape_cast %swap3A_206 : vector<16xf32> to vector<16xf32>
    %swap3A_208 = vector.shape_cast %broadcast_in_dim3A_204 : vector<16xf32> to vector<16xf32>
    tpu.vector_store %arg6[%swap3A_205], %swap3A_208 {strides = array<i32>} : memref<640xf32, #tpu.memory_space<vmem>>, vector<16xf32>,
    %broadcast_in_dim3A_209 = arith.constant 0.000000e+00 : f32
    %broadcast_in_dim3A_210 = vector.broadcast %broadcast_in_dim3A_209 : f32 to vector<16xf32>
    %swap3A_211 = arith.constant 432 : index
    %swap3A_212 = tpu.vector_load %arg6[%swap3A_211] {strides = array<i32>} : memref<640xf32, #tpu.memory_space<vmem>>, vector<16xf32>,
    %swap3A_213 = vector.shape_cast %swap3A_212 : vector<16xf32> to vector<16xf32>
    %swap3A_214 = vector.shape_cast %broadcast_in_dim3A_210 : vector<16xf32> to vector<16xf32>
    tpu.vector_store %arg6[%swap3A_211], %swap3A_214 {strides = array<i32>} : memref<640xf32, #tpu.memory_space<vmem>>, vector<16xf32>,
    %broadcast_in_dim3A_215 = arith.constant 0.000000e+00 : f32
    %broadcast_in_dim3A_216 = vector.broadcast %broadcast_in_dim3A_215 : f32 to vector<16xf32>
    %swap3A_217 = arith.constant 448 : index
    %swap3A_218 = tpu.vector_load %arg6[%swap3A_217] {strides = array<i32>} : memref<640xf32, #tpu.memory_space<vmem>>, vector<16xf32>,
    %swap3A_219 = vector.shape_cast %swap3A_218 : vector<16xf32> to vector<16xf32>
    %swap3A_220 = vector.shape_cast %broadcast_in_dim3A_216 : vector<16xf32> to vector<16xf32>
    tpu.vector_store %arg6[%swap3A_217], %swap3A_220 {strides = array<i32>} : memref<640xf32, #tpu.memory_space<vmem>>, vector<16xf32>,
    %broadcast_in_dim3A_221 = arith.constant 0.000000e+00 : f32
    %broadcast_in_dim3A_222 = vector.broadcast %broadcast_in_dim3A_221 : f32 to vector<16xf32>
    %swap3A_223 = arith.constant 464 : index
    %swap3A_224 = tpu.vector_load %arg6[%swap3A_223] {strides = array<i32>} : memref<640xf32, #tpu.memory_space<vmem>>, vector<16xf32>,
    %swap3A_225 = vector.shape_cast %swap3A_224 : vector<16xf32> to vector<16xf32>
    %swap3A_226 = vector.shape_cast %broadcast_in_dim3A_222 : vector<16xf32> to vector<16xf32>
    tpu.vector_store %arg6[%swap3A_223], %swap3A_226 {strides = array<i32>} : memref<640xf32, #tpu.memory_space<vmem>>, vector<16xf32>,
    %broadcast_in_dim3A_227 = arith.constant 0.000000e+00 : f32
    %broadcast_in_dim3A_228 = vector.broadcast %broadcast_in_dim3A_227 : f32 to vector<16xf32>
    %swap3A_229 = arith.constant 480 : index
    %swap3A_230 = tpu.vector_load %arg6[%swap3A_229] {strides = array<i32>} : memref<640xf32, #tpu.memory_space<vmem>>, vector<16xf32>,
    %swap3A_231 = vector.shape_cast %swap3A_230 : vector<16xf32> to vector<16xf32>
    %swap3A_232 = vector.shape_cast %broadcast_in_dim3A_228 : vector<16xf32> to vector<16xf32>
    tpu.vector_store %arg6[%swap3A_229], %swap3A_232 {strides = array<i32>} : memref<640xf32, #tpu.memory_space<vmem>>, vector<16xf32>,
    %broadcast_in_dim3A_233 = arith.constant 0.000000e+00 : f32
    %broadcast_in_dim3A_234 = vector.broadcast %broadcast_in_dim3A_233 : f32 to vector<16xf32>
    %swap3A_235 = arith.constant 496 : index
    %swap3A_236 = tpu.vector_load %arg6[%swap3A_235] {strides = array<i32>} : memref<640xf32, #tpu.memory_space<vmem>>, vector<16xf32>,
    %swap3A_237 = vector.shape_cast %swap3A_236 : vector<16xf32> to vector<16xf32>
    %swap3A_238 = vector.shape_cast %broadcast_in_dim3A_234 : vector<16xf32> to vector<16xf32>
    tpu.vector_store %arg6[%swap3A_235], %swap3A_238 {strides = array<i32>} : memref<640xf32, #tpu.memory_space<vmem>>, vector<16xf32>,
    %broadcast_in_dim3A_239 = arith.constant 0.000000e+00 : f32
    %broadcast_in_dim3A_240 = vector.broadcast %broadcast_in_dim3A_239 : f32 to vector<16xf32>
    %swap3A_241 = arith.constant 512 : index
    %swap3A_242 = tpu.vector_load %arg6[%swap3A_241] {strides = array<i32>} : memref<640xf32, #tpu.memory_space<vmem>>, vector<16xf32>,
    %swap3A_243 = vector.shape_cast %swap3A_242 : vector<16xf32> to vector<16xf32>
    %swap3A_244 = vector.shape_cast %broadcast_in_dim3A_240 : vector<16xf32> to vector<16xf32>
    tpu.vector_store %arg6[%swap3A_241], %swap3A_244 {strides = array<i32>} : memref<640xf32, #tpu.memory_space<vmem>>, vector<16xf32>,
    %broadcast_in_dim3A_245 = arith.constant 0.000000e+00 : f32
    %broadcast_in_dim3A_246 = vector.broadcast %broadcast_in_dim3A_245 : f32 to vector<16xf32>
    %swap3A_247 = arith.constant 528 : index
    %swap3A_248 = tpu.vector_load %arg6[%swap3A_247] {strides = array<i32>} : memref<640xf32, #tpu.memory_space<vmem>>, vector<16xf32>,
    %swap3A_249 = vector.shape_cast %swap3A_248 : vector<16xf32> to vector<16xf32>
    %swap3A_250 = vector.shape_cast %broadcast_in_dim3A_246 : vector<16xf32> to vector<16xf32>
    tpu.vector_store %arg6[%swap3A_247], %swap3A_250 {strides = array<i32>} : memref<640xf32, #tpu.memory_space<vmem>>, vector<16xf32>,
    %broadcast_in_dim3A_251 = arith.constant 0.000000e+00 : f32
    %broadcast_in_dim3A_252 = vector.broadcast %broadcast_in_dim3A_251 : f32 to vector<16xf32>
    %swap3A_253 = arith.constant 544 : index
    %swap3A_254 = tpu.vector_load %arg6[%swap3A_253] {strides = array<i32>} : memref<640xf32, #tpu.memory_space<vmem>>, vector<16xf32>,
    %swap3A_255 = vector.shape_cast %swap3A_254 : vector<16xf32> to vector<16xf32>
    %swap3A_256 = vector.shape_cast %broadcast_in_dim3A_252 : vector<16xf32> to vector<16xf32>
    tpu.vector_store %arg6[%swap3A_253], %swap3A_256 {strides = array<i32>} : memref<640xf32, #tpu.memory_space<vmem>>, vector<16xf32>,
    %broadcast_in_dim3A_257 = arith.constant 0.000000e+00 : f32
    %broadcast_in_dim3A_258 = vector.broadcast %broadcast_in_dim3A_257 : f32 to vector<16xf32>
    %swap3A_259 = arith.constant 560 : index
    %swap3A_260 = tpu.vector_load %arg6[%swap3A_259] {strides = array<i32>} : memref<640xf32, #tpu.memory_space<vmem>>, vector<16xf32>,
    %swap3A_261 = vector.shape_cast %swap3A_260 : vector<16xf32> to vector<16xf32>
    %swap3A_262 = vector.shape_cast %broadcast_in_dim3A_258 : vector<16xf32> to vector<16xf32>
    tpu.vector_store %arg6[%swap3A_259], %swap3A_262 {strides = array<i32>} : memref<640xf32, #tpu.memory_space<vmem>>, vector<16xf32>,
    %broadcast_in_dim3A_263 = arith.constant 0.000000e+00 : f32
    %broadcast_in_dim3A_264 = vector.broadcast %broadcast_in_dim3A_263 : f32 to vector<16xf32>
    %swap3A_265 = arith.constant 576 : index
    %swap3A_266 = tpu.vector_load %arg6[%swap3A_265] {strides = array<i32>} : memref<640xf32, #tpu.memory_space<vmem>>, vector<16xf32>,
    %swap3A_267 = vector.shape_cast %swap3A_266 : vector<16xf32> to vector<16xf32>
    %swap3A_268 = vector.shape_cast %broadcast_in_dim3A_264 : vector<16xf32> to vector<16xf32>
    tpu.vector_store %arg6[%swap3A_265], %swap3A_268 {strides = array<i32>} : memref<640xf32, #tpu.memory_space<vmem>>, vector<16xf32>,
    %broadcast_in_dim3A_269 = arith.constant 0.000000e+00 : f32
    %broadcast_in_dim3A_270 = vector.broadcast %broadcast_in_dim3A_269 : f32 to vector<16xf32>
    %swap3A_271 = arith.constant 592 : index
    %swap3A_272 = tpu.vector_load %arg6[%swap3A_271] {strides = array<i32>} : memref<640xf32, #tpu.memory_space<vmem>>, vector<16xf32>,
    %swap3A_273 = vector.shape_cast %swap3A_272 : vector<16xf32> to vector<16xf32>
    %swap3A_274 = vector.shape_cast %broadcast_in_dim3A_270 : vector<16xf32> to vector<16xf32>
    tpu.vector_store %arg6[%swap3A_271], %swap3A_274 {strides = array<i32>} : memref<640xf32, #tpu.memory_space<vmem>>, vector<16xf32>,
    %broadcast_in_dim3A_275 = arith.constant 0.000000e+00 : f32
    %broadcast_in_dim3A_276 = vector.broadcast %broadcast_in_dim3A_275 : f32 to vector<16xf32>
    %swap3A_277 = arith.constant 608 : index
    %swap3A_278 = tpu.vector_load %arg6[%swap3A_277] {strides = array<i32>} : memref<640xf32, #tpu.memory_space<vmem>>, vector<16xf32>,
    %swap3A_279 = vector.shape_cast %swap3A_278 : vector<16xf32> to vector<16xf32>
    %swap3A_280 = vector.shape_cast %broadcast_in_dim3A_276 : vector<16xf32> to vector<16xf32>
    tpu.vector_store %arg6[%swap3A_277], %swap3A_280 {strides = array<i32>} : memref<640xf32, #tpu.memory_space<vmem>>, vector<16xf32>,
    %broadcast_in_dim3A_281 = arith.constant 0.000000e+00 : f32
    %broadcast_in_dim3A_282 = vector.broadcast %broadcast_in_dim3A_281 : f32 to vector<16xf32>
    %swap3A_283 = arith.constant 624 : index
    %swap3A_284 = tpu.vector_load %arg6[%swap3A_283] {strides = array<i32>} : memref<640xf32, #tpu.memory_space<vmem>>, vector<16xf32>,
    %swap3A_285 = vector.shape_cast %swap3A_284 : vector<16xf32> to vector<16xf32>
    %swap3A_286 = vector.shape_cast %broadcast_in_dim3A_282 : vector<16xf32> to vector<16xf32>
    tpu.vector_store %arg6[%swap3A_283], %swap3A_286 {strides = array<i32>} : memref<640xf32, #tpu.memory_space<vmem>>, vector<16xf32>,
    %mul3A_287 = arith.constant 640 : i32
    %mul3A_288 = arith.muli %arg1, %mul3A_287 : i32
    "tpu.region"() ({
      %run_scoped3A_299 = tpu.sem_alloc : memref<!tpu.dma_semaphore, #tpu.memory_space<semaphore_mem>>
      %dma_start3A = tpu.memref_slice %arg7[%mul3A_288] : memref<10240xf32, #tpu.memory_space<vmem_shared>> -> memref<640xf32, #tpu.memory_space<vmem_shared>>
      %dma_start3A_300 = tpu.memref_slice %arg7[%mul3A_288] : memref<10240xf32, #tpu.memory_space<vmem_shared>> -> memref<640xf32, #tpu.memory_space<vmem_shared>>
      tpu.enqueue_dma source(%arg6 : memref<640xf32, #tpu.memory_space<vmem>>) target(%dma_start3A_300 : memref<640xf32, #tpu.memory_space<vmem_shared>>) target_semaphore(%run_scoped3A_299 : memref<!tpu.dma_semaphore, #tpu.memory_space<semaphore_mem>>)
      %dma_wait3A = tpu.memref_slice %arg7[%mul3A_288] : memref<10240xf32, #tpu.memory_space<vmem_shared>> -> memref<640xf32, #tpu.memory_space<vmem_shared>>
      %dma_wait3A_301 = tpu.memref_slice %arg7[%mul3A_288] : memref<10240xf32, #tpu.memory_space<vmem_shared>> -> memref<640xf32, #tpu.memory_space<vmem_shared>>
      tpu.wait_dma2 semaphore(%run_scoped3A_299 : memref<!tpu.dma_semaphore, #tpu.memory_space<semaphore_mem>>) src(%arg6 : memref<640xf32, #tpu.memory_space<vmem>>) dst(%dma_wait3A_301 : memref<640xf32, #tpu.memory_space<vmem_shared>>)
      tpu.yield
    }) : () -> ()
    %run_scoped3A = arith.constant 1 : i32
    "tpu.region"() ({
      %run_scoped3A_299 = tpu.sem_alloc : memref<!tpu.dma_semaphore, #tpu.memory_space<semaphore_mem>>
      %dma_start3A = arith.constant 0 : i32
      %dma_start3A_300 = arith.constant 0 : i32
      %dma_start3A_301 = tpu.memref_slice %arg2[%add3A, %run_scoped3A, %dma_start3A, %dma_start3A_300] : memref<32x2x80x128xi32, #tpu.memory_space<hbm>> -> memref<1x1x80x128xi32, #tpu.memory_space<hbm>>
      %dma_start3A_302 = tpu.memref_squeeze %dma_start3A_301 : memref<1x1x80x128xi32, #tpu.memory_space<hbm>> -> memref<80x128xi32, #tpu.memory_space<hbm>>
      %dma_start3A_303 = arith.constant 0 : i32
      %dma_start3A_304 = arith.constant 0 : i32
      %dma_start3A_305 = tpu.memref_slice %arg2[%add3A, %run_scoped3A, %dma_start3A_303, %dma_start3A_304] : memref<32x2x80x128xi32, #tpu.memory_space<hbm>> -> memref<1x1x80x128xi32, #tpu.memory_space<hbm>>
      %dma_start3A_306 = tpu.memref_squeeze %dma_start3A_305 : memref<1x1x80x128xi32, #tpu.memory_space<hbm>> -> memref<80x128xi32, #tpu.memory_space<hbm>>
      tpu.enqueue_dma source(%dma_start3A_306 : memref<80x128xi32, #tpu.memory_space<hbm>>) target(%arg4 : memref<80x128xi32, #tpu.memory_space<vmem>>) target_semaphore(%run_scoped3A_299 : memref<!tpu.dma_semaphore, #tpu.memory_space<semaphore_mem>>)
      %dma_wait3A = arith.constant 0 : i32
      %dma_wait3A_307 = arith.constant 0 : i32
      %dma_wait3A_308 = tpu.memref_slice %arg2[%add3A, %run_scoped3A, %dma_wait3A, %dma_wait3A_307] : memref<32x2x80x128xi32, #tpu.memory_space<hbm>> -> memref<1x1x80x128xi32, #tpu.memory_space<hbm>>
      %dma_wait3A_309 = tpu.memref_squeeze %dma_wait3A_308 : memref<1x1x80x128xi32, #tpu.memory_space<hbm>> -> memref<80x128xi32, #tpu.memory_space<hbm>>
      %dma_wait3A_310 = arith.constant 0 : i32
      %dma_wait3A_311 = arith.constant 0 : i32
      %dma_wait3A_312 = tpu.memref_slice %arg2[%add3A, %run_scoped3A, %dma_wait3A_310, %dma_wait3A_311] : memref<32x2x80x128xi32, #tpu.memory_space<hbm>> -> memref<1x1x80x128xi32, #tpu.memory_space<hbm>>
      %dma_wait3A_313 = tpu.memref_squeeze %dma_wait3A_312 : memref<1x1x80x128xi32, #tpu.memory_space<hbm>> -> memref<80x128xi32, #tpu.memory_space<hbm>>
      tpu.wait_dma2 semaphore(%run_scoped3A_299 : memref<!tpu.dma_semaphore, #tpu.memory_space<semaphore_mem>>) src(%dma_wait3A_313 : memref<80x128xi32, #tpu.memory_space<hbm>>) dst(%arg4 : memref<80x128xi32, #tpu.memory_space<vmem>>)
      tpu.yield
    }) : () -> ()
    %barrier3A = arith.constant 0 : index
    tpu.barrier barrier_id(%barrier3A)
    %scan3A = arith.constant 0 : i32
    %scan3A_289 = arith.constant 0 : i32
    %scan3A_290 = arith.constant 80 : i32
    %scan3A_291 = arith.addi %scan3A_289, %scan3A_290 : i32
    %scan3A_292 = arith.constant 1 : i32
    scf.for %scan3A_299 = %scan3A_289 to %scan3A_291 step %scan3A_292  : i32 {
      "tpu.region"() ({
        %run_scoped3A_300 = tpu.sem_alloc : memref<!tpu.dma_semaphore, #tpu.memory_space<semaphore_mem>>
        %dma_start3A = arith.constant 0 : i32
        %dma_start3A_301 = tpu.memref_slice %arg4[%scan3A_299, %dma_start3A] : memref<80x128xi32, #tpu.memory_space<vmem>> -> memref<1x128xi32, #tpu.memory_space<vmem>>
        %dma_start3A_302 = tpu.memref_squeeze %dma_start3A_301 : memref<1x128xi32, #tpu.memory_space<vmem>> -> memref<128xi32, #tpu.memory_space<vmem>>
        %dma_start3A_303 = arith.constant 0 : i32
        %dma_start3A_304 = tpu.memref_slice %arg7[%dma_start3A_303] : memref<10240xf32, #tpu.memory_space<vmem_shared>> -> memref<10240xf32, #tpu.memory_space<vmem_shared>>
        tpu.enqueue_indirect_dma source(%arg5 : memref<128xf32, #tpu.memory_space<vmem>>) target(%dma_start3A_304 : memref<10240xf32, #tpu.memory_space<vmem_shared>>) offsets(%dma_start3A_302 : memref<128xi32, #tpu.memory_space<vmem>>) semaphore(%run_scoped3A_300 : memref<!tpu.dma_semaphore, #tpu.memory_space<semaphore_mem>>) {add = true}
        %dma_wait3A = arith.constant 0 : i32
        %dma_wait3A_305 = tpu.memref_slice %arg4[%scan3A_299, %dma_wait3A] : memref<80x128xi32, #tpu.memory_space<vmem>> -> memref<1x128xi32, #tpu.memory_space<vmem>>
        %dma_wait3A_306 = tpu.memref_squeeze %dma_wait3A_305 : memref<1x128xi32, #tpu.memory_space<vmem>> -> memref<128xi32, #tpu.memory_space<vmem>>
        %dma_wait3A_307 = arith.constant 0 : i32
        %dma_wait3A_308 = tpu.memref_slice %arg7[%dma_wait3A_307] : memref<10240xf32, #tpu.memory_space<vmem_shared>> -> memref<10240xf32, #tpu.memory_space<vmem_shared>>
        tpu.wait_indirect_dma semaphore(%run_scoped3A_300 : memref<!tpu.dma_semaphore, #tpu.memory_space<semaphore_mem>>) src(%arg5 : memref<128xf32, #tpu.memory_space<vmem>>) dst(%dma_wait3A_308 : memref<10240xf32, #tpu.memory_space<vmem_shared>>)
        tpu.yield
      }) : () -> ()
    }
    %scan3A_293 = arith.constant 80 : i32
    %barrier3A_294 = arith.constant 0 : index
    tpu.barrier barrier_id(%barrier3A_294)
    %mul3A_295 = arith.constant 640 : i32
    %mul3A_296 = arith.muli %arg1, %mul3A_295 : i32
    %mul3A_297 = arith.constant 640 : i32
    %mul3A_298 = arith.muli %arg1, %mul3A_297 : i32
    "tpu.region"() ({
      %run_scoped3A_299 = tpu.sem_alloc : memref<!tpu.dma_semaphore, #tpu.memory_space<semaphore_mem>>
      %dma_start3A = tpu.memref_slice %arg3[%arg0, %mul3A_298] : memref<2x10240xf32, #tpu.memory_space<hbm>> -> memref<1x640xf32, #tpu.memory_space<hbm>>
      %dma_start3A_300 = tpu.memref_squeeze %dma_start3A : memref<1x640xf32, #tpu.memory_space<hbm>> -> memref<640xf32, #tpu.memory_space<hbm>>
      %dma_start3A_301 = tpu.memref_slice %arg7[%mul3A_296] : memref<10240xf32, #tpu.memory_space<vmem_shared>> -> memref<640xf32, #tpu.memory_space<vmem_shared>>
      tpu.enqueue_dma source(%dma_start3A_301 : memref<640xf32, #tpu.memory_space<vmem_shared>>) target(%dma_start3A_300 : memref<640xf32, #tpu.memory_space<hbm>>) target_semaphore(%run_scoped3A_299 : memref<!tpu.dma_semaphore, #tpu.memory_space<semaphore_mem>>)
      %dma_wait3A = tpu.memref_slice %arg3[%arg0, %mul3A_298] : memref<2x10240xf32, #tpu.memory_space<hbm>> -> memref<1x640xf32, #tpu.memory_space<hbm>>
      %dma_wait3A_302 = tpu.memref_squeeze %dma_wait3A : memref<1x640xf32, #tpu.memory_space<hbm>> -> memref<640xf32, #tpu.memory_space<hbm>>
      %dma_wait3A_303 = tpu.memref_slice %arg7[%mul3A_296] : memref<10240xf32, #tpu.memory_space<vmem_shared>> -> memref<640xf32, #tpu.memory_space<vmem_shared>>
      tpu.wait_dma2 semaphore(%run_scoped3A_299 : memref<!tpu.dma_semaphore, #tpu.memory_space<semaphore_mem>>) src(%dma_wait3A_303 : memref<640xf32, #tpu.memory_space<vmem_shared>>) dst(%dma_wait3A_302 : memref<640xf32, #tpu.memory_space<hbm>>)
      tpu.yield
    }) : () -> ()
    return
  }
}

#map = affine_map<(d0, d1) -> (0, 0)>
#map1 = affine_map<(d0, d1) -> (0, 0, 0, 0)>
#map2 = affine_map<(d0, d1) -> (0, 0, 0)>
module attributes {stable_mosaic.version = 14 : i64} {
  func.func @_agg_body(%arg0: i32, %arg1: i32, %arg2: memref<10000x128xf32, #tpu.memory_space<hbm>>, %arg3: memref<32x2x80x128xi32, #tpu.memory_space<hbm>>, %arg4: memref<2x10000x128xf32, #tpu.memory_space<hbm>>, %arg5: memref<2x40x128xi32, #tpu.memory_space<vmem>>, %arg6: memref<2x128x128xf32, #tpu.memory_space<vmem>>, %arg7: memref<10112x128xf32, #tpu.memory_space<vmem_shared>>, %arg8: memref<!tpu.dma_semaphore, #tpu.memory_space<semaphore_mem>>) attributes {dimension_semantics = [#tpu.dimension_semantics<core_parallel>, #tpu.dimension_semantics<subcore_parallel>], iteration_bounds = array<i64: 2, 16>, scalar_prefetch = 0 : i64, scratch_operands = 4 : i64, tpu.core_type = #tpu.core_type<sc_vector_subcore>, window_params = [{transform_indices = #map}, {transform_indices = #map1}, {transform_indices = #map2}]} {
    %mul3A = arith.constant 2 : i32
    %mul3A_0 = arith.muli %arg1, %mul3A : i32
    %add3A = arith.addi %mul3A_0, %arg0 : i32
    %scan3A = arith.constant 0 : i32
    %scan3A_1 = arith.constant 0 : i32
    %scan3A_2 = arith.constant 128 : i32
    %scan3A_3 = arith.addi %scan3A_1, %scan3A_2 : i32
    %scan3A_4 = arith.constant 1 : i32
    scf.for %scan3A_78 = %scan3A_1 to %scan3A_3 step %scan3A_4  : i32 {
      %broadcast_in_dim3A = arith.constant 0.000000e+00 : f32
      %broadcast_in_dim3A_79 = vector.broadcast %broadcast_in_dim3A : f32 to vector<16xf32>
      %swap3A = arith.constant 0 : i32
      %swap3A_80 = arith.index_cast %swap3A : i32 to index
      %swap3A_81 = arith.index_cast %scan3A_78 : i32 to index
      %swap3A_82 = arith.constant 0 : index
      %swap3A_83 = tpu.vector_load %arg6[%swap3A_80, %swap3A_81, %swap3A_82] {strides = array<i32>} : memref<2x128x128xf32, #tpu.memory_space<vmem>>, vector<1x1x16xf32>,
      %swap3A_84 = vector.shape_cast %swap3A_83 : vector<1x1x16xf32> to vector<16xf32>
      %swap3A_85 = vector.shape_cast %broadcast_in_dim3A_79 : vector<16xf32> to vector<1x1x16xf32>
      tpu.vector_store %arg6[%swap3A_80, %swap3A_81, %swap3A_82], %swap3A_85 {strides = array<i32>} : memref<2x128x128xf32, #tpu.memory_space<vmem>>, vector<1x1x16xf32>,
      %broadcast_in_dim3A_86 = arith.constant 0.000000e+00 : f32
      %broadcast_in_dim3A_87 = vector.broadcast %broadcast_in_dim3A_86 : f32 to vector<16xf32>
      %swap3A_88 = arith.constant 0 : i32
      %swap3A_89 = arith.index_cast %swap3A_88 : i32 to index
      %swap3A_90 = arith.index_cast %scan3A_78 : i32 to index
      %swap3A_91 = arith.constant 16 : index
      %swap3A_92 = tpu.vector_load %arg6[%swap3A_89, %swap3A_90, %swap3A_91] {strides = array<i32>} : memref<2x128x128xf32, #tpu.memory_space<vmem>>, vector<1x1x16xf32>,
      %swap3A_93 = vector.shape_cast %swap3A_92 : vector<1x1x16xf32> to vector<16xf32>
      %swap3A_94 = vector.shape_cast %broadcast_in_dim3A_87 : vector<16xf32> to vector<1x1x16xf32>
      tpu.vector_store %arg6[%swap3A_89, %swap3A_90, %swap3A_91], %swap3A_94 {strides = array<i32>} : memref<2x128x128xf32, #tpu.memory_space<vmem>>, vector<1x1x16xf32>,
      %broadcast_in_dim3A_95 = arith.constant 0.000000e+00 : f32
      %broadcast_in_dim3A_96 = vector.broadcast %broadcast_in_dim3A_95 : f32 to vector<16xf32>
      %swap3A_97 = arith.constant 0 : i32
      %swap3A_98 = arith.index_cast %swap3A_97 : i32 to index
      %swap3A_99 = arith.index_cast %scan3A_78 : i32 to index
      %swap3A_100 = arith.constant 32 : index
      %swap3A_101 = tpu.vector_load %arg6[%swap3A_98, %swap3A_99, %swap3A_100] {strides = array<i32>} : memref<2x128x128xf32, #tpu.memory_space<vmem>>, vector<1x1x16xf32>,
      %swap3A_102 = vector.shape_cast %swap3A_101 : vector<1x1x16xf32> to vector<16xf32>
      %swap3A_103 = vector.shape_cast %broadcast_in_dim3A_96 : vector<16xf32> to vector<1x1x16xf32>
      tpu.vector_store %arg6[%swap3A_98, %swap3A_99, %swap3A_100], %swap3A_103 {strides = array<i32>} : memref<2x128x128xf32, #tpu.memory_space<vmem>>, vector<1x1x16xf32>,
      %broadcast_in_dim3A_104 = arith.constant 0.000000e+00 : f32
      %broadcast_in_dim3A_105 = vector.broadcast %broadcast_in_dim3A_104 : f32 to vector<16xf32>
      %swap3A_106 = arith.constant 0 : i32
      %swap3A_107 = arith.index_cast %swap3A_106 : i32 to index
      %swap3A_108 = arith.index_cast %scan3A_78 : i32 to index
      %swap3A_109 = arith.constant 48 : index
      %swap3A_110 = tpu.vector_load %arg6[%swap3A_107, %swap3A_108, %swap3A_109] {strides = array<i32>} : memref<2x128x128xf32, #tpu.memory_space<vmem>>, vector<1x1x16xf32>,
      %swap3A_111 = vector.shape_cast %swap3A_110 : vector<1x1x16xf32> to vector<16xf32>
      %swap3A_112 = vector.shape_cast %broadcast_in_dim3A_105 : vector<16xf32> to vector<1x1x16xf32>
      tpu.vector_store %arg6[%swap3A_107, %swap3A_108, %swap3A_109], %swap3A_112 {strides = array<i32>} : memref<2x128x128xf32, #tpu.memory_space<vmem>>, vector<1x1x16xf32>,
      %broadcast_in_dim3A_113 = arith.constant 0.000000e+00 : f32
      %broadcast_in_dim3A_114 = vector.broadcast %broadcast_in_dim3A_113 : f32 to vector<16xf32>
      %swap3A_115 = arith.constant 0 : i32
      %swap3A_116 = arith.index_cast %swap3A_115 : i32 to index
      %swap3A_117 = arith.index_cast %scan3A_78 : i32 to index
      %swap3A_118 = arith.constant 64 : index
      %swap3A_119 = tpu.vector_load %arg6[%swap3A_116, %swap3A_117, %swap3A_118] {strides = array<i32>} : memref<2x128x128xf32, #tpu.memory_space<vmem>>, vector<1x1x16xf32>,
      %swap3A_120 = vector.shape_cast %swap3A_119 : vector<1x1x16xf32> to vector<16xf32>
      %swap3A_121 = vector.shape_cast %broadcast_in_dim3A_114 : vector<16xf32> to vector<1x1x16xf32>
      tpu.vector_store %arg6[%swap3A_116, %swap3A_117, %swap3A_118], %swap3A_121 {strides = array<i32>} : memref<2x128x128xf32, #tpu.memory_space<vmem>>, vector<1x1x16xf32>,
      %broadcast_in_dim3A_122 = arith.constant 0.000000e+00 : f32
      %broadcast_in_dim3A_123 = vector.broadcast %broadcast_in_dim3A_122 : f32 to vector<16xf32>
      %swap3A_124 = arith.constant 0 : i32
      %swap3A_125 = arith.index_cast %swap3A_124 : i32 to index
      %swap3A_126 = arith.index_cast %scan3A_78 : i32 to index
      %swap3A_127 = arith.constant 80 : index
      %swap3A_128 = tpu.vector_load %arg6[%swap3A_125, %swap3A_126, %swap3A_127] {strides = array<i32>} : memref<2x128x128xf32, #tpu.memory_space<vmem>>, vector<1x1x16xf32>,
      %swap3A_129 = vector.shape_cast %swap3A_128 : vector<1x1x16xf32> to vector<16xf32>
      %swap3A_130 = vector.shape_cast %broadcast_in_dim3A_123 : vector<16xf32> to vector<1x1x16xf32>
      tpu.vector_store %arg6[%swap3A_125, %swap3A_126, %swap3A_127], %swap3A_130 {strides = array<i32>} : memref<2x128x128xf32, #tpu.memory_space<vmem>>, vector<1x1x16xf32>,
      %broadcast_in_dim3A_131 = arith.constant 0.000000e+00 : f32
      %broadcast_in_dim3A_132 = vector.broadcast %broadcast_in_dim3A_131 : f32 to vector<16xf32>
      %swap3A_133 = arith.constant 0 : i32
      %swap3A_134 = arith.index_cast %swap3A_133 : i32 to index
      %swap3A_135 = arith.index_cast %scan3A_78 : i32 to index
      %swap3A_136 = arith.constant 96 : index
      %swap3A_137 = tpu.vector_load %arg6[%swap3A_134, %swap3A_135, %swap3A_136] {strides = array<i32>} : memref<2x128x128xf32, #tpu.memory_space<vmem>>, vector<1x1x16xf32>,
      %swap3A_138 = vector.shape_cast %swap3A_137 : vector<1x1x16xf32> to vector<16xf32>
      %swap3A_139 = vector.shape_cast %broadcast_in_dim3A_132 : vector<16xf32> to vector<1x1x16xf32>
      tpu.vector_store %arg6[%swap3A_134, %swap3A_135, %swap3A_136], %swap3A_139 {strides = array<i32>} : memref<2x128x128xf32, #tpu.memory_space<vmem>>, vector<1x1x16xf32>,
      %broadcast_in_dim3A_140 = arith.constant 0.000000e+00 : f32
      %broadcast_in_dim3A_141 = vector.broadcast %broadcast_in_dim3A_140 : f32 to vector<16xf32>
      %swap3A_142 = arith.constant 0 : i32
      %swap3A_143 = arith.index_cast %swap3A_142 : i32 to index
      %swap3A_144 = arith.index_cast %scan3A_78 : i32 to index
      %swap3A_145 = arith.constant 112 : index
      %swap3A_146 = tpu.vector_load %arg6[%swap3A_143, %swap3A_144, %swap3A_145] {strides = array<i32>} : memref<2x128x128xf32, #tpu.memory_space<vmem>>, vector<1x1x16xf32>,
      %swap3A_147 = vector.shape_cast %swap3A_146 : vector<1x1x16xf32> to vector<16xf32>
      %swap3A_148 = vector.shape_cast %broadcast_in_dim3A_141 : vector<16xf32> to vector<1x1x16xf32>
      tpu.vector_store %arg6[%swap3A_143, %swap3A_144, %swap3A_145], %swap3A_148 {strides = array<i32>} : memref<2x128x128xf32, #tpu.memory_space<vmem>>, vector<1x1x16xf32>,
    }
    %scan3A_5 = arith.constant 128 : i32
    %mul3A_6 = arith.constant 632 : i32
    %mul3A_7 = arith.muli %arg1, %mul3A_6 : i32
    %add3A_8 = arith.constant 0 : i32
    %add3A_9 = arith.addi %mul3A_7, %add3A_8 : i32
    %run_scoped3A = arith.constant 0 : i32
    "tpu.region"() ({
      %run_scoped3A_78 = tpu.sem_alloc : memref<!tpu.dma_semaphore, #tpu.memory_space<semaphore_mem>>
      %dma_start3A_79 = arith.constant 0 : i32
      %dma_start3A_80 = arith.constant 0 : i32
      %dma_start3A_81 = tpu.memref_slice %arg6[%run_scoped3A, %dma_start3A_79, %dma_start3A_80] : memref<2x128x128xf32, #tpu.memory_space<vmem>> -> memref<1x128x128xf32, #tpu.memory_space<vmem>>
      %dma_start3A_82 = tpu.memref_squeeze %dma_start3A_81 : memref<1x128x128xf32, #tpu.memory_space<vmem>> -> memref<128x128xf32, #tpu.memory_space<vmem>>
      %dma_start3A_83 = arith.constant 0 : i32
      %dma_start3A_84 = arith.constant 0 : i32
      %dma_start3A_85 = tpu.memref_slice %dma_start3A_82[%dma_start3A_83, %dma_start3A_84] : memref<128x128xf32, #tpu.memory_space<vmem>> -> memref<128x128xf32, #tpu.memory_space<vmem>>
      %dma_start3A_86 = arith.constant 0 : i32
      %dma_start3A_87 = tpu.memref_slice %arg7[%add3A_9, %dma_start3A_86] : memref<10112x128xf32, #tpu.memory_space<vmem_shared>> -> memref<128x128xf32, #tpu.memory_space<vmem_shared>>
      %dma_start3A_88 = arith.constant 0 : i32
      %dma_start3A_89 = tpu.memref_slice %arg7[%add3A_9, %dma_start3A_88] : memref<10112x128xf32, #tpu.memory_space<vmem_shared>> -> memref<128x128xf32, #tpu.memory_space<vmem_shared>>
      %dma_start3A_90 = arith.constant 0 : i32
      %dma_start3A_91 = arith.constant 0 : i32
      %dma_start3A_92 = tpu.memref_slice %arg6[%run_scoped3A, %dma_start3A_90, %dma_start3A_91] : memref<2x128x128xf32, #tpu.memory_space<vmem>> -> memref<1x128x128xf32, #tpu.memory_space<vmem>>
      %dma_start3A_93 = tpu.memref_squeeze %dma_start3A_92 : memref<1x128x128xf32, #tpu.memory_space<vmem>> -> memref<128x128xf32, #tpu.memory_space<vmem>>
      %dma_start3A_94 = arith.constant 0 : i32
      %dma_start3A_95 = arith.constant 0 : i32
      %dma_start3A_96 = tpu.memref_slice %dma_start3A_93[%dma_start3A_94, %dma_start3A_95] : memref<128x128xf32, #tpu.memory_space<vmem>> -> memref<128x128xf32, #tpu.memory_space<vmem>>
      tpu.enqueue_dma source(%dma_start3A_96 : memref<128x128xf32, #tpu.memory_space<vmem>>) target(%dma_start3A_89 : memref<128x128xf32, #tpu.memory_space<vmem_shared>>) target_semaphore(%run_scoped3A_78 : memref<!tpu.dma_semaphore, #tpu.memory_space<semaphore_mem>>)
      %dma_wait3A = arith.constant 0 : i32
      %dma_wait3A_97 = arith.constant 0 : i32
      %dma_wait3A_98 = tpu.memref_slice %arg6[%run_scoped3A, %dma_wait3A, %dma_wait3A_97] : memref<2x128x128xf32, #tpu.memory_space<vmem>> -> memref<1x128x128xf32, #tpu.memory_space<vmem>>
      %dma_wait3A_99 = tpu.memref_squeeze %dma_wait3A_98 : memref<1x128x128xf32, #tpu.memory_space<vmem>> -> memref<128x128xf32, #tpu.memory_space<vmem>>
      %dma_wait3A_100 = arith.constant 0 : i32
      %dma_wait3A_101 = arith.constant 0 : i32
      %dma_wait3A_102 = tpu.memref_slice %dma_wait3A_99[%dma_wait3A_100, %dma_wait3A_101] : memref<128x128xf32, #tpu.memory_space<vmem>> -> memref<128x128xf32, #tpu.memory_space<vmem>>
      %dma_wait3A_103 = arith.constant 0 : i32
      %dma_wait3A_104 = tpu.memref_slice %arg7[%add3A_9, %dma_wait3A_103] : memref<10112x128xf32, #tpu.memory_space<vmem_shared>> -> memref<128x128xf32, #tpu.memory_space<vmem_shared>>
      %dma_wait3A_105 = arith.constant 0 : i32
      %dma_wait3A_106 = tpu.memref_slice %arg7[%add3A_9, %dma_wait3A_105] : memref<10112x128xf32, #tpu.memory_space<vmem_shared>> -> memref<128x128xf32, #tpu.memory_space<vmem_shared>>
      %dma_wait3A_107 = arith.constant 0 : i32
      %dma_wait3A_108 = arith.constant 0 : i32
      %dma_wait3A_109 = tpu.memref_slice %arg6[%run_scoped3A, %dma_wait3A_107, %dma_wait3A_108] : memref<2x128x128xf32, #tpu.memory_space<vmem>> -> memref<1x128x128xf32, #tpu.memory_space<vmem>>
      %dma_wait3A_110 = tpu.memref_squeeze %dma_wait3A_109 : memref<1x128x128xf32, #tpu.memory_space<vmem>> -> memref<128x128xf32, #tpu.memory_space<vmem>>
      %dma_wait3A_111 = arith.constant 0 : i32
      %dma_wait3A_112 = arith.constant 0 : i32
      %dma_wait3A_113 = tpu.memref_slice %dma_wait3A_110[%dma_wait3A_111, %dma_wait3A_112] : memref<128x128xf32, #tpu.memory_space<vmem>> -> memref<128x128xf32, #tpu.memory_space<vmem>>
      tpu.wait_dma2 semaphore(%run_scoped3A_78 : memref<!tpu.dma_semaphore, #tpu.memory_space<semaphore_mem>>) src(%dma_wait3A_113 : memref<128x128xf32, #tpu.memory_space<vmem>>) dst(%dma_wait3A_106 : memref<128x128xf32, #tpu.memory_space<vmem_shared>>)
      tpu.yield
    }) : () -> ()
    %add3A_10 = arith.constant 128 : i32
    %add3A_11 = arith.addi %mul3A_7, %add3A_10 : i32
    %run_scoped3A_12 = arith.constant 0 : i32
    "tpu.region"() ({
      %run_scoped3A_78 = tpu.sem_alloc : memref<!tpu.dma_semaphore, #tpu.memory_space<semaphore_mem>>
      %dma_start3A_79 = arith.constant 0 : i32
      %dma_start3A_80 = arith.constant 0 : i32
      %dma_start3A_81 = tpu.memref_slice %arg6[%run_scoped3A_12, %dma_start3A_79, %dma_start3A_80] : memref<2x128x128xf32, #tpu.memory_space<vmem>> -> memref<1x128x128xf32, #tpu.memory_space<vmem>>
      %dma_start3A_82 = tpu.memref_squeeze %dma_start3A_81 : memref<1x128x128xf32, #tpu.memory_space<vmem>> -> memref<128x128xf32, #tpu.memory_space<vmem>>
      %dma_start3A_83 = arith.constant 0 : i32
      %dma_start3A_84 = arith.constant 0 : i32
      %dma_start3A_85 = tpu.memref_slice %dma_start3A_82[%dma_start3A_83, %dma_start3A_84] : memref<128x128xf32, #tpu.memory_space<vmem>> -> memref<128x128xf32, #tpu.memory_space<vmem>>
      %dma_start3A_86 = arith.constant 0 : i32
      %dma_start3A_87 = tpu.memref_slice %arg7[%add3A_11, %dma_start3A_86] : memref<10112x128xf32, #tpu.memory_space<vmem_shared>> -> memref<128x128xf32, #tpu.memory_space<vmem_shared>>
      %dma_start3A_88 = arith.constant 0 : i32
      %dma_start3A_89 = tpu.memref_slice %arg7[%add3A_11, %dma_start3A_88] : memref<10112x128xf32, #tpu.memory_space<vmem_shared>> -> memref<128x128xf32, #tpu.memory_space<vmem_shared>>
      %dma_start3A_90 = arith.constant 0 : i32
      %dma_start3A_91 = arith.constant 0 : i32
      %dma_start3A_92 = tpu.memref_slice %arg6[%run_scoped3A_12, %dma_start3A_90, %dma_start3A_91] : memref<2x128x128xf32, #tpu.memory_space<vmem>> -> memref<1x128x128xf32, #tpu.memory_space<vmem>>
      %dma_start3A_93 = tpu.memref_squeeze %dma_start3A_92 : memref<1x128x128xf32, #tpu.memory_space<vmem>> -> memref<128x128xf32, #tpu.memory_space<vmem>>
      %dma_start3A_94 = arith.constant 0 : i32
      %dma_start3A_95 = arith.constant 0 : i32
      %dma_start3A_96 = tpu.memref_slice %dma_start3A_93[%dma_start3A_94, %dma_start3A_95] : memref<128x128xf32, #tpu.memory_space<vmem>> -> memref<128x128xf32, #tpu.memory_space<vmem>>
      tpu.enqueue_dma source(%dma_start3A_96 : memref<128x128xf32, #tpu.memory_space<vmem>>) target(%dma_start3A_89 : memref<128x128xf32, #tpu.memory_space<vmem_shared>>) target_semaphore(%run_scoped3A_78 : memref<!tpu.dma_semaphore, #tpu.memory_space<semaphore_mem>>)
      %dma_wait3A = arith.constant 0 : i32
      %dma_wait3A_97 = arith.constant 0 : i32
      %dma_wait3A_98 = tpu.memref_slice %arg6[%run_scoped3A_12, %dma_wait3A, %dma_wait3A_97] : memref<2x128x128xf32, #tpu.memory_space<vmem>> -> memref<1x128x128xf32, #tpu.memory_space<vmem>>
      %dma_wait3A_99 = tpu.memref_squeeze %dma_wait3A_98 : memref<1x128x128xf32, #tpu.memory_space<vmem>> -> memref<128x128xf32, #tpu.memory_space<vmem>>
      %dma_wait3A_100 = arith.constant 0 : i32
      %dma_wait3A_101 = arith.constant 0 : i32
      %dma_wait3A_102 = tpu.memref_slice %dma_wait3A_99[%dma_wait3A_100, %dma_wait3A_101] : memref<128x128xf32, #tpu.memory_space<vmem>> -> memref<128x128xf32, #tpu.memory_space<vmem>>
      %dma_wait3A_103 = arith.constant 0 : i32
      %dma_wait3A_104 = tpu.memref_slice %arg7[%add3A_11, %dma_wait3A_103] : memref<10112x128xf32, #tpu.memory_space<vmem_shared>> -> memref<128x128xf32, #tpu.memory_space<vmem_shared>>
      %dma_wait3A_105 = arith.constant 0 : i32
      %dma_wait3A_106 = tpu.memref_slice %arg7[%add3A_11, %dma_wait3A_105] : memref<10112x128xf32, #tpu.memory_space<vmem_shared>> -> memref<128x128xf32, #tpu.memory_space<vmem_shared>>
      %dma_wait3A_107 = arith.constant 0 : i32
      %dma_wait3A_108 = arith.constant 0 : i32
      %dma_wait3A_109 = tpu.memref_slice %arg6[%run_scoped3A_12, %dma_wait3A_107, %dma_wait3A_108] : memref<2x128x128xf32, #tpu.memory_space<vmem>> -> memref<1x128x128xf32, #tpu.memory_space<vmem>>
      %dma_wait3A_110 = tpu.memref_squeeze %dma_wait3A_109 : memref<1x128x128xf32, #tpu.memory_space<vmem>> -> memref<128x128xf32, #tpu.memory_space<vmem>>
      %dma_wait3A_111 = arith.constant 0 : i32
      %dma_wait3A_112 = arith.constant 0 : i32
      %dma_wait3A_113 = tpu.memref_slice %dma_wait3A_110[%dma_wait3A_111, %dma_wait3A_112] : memref<128x128xf32, #tpu.memory_space<vmem>> -> memref<128x128xf32, #tpu.memory_space<vmem>>
      tpu.wait_dma2 semaphore(%run_scoped3A_78 : memref<!tpu.dma_semaphore, #tpu.memory_space<semaphore_mem>>) src(%dma_wait3A_113 : memref<128x128xf32, #tpu.memory_space<vmem>>) dst(%dma_wait3A_106 : memref<128x128xf32, #tpu.memory_space<vmem_shared>>)
      tpu.yield
    }) : () -> ()
    %add3A_13 = arith.constant 256 : i32
    %add3A_14 = arith.addi %mul3A_7, %add3A_13 : i32
    %run_scoped3A_15 = arith.constant 0 : i32
    "tpu.region"() ({
      %run_scoped3A_78 = tpu.sem_alloc : memref<!tpu.dma_semaphore, #tpu.memory_space<semaphore_mem>>
      %dma_start3A_79 = arith.constant 0 : i32
      %dma_start3A_80 = arith.constant 0 : i32
      %dma_start3A_81 = tpu.memref_slice %arg6[%run_scoped3A_15, %dma_start3A_79, %dma_start3A_80] : memref<2x128x128xf32, #tpu.memory_space<vmem>> -> memref<1x128x128xf32, #tpu.memory_space<vmem>>
      %dma_start3A_82 = tpu.memref_squeeze %dma_start3A_81 : memref<1x128x128xf32, #tpu.memory_space<vmem>> -> memref<128x128xf32, #tpu.memory_space<vmem>>
      %dma_start3A_83 = arith.constant 0 : i32
      %dma_start3A_84 = arith.constant 0 : i32
      %dma_start3A_85 = tpu.memref_slice %dma_start3A_82[%dma_start3A_83, %dma_start3A_84] : memref<128x128xf32, #tpu.memory_space<vmem>> -> memref<128x128xf32, #tpu.memory_space<vmem>>
      %dma_start3A_86 = arith.constant 0 : i32
      %dma_start3A_87 = tpu.memref_slice %arg7[%add3A_14, %dma_start3A_86] : memref<10112x128xf32, #tpu.memory_space<vmem_shared>> -> memref<128x128xf32, #tpu.memory_space<vmem_shared>>
      %dma_start3A_88 = arith.constant 0 : i32
      %dma_start3A_89 = tpu.memref_slice %arg7[%add3A_14, %dma_start3A_88] : memref<10112x128xf32, #tpu.memory_space<vmem_shared>> -> memref<128x128xf32, #tpu.memory_space<vmem_shared>>
      %dma_start3A_90 = arith.constant 0 : i32
      %dma_start3A_91 = arith.constant 0 : i32
      %dma_start3A_92 = tpu.memref_slice %arg6[%run_scoped3A_15, %dma_start3A_90, %dma_start3A_91] : memref<2x128x128xf32, #tpu.memory_space<vmem>> -> memref<1x128x128xf32, #tpu.memory_space<vmem>>
      %dma_start3A_93 = tpu.memref_squeeze %dma_start3A_92 : memref<1x128x128xf32, #tpu.memory_space<vmem>> -> memref<128x128xf32, #tpu.memory_space<vmem>>
      %dma_start3A_94 = arith.constant 0 : i32
      %dma_start3A_95 = arith.constant 0 : i32
      %dma_start3A_96 = tpu.memref_slice %dma_start3A_93[%dma_start3A_94, %dma_start3A_95] : memref<128x128xf32, #tpu.memory_space<vmem>> -> memref<128x128xf32, #tpu.memory_space<vmem>>
      tpu.enqueue_dma source(%dma_start3A_96 : memref<128x128xf32, #tpu.memory_space<vmem>>) target(%dma_start3A_89 : memref<128x128xf32, #tpu.memory_space<vmem_shared>>) target_semaphore(%run_scoped3A_78 : memref<!tpu.dma_semaphore, #tpu.memory_space<semaphore_mem>>)
      %dma_wait3A = arith.constant 0 : i32
      %dma_wait3A_97 = arith.constant 0 : i32
      %dma_wait3A_98 = tpu.memref_slice %arg6[%run_scoped3A_15, %dma_wait3A, %dma_wait3A_97] : memref<2x128x128xf32, #tpu.memory_space<vmem>> -> memref<1x128x128xf32, #tpu.memory_space<vmem>>
      %dma_wait3A_99 = tpu.memref_squeeze %dma_wait3A_98 : memref<1x128x128xf32, #tpu.memory_space<vmem>> -> memref<128x128xf32, #tpu.memory_space<vmem>>
      %dma_wait3A_100 = arith.constant 0 : i32
      %dma_wait3A_101 = arith.constant 0 : i32
      %dma_wait3A_102 = tpu.memref_slice %dma_wait3A_99[%dma_wait3A_100, %dma_wait3A_101] : memref<128x128xf32, #tpu.memory_space<vmem>> -> memref<128x128xf32, #tpu.memory_space<vmem>>
      %dma_wait3A_103 = arith.constant 0 : i32
      %dma_wait3A_104 = tpu.memref_slice %arg7[%add3A_14, %dma_wait3A_103] : memref<10112x128xf32, #tpu.memory_space<vmem_shared>> -> memref<128x128xf32, #tpu.memory_space<vmem_shared>>
      %dma_wait3A_105 = arith.constant 0 : i32
      %dma_wait3A_106 = tpu.memref_slice %arg7[%add3A_14, %dma_wait3A_105] : memref<10112x128xf32, #tpu.memory_space<vmem_shared>> -> memref<128x128xf32, #tpu.memory_space<vmem_shared>>
      %dma_wait3A_107 = arith.constant 0 : i32
      %dma_wait3A_108 = arith.constant 0 : i32
      %dma_wait3A_109 = tpu.memref_slice %arg6[%run_scoped3A_15, %dma_wait3A_107, %dma_wait3A_108] : memref<2x128x128xf32, #tpu.memory_space<vmem>> -> memref<1x128x128xf32, #tpu.memory_space<vmem>>
      %dma_wait3A_110 = tpu.memref_squeeze %dma_wait3A_109 : memref<1x128x128xf32, #tpu.memory_space<vmem>> -> memref<128x128xf32, #tpu.memory_space<vmem>>
      %dma_wait3A_111 = arith.constant 0 : i32
      %dma_wait3A_112 = arith.constant 0 : i32
      %dma_wait3A_113 = tpu.memref_slice %dma_wait3A_110[%dma_wait3A_111, %dma_wait3A_112] : memref<128x128xf32, #tpu.memory_space<vmem>> -> memref<128x128xf32, #tpu.memory_space<vmem>>
      tpu.wait_dma2 semaphore(%run_scoped3A_78 : memref<!tpu.dma_semaphore, #tpu.memory_space<semaphore_mem>>) src(%dma_wait3A_113 : memref<128x128xf32, #tpu.memory_space<vmem>>) dst(%dma_wait3A_106 : memref<128x128xf32, #tpu.memory_space<vmem_shared>>)
      tpu.yield
    }) : () -> ()
    %add3A_16 = arith.constant 384 : i32
    %add3A_17 = arith.addi %mul3A_7, %add3A_16 : i32
    %run_scoped3A_18 = arith.constant 0 : i32
    "tpu.region"() ({
      %run_scoped3A_78 = tpu.sem_alloc : memref<!tpu.dma_semaphore, #tpu.memory_space<semaphore_mem>>
      %dma_start3A_79 = arith.constant 0 : i32
      %dma_start3A_80 = arith.constant 0 : i32
      %dma_start3A_81 = tpu.memref_slice %arg6[%run_scoped3A_18, %dma_start3A_79, %dma_start3A_80] : memref<2x128x128xf32, #tpu.memory_space<vmem>> -> memref<1x128x128xf32, #tpu.memory_space<vmem>>
      %dma_start3A_82 = tpu.memref_squeeze %dma_start3A_81 : memref<1x128x128xf32, #tpu.memory_space<vmem>> -> memref<128x128xf32, #tpu.memory_space<vmem>>
      %dma_start3A_83 = arith.constant 0 : i32
      %dma_start3A_84 = arith.constant 0 : i32
      %dma_start3A_85 = tpu.memref_slice %dma_start3A_82[%dma_start3A_83, %dma_start3A_84] : memref<128x128xf32, #tpu.memory_space<vmem>> -> memref<128x128xf32, #tpu.memory_space<vmem>>
      %dma_start3A_86 = arith.constant 0 : i32
      %dma_start3A_87 = tpu.memref_slice %arg7[%add3A_17, %dma_start3A_86] : memref<10112x128xf32, #tpu.memory_space<vmem_shared>> -> memref<128x128xf32, #tpu.memory_space<vmem_shared>>
      %dma_start3A_88 = arith.constant 0 : i32
      %dma_start3A_89 = tpu.memref_slice %arg7[%add3A_17, %dma_start3A_88] : memref<10112x128xf32, #tpu.memory_space<vmem_shared>> -> memref<128x128xf32, #tpu.memory_space<vmem_shared>>
      %dma_start3A_90 = arith.constant 0 : i32
      %dma_start3A_91 = arith.constant 0 : i32
      %dma_start3A_92 = tpu.memref_slice %arg6[%run_scoped3A_18, %dma_start3A_90, %dma_start3A_91] : memref<2x128x128xf32, #tpu.memory_space<vmem>> -> memref<1x128x128xf32, #tpu.memory_space<vmem>>
      %dma_start3A_93 = tpu.memref_squeeze %dma_start3A_92 : memref<1x128x128xf32, #tpu.memory_space<vmem>> -> memref<128x128xf32, #tpu.memory_space<vmem>>
      %dma_start3A_94 = arith.constant 0 : i32
      %dma_start3A_95 = arith.constant 0 : i32
      %dma_start3A_96 = tpu.memref_slice %dma_start3A_93[%dma_start3A_94, %dma_start3A_95] : memref<128x128xf32, #tpu.memory_space<vmem>> -> memref<128x128xf32, #tpu.memory_space<vmem>>
      tpu.enqueue_dma source(%dma_start3A_96 : memref<128x128xf32, #tpu.memory_space<vmem>>) target(%dma_start3A_89 : memref<128x128xf32, #tpu.memory_space<vmem_shared>>) target_semaphore(%run_scoped3A_78 : memref<!tpu.dma_semaphore, #tpu.memory_space<semaphore_mem>>)
      %dma_wait3A = arith.constant 0 : i32
      %dma_wait3A_97 = arith.constant 0 : i32
      %dma_wait3A_98 = tpu.memref_slice %arg6[%run_scoped3A_18, %dma_wait3A, %dma_wait3A_97] : memref<2x128x128xf32, #tpu.memory_space<vmem>> -> memref<1x128x128xf32, #tpu.memory_space<vmem>>
      %dma_wait3A_99 = tpu.memref_squeeze %dma_wait3A_98 : memref<1x128x128xf32, #tpu.memory_space<vmem>> -> memref<128x128xf32, #tpu.memory_space<vmem>>
      %dma_wait3A_100 = arith.constant 0 : i32
      %dma_wait3A_101 = arith.constant 0 : i32
      %dma_wait3A_102 = tpu.memref_slice %dma_wait3A_99[%dma_wait3A_100, %dma_wait3A_101] : memref<128x128xf32, #tpu.memory_space<vmem>> -> memref<128x128xf32, #tpu.memory_space<vmem>>
      %dma_wait3A_103 = arith.constant 0 : i32
      %dma_wait3A_104 = tpu.memref_slice %arg7[%add3A_17, %dma_wait3A_103] : memref<10112x128xf32, #tpu.memory_space<vmem_shared>> -> memref<128x128xf32, #tpu.memory_space<vmem_shared>>
      %dma_wait3A_105 = arith.constant 0 : i32
      %dma_wait3A_106 = tpu.memref_slice %arg7[%add3A_17, %dma_wait3A_105] : memref<10112x128xf32, #tpu.memory_space<vmem_shared>> -> memref<128x128xf32, #tpu.memory_space<vmem_shared>>
      %dma_wait3A_107 = arith.constant 0 : i32
      %dma_wait3A_108 = arith.constant 0 : i32
      %dma_wait3A_109 = tpu.memref_slice %arg6[%run_scoped3A_18, %dma_wait3A_107, %dma_wait3A_108] : memref<2x128x128xf32, #tpu.memory_space<vmem>> -> memref<1x128x128xf32, #tpu.memory_space<vmem>>
      %dma_wait3A_110 = tpu.memref_squeeze %dma_wait3A_109 : memref<1x128x128xf32, #tpu.memory_space<vmem>> -> memref<128x128xf32, #tpu.memory_space<vmem>>
      %dma_wait3A_111 = arith.constant 0 : i32
      %dma_wait3A_112 = arith.constant 0 : i32
      %dma_wait3A_113 = tpu.memref_slice %dma_wait3A_110[%dma_wait3A_111, %dma_wait3A_112] : memref<128x128xf32, #tpu.memory_space<vmem>> -> memref<128x128xf32, #tpu.memory_space<vmem>>
      tpu.wait_dma2 semaphore(%run_scoped3A_78 : memref<!tpu.dma_semaphore, #tpu.memory_space<semaphore_mem>>) src(%dma_wait3A_113 : memref<128x128xf32, #tpu.memory_space<vmem>>) dst(%dma_wait3A_106 : memref<128x128xf32, #tpu.memory_space<vmem_shared>>)
      tpu.yield
    }) : () -> ()
    %add3A_19 = arith.constant 512 : i32
    %add3A_20 = arith.addi %mul3A_7, %add3A_19 : i32
    %run_scoped3A_21 = arith.constant 0 : i32
    "tpu.region"() ({
      %run_scoped3A_78 = tpu.sem_alloc : memref<!tpu.dma_semaphore, #tpu.memory_space<semaphore_mem>>
      %dma_start3A_79 = arith.constant 0 : i32
      %dma_start3A_80 = arith.constant 0 : i32
      %dma_start3A_81 = tpu.memref_slice %arg6[%run_scoped3A_21, %dma_start3A_79, %dma_start3A_80] : memref<2x128x128xf32, #tpu.memory_space<vmem>> -> memref<1x128x128xf32, #tpu.memory_space<vmem>>
      %dma_start3A_82 = tpu.memref_squeeze %dma_start3A_81 : memref<1x128x128xf32, #tpu.memory_space<vmem>> -> memref<128x128xf32, #tpu.memory_space<vmem>>
      %dma_start3A_83 = arith.constant 0 : i32
      %dma_start3A_84 = arith.constant 0 : i32
      %dma_start3A_85 = tpu.memref_slice %dma_start3A_82[%dma_start3A_83, %dma_start3A_84] : memref<128x128xf32, #tpu.memory_space<vmem>> -> memref<120x128xf32, #tpu.memory_space<vmem>>
      %dma_start3A_86 = arith.constant 0 : i32
      %dma_start3A_87 = tpu.memref_slice %arg7[%add3A_20, %dma_start3A_86] : memref<10112x128xf32, #tpu.memory_space<vmem_shared>> -> memref<120x128xf32, #tpu.memory_space<vmem_shared>>
      %dma_start3A_88 = arith.constant 0 : i32
      %dma_start3A_89 = tpu.memref_slice %arg7[%add3A_20, %dma_start3A_88] : memref<10112x128xf32, #tpu.memory_space<vmem_shared>> -> memref<120x128xf32, #tpu.memory_space<vmem_shared>>
      %dma_start3A_90 = arith.constant 0 : i32
      %dma_start3A_91 = arith.constant 0 : i32
      %dma_start3A_92 = tpu.memref_slice %arg6[%run_scoped3A_21, %dma_start3A_90, %dma_start3A_91] : memref<2x128x128xf32, #tpu.memory_space<vmem>> -> memref<1x128x128xf32, #tpu.memory_space<vmem>>
      %dma_start3A_93 = tpu.memref_squeeze %dma_start3A_92 : memref<1x128x128xf32, #tpu.memory_space<vmem>> -> memref<128x128xf32, #tpu.memory_space<vmem>>
      %dma_start3A_94 = arith.constant 0 : i32
      %dma_start3A_95 = arith.constant 0 : i32
      %dma_start3A_96 = tpu.memref_slice %dma_start3A_93[%dma_start3A_94, %dma_start3A_95] : memref<128x128xf32, #tpu.memory_space<vmem>> -> memref<120x128xf32, #tpu.memory_space<vmem>>
      tpu.enqueue_dma source(%dma_start3A_96 : memref<120x128xf32, #tpu.memory_space<vmem>>) target(%dma_start3A_89 : memref<120x128xf32, #tpu.memory_space<vmem_shared>>) target_semaphore(%run_scoped3A_78 : memref<!tpu.dma_semaphore, #tpu.memory_space<semaphore_mem>>)
      %dma_wait3A = arith.constant 0 : i32
      %dma_wait3A_97 = arith.constant 0 : i32
      %dma_wait3A_98 = tpu.memref_slice %arg6[%run_scoped3A_21, %dma_wait3A, %dma_wait3A_97] : memref<2x128x128xf32, #tpu.memory_space<vmem>> -> memref<1x128x128xf32, #tpu.memory_space<vmem>>
      %dma_wait3A_99 = tpu.memref_squeeze %dma_wait3A_98 : memref<1x128x128xf32, #tpu.memory_space<vmem>> -> memref<128x128xf32, #tpu.memory_space<vmem>>
      %dma_wait3A_100 = arith.constant 0 : i32
      %dma_wait3A_101 = arith.constant 0 : i32
      %dma_wait3A_102 = tpu.memref_slice %dma_wait3A_99[%dma_wait3A_100, %dma_wait3A_101] : memref<128x128xf32, #tpu.memory_space<vmem>> -> memref<120x128xf32, #tpu.memory_space<vmem>>
      %dma_wait3A_103 = arith.constant 0 : i32
      %dma_wait3A_104 = tpu.memref_slice %arg7[%add3A_20, %dma_wait3A_103] : memref<10112x128xf32, #tpu.memory_space<vmem_shared>> -> memref<120x128xf32, #tpu.memory_space<vmem_shared>>
      %dma_wait3A_105 = arith.constant 0 : i32
      %dma_wait3A_106 = tpu.memref_slice %arg7[%add3A_20, %dma_wait3A_105] : memref<10112x128xf32, #tpu.memory_space<vmem_shared>> -> memref<120x128xf32, #tpu.memory_space<vmem_shared>>
      %dma_wait3A_107 = arith.constant 0 : i32
      %dma_wait3A_108 = arith.constant 0 : i32
      %dma_wait3A_109 = tpu.memref_slice %arg6[%run_scoped3A_21, %dma_wait3A_107, %dma_wait3A_108] : memref<2x128x128xf32, #tpu.memory_space<vmem>> -> memref<1x128x128xf32, #tpu.memory_space<vmem>>
      %dma_wait3A_110 = tpu.memref_squeeze %dma_wait3A_109 : memref<1x128x128xf32, #tpu.memory_space<vmem>> -> memref<128x128xf32, #tpu.memory_space<vmem>>
      %dma_wait3A_111 = arith.constant 0 : i32
      %dma_wait3A_112 = arith.constant 0 : i32
      %dma_wait3A_113 = tpu.memref_slice %dma_wait3A_110[%dma_wait3A_111, %dma_wait3A_112] : memref<128x128xf32, #tpu.memory_space<vmem>> -> memref<120x128xf32, #tpu.memory_space<vmem>>
      tpu.wait_dma2 semaphore(%run_scoped3A_78 : memref<!tpu.dma_semaphore, #tpu.memory_space<semaphore_mem>>) src(%dma_wait3A_113 : memref<120x128xf32, #tpu.memory_space<vmem>>) dst(%dma_wait3A_106 : memref<120x128xf32, #tpu.memory_space<vmem_shared>>)
      tpu.yield
    }) : () -> ()
    %barrier3A = arith.constant 0 : index
    tpu.barrier barrier_id(%barrier3A)
    "tpu.region"() ({
      %run_scoped3A_78 = tpu.sem_alloc : memref<!tpu.dma_semaphore, #tpu.memory_space<semaphore_mem>>
      %dma_start3A_79 = arith.constant 0 : i32
      %dma_start3A_80 = arith.constant 0 : i32
      %dma_start3A_81 = arith.constant 0 : i32
      %dma_start3A_82 = tpu.memref_slice %arg3[%add3A, %dma_start3A_79, %dma_start3A_80, %dma_start3A_81] : memref<32x2x80x128xi32, #tpu.memory_space<hbm>> -> memref<1x2x40x128xi32, #tpu.memory_space<hbm>>
      %dma_start3A_83 = tpu.memref_squeeze %dma_start3A_82 : memref<1x2x40x128xi32, #tpu.memory_space<hbm>> -> memref<2x40x128xi32, #tpu.memory_space<hbm>>
      %dma_start3A_84 = arith.constant 0 : i32
      %dma_start3A_85 = arith.constant 0 : i32
      %dma_start3A_86 = arith.constant 0 : i32
      %dma_start3A_87 = tpu.memref_slice %arg3[%add3A, %dma_start3A_84, %dma_start3A_85, %dma_start3A_86] : memref<32x2x80x128xi32, #tpu.memory_space<hbm>> -> memref<1x2x40x128xi32, #tpu.memory_space<hbm>>
      %dma_start3A_88 = tpu.memref_squeeze %dma_start3A_87 : memref<1x2x40x128xi32, #tpu.memory_space<hbm>> -> memref<2x40x128xi32, #tpu.memory_space<hbm>>
      tpu.enqueue_dma source(%dma_start3A_88 : memref<2x40x128xi32, #tpu.memory_space<hbm>>) target(%arg5 : memref<2x40x128xi32, #tpu.memory_space<vmem>>) target_semaphore(%run_scoped3A_78 : memref<!tpu.dma_semaphore, #tpu.memory_space<semaphore_mem>>)
      %dma_wait3A = arith.constant 0 : i32
      %dma_wait3A_89 = arith.constant 0 : i32
      %dma_wait3A_90 = arith.constant 0 : i32
      %dma_wait3A_91 = tpu.memref_slice %arg3[%add3A, %dma_wait3A, %dma_wait3A_89, %dma_wait3A_90] : memref<32x2x80x128xi32, #tpu.memory_space<hbm>> -> memref<1x2x40x128xi32, #tpu.memory_space<hbm>>
      %dma_wait3A_92 = tpu.memref_squeeze %dma_wait3A_91 : memref<1x2x40x128xi32, #tpu.memory_space<hbm>> -> memref<2x40x128xi32, #tpu.memory_space<hbm>>
      %dma_wait3A_93 = arith.constant 0 : i32
      %dma_wait3A_94 = arith.constant 0 : i32
      %dma_wait3A_95 = arith.constant 0 : i32
      %dma_wait3A_96 = tpu.memref_slice %arg3[%add3A, %dma_wait3A_93, %dma_wait3A_94, %dma_wait3A_95] : memref<32x2x80x128xi32, #tpu.memory_space<hbm>> -> memref<1x2x40x128xi32, #tpu.memory_space<hbm>>
      %dma_wait3A_97 = tpu.memref_squeeze %dma_wait3A_96 : memref<1x2x40x128xi32, #tpu.memory_space<hbm>> -> memref<2x40x128xi32, #tpu.memory_space<hbm>>
      tpu.wait_dma2 semaphore(%run_scoped3A_78 : memref<!tpu.dma_semaphore, #tpu.memory_space<semaphore_mem>>) src(%dma_wait3A_97 : memref<2x40x128xi32, #tpu.memory_space<hbm>>) dst(%arg5 : memref<2x40x128xi32, #tpu.memory_space<vmem>>)
      tpu.yield
    }) : () -> ()
    %dma_start3A = arith.constant 0 : i32
    %dma_start3A_22 = arith.constant 0 : i32
    %dma_start3A_23 = arith.constant 0 : i32
    %dma_start3A_24 = arith.constant 0 : i32
    %dma_start3A_25 = arith.constant 0 : i32
    %dma_start3A_26 = tpu.memref_slice %arg6[%dma_start3A_23, %dma_start3A_24, %dma_start3A_25] : memref<2x128x128xf32, #tpu.memory_space<vmem>> -> memref<1x128x128xf32, #tpu.memory_space<vmem>>
    %dma_start3A_27 = tpu.memref_squeeze %dma_start3A_26 : memref<1x128x128xf32, #tpu.memory_space<vmem>> -> memref<128x128xf32, #tpu.memory_space<vmem>>
    %dma_start3A_28 = arith.constant 0 : i32
    %dma_start3A_29 = arith.constant 0 : i32
    %dma_start3A_30 = tpu.memref_slice %arg5[%dma_start3A, %dma_start3A_28, %dma_start3A_29] : memref<2x40x128xi32, #tpu.memory_space<vmem>> -> memref<1x40x128xi32, #tpu.memory_space<vmem>>
    %dma_start3A_31 = tpu.memref_squeeze %dma_start3A_30 : memref<1x40x128xi32, #tpu.memory_space<vmem>> -> memref<40x128xi32, #tpu.memory_space<vmem>>
    %dma_start3A_32 = arith.constant 0 : i32
    %dma_start3A_33 = tpu.memref_slice %dma_start3A_31[%dma_start3A_22, %dma_start3A_32] : memref<40x128xi32, #tpu.memory_space<vmem>> -> memref<1x128xi32, #tpu.memory_space<vmem>>
    %dma_start3A_34 = tpu.memref_squeeze %dma_start3A_33 : memref<1x128xi32, #tpu.memory_space<vmem>> -> memref<128xi32, #tpu.memory_space<vmem>>
    %dma_start3A_35 = arith.constant 0 : i32
    %dma_start3A_36 = arith.constant 0 : i32
    %dma_start3A_37 = tpu.memref_slice %arg2[%dma_start3A_35, %dma_start3A_36] : memref<10000x128xf32, #tpu.memory_space<hbm>> -> memref<10000x128xf32, #tpu.memory_space<hbm>>
    tpu.enqueue_indirect_dma source(%dma_start3A_37 : memref<10000x128xf32, #tpu.memory_space<hbm>>) target(%dma_start3A_27 : memref<128x128xf32, #tpu.memory_space<vmem>>) offsets(%dma_start3A_34 : memref<128xi32, #tpu.memory_space<vmem>>) semaphore(%arg8 : memref<!tpu.dma_semaphore, #tpu.memory_space<semaphore_mem>>)
    %scan3A_38 = arith.constant 0 : i32
    %scan3A_39 = arith.constant 0 : i32
    %scan3A_40 = arith.constant 1 : i32
    %scan3A_41 = arith.constant 0 : i32
    %scan3A_42 = arith.constant 40 : i32
    %scan3A_43 = arith.addi %scan3A_41, %scan3A_42 : i32
    %scan3A_44 = arith.constant 1 : i32
    scf.for %scan3A_78 = %scan3A_41 to %scan3A_43 step %scan3A_44  : i32 {
      %jit3A = arith.constant 2 : i32
      %eq3A_79 = arith.constant 0 : i32
      %eq3A_80 = arith.cmpi eq, %jit3A, %eq3A_79 : i32
      %jit3A_81 = arith.constant 1 : i32
      %select_n3A = arith.select %eq3A_80, %jit3A_81, %jit3A : i32
      %rem3A = arith.remsi %scan3A_78, %select_n3A : i32
      %ne3A = arith.constant 0 : i32
      %ne3A_82 = arith.cmpi ne, %rem3A, %ne3A : i32
      %lt3A = arith.constant 0 : i32
      %lt3A_83 = arith.cmpi slt, %rem3A, %lt3A : i32
      %lt3A_84 = arith.constant 0 : i32
      %lt3A_85 = arith.cmpi slt, %select_n3A, %lt3A_84 : i32
      %ne3A_86 = arith.xori %lt3A_83, %lt3A_85 : i1
      %and3A = arith.andi %ne3A_86, %ne3A_82 : i1
      %add3A_87 = arith.addi %rem3A, %select_n3A : i32
      %select_n3A_88 = arith.select %and3A, %add3A_87, %rem3A : i32
      %dma_wait3A = arith.constant 0 : i32
      %dma_wait3A_89 = arith.constant 0 : i32
      %dma_wait3A_90 = tpu.memref_slice %arg6[%select_n3A_88, %dma_wait3A, %dma_wait3A_89] : memref<2x128x128xf32, #tpu.memory_space<vmem>> -> memref<1x128x128xf32, #tpu.memory_space<vmem>>
      %dma_wait3A_91 = tpu.memref_squeeze %dma_wait3A_90 : memref<1x128x128xf32, #tpu.memory_space<vmem>> -> memref<128x128xf32, #tpu.memory_space<vmem>>
      %dma_wait3A_92 = arith.constant 0 : i32
      %dma_wait3A_93 = arith.constant 0 : i32
      %dma_wait3A_94 = tpu.memref_slice %arg5[%scan3A_39, %dma_wait3A_92, %dma_wait3A_93] : memref<2x40x128xi32, #tpu.memory_space<vmem>> -> memref<1x40x128xi32, #tpu.memory_space<vmem>>
      %dma_wait3A_95 = tpu.memref_squeeze %dma_wait3A_94 : memref<1x40x128xi32, #tpu.memory_space<vmem>> -> memref<40x128xi32, #tpu.memory_space<vmem>>
      %dma_wait3A_96 = arith.constant 0 : i32
      %dma_wait3A_97 = tpu.memref_slice %dma_wait3A_95[%scan3A_78, %dma_wait3A_96] : memref<40x128xi32, #tpu.memory_space<vmem>> -> memref<1x128xi32, #tpu.memory_space<vmem>>
      %dma_wait3A_98 = tpu.memref_squeeze %dma_wait3A_97 : memref<1x128xi32, #tpu.memory_space<vmem>> -> memref<128xi32, #tpu.memory_space<vmem>>
      %dma_wait3A_99 = arith.constant 0 : i32
      %dma_wait3A_100 = arith.constant 0 : i32
      %dma_wait3A_101 = tpu.memref_slice %arg2[%dma_wait3A_99, %dma_wait3A_100] : memref<10000x128xf32, #tpu.memory_space<hbm>> -> memref<10000x128xf32, #tpu.memory_space<hbm>>
      tpu.wait_indirect_dma semaphore(%arg8 : memref<!tpu.dma_semaphore, #tpu.memory_space<semaphore_mem>>) src(%dma_wait3A_101 : memref<10000x128xf32, #tpu.memory_space<hbm>>) dst(%dma_wait3A_91 : memref<128x128xf32, #tpu.memory_space<vmem>>)
      %add3A_102 = arith.constant 1 : i32
      %add3A_103 = arith.addi %scan3A_78, %add3A_102 : i32
      %lt3A_104 = arith.constant 40 : i32
      %lt3A_105 = arith.cmpi slt, %add3A_103, %lt3A_104 : i32
      %convert_element_type3A_106 = arith.extui %lt3A_105 : i1 to i32
      %cond3A_107 = arith.constant 0 : i32
      %cond3A_108 = arith.cmpi ne, %convert_element_type3A_106, %cond3A_107 : i32
      scf.if %cond3A_108 {
        %add3A_109 = arith.constant 1 : i32
        %add3A_110 = arith.addi %scan3A_78, %add3A_109 : i32
        %add3A_111 = arith.constant 1 : i32
        %add3A_112 = arith.addi %scan3A_78, %add3A_111 : i32
        %jit3A_113 = arith.constant 2 : i32
        %eq3A_114 = arith.constant 0 : i32
        %eq3A_115 = arith.cmpi eq, %jit3A_113, %eq3A_114 : i32
        %jit3A_116 = arith.constant 1 : i32
        %select_n3A_117 = arith.select %eq3A_115, %jit3A_116, %jit3A_113 : i32
        %rem3A_118 = arith.remsi %add3A_112, %select_n3A_117 : i32
        %ne3A_119 = arith.constant 0 : i32
        %ne3A_120 = arith.cmpi ne, %rem3A_118, %ne3A_119 : i32
        %lt3A_121 = arith.constant 0 : i32
        %lt3A_122 = arith.cmpi slt, %rem3A_118, %lt3A_121 : i32
        %lt3A_123 = arith.constant 0 : i32
        %lt3A_124 = arith.cmpi slt, %select_n3A_117, %lt3A_123 : i32
        %ne3A_125 = arith.xori %lt3A_122, %lt3A_124 : i1
        %and3A_126 = arith.andi %ne3A_125, %ne3A_120 : i1
        %add3A_127 = arith.addi %rem3A_118, %select_n3A_117 : i32
        %select_n3A_128 = arith.select %and3A_126, %add3A_127, %rem3A_118 : i32
        %dma_start3A_129 = arith.constant 0 : i32
        %dma_start3A_130 = arith.constant 0 : i32
        %dma_start3A_131 = tpu.memref_slice %arg6[%select_n3A_128, %dma_start3A_129, %dma_start3A_130] : memref<2x128x128xf32, #tpu.memory_space<vmem>> -> memref<1x128x128xf32, #tpu.memory_space<vmem>>
        %dma_start3A_132 = tpu.memref_squeeze %dma_start3A_131 : memref<1x128x128xf32, #tpu.memory_space<vmem>> -> memref<128x128xf32, #tpu.memory_space<vmem>>
        %dma_start3A_133 = arith.constant 0 : i32
        %dma_start3A_134 = arith.constant 0 : i32
        %dma_start3A_135 = tpu.memref_slice %arg5[%scan3A_39, %dma_start3A_133, %dma_start3A_134] : memref<2x40x128xi32, #tpu.memory_space<vmem>> -> memref<1x40x128xi32, #tpu.memory_space<vmem>>
        %dma_start3A_136 = tpu.memref_squeeze %dma_start3A_135 : memref<1x40x128xi32, #tpu.memory_space<vmem>> -> memref<40x128xi32, #tpu.memory_space<vmem>>
        %dma_start3A_137 = arith.constant 0 : i32
        %dma_start3A_138 = tpu.memref_slice %dma_start3A_136[%add3A_110, %dma_start3A_137] : memref<40x128xi32, #tpu.memory_space<vmem>> -> memref<1x128xi32, #tpu.memory_space<vmem>>
        %dma_start3A_139 = tpu.memref_squeeze %dma_start3A_138 : memref<1x128xi32, #tpu.memory_space<vmem>> -> memref<128xi32, #tpu.memory_space<vmem>>
        %dma_start3A_140 = arith.constant 0 : i32
        %dma_start3A_141 = arith.constant 0 : i32
        %dma_start3A_142 = tpu.memref_slice %arg2[%dma_start3A_140, %dma_start3A_141] : memref<10000x128xf32, #tpu.memory_space<hbm>> -> memref<10000x128xf32, #tpu.memory_space<hbm>>
        tpu.enqueue_indirect_dma source(%dma_start3A_142 : memref<10000x128xf32, #tpu.memory_space<hbm>>) target(%dma_start3A_132 : memref<128x128xf32, #tpu.memory_space<vmem>>) offsets(%dma_start3A_139 : memref<128xi32, #tpu.memory_space<vmem>>) semaphore(%arg8 : memref<!tpu.dma_semaphore, #tpu.memory_space<semaphore_mem>>)
      } else {
      }
      "tpu.region"() ({
        %run_scoped3A_109 = tpu.sem_alloc : memref<!tpu.dma_semaphore, #tpu.memory_space<semaphore_mem>>
        %dma_start3A_110 = arith.constant 0 : i32
        %dma_start3A_111 = arith.constant 0 : i32
        %dma_start3A_112 = tpu.memref_slice %arg6[%select_n3A_88, %dma_start3A_110, %dma_start3A_111] : memref<2x128x128xf32, #tpu.memory_space<vmem>> -> memref<1x128x128xf32, #tpu.memory_space<vmem>>
        %dma_start3A_113 = tpu.memref_squeeze %dma_start3A_112 : memref<1x128x128xf32, #tpu.memory_space<vmem>> -> memref<128x128xf32, #tpu.memory_space<vmem>>
        %dma_start3A_114 = arith.constant 0 : i32
        %dma_start3A_115 = arith.constant 0 : i32
        %dma_start3A_116 = tpu.memref_slice %arg5[%scan3A_40, %dma_start3A_114, %dma_start3A_115] : memref<2x40x128xi32, #tpu.memory_space<vmem>> -> memref<1x40x128xi32, #tpu.memory_space<vmem>>
        %dma_start3A_117 = tpu.memref_squeeze %dma_start3A_116 : memref<1x40x128xi32, #tpu.memory_space<vmem>> -> memref<40x128xi32, #tpu.memory_space<vmem>>
        %dma_start3A_118 = arith.constant 0 : i32
        %dma_start3A_119 = tpu.memref_slice %dma_start3A_117[%scan3A_78, %dma_start3A_118] : memref<40x128xi32, #tpu.memory_space<vmem>> -> memref<1x128xi32, #tpu.memory_space<vmem>>
        %dma_start3A_120 = tpu.memref_squeeze %dma_start3A_119 : memref<1x128xi32, #tpu.memory_space<vmem>> -> memref<128xi32, #tpu.memory_space<vmem>>
        %dma_start3A_121 = arith.constant 0 : i32
        %dma_start3A_122 = arith.constant 0 : i32
        %dma_start3A_123 = tpu.memref_slice %arg7[%dma_start3A_121, %dma_start3A_122] : memref<10112x128xf32, #tpu.memory_space<vmem_shared>> -> memref<10112x128xf32, #tpu.memory_space<vmem_shared>>
        tpu.enqueue_indirect_dma source(%dma_start3A_113 : memref<128x128xf32, #tpu.memory_space<vmem>>) target(%dma_start3A_123 : memref<10112x128xf32, #tpu.memory_space<vmem_shared>>) offsets(%dma_start3A_120 : memref<128xi32, #tpu.memory_space<vmem>>) semaphore(%run_scoped3A_109 : memref<!tpu.dma_semaphore, #tpu.memory_space<semaphore_mem>>) {add = true}
        %dma_wait3A_124 = arith.constant 0 : i32
        %dma_wait3A_125 = arith.constant 0 : i32
        %dma_wait3A_126 = tpu.memref_slice %arg6[%select_n3A_88, %dma_wait3A_124, %dma_wait3A_125] : memref<2x128x128xf32, #tpu.memory_space<vmem>> -> memref<1x128x128xf32, #tpu.memory_space<vmem>>
        %dma_wait3A_127 = tpu.memref_squeeze %dma_wait3A_126 : memref<1x128x128xf32, #tpu.memory_space<vmem>> -> memref<128x128xf32, #tpu.memory_space<vmem>>
        %dma_wait3A_128 = arith.constant 0 : i32
        %dma_wait3A_129 = arith.constant 0 : i32
        %dma_wait3A_130 = tpu.memref_slice %arg5[%scan3A_40, %dma_wait3A_128, %dma_wait3A_129] : memref<2x40x128xi32, #tpu.memory_space<vmem>> -> memref<1x40x128xi32, #tpu.memory_space<vmem>>
        %dma_wait3A_131 = tpu.memref_squeeze %dma_wait3A_130 : memref<1x40x128xi32, #tpu.memory_space<vmem>> -> memref<40x128xi32, #tpu.memory_space<vmem>>
        %dma_wait3A_132 = arith.constant 0 : i32
        %dma_wait3A_133 = tpu.memref_slice %dma_wait3A_131[%scan3A_78, %dma_wait3A_132] : memref<40x128xi32, #tpu.memory_space<vmem>> -> memref<1x128xi32, #tpu.memory_space<vmem>>
        %dma_wait3A_134 = tpu.memref_squeeze %dma_wait3A_133 : memref<1x128xi32, #tpu.memory_space<vmem>> -> memref<128xi32, #tpu.memory_space<vmem>>
        %dma_wait3A_135 = arith.constant 0 : i32
        %dma_wait3A_136 = arith.constant 0 : i32
        %dma_wait3A_137 = tpu.memref_slice %arg7[%dma_wait3A_135, %dma_wait3A_136] : memref<10112x128xf32, #tpu.memory_space<vmem_shared>> -> memref<10112x128xf32, #tpu.memory_space<vmem_shared>>
        tpu.wait_indirect_dma semaphore(%run_scoped3A_109 : memref<!tpu.dma_semaphore, #tpu.memory_space<semaphore_mem>>) src(%dma_wait3A_127 : memref<128x128xf32, #tpu.memory_space<vmem>>) dst(%dma_wait3A_137 : memref<10112x128xf32, #tpu.memory_space<vmem_shared>>)
        tpu.yield
      }) : () -> ()
    }
    %scan3A_45 = arith.constant 40 : i32
    "tpu.region"() ({
      %run_scoped3A_78 = tpu.sem_alloc : memref<!tpu.dma_semaphore, #tpu.memory_space<semaphore_mem>>
      %dma_start3A_79 = arith.constant 0 : i32
      %dma_start3A_80 = arith.constant 40 : i32
      %dma_start3A_81 = arith.constant 0 : i32
      %dma_start3A_82 = tpu.memref_slice %arg3[%add3A, %dma_start3A_79, %dma_start3A_80, %dma_start3A_81] : memref<32x2x80x128xi32, #tpu.memory_space<hbm>> -> memref<1x2x40x128xi32, #tpu.memory_space<hbm>>
      %dma_start3A_83 = tpu.memref_squeeze %dma_start3A_82 : memref<1x2x40x128xi32, #tpu.memory_space<hbm>> -> memref<2x40x128xi32, #tpu.memory_space<hbm>>
      %dma_start3A_84 = arith.constant 0 : i32
      %dma_start3A_85 = arith.constant 40 : i32
      %dma_start3A_86 = arith.constant 0 : i32
      %dma_start3A_87 = tpu.memref_slice %arg3[%add3A, %dma_start3A_84, %dma_start3A_85, %dma_start3A_86] : memref<32x2x80x128xi32, #tpu.memory_space<hbm>> -> memref<1x2x40x128xi32, #tpu.memory_space<hbm>>
      %dma_start3A_88 = tpu.memref_squeeze %dma_start3A_87 : memref<1x2x40x128xi32, #tpu.memory_space<hbm>> -> memref<2x40x128xi32, #tpu.memory_space<hbm>>
      tpu.enqueue_dma source(%dma_start3A_88 : memref<2x40x128xi32, #tpu.memory_space<hbm>>) target(%arg5 : memref<2x40x128xi32, #tpu.memory_space<vmem>>) target_semaphore(%run_scoped3A_78 : memref<!tpu.dma_semaphore, #tpu.memory_space<semaphore_mem>>)
      %dma_wait3A = arith.constant 0 : i32
      %dma_wait3A_89 = arith.constant 40 : i32
      %dma_wait3A_90 = arith.constant 0 : i32
      %dma_wait3A_91 = tpu.memref_slice %arg3[%add3A, %dma_wait3A, %dma_wait3A_89, %dma_wait3A_90] : memref<32x2x80x128xi32, #tpu.memory_space<hbm>> -> memref<1x2x40x128xi32, #tpu.memory_space<hbm>>
      %dma_wait3A_92 = tpu.memref_squeeze %dma_wait3A_91 : memref<1x2x40x128xi32, #tpu.memory_space<hbm>> -> memref<2x40x128xi32, #tpu.memory_space<hbm>>
      %dma_wait3A_93 = arith.constant 0 : i32
      %dma_wait3A_94 = arith.constant 40 : i32
      %dma_wait3A_95 = arith.constant 0 : i32
      %dma_wait3A_96 = tpu.memref_slice %arg3[%add3A, %dma_wait3A_93, %dma_wait3A_94, %dma_wait3A_95] : memref<32x2x80x128xi32, #tpu.memory_space<hbm>> -> memref<1x2x40x128xi32, #tpu.memory_space<hbm>>
      %dma_wait3A_97 = tpu.memref_squeeze %dma_wait3A_96 : memref<1x2x40x128xi32, #tpu.memory_space<hbm>> -> memref<2x40x128xi32, #tpu.memory_space<hbm>>
      tpu.wait_dma2 semaphore(%run_scoped3A_78 : memref<!tpu.dma_semaphore, #tpu.memory_space<semaphore_mem>>) src(%dma_wait3A_97 : memref<2x40x128xi32, #tpu.memory_space<hbm>>) dst(%arg5 : memref<2x40x128xi32, #tpu.memory_space<vmem>>)
      tpu.yield
    }) : () -> ()
    %dma_start3A_46 = arith.constant 0 : i32
    %dma_start3A_47 = arith.constant 0 : i32
    %dma_start3A_48 = arith.constant 0 : i32
    %dma_start3A_49 = arith.constant 0 : i32
    %dma_start3A_50 = arith.constant 0 : i32
    %dma_start3A_51 = tpu.memref_slice %arg6[%dma_start3A_48, %dma_start3A_49, %dma_start3A_50] : memref<2x128x128xf32, #tpu.memory_space<vmem>> -> memref<1x128x128xf32, #tpu.memory_space<vmem>>
    %dma_start3A_52 = tpu.memref_squeeze %dma_start3A_51 : memref<1x128x128xf32, #tpu.memory_space<vmem>> -> memref<128x128xf32, #tpu.memory_space<vmem>>
    %dma_start3A_53 = arith.constant 0 : i32
    %dma_start3A_54 = arith.constant 0 : i32
    %dma_start3A_55 = tpu.memref_slice %arg5[%dma_start3A_46, %dma_start3A_53, %dma_start3A_54] : memref<2x40x128xi32, #tpu.memory_space<vmem>> -> memref<1x40x128xi32, #tpu.memory_space<vmem>>
    %dma_start3A_56 = tpu.memref_squeeze %dma_start3A_55 : memref<1x40x128xi32, #tpu.memory_space<vmem>> -> memref<40x128xi32, #tpu.memory_space<vmem>>
    %dma_start3A_57 = arith.constant 0 : i32
    %dma_start3A_58 = tpu.memref_slice %dma_start3A_56[%dma_start3A_47, %dma_start3A_57] : memref<40x128xi32, #tpu.memory_space<vmem>> -> memref<1x128xi32, #tpu.memory_space<vmem>>
    %dma_start3A_59 = tpu.memref_squeeze %dma_start3A_58 : memref<1x128xi32, #tpu.memory_space<vmem>> -> memref<128xi32, #tpu.memory_space<vmem>>
    %dma_start3A_60 = arith.constant 0 : i32
    %dma_start3A_61 = arith.constant 0 : i32
    %dma_start3A_62 = tpu.memref_slice %arg2[%dma_start3A_60, %dma_start3A_61] : memref<10000x128xf32, #tpu.memory_space<hbm>> -> memref<10000x128xf32, #tpu.memory_space<hbm>>
    tpu.enqueue_indirect_dma source(%dma_start3A_62 : memref<10000x128xf32, #tpu.memory_space<hbm>>) target(%dma_start3A_52 : memref<128x128xf32, #tpu.memory_space<vmem>>) offsets(%dma_start3A_59 : memref<128xi32, #tpu.memory_space<vmem>>) semaphore(%arg8 : memref<!tpu.dma_semaphore, #tpu.memory_space<semaphore_mem>>)
    %scan3A_63 = arith.constant 0 : i32
    %scan3A_64 = arith.constant 0 : i32
    %scan3A_65 = arith.constant 1 : i32
    %scan3A_66 = arith.constant 0 : i32
    %scan3A_67 = arith.constant 40 : i32
    %scan3A_68 = arith.addi %scan3A_66, %scan3A_67 : i32
    %scan3A_69 = arith.constant 1 : i32
    scf.for %scan3A_78 = %scan3A_66 to %scan3A_68 step %scan3A_69  : i32 {
      %jit3A = arith.constant 2 : i32
      %eq3A_79 = arith.constant 0 : i32
      %eq3A_80 = arith.cmpi eq, %jit3A, %eq3A_79 : i32
      %jit3A_81 = arith.constant 1 : i32
      %select_n3A = arith.select %eq3A_80, %jit3A_81, %jit3A : i32
      %rem3A = arith.remsi %scan3A_78, %select_n3A : i32
      %ne3A = arith.constant 0 : i32
      %ne3A_82 = arith.cmpi ne, %rem3A, %ne3A : i32
      %lt3A = arith.constant 0 : i32
      %lt3A_83 = arith.cmpi slt, %rem3A, %lt3A : i32
      %lt3A_84 = arith.constant 0 : i32
      %lt3A_85 = arith.cmpi slt, %select_n3A, %lt3A_84 : i32
      %ne3A_86 = arith.xori %lt3A_83, %lt3A_85 : i1
      %and3A = arith.andi %ne3A_86, %ne3A_82 : i1
      %add3A_87 = arith.addi %rem3A, %select_n3A : i32
      %select_n3A_88 = arith.select %and3A, %add3A_87, %rem3A : i32
      %dma_wait3A = arith.constant 0 : i32
      %dma_wait3A_89 = arith.constant 0 : i32
      %dma_wait3A_90 = tpu.memref_slice %arg6[%select_n3A_88, %dma_wait3A, %dma_wait3A_89] : memref<2x128x128xf32, #tpu.memory_space<vmem>> -> memref<1x128x128xf32, #tpu.memory_space<vmem>>
      %dma_wait3A_91 = tpu.memref_squeeze %dma_wait3A_90 : memref<1x128x128xf32, #tpu.memory_space<vmem>> -> memref<128x128xf32, #tpu.memory_space<vmem>>
      %dma_wait3A_92 = arith.constant 0 : i32
      %dma_wait3A_93 = arith.constant 0 : i32
      %dma_wait3A_94 = tpu.memref_slice %arg5[%scan3A_64, %dma_wait3A_92, %dma_wait3A_93] : memref<2x40x128xi32, #tpu.memory_space<vmem>> -> memref<1x40x128xi32, #tpu.memory_space<vmem>>
      %dma_wait3A_95 = tpu.memref_squeeze %dma_wait3A_94 : memref<1x40x128xi32, #tpu.memory_space<vmem>> -> memref<40x128xi32, #tpu.memory_space<vmem>>
      %dma_wait3A_96 = arith.constant 0 : i32
      %dma_wait3A_97 = tpu.memref_slice %dma_wait3A_95[%scan3A_78, %dma_wait3A_96] : memref<40x128xi32, #tpu.memory_space<vmem>> -> memref<1x128xi32, #tpu.memory_space<vmem>>
      %dma_wait3A_98 = tpu.memref_squeeze %dma_wait3A_97 : memref<1x128xi32, #tpu.memory_space<vmem>> -> memref<128xi32, #tpu.memory_space<vmem>>
      %dma_wait3A_99 = arith.constant 0 : i32
      %dma_wait3A_100 = arith.constant 0 : i32
      %dma_wait3A_101 = tpu.memref_slice %arg2[%dma_wait3A_99, %dma_wait3A_100] : memref<10000x128xf32, #tpu.memory_space<hbm>> -> memref<10000x128xf32, #tpu.memory_space<hbm>>
      tpu.wait_indirect_dma semaphore(%arg8 : memref<!tpu.dma_semaphore, #tpu.memory_space<semaphore_mem>>) src(%dma_wait3A_101 : memref<10000x128xf32, #tpu.memory_space<hbm>>) dst(%dma_wait3A_91 : memref<128x128xf32, #tpu.memory_space<vmem>>)
      %add3A_102 = arith.constant 1 : i32
      %add3A_103 = arith.addi %scan3A_78, %add3A_102 : i32
      %lt3A_104 = arith.constant 40 : i32
      %lt3A_105 = arith.cmpi slt, %add3A_103, %lt3A_104 : i32
      %convert_element_type3A_106 = arith.extui %lt3A_105 : i1 to i32
      %cond3A_107 = arith.constant 0 : i32
      %cond3A_108 = arith.cmpi ne, %convert_element_type3A_106, %cond3A_107 : i32
      scf.if %cond3A_108 {
        %add3A_109 = arith.constant 1 : i32
        %add3A_110 = arith.addi %scan3A_78, %add3A_109 : i32
        %add3A_111 = arith.constant 1 : i32
        %add3A_112 = arith.addi %scan3A_78, %add3A_111 : i32
        %jit3A_113 = arith.constant 2 : i32
        %eq3A_114 = arith.constant 0 : i32
        %eq3A_115 = arith.cmpi eq, %jit3A_113, %eq3A_114 : i32
        %jit3A_116 = arith.constant 1 : i32
        %select_n3A_117 = arith.select %eq3A_115, %jit3A_116, %jit3A_113 : i32
        %rem3A_118 = arith.remsi %add3A_112, %select_n3A_117 : i32
        %ne3A_119 = arith.constant 0 : i32
        %ne3A_120 = arith.cmpi ne, %rem3A_118, %ne3A_119 : i32
        %lt3A_121 = arith.constant 0 : i32
        %lt3A_122 = arith.cmpi slt, %rem3A_118, %lt3A_121 : i32
        %lt3A_123 = arith.constant 0 : i32
        %lt3A_124 = arith.cmpi slt, %select_n3A_117, %lt3A_123 : i32
        %ne3A_125 = arith.xori %lt3A_122, %lt3A_124 : i1
        %and3A_126 = arith.andi %ne3A_125, %ne3A_120 : i1
        %add3A_127 = arith.addi %rem3A_118, %select_n3A_117 : i32
        %select_n3A_128 = arith.select %and3A_126, %add3A_127, %rem3A_118 : i32
        %dma_start3A_129 = arith.constant 0 : i32
        %dma_start3A_130 = arith.constant 0 : i32
        %dma_start3A_131 = tpu.memref_slice %arg6[%select_n3A_128, %dma_start3A_129, %dma_start3A_130] : memref<2x128x128xf32, #tpu.memory_space<vmem>> -> memref<1x128x128xf32, #tpu.memory_space<vmem>>
        %dma_start3A_132 = tpu.memref_squeeze %dma_start3A_131 : memref<1x128x128xf32, #tpu.memory_space<vmem>> -> memref<128x128xf32, #tpu.memory_space<vmem>>
        %dma_start3A_133 = arith.constant 0 : i32
        %dma_start3A_134 = arith.constant 0 : i32
        %dma_start3A_135 = tpu.memref_slice %arg5[%scan3A_64, %dma_start3A_133, %dma_start3A_134] : memref<2x40x128xi32, #tpu.memory_space<vmem>> -> memref<1x40x128xi32, #tpu.memory_space<vmem>>
        %dma_start3A_136 = tpu.memref_squeeze %dma_start3A_135 : memref<1x40x128xi32, #tpu.memory_space<vmem>> -> memref<40x128xi32, #tpu.memory_space<vmem>>
        %dma_start3A_137 = arith.constant 0 : i32
        %dma_start3A_138 = tpu.memref_slice %dma_start3A_136[%add3A_110, %dma_start3A_137] : memref<40x128xi32, #tpu.memory_space<vmem>> -> memref<1x128xi32, #tpu.memory_space<vmem>>
        %dma_start3A_139 = tpu.memref_squeeze %dma_start3A_138 : memref<1x128xi32, #tpu.memory_space<vmem>> -> memref<128xi32, #tpu.memory_space<vmem>>
        %dma_start3A_140 = arith.constant 0 : i32
        %dma_start3A_141 = arith.constant 0 : i32
        %dma_start3A_142 = tpu.memref_slice %arg2[%dma_start3A_140, %dma_start3A_141] : memref<10000x128xf32, #tpu.memory_space<hbm>> -> memref<10000x128xf32, #tpu.memory_space<hbm>>
        tpu.enqueue_indirect_dma source(%dma_start3A_142 : memref<10000x128xf32, #tpu.memory_space<hbm>>) target(%dma_start3A_132 : memref<128x128xf32, #tpu.memory_space<vmem>>) offsets(%dma_start3A_139 : memref<128xi32, #tpu.memory_space<vmem>>) semaphore(%arg8 : memref<!tpu.dma_semaphore, #tpu.memory_space<semaphore_mem>>)
      } else {
      }
      "tpu.region"() ({
        %run_scoped3A_109 = tpu.sem_alloc : memref<!tpu.dma_semaphore, #tpu.memory_space<semaphore_mem>>
        %dma_start3A_110 = arith.constant 0 : i32
        %dma_start3A_111 = arith.constant 0 : i32
        %dma_start3A_112 = tpu.memref_slice %arg6[%select_n3A_88, %dma_start3A_110, %dma_start3A_111] : memref<2x128x128xf32, #tpu.memory_space<vmem>> -> memref<1x128x128xf32, #tpu.memory_space<vmem>>
        %dma_start3A_113 = tpu.memref_squeeze %dma_start3A_112 : memref<1x128x128xf32, #tpu.memory_space<vmem>> -> memref<128x128xf32, #tpu.memory_space<vmem>>
        %dma_start3A_114 = arith.constant 0 : i32
        %dma_start3A_115 = arith.constant 0 : i32
        %dma_start3A_116 = tpu.memref_slice %arg5[%scan3A_65, %dma_start3A_114, %dma_start3A_115] : memref<2x40x128xi32, #tpu.memory_space<vmem>> -> memref<1x40x128xi32, #tpu.memory_space<vmem>>
        %dma_start3A_117 = tpu.memref_squeeze %dma_start3A_116 : memref<1x40x128xi32, #tpu.memory_space<vmem>> -> memref<40x128xi32, #tpu.memory_space<vmem>>
        %dma_start3A_118 = arith.constant 0 : i32
        %dma_start3A_119 = tpu.memref_slice %dma_start3A_117[%scan3A_78, %dma_start3A_118] : memref<40x128xi32, #tpu.memory_space<vmem>> -> memref<1x128xi32, #tpu.memory_space<vmem>>
        %dma_start3A_120 = tpu.memref_squeeze %dma_start3A_119 : memref<1x128xi32, #tpu.memory_space<vmem>> -> memref<128xi32, #tpu.memory_space<vmem>>
        %dma_start3A_121 = arith.constant 0 : i32
        %dma_start3A_122 = arith.constant 0 : i32
        %dma_start3A_123 = tpu.memref_slice %arg7[%dma_start3A_121, %dma_start3A_122] : memref<10112x128xf32, #tpu.memory_space<vmem_shared>> -> memref<10112x128xf32, #tpu.memory_space<vmem_shared>>
        tpu.enqueue_indirect_dma source(%dma_start3A_113 : memref<128x128xf32, #tpu.memory_space<vmem>>) target(%dma_start3A_123 : memref<10112x128xf32, #tpu.memory_space<vmem_shared>>) offsets(%dma_start3A_120 : memref<128xi32, #tpu.memory_space<vmem>>) semaphore(%run_scoped3A_109 : memref<!tpu.dma_semaphore, #tpu.memory_space<semaphore_mem>>) {add = true}
        %dma_wait3A_124 = arith.constant 0 : i32
        %dma_wait3A_125 = arith.constant 0 : i32
        %dma_wait3A_126 = tpu.memref_slice %arg6[%select_n3A_88, %dma_wait3A_124, %dma_wait3A_125] : memref<2x128x128xf32, #tpu.memory_space<vmem>> -> memref<1x128x128xf32, #tpu.memory_space<vmem>>
        %dma_wait3A_127 = tpu.memref_squeeze %dma_wait3A_126 : memref<1x128x128xf32, #tpu.memory_space<vmem>> -> memref<128x128xf32, #tpu.memory_space<vmem>>
        %dma_wait3A_128 = arith.constant 0 : i32
        %dma_wait3A_129 = arith.constant 0 : i32
        %dma_wait3A_130 = tpu.memref_slice %arg5[%scan3A_65, %dma_wait3A_128, %dma_wait3A_129] : memref<2x40x128xi32, #tpu.memory_space<vmem>> -> memref<1x40x128xi32, #tpu.memory_space<vmem>>
        %dma_wait3A_131 = tpu.memref_squeeze %dma_wait3A_130 : memref<1x40x128xi32, #tpu.memory_space<vmem>> -> memref<40x128xi32, #tpu.memory_space<vmem>>
        %dma_wait3A_132 = arith.constant 0 : i32
        %dma_wait3A_133 = tpu.memref_slice %dma_wait3A_131[%scan3A_78, %dma_wait3A_132] : memref<40x128xi32, #tpu.memory_space<vmem>> -> memref<1x128xi32, #tpu.memory_space<vmem>>
        %dma_wait3A_134 = tpu.memref_squeeze %dma_wait3A_133 : memref<1x128xi32, #tpu.memory_space<vmem>> -> memref<128xi32, #tpu.memory_space<vmem>>
        %dma_wait3A_135 = arith.constant 0 : i32
        %dma_wait3A_136 = arith.constant 0 : i32
        %dma_wait3A_137 = tpu.memref_slice %arg7[%dma_wait3A_135, %dma_wait3A_136] : memref<10112x128xf32, #tpu.memory_space<vmem_shared>> -> memref<10112x128xf32, #tpu.memory_space<vmem_shared>>
        tpu.wait_indirect_dma semaphore(%run_scoped3A_109 : memref<!tpu.dma_semaphore, #tpu.memory_space<semaphore_mem>>) src(%dma_wait3A_127 : memref<128x128xf32, #tpu.memory_space<vmem>>) dst(%dma_wait3A_137 : memref<10112x128xf32, #tpu.memory_space<vmem_shared>>)
        tpu.yield
      }) : () -> ()
    }
    %scan3A_70 = arith.constant 40 : i32
    %barrier3A_71 = arith.constant 0 : index
    tpu.barrier barrier_id(%barrier3A_71)
    %mul3A_72 = arith.constant 624 : i32
    %mul3A_73 = arith.muli %arg1, %mul3A_72 : i32
    %mul3A_74 = arith.constant 624 : i32
    %mul3A_75 = arith.muli %arg1, %mul3A_74 : i32
    "tpu.region"() ({
      %run_scoped3A_78 = tpu.sem_alloc : memref<!tpu.dma_semaphore, #tpu.memory_space<semaphore_mem>>
      %dma_start3A_79 = arith.constant 0 : i32
      %dma_start3A_80 = tpu.memref_slice %arg4[%arg0, %mul3A_75, %dma_start3A_79] : memref<2x10000x128xf32, #tpu.memory_space<hbm>> -> memref<1x624x128xf32, #tpu.memory_space<hbm>>
      %dma_start3A_81 = tpu.memref_squeeze %dma_start3A_80 : memref<1x624x128xf32, #tpu.memory_space<hbm>> -> memref<624x128xf32, #tpu.memory_space<hbm>>
      %dma_start3A_82 = arith.constant 0 : i32
      %dma_start3A_83 = tpu.memref_slice %arg7[%mul3A_73, %dma_start3A_82] : memref<10112x128xf32, #tpu.memory_space<vmem_shared>> -> memref<624x128xf32, #tpu.memory_space<vmem_shared>>
      tpu.enqueue_dma source(%dma_start3A_83 : memref<624x128xf32, #tpu.memory_space<vmem_shared>>) target(%dma_start3A_81 : memref<624x128xf32, #tpu.memory_space<hbm>>) target_semaphore(%run_scoped3A_78 : memref<!tpu.dma_semaphore, #tpu.memory_space<semaphore_mem>>)
      %dma_wait3A = arith.constant 0 : i32
      %dma_wait3A_84 = tpu.memref_slice %arg4[%arg0, %mul3A_75, %dma_wait3A] : memref<2x10000x128xf32, #tpu.memory_space<hbm>> -> memref<1x624x128xf32, #tpu.memory_space<hbm>>
      %dma_wait3A_85 = tpu.memref_squeeze %dma_wait3A_84 : memref<1x624x128xf32, #tpu.memory_space<hbm>> -> memref<624x128xf32, #tpu.memory_space<hbm>>
      %dma_wait3A_86 = arith.constant 0 : i32
      %dma_wait3A_87 = tpu.memref_slice %arg7[%mul3A_73, %dma_wait3A_86] : memref<10112x128xf32, #tpu.memory_space<vmem_shared>> -> memref<624x128xf32, #tpu.memory_space<vmem_shared>>
      tpu.wait_dma2 semaphore(%run_scoped3A_78 : memref<!tpu.dma_semaphore, #tpu.memory_space<semaphore_mem>>) src(%dma_wait3A_87 : memref<624x128xf32, #tpu.memory_space<vmem_shared>>) dst(%dma_wait3A_85 : memref<624x128xf32, #tpu.memory_space<hbm>>)
      tpu.yield
    }) : () -> ()
    %eq3A = arith.constant 15 : i32
    %eq3A_76 = arith.cmpi eq, %arg1, %eq3A : i32
    %convert_element_type3A = arith.extui %eq3A_76 : i1 to i32
    %cond3A = arith.constant 0 : i32
    %cond3A_77 = arith.cmpi ne, %convert_element_type3A, %cond3A : i32
    scf.if %cond3A_77 {
      "tpu.region"() ({
        %run_scoped3A_78 = tpu.sem_alloc : memref<!tpu.dma_semaphore, #tpu.memory_space<semaphore_mem>>
        %dma_start3A_79 = arith.constant 9984 : i32
        %dma_start3A_80 = arith.constant 0 : i32
        %dma_start3A_81 = tpu.memref_slice %arg4[%arg0, %dma_start3A_79, %dma_start3A_80] : memref<2x10000x128xf32, #tpu.memory_space<hbm>> -> memref<1x16x128xf32, #tpu.memory_space<hbm>>
        %dma_start3A_82 = tpu.memref_squeeze %dma_start3A_81 : memref<1x16x128xf32, #tpu.memory_space<hbm>> -> memref<16x128xf32, #tpu.memory_space<hbm>>
        %dma_start3A_83 = arith.constant 9984 : i32
        %dma_start3A_84 = arith.constant 0 : i32
        %dma_start3A_85 = tpu.memref_slice %arg7[%dma_start3A_83, %dma_start3A_84] : memref<10112x128xf32, #tpu.memory_space<vmem_shared>> -> memref<16x128xf32, #tpu.memory_space<vmem_shared>>
        tpu.enqueue_dma source(%dma_start3A_85 : memref<16x128xf32, #tpu.memory_space<vmem_shared>>) target(%dma_start3A_82 : memref<16x128xf32, #tpu.memory_space<hbm>>) target_semaphore(%run_scoped3A_78 : memref<!tpu.dma_semaphore, #tpu.memory_space<semaphore_mem>>)
        %dma_wait3A = arith.constant 9984 : i32
        %dma_wait3A_86 = arith.constant 0 : i32
        %dma_wait3A_87 = tpu.memref_slice %arg4[%arg0, %dma_wait3A, %dma_wait3A_86] : memref<2x10000x128xf32, #tpu.memory_space<hbm>> -> memref<1x16x128xf32, #tpu.memory_space<hbm>>
        %dma_wait3A_88 = tpu.memref_squeeze %dma_wait3A_87 : memref<1x16x128xf32, #tpu.memory_space<hbm>> -> memref<16x128xf32, #tpu.memory_space<hbm>>
        %dma_wait3A_89 = arith.constant 9984 : i32
        %dma_wait3A_90 = arith.constant 0 : i32
        %dma_wait3A_91 = tpu.memref_slice %arg7[%dma_wait3A_89, %dma_wait3A_90] : memref<10112x128xf32, #tpu.memory_space<vmem_shared>> -> memref<16x128xf32, #tpu.memory_space<vmem_shared>>
        tpu.wait_dma2 semaphore(%run_scoped3A_78 : memref<!tpu.dma_semaphore, #tpu.memory_space<semaphore_mem>>) src(%dma_wait3A_91 : memref<16x128xf32, #tpu.memory_space<vmem_shared>>) dst(%dma_wait3A_88 : memref<16x128xf32, #tpu.memory_space<hbm>>)
        tpu.yield
      }) : () -> ()
    } else {
    }
    return
  }
}

#map = affine_map<(d0, d1) -> (0, 0)>
#map1 = affine_map<(d0, d1) -> (0, 0, 0, 0)>
#map2 = affine_map<(d0, d1) -> (0, 0, 0)>
module attributes {stable_mosaic.version = 14 : i64} {
  func.func @_agg_body(%arg0: i32, %arg1: i32, %arg2: memref<10000x128xf32, #tpu.memory_space<hbm>>, %arg3: memref<32x2x80x128xi32, #tpu.memory_space<hbm>>, %arg4: memref<2x10000x128xf32, #tpu.memory_space<hbm>>, %arg5: memref<2x40x128xi32, #tpu.memory_space<vmem>>, %arg6: memref<2x128x128xf32, #tpu.memory_space<vmem>>, %arg7: memref<10112x128xf32, #tpu.memory_space<vmem_shared>>, %arg8: memref<!tpu.dma_semaphore, #tpu.memory_space<semaphore_mem>>) attributes {dimension_semantics = [#tpu.dimension_semantics<core_parallel>, #tpu.dimension_semantics<subcore_parallel>], iteration_bounds = array<i64: 2, 16>, scalar_prefetch = 0 : i64, scratch_operands = 4 : i64, tpu.core_type = #tpu.core_type<sc_vector_subcore>, window_params = [{transform_indices = #map}, {transform_indices = #map1}, {transform_indices = #map2}]} {
    %mul3A = arith.constant 2 : i32
    %mul3A_0 = arith.muli %arg1, %mul3A : i32
    %add3A = arith.addi %mul3A_0, %arg0 : i32
    %scan3A = arith.constant 0 : i32
    %scan3A_1 = arith.constant 0 : i32
    %scan3A_2 = arith.constant 128 : i32
    %scan3A_3 = arith.addi %scan3A_1, %scan3A_2 : i32
    %scan3A_4 = arith.constant 1 : i32
    scf.for %scan3A_78 = %scan3A_1 to %scan3A_3 step %scan3A_4  : i32 {
      %broadcast_in_dim3A = arith.constant 0.000000e+00 : f32
      %broadcast_in_dim3A_79 = vector.broadcast %broadcast_in_dim3A : f32 to vector<16xf32>
      %swap3A = arith.constant 0 : i32
      %swap3A_80 = arith.index_cast %swap3A : i32 to index
      %swap3A_81 = arith.index_cast %scan3A_78 : i32 to index
      %swap3A_82 = arith.constant 0 : index
      %swap3A_83 = tpu.vector_load %arg6[%swap3A_80, %swap3A_81, %swap3A_82] {strides = array<i32>} : memref<2x128x128xf32, #tpu.memory_space<vmem>>, vector<1x1x16xf32>,
      %swap3A_84 = vector.shape_cast %swap3A_83 : vector<1x1x16xf32> to vector<16xf32>
      %swap3A_85 = vector.shape_cast %broadcast_in_dim3A_79 : vector<16xf32> to vector<1x1x16xf32>
      tpu.vector_store %arg6[%swap3A_80, %swap3A_81, %swap3A_82], %swap3A_85 {strides = array<i32>} : memref<2x128x128xf32, #tpu.memory_space<vmem>>, vector<1x1x16xf32>,
      %broadcast_in_dim3A_86 = arith.constant 0.000000e+00 : f32
      %broadcast_in_dim3A_87 = vector.broadcast %broadcast_in_dim3A_86 : f32 to vector<16xf32>
      %swap3A_88 = arith.constant 0 : i32
      %swap3A_89 = arith.index_cast %swap3A_88 : i32 to index
      %swap3A_90 = arith.index_cast %scan3A_78 : i32 to index
      %swap3A_91 = arith.constant 16 : index
      %swap3A_92 = tpu.vector_load %arg6[%swap3A_89, %swap3A_90, %swap3A_91] {strides = array<i32>} : memref<2x128x128xf32, #tpu.memory_space<vmem>>, vector<1x1x16xf32>,
      %swap3A_93 = vector.shape_cast %swap3A_92 : vector<1x1x16xf32> to vector<16xf32>
      %swap3A_94 = vector.shape_cast %broadcast_in_dim3A_87 : vector<16xf32> to vector<1x1x16xf32>
      tpu.vector_store %arg6[%swap3A_89, %swap3A_90, %swap3A_91], %swap3A_94 {strides = array<i32>} : memref<2x128x128xf32, #tpu.memory_space<vmem>>, vector<1x1x16xf32>,
      %broadcast_in_dim3A_95 = arith.constant 0.000000e+00 : f32
      %broadcast_in_dim3A_96 = vector.broadcast %broadcast_in_dim3A_95 : f32 to vector<16xf32>
      %swap3A_97 = arith.constant 0 : i32
      %swap3A_98 = arith.index_cast %swap3A_97 : i32 to index
      %swap3A_99 = arith.index_cast %scan3A_78 : i32 to index
      %swap3A_100 = arith.constant 32 : index
      %swap3A_101 = tpu.vector_load %arg6[%swap3A_98, %swap3A_99, %swap3A_100] {strides = array<i32>} : memref<2x128x128xf32, #tpu.memory_space<vmem>>, vector<1x1x16xf32>,
      %swap3A_102 = vector.shape_cast %swap3A_101 : vector<1x1x16xf32> to vector<16xf32>
      %swap3A_103 = vector.shape_cast %broadcast_in_dim3A_96 : vector<16xf32> to vector<1x1x16xf32>
      tpu.vector_store %arg6[%swap3A_98, %swap3A_99, %swap3A_100], %swap3A_103 {strides = array<i32>} : memref<2x128x128xf32, #tpu.memory_space<vmem>>, vector<1x1x16xf32>,
      %broadcast_in_dim3A_104 = arith.constant 0.000000e+00 : f32
      %broadcast_in_dim3A_105 = vector.broadcast %broadcast_in_dim3A_104 : f32 to vector<16xf32>
      %swap3A_106 = arith.constant 0 : i32
      %swap3A_107 = arith.index_cast %swap3A_106 : i32 to index
      %swap3A_108 = arith.index_cast %scan3A_78 : i32 to index
      %swap3A_109 = arith.constant 48 : index
      %swap3A_110 = tpu.vector_load %arg6[%swap3A_107, %swap3A_108, %swap3A_109] {strides = array<i32>} : memref<2x128x128xf32, #tpu.memory_space<vmem>>, vector<1x1x16xf32>,
      %swap3A_111 = vector.shape_cast %swap3A_110 : vector<1x1x16xf32> to vector<16xf32>
      %swap3A_112 = vector.shape_cast %broadcast_in_dim3A_105 : vector<16xf32> to vector<1x1x16xf32>
      tpu.vector_store %arg6[%swap3A_107, %swap3A_108, %swap3A_109], %swap3A_112 {strides = array<i32>} : memref<2x128x128xf32, #tpu.memory_space<vmem>>, vector<1x1x16xf32>,
      %broadcast_in_dim3A_113 = arith.constant 0.000000e+00 : f32
      %broadcast_in_dim3A_114 = vector.broadcast %broadcast_in_dim3A_113 : f32 to vector<16xf32>
      %swap3A_115 = arith.constant 0 : i32
      %swap3A_116 = arith.index_cast %swap3A_115 : i32 to index
      %swap3A_117 = arith.index_cast %scan3A_78 : i32 to index
      %swap3A_118 = arith.constant 64 : index
      %swap3A_119 = tpu.vector_load %arg6[%swap3A_116, %swap3A_117, %swap3A_118] {strides = array<i32>} : memref<2x128x128xf32, #tpu.memory_space<vmem>>, vector<1x1x16xf32>,
      %swap3A_120 = vector.shape_cast %swap3A_119 : vector<1x1x16xf32> to vector<16xf32>
      %swap3A_121 = vector.shape_cast %broadcast_in_dim3A_114 : vector<16xf32> to vector<1x1x16xf32>
      tpu.vector_store %arg6[%swap3A_116, %swap3A_117, %swap3A_118], %swap3A_121 {strides = array<i32>} : memref<2x128x128xf32, #tpu.memory_space<vmem>>, vector<1x1x16xf32>,
      %broadcast_in_dim3A_122 = arith.constant 0.000000e+00 : f32
      %broadcast_in_dim3A_123 = vector.broadcast %broadcast_in_dim3A_122 : f32 to vector<16xf32>
      %swap3A_124 = arith.constant 0 : i32
      %swap3A_125 = arith.index_cast %swap3A_124 : i32 to index
      %swap3A_126 = arith.index_cast %scan3A_78 : i32 to index
      %swap3A_127 = arith.constant 80 : index
      %swap3A_128 = tpu.vector_load %arg6[%swap3A_125, %swap3A_126, %swap3A_127] {strides = array<i32>} : memref<2x128x128xf32, #tpu.memory_space<vmem>>, vector<1x1x16xf32>,
      %swap3A_129 = vector.shape_cast %swap3A_128 : vector<1x1x16xf32> to vector<16xf32>
      %swap3A_130 = vector.shape_cast %broadcast_in_dim3A_123 : vector<16xf32> to vector<1x1x16xf32>
      tpu.vector_store %arg6[%swap3A_125, %swap3A_126, %swap3A_127], %swap3A_130 {strides = array<i32>} : memref<2x128x128xf32, #tpu.memory_space<vmem>>, vector<1x1x16xf32>,
      %broadcast_in_dim3A_131 = arith.constant 0.000000e+00 : f32
      %broadcast_in_dim3A_132 = vector.broadcast %broadcast_in_dim3A_131 : f32 to vector<16xf32>
      %swap3A_133 = arith.constant 0 : i32
      %swap3A_134 = arith.index_cast %swap3A_133 : i32 to index
      %swap3A_135 = arith.index_cast %scan3A_78 : i32 to index
      %swap3A_136 = arith.constant 96 : index
      %swap3A_137 = tpu.vector_load %arg6[%swap3A_134, %swap3A_135, %swap3A_136] {strides = array<i32>} : memref<2x128x128xf32, #tpu.memory_space<vmem>>, vector<1x1x16xf32>,
      %swap3A_138 = vector.shape_cast %swap3A_137 : vector<1x1x16xf32> to vector<16xf32>
      %swap3A_139 = vector.shape_cast %broadcast_in_dim3A_132 : vector<16xf32> to vector<1x1x16xf32>
      tpu.vector_store %arg6[%swap3A_134, %swap3A_135, %swap3A_136], %swap3A_139 {strides = array<i32>} : memref<2x128x128xf32, #tpu.memory_space<vmem>>, vector<1x1x16xf32>,
      %broadcast_in_dim3A_140 = arith.constant 0.000000e+00 : f32
      %broadcast_in_dim3A_141 = vector.broadcast %broadcast_in_dim3A_140 : f32 to vector<16xf32>
      %swap3A_142 = arith.constant 0 : i32
      %swap3A_143 = arith.index_cast %swap3A_142 : i32 to index
      %swap3A_144 = arith.index_cast %scan3A_78 : i32 to index
      %swap3A_145 = arith.constant 112 : index
      %swap3A_146 = tpu.vector_load %arg6[%swap3A_143, %swap3A_144, %swap3A_145] {strides = array<i32>} : memref<2x128x128xf32, #tpu.memory_space<vmem>>, vector<1x1x16xf32>,
      %swap3A_147 = vector.shape_cast %swap3A_146 : vector<1x1x16xf32> to vector<16xf32>
      %swap3A_148 = vector.shape_cast %broadcast_in_dim3A_141 : vector<16xf32> to vector<1x1x16xf32>
      tpu.vector_store %arg6[%swap3A_143, %swap3A_144, %swap3A_145], %swap3A_148 {strides = array<i32>} : memref<2x128x128xf32, #tpu.memory_space<vmem>>, vector<1x1x16xf32>,
    }
    %scan3A_5 = arith.constant 128 : i32
    %mul3A_6 = arith.constant 632 : i32
    %mul3A_7 = arith.muli %arg1, %mul3A_6 : i32
    %add3A_8 = arith.constant 0 : i32
    %add3A_9 = arith.addi %mul3A_7, %add3A_8 : i32
    %run_scoped3A = arith.constant 0 : i32
    "tpu.region"() ({
      %run_scoped3A_78 = tpu.sem_alloc : memref<!tpu.dma_semaphore, #tpu.memory_space<semaphore_mem>>
      %dma_start3A_79 = arith.constant 0 : i32
      %dma_start3A_80 = arith.constant 0 : i32
      %dma_start3A_81 = tpu.memref_slice %arg6[%run_scoped3A, %dma_start3A_79, %dma_start3A_80] : memref<2x128x128xf32, #tpu.memory_space<vmem>> -> memref<1x128x128xf32, #tpu.memory_space<vmem>>
      %dma_start3A_82 = tpu.memref_squeeze %dma_start3A_81 : memref<1x128x128xf32, #tpu.memory_space<vmem>> -> memref<128x128xf32, #tpu.memory_space<vmem>>
      %dma_start3A_83 = arith.constant 0 : i32
      %dma_start3A_84 = arith.constant 0 : i32
      %dma_start3A_85 = tpu.memref_slice %dma_start3A_82[%dma_start3A_83, %dma_start3A_84] : memref<128x128xf32, #tpu.memory_space<vmem>> -> memref<128x128xf32, #tpu.memory_space<vmem>>
      %dma_start3A_86 = arith.constant 0 : i32
      %dma_start3A_87 = tpu.memref_slice %arg7[%add3A_9, %dma_start3A_86] : memref<10112x128xf32, #tpu.memory_space<vmem_shared>> -> memref<128x128xf32, #tpu.memory_space<vmem_shared>>
      %dma_start3A_88 = arith.constant 0 : i32
      %dma_start3A_89 = tpu.memref_slice %arg7[%add3A_9, %dma_start3A_88] : memref<10112x128xf32, #tpu.memory_space<vmem_shared>> -> memref<128x128xf32, #tpu.memory_space<vmem_shared>>
      %dma_start3A_90 = arith.constant 0 : i32
      %dma_start3A_91 = arith.constant 0 : i32
      %dma_start3A_92 = tpu.memref_slice %arg6[%run_scoped3A, %dma_start3A_90, %dma_start3A_91] : memref<2x128x128xf32, #tpu.memory_space<vmem>> -> memref<1x128x128xf32, #tpu.memory_space<vmem>>
      %dma_start3A_93 = tpu.memref_squeeze %dma_start3A_92 : memref<1x128x128xf32, #tpu.memory_space<vmem>> -> memref<128x128xf32, #tpu.memory_space<vmem>>
      %dma_start3A_94 = arith.constant 0 : i32
      %dma_start3A_95 = arith.constant 0 : i32
      %dma_start3A_96 = tpu.memref_slice %dma_start3A_93[%dma_start3A_94, %dma_start3A_95] : memref<128x128xf32, #tpu.memory_space<vmem>> -> memref<128x128xf32, #tpu.memory_space<vmem>>
      tpu.enqueue_dma source(%dma_start3A_96 : memref<128x128xf32, #tpu.memory_space<vmem>>) target(%dma_start3A_89 : memref<128x128xf32, #tpu.memory_space<vmem_shared>>) target_semaphore(%run_scoped3A_78 : memref<!tpu.dma_semaphore, #tpu.memory_space<semaphore_mem>>)
      %dma_wait3A = arith.constant 0 : i32
      %dma_wait3A_97 = arith.constant 0 : i32
      %dma_wait3A_98 = tpu.memref_slice %arg6[%run_scoped3A, %dma_wait3A, %dma_wait3A_97] : memref<2x128x128xf32, #tpu.memory_space<vmem>> -> memref<1x128x128xf32, #tpu.memory_space<vmem>>
      %dma_wait3A_99 = tpu.memref_squeeze %dma_wait3A_98 : memref<1x128x128xf32, #tpu.memory_space<vmem>> -> memref<128x128xf32, #tpu.memory_space<vmem>>
      %dma_wait3A_100 = arith.constant 0 : i32
      %dma_wait3A_101 = arith.constant 0 : i32
      %dma_wait3A_102 = tpu.memref_slice %dma_wait3A_99[%dma_wait3A_100, %dma_wait3A_101] : memref<128x128xf32, #tpu.memory_space<vmem>> -> memref<128x128xf32, #tpu.memory_space<vmem>>
      %dma_wait3A_103 = arith.constant 0 : i32
      %dma_wait3A_104 = tpu.memref_slice %arg7[%add3A_9, %dma_wait3A_103] : memref<10112x128xf32, #tpu.memory_space<vmem_shared>> -> memref<128x128xf32, #tpu.memory_space<vmem_shared>>
      %dma_wait3A_105 = arith.constant 0 : i32
      %dma_wait3A_106 = tpu.memref_slice %arg7[%add3A_9, %dma_wait3A_105] : memref<10112x128xf32, #tpu.memory_space<vmem_shared>> -> memref<128x128xf32, #tpu.memory_space<vmem_shared>>
      %dma_wait3A_107 = arith.constant 0 : i32
      %dma_wait3A_108 = arith.constant 0 : i32
      %dma_wait3A_109 = tpu.memref_slice %arg6[%run_scoped3A, %dma_wait3A_107, %dma_wait3A_108] : memref<2x128x128xf32, #tpu.memory_space<vmem>> -> memref<1x128x128xf32, #tpu.memory_space<vmem>>
      %dma_wait3A_110 = tpu.memref_squeeze %dma_wait3A_109 : memref<1x128x128xf32, #tpu.memory_space<vmem>> -> memref<128x128xf32, #tpu.memory_space<vmem>>
      %dma_wait3A_111 = arith.constant 0 : i32
      %dma_wait3A_112 = arith.constant 0 : i32
      %dma_wait3A_113 = tpu.memref_slice %dma_wait3A_110[%dma_wait3A_111, %dma_wait3A_112] : memref<128x128xf32, #tpu.memory_space<vmem>> -> memref<128x128xf32, #tpu.memory_space<vmem>>
      tpu.wait_dma2 semaphore(%run_scoped3A_78 : memref<!tpu.dma_semaphore, #tpu.memory_space<semaphore_mem>>) src(%dma_wait3A_113 : memref<128x128xf32, #tpu.memory_space<vmem>>) dst(%dma_wait3A_106 : memref<128x128xf32, #tpu.memory_space<vmem_shared>>)
      tpu.yield
    }) : () -> ()
    %add3A_10 = arith.constant 128 : i32
    %add3A_11 = arith.addi %mul3A_7, %add3A_10 : i32
    %run_scoped3A_12 = arith.constant 0 : i32
    "tpu.region"() ({
      %run_scoped3A_78 = tpu.sem_alloc : memref<!tpu.dma_semaphore, #tpu.memory_space<semaphore_mem>>
      %dma_start3A_79 = arith.constant 0 : i32
      %dma_start3A_80 = arith.constant 0 : i32
      %dma_start3A_81 = tpu.memref_slice %arg6[%run_scoped3A_12, %dma_start3A_79, %dma_start3A_80] : memref<2x128x128xf32, #tpu.memory_space<vmem>> -> memref<1x128x128xf32, #tpu.memory_space<vmem>>
      %dma_start3A_82 = tpu.memref_squeeze %dma_start3A_81 : memref<1x128x128xf32, #tpu.memory_space<vmem>> -> memref<128x128xf32, #tpu.memory_space<vmem>>
      %dma_start3A_83 = arith.constant 0 : i32
      %dma_start3A_84 = arith.constant 0 : i32
      %dma_start3A_85 = tpu.memref_slice %dma_start3A_82[%dma_start3A_83, %dma_start3A_84] : memref<128x128xf32, #tpu.memory_space<vmem>> -> memref<128x128xf32, #tpu.memory_space<vmem>>
      %dma_start3A_86 = arith.constant 0 : i32
      %dma_start3A_87 = tpu.memref_slice %arg7[%add3A_11, %dma_start3A_86] : memref<10112x128xf32, #tpu.memory_space<vmem_shared>> -> memref<128x128xf32, #tpu.memory_space<vmem_shared>>
      %dma_start3A_88 = arith.constant 0 : i32
      %dma_start3A_89 = tpu.memref_slice %arg7[%add3A_11, %dma_start3A_88] : memref<10112x128xf32, #tpu.memory_space<vmem_shared>> -> memref<128x128xf32, #tpu.memory_space<vmem_shared>>
      %dma_start3A_90 = arith.constant 0 : i32
      %dma_start3A_91 = arith.constant 0 : i32
      %dma_start3A_92 = tpu.memref_slice %arg6[%run_scoped3A_12, %dma_start3A_90, %dma_start3A_91] : memref<2x128x128xf32, #tpu.memory_space<vmem>> -> memref<1x128x128xf32, #tpu.memory_space<vmem>>
      %dma_start3A_93 = tpu.memref_squeeze %dma_start3A_92 : memref<1x128x128xf32, #tpu.memory_space<vmem>> -> memref<128x128xf32, #tpu.memory_space<vmem>>
      %dma_start3A_94 = arith.constant 0 : i32
      %dma_start3A_95 = arith.constant 0 : i32
      %dma_start3A_96 = tpu.memref_slice %dma_start3A_93[%dma_start3A_94, %dma_start3A_95] : memref<128x128xf32, #tpu.memory_space<vmem>> -> memref<128x128xf32, #tpu.memory_space<vmem>>
      tpu.enqueue_dma source(%dma_start3A_96 : memref<128x128xf32, #tpu.memory_space<vmem>>) target(%dma_start3A_89 : memref<128x128xf32, #tpu.memory_space<vmem_shared>>) target_semaphore(%run_scoped3A_78 : memref<!tpu.dma_semaphore, #tpu.memory_space<semaphore_mem>>)
      %dma_wait3A = arith.constant 0 : i32
      %dma_wait3A_97 = arith.constant 0 : i32
      %dma_wait3A_98 = tpu.memref_slice %arg6[%run_scoped3A_12, %dma_wait3A, %dma_wait3A_97] : memref<2x128x128xf32, #tpu.memory_space<vmem>> -> memref<1x128x128xf32, #tpu.memory_space<vmem>>
      %dma_wait3A_99 = tpu.memref_squeeze %dma_wait3A_98 : memref<1x128x128xf32, #tpu.memory_space<vmem>> -> memref<128x128xf32, #tpu.memory_space<vmem>>
      %dma_wait3A_100 = arith.constant 0 : i32
      %dma_wait3A_101 = arith.constant 0 : i32
      %dma_wait3A_102 = tpu.memref_slice %dma_wait3A_99[%dma_wait3A_100, %dma_wait3A_101] : memref<128x128xf32, #tpu.memory_space<vmem>> -> memref<128x128xf32, #tpu.memory_space<vmem>>
      %dma_wait3A_103 = arith.constant 0 : i32
      %dma_wait3A_104 = tpu.memref_slice %arg7[%add3A_11, %dma_wait3A_103] : memref<10112x128xf32, #tpu.memory_space<vmem_shared>> -> memref<128x128xf32, #tpu.memory_space<vmem_shared>>
      %dma_wait3A_105 = arith.constant 0 : i32
      %dma_wait3A_106 = tpu.memref_slice %arg7[%add3A_11, %dma_wait3A_105] : memref<10112x128xf32, #tpu.memory_space<vmem_shared>> -> memref<128x128xf32, #tpu.memory_space<vmem_shared>>
      %dma_wait3A_107 = arith.constant 0 : i32
      %dma_wait3A_108 = arith.constant 0 : i32
      %dma_wait3A_109 = tpu.memref_slice %arg6[%run_scoped3A_12, %dma_wait3A_107, %dma_wait3A_108] : memref<2x128x128xf32, #tpu.memory_space<vmem>> -> memref<1x128x128xf32, #tpu.memory_space<vmem>>
      %dma_wait3A_110 = tpu.memref_squeeze %dma_wait3A_109 : memref<1x128x128xf32, #tpu.memory_space<vmem>> -> memref<128x128xf32, #tpu.memory_space<vmem>>
      %dma_wait3A_111 = arith.constant 0 : i32
      %dma_wait3A_112 = arith.constant 0 : i32
      %dma_wait3A_113 = tpu.memref_slice %dma_wait3A_110[%dma_wait3A_111, %dma_wait3A_112] : memref<128x128xf32, #tpu.memory_space<vmem>> -> memref<128x128xf32, #tpu.memory_space<vmem>>
      tpu.wait_dma2 semaphore(%run_scoped3A_78 : memref<!tpu.dma_semaphore, #tpu.memory_space<semaphore_mem>>) src(%dma_wait3A_113 : memref<128x128xf32, #tpu.memory_space<vmem>>) dst(%dma_wait3A_106 : memref<128x128xf32, #tpu.memory_space<vmem_shared>>)
      tpu.yield
    }) : () -> ()
    %add3A_13 = arith.constant 256 : i32
    %add3A_14 = arith.addi %mul3A_7, %add3A_13 : i32
    %run_scoped3A_15 = arith.constant 0 : i32
    "tpu.region"() ({
      %run_scoped3A_78 = tpu.sem_alloc : memref<!tpu.dma_semaphore, #tpu.memory_space<semaphore_mem>>
      %dma_start3A_79 = arith.constant 0 : i32
      %dma_start3A_80 = arith.constant 0 : i32
      %dma_start3A_81 = tpu.memref_slice %arg6[%run_scoped3A_15, %dma_start3A_79, %dma_start3A_80] : memref<2x128x128xf32, #tpu.memory_space<vmem>> -> memref<1x128x128xf32, #tpu.memory_space<vmem>>
      %dma_start3A_82 = tpu.memref_squeeze %dma_start3A_81 : memref<1x128x128xf32, #tpu.memory_space<vmem>> -> memref<128x128xf32, #tpu.memory_space<vmem>>
      %dma_start3A_83 = arith.constant 0 : i32
      %dma_start3A_84 = arith.constant 0 : i32
      %dma_start3A_85 = tpu.memref_slice %dma_start3A_82[%dma_start3A_83, %dma_start3A_84] : memref<128x128xf32, #tpu.memory_space<vmem>> -> memref<128x128xf32, #tpu.memory_space<vmem>>
      %dma_start3A_86 = arith.constant 0 : i32
      %dma_start3A_87 = tpu.memref_slice %arg7[%add3A_14, %dma_start3A_86] : memref<10112x128xf32, #tpu.memory_space<vmem_shared>> -> memref<128x128xf32, #tpu.memory_space<vmem_shared>>
      %dma_start3A_88 = arith.constant 0 : i32
      %dma_start3A_89 = tpu.memref_slice %arg7[%add3A_14, %dma_start3A_88] : memref<10112x128xf32, #tpu.memory_space<vmem_shared>> -> memref<128x128xf32, #tpu.memory_space<vmem_shared>>
      %dma_start3A_90 = arith.constant 0 : i32
      %dma_start3A_91 = arith.constant 0 : i32
      %dma_start3A_92 = tpu.memref_slice %arg6[%run_scoped3A_15, %dma_start3A_90, %dma_start3A_91] : memref<2x128x128xf32, #tpu.memory_space<vmem>> -> memref<1x128x128xf32, #tpu.memory_space<vmem>>
      %dma_start3A_93 = tpu.memref_squeeze %dma_start3A_92 : memref<1x128x128xf32, #tpu.memory_space<vmem>> -> memref<128x128xf32, #tpu.memory_space<vmem>>
      %dma_start3A_94 = arith.constant 0 : i32
      %dma_start3A_95 = arith.constant 0 : i32
      %dma_start3A_96 = tpu.memref_slice %dma_start3A_93[%dma_start3A_94, %dma_start3A_95] : memref<128x128xf32, #tpu.memory_space<vmem>> -> memref<128x128xf32, #tpu.memory_space<vmem>>
      tpu.enqueue_dma source(%dma_start3A_96 : memref<128x128xf32, #tpu.memory_space<vmem>>) target(%dma_start3A_89 : memref<128x128xf32, #tpu.memory_space<vmem_shared>>) target_semaphore(%run_scoped3A_78 : memref<!tpu.dma_semaphore, #tpu.memory_space<semaphore_mem>>)
      %dma_wait3A = arith.constant 0 : i32
      %dma_wait3A_97 = arith.constant 0 : i32
      %dma_wait3A_98 = tpu.memref_slice %arg6[%run_scoped3A_15, %dma_wait3A, %dma_wait3A_97] : memref<2x128x128xf32, #tpu.memory_space<vmem>> -> memref<1x128x128xf32, #tpu.memory_space<vmem>>
      %dma_wait3A_99 = tpu.memref_squeeze %dma_wait3A_98 : memref<1x128x128xf32, #tpu.memory_space<vmem>> -> memref<128x128xf32, #tpu.memory_space<vmem>>
      %dma_wait3A_100 = arith.constant 0 : i32
      %dma_wait3A_101 = arith.constant 0 : i32
      %dma_wait3A_102 = tpu.memref_slice %dma_wait3A_99[%dma_wait3A_100, %dma_wait3A_101] : memref<128x128xf32, #tpu.memory_space<vmem>> -> memref<128x128xf32, #tpu.memory_space<vmem>>
      %dma_wait3A_103 = arith.constant 0 : i32
      %dma_wait3A_104 = tpu.memref_slice %arg7[%add3A_14, %dma_wait3A_103] : memref<10112x128xf32, #tpu.memory_space<vmem_shared>> -> memref<128x128xf32, #tpu.memory_space<vmem_shared>>
      %dma_wait3A_105 = arith.constant 0 : i32
      %dma_wait3A_106 = tpu.memref_slice %arg7[%add3A_14, %dma_wait3A_105] : memref<10112x128xf32, #tpu.memory_space<vmem_shared>> -> memref<128x128xf32, #tpu.memory_space<vmem_shared>>
      %dma_wait3A_107 = arith.constant 0 : i32
      %dma_wait3A_108 = arith.constant 0 : i32
      %dma_wait3A_109 = tpu.memref_slice %arg6[%run_scoped3A_15, %dma_wait3A_107, %dma_wait3A_108] : memref<2x128x128xf32, #tpu.memory_space<vmem>> -> memref<1x128x128xf32, #tpu.memory_space<vmem>>
      %dma_wait3A_110 = tpu.memref_squeeze %dma_wait3A_109 : memref<1x128x128xf32, #tpu.memory_space<vmem>> -> memref<128x128xf32, #tpu.memory_space<vmem>>
      %dma_wait3A_111 = arith.constant 0 : i32
      %dma_wait3A_112 = arith.constant 0 : i32
      %dma_wait3A_113 = tpu.memref_slice %dma_wait3A_110[%dma_wait3A_111, %dma_wait3A_112] : memref<128x128xf32, #tpu.memory_space<vmem>> -> memref<128x128xf32, #tpu.memory_space<vmem>>
      tpu.wait_dma2 semaphore(%run_scoped3A_78 : memref<!tpu.dma_semaphore, #tpu.memory_space<semaphore_mem>>) src(%dma_wait3A_113 : memref<128x128xf32, #tpu.memory_space<vmem>>) dst(%dma_wait3A_106 : memref<128x128xf32, #tpu.memory_space<vmem_shared>>)
      tpu.yield
    }) : () -> ()
    %add3A_16 = arith.constant 384 : i32
    %add3A_17 = arith.addi %mul3A_7, %add3A_16 : i32
    %run_scoped3A_18 = arith.constant 0 : i32
    "tpu.region"() ({
      %run_scoped3A_78 = tpu.sem_alloc : memref<!tpu.dma_semaphore, #tpu.memory_space<semaphore_mem>>
      %dma_start3A_79 = arith.constant 0 : i32
      %dma_start3A_80 = arith.constant 0 : i32
      %dma_start3A_81 = tpu.memref_slice %arg6[%run_scoped3A_18, %dma_start3A_79, %dma_start3A_80] : memref<2x128x128xf32, #tpu.memory_space<vmem>> -> memref<1x128x128xf32, #tpu.memory_space<vmem>>
      %dma_start3A_82 = tpu.memref_squeeze %dma_start3A_81 : memref<1x128x128xf32, #tpu.memory_space<vmem>> -> memref<128x128xf32, #tpu.memory_space<vmem>>
      %dma_start3A_83 = arith.constant 0 : i32
      %dma_start3A_84 = arith.constant 0 : i32
      %dma_start3A_85 = tpu.memref_slice %dma_start3A_82[%dma_start3A_83, %dma_start3A_84] : memref<128x128xf32, #tpu.memory_space<vmem>> -> memref<128x128xf32, #tpu.memory_space<vmem>>
      %dma_start3A_86 = arith.constant 0 : i32
      %dma_start3A_87 = tpu.memref_slice %arg7[%add3A_17, %dma_start3A_86] : memref<10112x128xf32, #tpu.memory_space<vmem_shared>> -> memref<128x128xf32, #tpu.memory_space<vmem_shared>>
      %dma_start3A_88 = arith.constant 0 : i32
      %dma_start3A_89 = tpu.memref_slice %arg7[%add3A_17, %dma_start3A_88] : memref<10112x128xf32, #tpu.memory_space<vmem_shared>> -> memref<128x128xf32, #tpu.memory_space<vmem_shared>>
      %dma_start3A_90 = arith.constant 0 : i32
      %dma_start3A_91 = arith.constant 0 : i32
      %dma_start3A_92 = tpu.memref_slice %arg6[%run_scoped3A_18, %dma_start3A_90, %dma_start3A_91] : memref<2x128x128xf32, #tpu.memory_space<vmem>> -> memref<1x128x128xf32, #tpu.memory_space<vmem>>
      %dma_start3A_93 = tpu.memref_squeeze %dma_start3A_92 : memref<1x128x128xf32, #tpu.memory_space<vmem>> -> memref<128x128xf32, #tpu.memory_space<vmem>>
      %dma_start3A_94 = arith.constant 0 : i32
      %dma_start3A_95 = arith.constant 0 : i32
      %dma_start3A_96 = tpu.memref_slice %dma_start3A_93[%dma_start3A_94, %dma_start3A_95] : memref<128x128xf32, #tpu.memory_space<vmem>> -> memref<128x128xf32, #tpu.memory_space<vmem>>
      tpu.enqueue_dma source(%dma_start3A_96 : memref<128x128xf32, #tpu.memory_space<vmem>>) target(%dma_start3A_89 : memref<128x128xf32, #tpu.memory_space<vmem_shared>>) target_semaphore(%run_scoped3A_78 : memref<!tpu.dma_semaphore, #tpu.memory_space<semaphore_mem>>)
      %dma_wait3A = arith.constant 0 : i32
      %dma_wait3A_97 = arith.constant 0 : i32
      %dma_wait3A_98 = tpu.memref_slice %arg6[%run_scoped3A_18, %dma_wait3A, %dma_wait3A_97] : memref<2x128x128xf32, #tpu.memory_space<vmem>> -> memref<1x128x128xf32, #tpu.memory_space<vmem>>
      %dma_wait3A_99 = tpu.memref_squeeze %dma_wait3A_98 : memref<1x128x128xf32, #tpu.memory_space<vmem>> -> memref<128x128xf32, #tpu.memory_space<vmem>>
      %dma_wait3A_100 = arith.constant 0 : i32
      %dma_wait3A_101 = arith.constant 0 : i32
      %dma_wait3A_102 = tpu.memref_slice %dma_wait3A_99[%dma_wait3A_100, %dma_wait3A_101] : memref<128x128xf32, #tpu.memory_space<vmem>> -> memref<128x128xf32, #tpu.memory_space<vmem>>
      %dma_wait3A_103 = arith.constant 0 : i32
      %dma_wait3A_104 = tpu.memref_slice %arg7[%add3A_17, %dma_wait3A_103] : memref<10112x128xf32, #tpu.memory_space<vmem_shared>> -> memref<128x128xf32, #tpu.memory_space<vmem_shared>>
      %dma_wait3A_105 = arith.constant 0 : i32
      %dma_wait3A_106 = tpu.memref_slice %arg7[%add3A_17, %dma_wait3A_105] : memref<10112x128xf32, #tpu.memory_space<vmem_shared>> -> memref<128x128xf32, #tpu.memory_space<vmem_shared>>
      %dma_wait3A_107 = arith.constant 0 : i32
      %dma_wait3A_108 = arith.constant 0 : i32
      %dma_wait3A_109 = tpu.memref_slice %arg6[%run_scoped3A_18, %dma_wait3A_107, %dma_wait3A_108] : memref<2x128x128xf32, #tpu.memory_space<vmem>> -> memref<1x128x128xf32, #tpu.memory_space<vmem>>
      %dma_wait3A_110 = tpu.memref_squeeze %dma_wait3A_109 : memref<1x128x128xf32, #tpu.memory_space<vmem>> -> memref<128x128xf32, #tpu.memory_space<vmem>>
      %dma_wait3A_111 = arith.constant 0 : i32
      %dma_wait3A_112 = arith.constant 0 : i32
      %dma_wait3A_113 = tpu.memref_slice %dma_wait3A_110[%dma_wait3A_111, %dma_wait3A_112] : memref<128x128xf32, #tpu.memory_space<vmem>> -> memref<128x128xf32, #tpu.memory_space<vmem>>
      tpu.wait_dma2 semaphore(%run_scoped3A_78 : memref<!tpu.dma_semaphore, #tpu.memory_space<semaphore_mem>>) src(%dma_wait3A_113 : memref<128x128xf32, #tpu.memory_space<vmem>>) dst(%dma_wait3A_106 : memref<128x128xf32, #tpu.memory_space<vmem_shared>>)
      tpu.yield
    }) : () -> ()
    %add3A_19 = arith.constant 512 : i32
    %add3A_20 = arith.addi %mul3A_7, %add3A_19 : i32
    %run_scoped3A_21 = arith.constant 0 : i32
    "tpu.region"() ({
      %run_scoped3A_78 = tpu.sem_alloc : memref<!tpu.dma_semaphore, #tpu.memory_space<semaphore_mem>>
      %dma_start3A_79 = arith.constant 0 : i32
      %dma_start3A_80 = arith.constant 0 : i32
      %dma_start3A_81 = tpu.memref_slice %arg6[%run_scoped3A_21, %dma_start3A_79, %dma_start3A_80] : memref<2x128x128xf32, #tpu.memory_space<vmem>> -> memref<1x128x128xf32, #tpu.memory_space<vmem>>
      %dma_start3A_82 = tpu.memref_squeeze %dma_start3A_81 : memref<1x128x128xf32, #tpu.memory_space<vmem>> -> memref<128x128xf32, #tpu.memory_space<vmem>>
      %dma_start3A_83 = arith.constant 0 : i32
      %dma_start3A_84 = arith.constant 0 : i32
      %dma_start3A_85 = tpu.memref_slice %dma_start3A_82[%dma_start3A_83, %dma_start3A_84] : memref<128x128xf32, #tpu.memory_space<vmem>> -> memref<120x128xf32, #tpu.memory_space<vmem>>
      %dma_start3A_86 = arith.constant 0 : i32
      %dma_start3A_87 = tpu.memref_slice %arg7[%add3A_20, %dma_start3A_86] : memref<10112x128xf32, #tpu.memory_space<vmem_shared>> -> memref<120x128xf32, #tpu.memory_space<vmem_shared>>
      %dma_start3A_88 = arith.constant 0 : i32
      %dma_start3A_89 = tpu.memref_slice %arg7[%add3A_20, %dma_start3A_88] : memref<10112x128xf32, #tpu.memory_space<vmem_shared>> -> memref<120x128xf32, #tpu.memory_space<vmem_shared>>
      %dma_start3A_90 = arith.constant 0 : i32
      %dma_start3A_91 = arith.constant 0 : i32
      %dma_start3A_92 = tpu.memref_slice %arg6[%run_scoped3A_21, %dma_start3A_90, %dma_start3A_91] : memref<2x128x128xf32, #tpu.memory_space<vmem>> -> memref<1x128x128xf32, #tpu.memory_space<vmem>>
      %dma_start3A_93 = tpu.memref_squeeze %dma_start3A_92 : memref<1x128x128xf32, #tpu.memory_space<vmem>> -> memref<128x128xf32, #tpu.memory_space<vmem>>
      %dma_start3A_94 = arith.constant 0 : i32
      %dma_start3A_95 = arith.constant 0 : i32
      %dma_start3A_96 = tpu.memref_slice %dma_start3A_93[%dma_start3A_94, %dma_start3A_95] : memref<128x128xf32, #tpu.memory_space<vmem>> -> memref<120x128xf32, #tpu.memory_space<vmem>>
      tpu.enqueue_dma source(%dma_start3A_96 : memref<120x128xf32, #tpu.memory_space<vmem>>) target(%dma_start3A_89 : memref<120x128xf32, #tpu.memory_space<vmem_shared>>) target_semaphore(%run_scoped3A_78 : memref<!tpu.dma_semaphore, #tpu.memory_space<semaphore_mem>>)
      %dma_wait3A = arith.constant 0 : i32
      %dma_wait3A_97 = arith.constant 0 : i32
      %dma_wait3A_98 = tpu.memref_slice %arg6[%run_scoped3A_21, %dma_wait3A, %dma_wait3A_97] : memref<2x128x128xf32, #tpu.memory_space<vmem>> -> memref<1x128x128xf32, #tpu.memory_space<vmem>>
      %dma_wait3A_99 = tpu.memref_squeeze %dma_wait3A_98 : memref<1x128x128xf32, #tpu.memory_space<vmem>> -> memref<128x128xf32, #tpu.memory_space<vmem>>
      %dma_wait3A_100 = arith.constant 0 : i32
      %dma_wait3A_101 = arith.constant 0 : i32
      %dma_wait3A_102 = tpu.memref_slice %dma_wait3A_99[%dma_wait3A_100, %dma_wait3A_101] : memref<128x128xf32, #tpu.memory_space<vmem>> -> memref<120x128xf32, #tpu.memory_space<vmem>>
      %dma_wait3A_103 = arith.constant 0 : i32
      %dma_wait3A_104 = tpu.memref_slice %arg7[%add3A_20, %dma_wait3A_103] : memref<10112x128xf32, #tpu.memory_space<vmem_shared>> -> memref<120x128xf32, #tpu.memory_space<vmem_shared>>
      %dma_wait3A_105 = arith.constant 0 : i32
      %dma_wait3A_106 = tpu.memref_slice %arg7[%add3A_20, %dma_wait3A_105] : memref<10112x128xf32, #tpu.memory_space<vmem_shared>> -> memref<120x128xf32, #tpu.memory_space<vmem_shared>>
      %dma_wait3A_107 = arith.constant 0 : i32
      %dma_wait3A_108 = arith.constant 0 : i32
      %dma_wait3A_109 = tpu.memref_slice %arg6[%run_scoped3A_21, %dma_wait3A_107, %dma_wait3A_108] : memref<2x128x128xf32, #tpu.memory_space<vmem>> -> memref<1x128x128xf32, #tpu.memory_space<vmem>>
      %dma_wait3A_110 = tpu.memref_squeeze %dma_wait3A_109 : memref<1x128x128xf32, #tpu.memory_space<vmem>> -> memref<128x128xf32, #tpu.memory_space<vmem>>
      %dma_wait3A_111 = arith.constant 0 : i32
      %dma_wait3A_112 = arith.constant 0 : i32
      %dma_wait3A_113 = tpu.memref_slice %dma_wait3A_110[%dma_wait3A_111, %dma_wait3A_112] : memref<128x128xf32, #tpu.memory_space<vmem>> -> memref<120x128xf32, #tpu.memory_space<vmem>>
      tpu.wait_dma2 semaphore(%run_scoped3A_78 : memref<!tpu.dma_semaphore, #tpu.memory_space<semaphore_mem>>) src(%dma_wait3A_113 : memref<120x128xf32, #tpu.memory_space<vmem>>) dst(%dma_wait3A_106 : memref<120x128xf32, #tpu.memory_space<vmem_shared>>)
      tpu.yield
    }) : () -> ()
    %barrier3A = arith.constant 0 : index
    tpu.barrier barrier_id(%barrier3A)
    "tpu.region"() ({
      %run_scoped3A_78 = tpu.sem_alloc : memref<!tpu.dma_semaphore, #tpu.memory_space<semaphore_mem>>
      %dma_start3A_79 = arith.constant 0 : i32
      %dma_start3A_80 = arith.constant 0 : i32
      %dma_start3A_81 = arith.constant 0 : i32
      %dma_start3A_82 = tpu.memref_slice %arg3[%add3A, %dma_start3A_79, %dma_start3A_80, %dma_start3A_81] : memref<32x2x80x128xi32, #tpu.memory_space<hbm>> -> memref<1x2x40x128xi32, #tpu.memory_space<hbm>>
      %dma_start3A_83 = tpu.memref_squeeze %dma_start3A_82 : memref<1x2x40x128xi32, #tpu.memory_space<hbm>> -> memref<2x40x128xi32, #tpu.memory_space<hbm>>
      %dma_start3A_84 = arith.constant 0 : i32
      %dma_start3A_85 = arith.constant 0 : i32
      %dma_start3A_86 = arith.constant 0 : i32
      %dma_start3A_87 = tpu.memref_slice %arg3[%add3A, %dma_start3A_84, %dma_start3A_85, %dma_start3A_86] : memref<32x2x80x128xi32, #tpu.memory_space<hbm>> -> memref<1x2x40x128xi32, #tpu.memory_space<hbm>>
      %dma_start3A_88 = tpu.memref_squeeze %dma_start3A_87 : memref<1x2x40x128xi32, #tpu.memory_space<hbm>> -> memref<2x40x128xi32, #tpu.memory_space<hbm>>
      tpu.enqueue_dma source(%dma_start3A_88 : memref<2x40x128xi32, #tpu.memory_space<hbm>>) target(%arg5 : memref<2x40x128xi32, #tpu.memory_space<vmem>>) target_semaphore(%run_scoped3A_78 : memref<!tpu.dma_semaphore, #tpu.memory_space<semaphore_mem>>)
      %dma_wait3A = arith.constant 0 : i32
      %dma_wait3A_89 = arith.constant 0 : i32
      %dma_wait3A_90 = arith.constant 0 : i32
      %dma_wait3A_91 = tpu.memref_slice %arg3[%add3A, %dma_wait3A, %dma_wait3A_89, %dma_wait3A_90] : memref<32x2x80x128xi32, #tpu.memory_space<hbm>> -> memref<1x2x40x128xi32, #tpu.memory_space<hbm>>
      %dma_wait3A_92 = tpu.memref_squeeze %dma_wait3A_91 : memref<1x2x40x128xi32, #tpu.memory_space<hbm>> -> memref<2x40x128xi32, #tpu.memory_space<hbm>>
      %dma_wait3A_93 = arith.constant 0 : i32
      %dma_wait3A_94 = arith.constant 0 : i32
      %dma_wait3A_95 = arith.constant 0 : i32
      %dma_wait3A_96 = tpu.memref_slice %arg3[%add3A, %dma_wait3A_93, %dma_wait3A_94, %dma_wait3A_95] : memref<32x2x80x128xi32, #tpu.memory_space<hbm>> -> memref<1x2x40x128xi32, #tpu.memory_space<hbm>>
      %dma_wait3A_97 = tpu.memref_squeeze %dma_wait3A_96 : memref<1x2x40x128xi32, #tpu.memory_space<hbm>> -> memref<2x40x128xi32, #tpu.memory_space<hbm>>
      tpu.wait_dma2 semaphore(%run_scoped3A_78 : memref<!tpu.dma_semaphore, #tpu.memory_space<semaphore_mem>>) src(%dma_wait3A_97 : memref<2x40x128xi32, #tpu.memory_space<hbm>>) dst(%arg5 : memref<2x40x128xi32, #tpu.memory_space<vmem>>)
      tpu.yield
    }) : () -> ()
    %dma_start3A = arith.constant 0 : i32
    %dma_start3A_22 = arith.constant 0 : i32
    %dma_start3A_23 = arith.constant 0 : i32
    %dma_start3A_24 = arith.constant 0 : i32
    %dma_start3A_25 = arith.constant 0 : i32
    %dma_start3A_26 = tpu.memref_slice %arg6[%dma_start3A_23, %dma_start3A_24, %dma_start3A_25] : memref<2x128x128xf32, #tpu.memory_space<vmem>> -> memref<1x128x128xf32, #tpu.memory_space<vmem>>
    %dma_start3A_27 = tpu.memref_squeeze %dma_start3A_26 : memref<1x128x128xf32, #tpu.memory_space<vmem>> -> memref<128x128xf32, #tpu.memory_space<vmem>>
    %dma_start3A_28 = arith.constant 0 : i32
    %dma_start3A_29 = arith.constant 0 : i32
    %dma_start3A_30 = tpu.memref_slice %arg5[%dma_start3A, %dma_start3A_28, %dma_start3A_29] : memref<2x40x128xi32, #tpu.memory_space<vmem>> -> memref<1x40x128xi32, #tpu.memory_space<vmem>>
    %dma_start3A_31 = tpu.memref_squeeze %dma_start3A_30 : memref<1x40x128xi32, #tpu.memory_space<vmem>> -> memref<40x128xi32, #tpu.memory_space<vmem>>
    %dma_start3A_32 = arith.constant 0 : i32
    %dma_start3A_33 = tpu.memref_slice %dma_start3A_31[%dma_start3A_22, %dma_start3A_32] : memref<40x128xi32, #tpu.memory_space<vmem>> -> memref<1x128xi32, #tpu.memory_space<vmem>>
    %dma_start3A_34 = tpu.memref_squeeze %dma_start3A_33 : memref<1x128xi32, #tpu.memory_space<vmem>> -> memref<128xi32, #tpu.memory_space<vmem>>
    %dma_start3A_35 = arith.constant 0 : i32
    %dma_start3A_36 = arith.constant 0 : i32
    %dma_start3A_37 = tpu.memref_slice %arg2[%dma_start3A_35, %dma_start3A_36] : memref<10000x128xf32, #tpu.memory_space<hbm>> -> memref<10000x128xf32, #tpu.memory_space<hbm>>
    tpu.enqueue_indirect_dma source(%dma_start3A_37 : memref<10000x128xf32, #tpu.memory_space<hbm>>) target(%dma_start3A_27 : memref<128x128xf32, #tpu.memory_space<vmem>>) offsets(%dma_start3A_34 : memref<128xi32, #tpu.memory_space<vmem>>) semaphore(%arg8 : memref<!tpu.dma_semaphore, #tpu.memory_space<semaphore_mem>>)
    %scan3A_38 = arith.constant 0 : i32
    %scan3A_39 = arith.constant 0 : i32
    %scan3A_40 = arith.constant 1 : i32
    %scan3A_41 = arith.constant 0 : i32
    %scan3A_42 = arith.constant 40 : i32
    %scan3A_43 = arith.addi %scan3A_41, %scan3A_42 : i32
    %scan3A_44 = arith.constant 1 : i32
    scf.for %scan3A_78 = %scan3A_41 to %scan3A_43 step %scan3A_44  : i32 {
      %jit3A = arith.constant 2 : i32
      %eq3A_79 = arith.constant 0 : i32
      %eq3A_80 = arith.cmpi eq, %jit3A, %eq3A_79 : i32
      %jit3A_81 = arith.constant 1 : i32
      %select_n3A = arith.select %eq3A_80, %jit3A_81, %jit3A : i32
      %rem3A = arith.remsi %scan3A_78, %select_n3A : i32
      %ne3A = arith.constant 0 : i32
      %ne3A_82 = arith.cmpi ne, %rem3A, %ne3A : i32
      %lt3A = arith.constant 0 : i32
      %lt3A_83 = arith.cmpi slt, %rem3A, %lt3A : i32
      %lt3A_84 = arith.constant 0 : i32
      %lt3A_85 = arith.cmpi slt, %select_n3A, %lt3A_84 : i32
      %ne3A_86 = arith.xori %lt3A_83, %lt3A_85 : i1
      %and3A = arith.andi %ne3A_86, %ne3A_82 : i1
      %add3A_87 = arith.addi %rem3A, %select_n3A : i32
      %select_n3A_88 = arith.select %and3A, %add3A_87, %rem3A : i32
      %dma_wait3A = arith.constant 0 : i32
      %dma_wait3A_89 = arith.constant 0 : i32
      %dma_wait3A_90 = tpu.memref_slice %arg6[%select_n3A_88, %dma_wait3A, %dma_wait3A_89] : memref<2x128x128xf32, #tpu.memory_space<vmem>> -> memref<1x128x128xf32, #tpu.memory_space<vmem>>
      %dma_wait3A_91 = tpu.memref_squeeze %dma_wait3A_90 : memref<1x128x128xf32, #tpu.memory_space<vmem>> -> memref<128x128xf32, #tpu.memory_space<vmem>>
      %dma_wait3A_92 = arith.constant 0 : i32
      %dma_wait3A_93 = arith.constant 0 : i32
      %dma_wait3A_94 = tpu.memref_slice %arg5[%scan3A_39, %dma_wait3A_92, %dma_wait3A_93] : memref<2x40x128xi32, #tpu.memory_space<vmem>> -> memref<1x40x128xi32, #tpu.memory_space<vmem>>
      %dma_wait3A_95 = tpu.memref_squeeze %dma_wait3A_94 : memref<1x40x128xi32, #tpu.memory_space<vmem>> -> memref<40x128xi32, #tpu.memory_space<vmem>>
      %dma_wait3A_96 = arith.constant 0 : i32
      %dma_wait3A_97 = tpu.memref_slice %dma_wait3A_95[%scan3A_78, %dma_wait3A_96] : memref<40x128xi32, #tpu.memory_space<vmem>> -> memref<1x128xi32, #tpu.memory_space<vmem>>
      %dma_wait3A_98 = tpu.memref_squeeze %dma_wait3A_97 : memref<1x128xi32, #tpu.memory_space<vmem>> -> memref<128xi32, #tpu.memory_space<vmem>>
      %dma_wait3A_99 = arith.constant 0 : i32
      %dma_wait3A_100 = arith.constant 0 : i32
      %dma_wait3A_101 = tpu.memref_slice %arg2[%dma_wait3A_99, %dma_wait3A_100] : memref<10000x128xf32, #tpu.memory_space<hbm>> -> memref<10000x128xf32, #tpu.memory_space<hbm>>
      tpu.wait_indirect_dma semaphore(%arg8 : memref<!tpu.dma_semaphore, #tpu.memory_space<semaphore_mem>>) src(%dma_wait3A_101 : memref<10000x128xf32, #tpu.memory_space<hbm>>) dst(%dma_wait3A_91 : memref<128x128xf32, #tpu.memory_space<vmem>>)
      %add3A_102 = arith.constant 1 : i32
      %add3A_103 = arith.addi %scan3A_78, %add3A_102 : i32
      %lt3A_104 = arith.constant 40 : i32
      %lt3A_105 = arith.cmpi slt, %add3A_103, %lt3A_104 : i32
      %convert_element_type3A_106 = arith.extui %lt3A_105 : i1 to i32
      %cond3A_107 = arith.constant 0 : i32
      %cond3A_108 = arith.cmpi ne, %convert_element_type3A_106, %cond3A_107 : i32
      scf.if %cond3A_108 {
        %add3A_109 = arith.constant 1 : i32
        %add3A_110 = arith.addi %scan3A_78, %add3A_109 : i32
        %add3A_111 = arith.constant 1 : i32
        %add3A_112 = arith.addi %scan3A_78, %add3A_111 : i32
        %jit3A_113 = arith.constant 2 : i32
        %eq3A_114 = arith.constant 0 : i32
        %eq3A_115 = arith.cmpi eq, %jit3A_113, %eq3A_114 : i32
        %jit3A_116 = arith.constant 1 : i32
        %select_n3A_117 = arith.select %eq3A_115, %jit3A_116, %jit3A_113 : i32
        %rem3A_118 = arith.remsi %add3A_112, %select_n3A_117 : i32
        %ne3A_119 = arith.constant 0 : i32
        %ne3A_120 = arith.cmpi ne, %rem3A_118, %ne3A_119 : i32
        %lt3A_121 = arith.constant 0 : i32
        %lt3A_122 = arith.cmpi slt, %rem3A_118, %lt3A_121 : i32
        %lt3A_123 = arith.constant 0 : i32
        %lt3A_124 = arith.cmpi slt, %select_n3A_117, %lt3A_123 : i32
        %ne3A_125 = arith.xori %lt3A_122, %lt3A_124 : i1
        %and3A_126 = arith.andi %ne3A_125, %ne3A_120 : i1
        %add3A_127 = arith.addi %rem3A_118, %select_n3A_117 : i32
        %select_n3A_128 = arith.select %and3A_126, %add3A_127, %rem3A_118 : i32
        %dma_start3A_129 = arith.constant 0 : i32
        %dma_start3A_130 = arith.constant 0 : i32
        %dma_start3A_131 = tpu.memref_slice %arg6[%select_n3A_128, %dma_start3A_129, %dma_start3A_130] : memref<2x128x128xf32, #tpu.memory_space<vmem>> -> memref<1x128x128xf32, #tpu.memory_space<vmem>>
        %dma_start3A_132 = tpu.memref_squeeze %dma_start3A_131 : memref<1x128x128xf32, #tpu.memory_space<vmem>> -> memref<128x128xf32, #tpu.memory_space<vmem>>
        %dma_start3A_133 = arith.constant 0 : i32
        %dma_start3A_134 = arith.constant 0 : i32
        %dma_start3A_135 = tpu.memref_slice %arg5[%scan3A_39, %dma_start3A_133, %dma_start3A_134] : memref<2x40x128xi32, #tpu.memory_space<vmem>> -> memref<1x40x128xi32, #tpu.memory_space<vmem>>
        %dma_start3A_136 = tpu.memref_squeeze %dma_start3A_135 : memref<1x40x128xi32, #tpu.memory_space<vmem>> -> memref<40x128xi32, #tpu.memory_space<vmem>>
        %dma_start3A_137 = arith.constant 0 : i32
        %dma_start3A_138 = tpu.memref_slice %dma_start3A_136[%add3A_110, %dma_start3A_137] : memref<40x128xi32, #tpu.memory_space<vmem>> -> memref<1x128xi32, #tpu.memory_space<vmem>>
        %dma_start3A_139 = tpu.memref_squeeze %dma_start3A_138 : memref<1x128xi32, #tpu.memory_space<vmem>> -> memref<128xi32, #tpu.memory_space<vmem>>
        %dma_start3A_140 = arith.constant 0 : i32
        %dma_start3A_141 = arith.constant 0 : i32
        %dma_start3A_142 = tpu.memref_slice %arg2[%dma_start3A_140, %dma_start3A_141] : memref<10000x128xf32, #tpu.memory_space<hbm>> -> memref<10000x128xf32, #tpu.memory_space<hbm>>
        tpu.enqueue_indirect_dma source(%dma_start3A_142 : memref<10000x128xf32, #tpu.memory_space<hbm>>) target(%dma_start3A_132 : memref<128x128xf32, #tpu.memory_space<vmem>>) offsets(%dma_start3A_139 : memref<128xi32, #tpu.memory_space<vmem>>) semaphore(%arg8 : memref<!tpu.dma_semaphore, #tpu.memory_space<semaphore_mem>>)
      } else {
      }
      "tpu.region"() ({
        %run_scoped3A_109 = tpu.sem_alloc : memref<!tpu.dma_semaphore, #tpu.memory_space<semaphore_mem>>
        %dma_start3A_110 = arith.constant 0 : i32
        %dma_start3A_111 = arith.constant 0 : i32
        %dma_start3A_112 = tpu.memref_slice %arg6[%select_n3A_88, %dma_start3A_110, %dma_start3A_111] : memref<2x128x128xf32, #tpu.memory_space<vmem>> -> memref<1x128x128xf32, #tpu.memory_space<vmem>>
        %dma_start3A_113 = tpu.memref_squeeze %dma_start3A_112 : memref<1x128x128xf32, #tpu.memory_space<vmem>> -> memref<128x128xf32, #tpu.memory_space<vmem>>
        %dma_start3A_114 = arith.constant 0 : i32
        %dma_start3A_115 = arith.constant 0 : i32
        %dma_start3A_116 = tpu.memref_slice %arg5[%scan3A_40, %dma_start3A_114, %dma_start3A_115] : memref<2x40x128xi32, #tpu.memory_space<vmem>> -> memref<1x40x128xi32, #tpu.memory_space<vmem>>
        %dma_start3A_117 = tpu.memref_squeeze %dma_start3A_116 : memref<1x40x128xi32, #tpu.memory_space<vmem>> -> memref<40x128xi32, #tpu.memory_space<vmem>>
        %dma_start3A_118 = arith.constant 0 : i32
        %dma_start3A_119 = tpu.memref_slice %dma_start3A_117[%scan3A_78, %dma_start3A_118] : memref<40x128xi32, #tpu.memory_space<vmem>> -> memref<1x128xi32, #tpu.memory_space<vmem>>
        %dma_start3A_120 = tpu.memref_squeeze %dma_start3A_119 : memref<1x128xi32, #tpu.memory_space<vmem>> -> memref<128xi32, #tpu.memory_space<vmem>>
        %dma_start3A_121 = arith.constant 0 : i32
        %dma_start3A_122 = arith.constant 0 : i32
        %dma_start3A_123 = tpu.memref_slice %arg7[%dma_start3A_121, %dma_start3A_122] : memref<10112x128xf32, #tpu.memory_space<vmem_shared>> -> memref<10112x128xf32, #tpu.memory_space<vmem_shared>>
        tpu.enqueue_indirect_dma source(%dma_start3A_113 : memref<128x128xf32, #tpu.memory_space<vmem>>) target(%dma_start3A_123 : memref<10112x128xf32, #tpu.memory_space<vmem_shared>>) offsets(%dma_start3A_120 : memref<128xi32, #tpu.memory_space<vmem>>) semaphore(%run_scoped3A_109 : memref<!tpu.dma_semaphore, #tpu.memory_space<semaphore_mem>>) {add = true}
        %dma_wait3A_124 = arith.constant 0 : i32
        %dma_wait3A_125 = arith.constant 0 : i32
        %dma_wait3A_126 = tpu.memref_slice %arg6[%select_n3A_88, %dma_wait3A_124, %dma_wait3A_125] : memref<2x128x128xf32, #tpu.memory_space<vmem>> -> memref<1x128x128xf32, #tpu.memory_space<vmem>>
        %dma_wait3A_127 = tpu.memref_squeeze %dma_wait3A_126 : memref<1x128x128xf32, #tpu.memory_space<vmem>> -> memref<128x128xf32, #tpu.memory_space<vmem>>
        %dma_wait3A_128 = arith.constant 0 : i32
        %dma_wait3A_129 = arith.constant 0 : i32
        %dma_wait3A_130 = tpu.memref_slice %arg5[%scan3A_40, %dma_wait3A_128, %dma_wait3A_129] : memref<2x40x128xi32, #tpu.memory_space<vmem>> -> memref<1x40x128xi32, #tpu.memory_space<vmem>>
        %dma_wait3A_131 = tpu.memref_squeeze %dma_wait3A_130 : memref<1x40x128xi32, #tpu.memory_space<vmem>> -> memref<40x128xi32, #tpu.memory_space<vmem>>
        %dma_wait3A_132 = arith.constant 0 : i32
        %dma_wait3A_133 = tpu.memref_slice %dma_wait3A_131[%scan3A_78, %dma_wait3A_132] : memref<40x128xi32, #tpu.memory_space<vmem>> -> memref<1x128xi32, #tpu.memory_space<vmem>>
        %dma_wait3A_134 = tpu.memref_squeeze %dma_wait3A_133 : memref<1x128xi32, #tpu.memory_space<vmem>> -> memref<128xi32, #tpu.memory_space<vmem>>
        %dma_wait3A_135 = arith.constant 0 : i32
        %dma_wait3A_136 = arith.constant 0 : i32
        %dma_wait3A_137 = tpu.memref_slice %arg7[%dma_wait3A_135, %dma_wait3A_136] : memref<10112x128xf32, #tpu.memory_space<vmem_shared>> -> memref<10112x128xf32, #tpu.memory_space<vmem_shared>>
        tpu.wait_indirect_dma semaphore(%run_scoped3A_109 : memref<!tpu.dma_semaphore, #tpu.memory_space<semaphore_mem>>) src(%dma_wait3A_127 : memref<128x128xf32, #tpu.memory_space<vmem>>) dst(%dma_wait3A_137 : memref<10112x128xf32, #tpu.memory_space<vmem_shared>>)
        tpu.yield
      }) : () -> ()
    }
    %scan3A_45 = arith.constant 40 : i32
    "tpu.region"() ({
      %run_scoped3A_78 = tpu.sem_alloc : memref<!tpu.dma_semaphore, #tpu.memory_space<semaphore_mem>>
      %dma_start3A_79 = arith.constant 0 : i32
      %dma_start3A_80 = arith.constant 40 : i32
      %dma_start3A_81 = arith.constant 0 : i32
      %dma_start3A_82 = tpu.memref_slice %arg3[%add3A, %dma_start3A_79, %dma_start3A_80, %dma_start3A_81] : memref<32x2x80x128xi32, #tpu.memory_space<hbm>> -> memref<1x2x40x128xi32, #tpu.memory_space<hbm>>
      %dma_start3A_83 = tpu.memref_squeeze %dma_start3A_82 : memref<1x2x40x128xi32, #tpu.memory_space<hbm>> -> memref<2x40x128xi32, #tpu.memory_space<hbm>>
      %dma_start3A_84 = arith.constant 0 : i32
      %dma_start3A_85 = arith.constant 40 : i32
      %dma_start3A_86 = arith.constant 0 : i32
      %dma_start3A_87 = tpu.memref_slice %arg3[%add3A, %dma_start3A_84, %dma_start3A_85, %dma_start3A_86] : memref<32x2x80x128xi32, #tpu.memory_space<hbm>> -> memref<1x2x40x128xi32, #tpu.memory_space<hbm>>
      %dma_start3A_88 = tpu.memref_squeeze %dma_start3A_87 : memref<1x2x40x128xi32, #tpu.memory_space<hbm>> -> memref<2x40x128xi32, #tpu.memory_space<hbm>>
      tpu.enqueue_dma source(%dma_start3A_88 : memref<2x40x128xi32, #tpu.memory_space<hbm>>) target(%arg5 : memref<2x40x128xi32, #tpu.memory_space<vmem>>) target_semaphore(%run_scoped3A_78 : memref<!tpu.dma_semaphore, #tpu.memory_space<semaphore_mem>>)
      %dma_wait3A = arith.constant 0 : i32
      %dma_wait3A_89 = arith.constant 40 : i32
      %dma_wait3A_90 = arith.constant 0 : i32
      %dma_wait3A_91 = tpu.memref_slice %arg3[%add3A, %dma_wait3A, %dma_wait3A_89, %dma_wait3A_90] : memref<32x2x80x128xi32, #tpu.memory_space<hbm>> -> memref<1x2x40x128xi32, #tpu.memory_space<hbm>>
      %dma_wait3A_92 = tpu.memref_squeeze %dma_wait3A_91 : memref<1x2x40x128xi32, #tpu.memory_space<hbm>> -> memref<2x40x128xi32, #tpu.memory_space<hbm>>
      %dma_wait3A_93 = arith.constant 0 : i32
      %dma_wait3A_94 = arith.constant 40 : i32
      %dma_wait3A_95 = arith.constant 0 : i32
      %dma_wait3A_96 = tpu.memref_slice %arg3[%add3A, %dma_wait3A_93, %dma_wait3A_94, %dma_wait3A_95] : memref<32x2x80x128xi32, #tpu.memory_space<hbm>> -> memref<1x2x40x128xi32, #tpu.memory_space<hbm>>
      %dma_wait3A_97 = tpu.memref_squeeze %dma_wait3A_96 : memref<1x2x40x128xi32, #tpu.memory_space<hbm>> -> memref<2x40x128xi32, #tpu.memory_space<hbm>>
      tpu.wait_dma2 semaphore(%run_scoped3A_78 : memref<!tpu.dma_semaphore, #tpu.memory_space<semaphore_mem>>) src(%dma_wait3A_97 : memref<2x40x128xi32, #tpu.memory_space<hbm>>) dst(%arg5 : memref<2x40x128xi32, #tpu.memory_space<vmem>>)
      tpu.yield
    }) : () -> ()
    %dma_start3A_46 = arith.constant 0 : i32
    %dma_start3A_47 = arith.constant 0 : i32
    %dma_start3A_48 = arith.constant 0 : i32
    %dma_start3A_49 = arith.constant 0 : i32
    %dma_start3A_50 = arith.constant 0 : i32
    %dma_start3A_51 = tpu.memref_slice %arg6[%dma_start3A_48, %dma_start3A_49, %dma_start3A_50] : memref<2x128x128xf32, #tpu.memory_space<vmem>> -> memref<1x128x128xf32, #tpu.memory_space<vmem>>
    %dma_start3A_52 = tpu.memref_squeeze %dma_start3A_51 : memref<1x128x128xf32, #tpu.memory_space<vmem>> -> memref<128x128xf32, #tpu.memory_space<vmem>>
    %dma_start3A_53 = arith.constant 0 : i32
    %dma_start3A_54 = arith.constant 0 : i32
    %dma_start3A_55 = tpu.memref_slice %arg5[%dma_start3A_46, %dma_start3A_53, %dma_start3A_54] : memref<2x40x128xi32, #tpu.memory_space<vmem>> -> memref<1x40x128xi32, #tpu.memory_space<vmem>>
    %dma_start3A_56 = tpu.memref_squeeze %dma_start3A_55 : memref<1x40x128xi32, #tpu.memory_space<vmem>> -> memref<40x128xi32, #tpu.memory_space<vmem>>
    %dma_start3A_57 = arith.constant 0 : i32
    %dma_start3A_58 = tpu.memref_slice %dma_start3A_56[%dma_start3A_47, %dma_start3A_57] : memref<40x128xi32, #tpu.memory_space<vmem>> -> memref<1x128xi32, #tpu.memory_space<vmem>>
    %dma_start3A_59 = tpu.memref_squeeze %dma_start3A_58 : memref<1x128xi32, #tpu.memory_space<vmem>> -> memref<128xi32, #tpu.memory_space<vmem>>
    %dma_start3A_60 = arith.constant 0 : i32
    %dma_start3A_61 = arith.constant 0 : i32
    %dma_start3A_62 = tpu.memref_slice %arg2[%dma_start3A_60, %dma_start3A_61] : memref<10000x128xf32, #tpu.memory_space<hbm>> -> memref<10000x128xf32, #tpu.memory_space<hbm>>
    tpu.enqueue_indirect_dma source(%dma_start3A_62 : memref<10000x128xf32, #tpu.memory_space<hbm>>) target(%dma_start3A_52 : memref<128x128xf32, #tpu.memory_space<vmem>>) offsets(%dma_start3A_59 : memref<128xi32, #tpu.memory_space<vmem>>) semaphore(%arg8 : memref<!tpu.dma_semaphore, #tpu.memory_space<semaphore_mem>>)
    %scan3A_63 = arith.constant 0 : i32
    %scan3A_64 = arith.constant 0 : i32
    %scan3A_65 = arith.constant 1 : i32
    %scan3A_66 = arith.constant 0 : i32
    %scan3A_67 = arith.constant 40 : i32
    %scan3A_68 = arith.addi %scan3A_66, %scan3A_67 : i32
    %scan3A_69 = arith.constant 1 : i32
    scf.for %scan3A_78 = %scan3A_66 to %scan3A_68 step %scan3A_69  : i32 {
      %jit3A = arith.constant 2 : i32
      %eq3A_79 = arith.constant 0 : i32
      %eq3A_80 = arith.cmpi eq, %jit3A, %eq3A_79 : i32
      %jit3A_81 = arith.constant 1 : i32
      %select_n3A = arith.select %eq3A_80, %jit3A_81, %jit3A : i32
      %rem3A = arith.remsi %scan3A_78, %select_n3A : i32
      %ne3A = arith.constant 0 : i32
      %ne3A_82 = arith.cmpi ne, %rem3A, %ne3A : i32
      %lt3A = arith.constant 0 : i32
      %lt3A_83 = arith.cmpi slt, %rem3A, %lt3A : i32
      %lt3A_84 = arith.constant 0 : i32
      %lt3A_85 = arith.cmpi slt, %select_n3A, %lt3A_84 : i32
      %ne3A_86 = arith.xori %lt3A_83, %lt3A_85 : i1
      %and3A = arith.andi %ne3A_86, %ne3A_82 : i1
      %add3A_87 = arith.addi %rem3A, %select_n3A : i32
      %select_n3A_88 = arith.select %and3A, %add3A_87, %rem3A : i32
      %dma_wait3A = arith.constant 0 : i32
      %dma_wait3A_89 = arith.constant 0 : i32
      %dma_wait3A_90 = tpu.memref_slice %arg6[%select_n3A_88, %dma_wait3A, %dma_wait3A_89] : memref<2x128x128xf32, #tpu.memory_space<vmem>> -> memref<1x128x128xf32, #tpu.memory_space<vmem>>
      %dma_wait3A_91 = tpu.memref_squeeze %dma_wait3A_90 : memref<1x128x128xf32, #tpu.memory_space<vmem>> -> memref<128x128xf32, #tpu.memory_space<vmem>>
      %dma_wait3A_92 = arith.constant 0 : i32
      %dma_wait3A_93 = arith.constant 0 : i32
      %dma_wait3A_94 = tpu.memref_slice %arg5[%scan3A_64, %dma_wait3A_92, %dma_wait3A_93] : memref<2x40x128xi32, #tpu.memory_space<vmem>> -> memref<1x40x128xi32, #tpu.memory_space<vmem>>
      %dma_wait3A_95 = tpu.memref_squeeze %dma_wait3A_94 : memref<1x40x128xi32, #tpu.memory_space<vmem>> -> memref<40x128xi32, #tpu.memory_space<vmem>>
      %dma_wait3A_96 = arith.constant 0 : i32
      %dma_wait3A_97 = tpu.memref_slice %dma_wait3A_95[%scan3A_78, %dma_wait3A_96] : memref<40x128xi32, #tpu.memory_space<vmem>> -> memref<1x128xi32, #tpu.memory_space<vmem>>
      %dma_wait3A_98 = tpu.memref_squeeze %dma_wait3A_97 : memref<1x128xi32, #tpu.memory_space<vmem>> -> memref<128xi32, #tpu.memory_space<vmem>>
      %dma_wait3A_99 = arith.constant 0 : i32
      %dma_wait3A_100 = arith.constant 0 : i32
      %dma_wait3A_101 = tpu.memref_slice %arg2[%dma_wait3A_99, %dma_wait3A_100] : memref<10000x128xf32, #tpu.memory_space<hbm>> -> memref<10000x128xf32, #tpu.memory_space<hbm>>
      tpu.wait_indirect_dma semaphore(%arg8 : memref<!tpu.dma_semaphore, #tpu.memory_space<semaphore_mem>>) src(%dma_wait3A_101 : memref<10000x128xf32, #tpu.memory_space<hbm>>) dst(%dma_wait3A_91 : memref<128x128xf32, #tpu.memory_space<vmem>>)
      %add3A_102 = arith.constant 1 : i32
      %add3A_103 = arith.addi %scan3A_78, %add3A_102 : i32
      %lt3A_104 = arith.constant 40 : i32
      %lt3A_105 = arith.cmpi slt, %add3A_103, %lt3A_104 : i32
      %convert_element_type3A_106 = arith.extui %lt3A_105 : i1 to i32
      %cond3A_107 = arith.constant 0 : i32
      %cond3A_108 = arith.cmpi ne, %convert_element_type3A_106, %cond3A_107 : i32
      scf.if %cond3A_108 {
        %add3A_109 = arith.constant 1 : i32
        %add3A_110 = arith.addi %scan3A_78, %add3A_109 : i32
        %add3A_111 = arith.constant 1 : i32
        %add3A_112 = arith.addi %scan3A_78, %add3A_111 : i32
        %jit3A_113 = arith.constant 2 : i32
        %eq3A_114 = arith.constant 0 : i32
        %eq3A_115 = arith.cmpi eq, %jit3A_113, %eq3A_114 : i32
        %jit3A_116 = arith.constant 1 : i32
        %select_n3A_117 = arith.select %eq3A_115, %jit3A_116, %jit3A_113 : i32
        %rem3A_118 = arith.remsi %add3A_112, %select_n3A_117 : i32
        %ne3A_119 = arith.constant 0 : i32
        %ne3A_120 = arith.cmpi ne, %rem3A_118, %ne3A_119 : i32
        %lt3A_121 = arith.constant 0 : i32
        %lt3A_122 = arith.cmpi slt, %rem3A_118, %lt3A_121 : i32
        %lt3A_123 = arith.constant 0 : i32
        %lt3A_124 = arith.cmpi slt, %select_n3A_117, %lt3A_123 : i32
        %ne3A_125 = arith.xori %lt3A_122, %lt3A_124 : i1
        %and3A_126 = arith.andi %ne3A_125, %ne3A_120 : i1
        %add3A_127 = arith.addi %rem3A_118, %select_n3A_117 : i32
        %select_n3A_128 = arith.select %and3A_126, %add3A_127, %rem3A_118 : i32
        %dma_start3A_129 = arith.constant 0 : i32
        %dma_start3A_130 = arith.constant 0 : i32
        %dma_start3A_131 = tpu.memref_slice %arg6[%select_n3A_128, %dma_start3A_129, %dma_start3A_130] : memref<2x128x128xf32, #tpu.memory_space<vmem>> -> memref<1x128x128xf32, #tpu.memory_space<vmem>>
        %dma_start3A_132 = tpu.memref_squeeze %dma_start3A_131 : memref<1x128x128xf32, #tpu.memory_space<vmem>> -> memref<128x128xf32, #tpu.memory_space<vmem>>
        %dma_start3A_133 = arith.constant 0 : i32
        %dma_start3A_134 = arith.constant 0 : i32
        %dma_start3A_135 = tpu.memref_slice %arg5[%scan3A_64, %dma_start3A_133, %dma_start3A_134] : memref<2x40x128xi32, #tpu.memory_space<vmem>> -> memref<1x40x128xi32, #tpu.memory_space<vmem>>
        %dma_start3A_136 = tpu.memref_squeeze %dma_start3A_135 : memref<1x40x128xi32, #tpu.memory_space<vmem>> -> memref<40x128xi32, #tpu.memory_space<vmem>>
        %dma_start3A_137 = arith.constant 0 : i32
        %dma_start3A_138 = tpu.memref_slice %dma_start3A_136[%add3A_110, %dma_start3A_137] : memref<40x128xi32, #tpu.memory_space<vmem>> -> memref<1x128xi32, #tpu.memory_space<vmem>>
        %dma_start3A_139 = tpu.memref_squeeze %dma_start3A_138 : memref<1x128xi32, #tpu.memory_space<vmem>> -> memref<128xi32, #tpu.memory_space<vmem>>
        %dma_start3A_140 = arith.constant 0 : i32
        %dma_start3A_141 = arith.constant 0 : i32
        %dma_start3A_142 = tpu.memref_slice %arg2[%dma_start3A_140, %dma_start3A_141] : memref<10000x128xf32, #tpu.memory_space<hbm>> -> memref<10000x128xf32, #tpu.memory_space<hbm>>
        tpu.enqueue_indirect_dma source(%dma_start3A_142 : memref<10000x128xf32, #tpu.memory_space<hbm>>) target(%dma_start3A_132 : memref<128x128xf32, #tpu.memory_space<vmem>>) offsets(%dma_start3A_139 : memref<128xi32, #tpu.memory_space<vmem>>) semaphore(%arg8 : memref<!tpu.dma_semaphore, #tpu.memory_space<semaphore_mem>>)
      } else {
      }
      "tpu.region"() ({
        %run_scoped3A_109 = tpu.sem_alloc : memref<!tpu.dma_semaphore, #tpu.memory_space<semaphore_mem>>
        %dma_start3A_110 = arith.constant 0 : i32
        %dma_start3A_111 = arith.constant 0 : i32
        %dma_start3A_112 = tpu.memref_slice %arg6[%select_n3A_88, %dma_start3A_110, %dma_start3A_111] : memref<2x128x128xf32, #tpu.memory_space<vmem>> -> memref<1x128x128xf32, #tpu.memory_space<vmem>>
        %dma_start3A_113 = tpu.memref_squeeze %dma_start3A_112 : memref<1x128x128xf32, #tpu.memory_space<vmem>> -> memref<128x128xf32, #tpu.memory_space<vmem>>
        %dma_start3A_114 = arith.constant 0 : i32
        %dma_start3A_115 = arith.constant 0 : i32
        %dma_start3A_116 = tpu.memref_slice %arg5[%scan3A_65, %dma_start3A_114, %dma_start3A_115] : memref<2x40x128xi32, #tpu.memory_space<vmem>> -> memref<1x40x128xi32, #tpu.memory_space<vmem>>
        %dma_start3A_117 = tpu.memref_squeeze %dma_start3A_116 : memref<1x40x128xi32, #tpu.memory_space<vmem>> -> memref<40x128xi32, #tpu.memory_space<vmem>>
        %dma_start3A_118 = arith.constant 0 : i32
        %dma_start3A_119 = tpu.memref_slice %dma_start3A_117[%scan3A_78, %dma_start3A_118] : memref<40x128xi32, #tpu.memory_space<vmem>> -> memref<1x128xi32, #tpu.memory_space<vmem>>
        %dma_start3A_120 = tpu.memref_squeeze %dma_start3A_119 : memref<1x128xi32, #tpu.memory_space<vmem>> -> memref<128xi32, #tpu.memory_space<vmem>>
        %dma_start3A_121 = arith.constant 0 : i32
        %dma_start3A_122 = arith.constant 0 : i32
        %dma_start3A_123 = tpu.memref_slice %arg7[%dma_start3A_121, %dma_start3A_122] : memref<10112x128xf32, #tpu.memory_space<vmem_shared>> -> memref<10112x128xf32, #tpu.memory_space<vmem_shared>>
        tpu.enqueue_indirect_dma source(%dma_start3A_113 : memref<128x128xf32, #tpu.memory_space<vmem>>) target(%dma_start3A_123 : memref<10112x128xf32, #tpu.memory_space<vmem_shared>>) offsets(%dma_start3A_120 : memref<128xi32, #tpu.memory_space<vmem>>) semaphore(%run_scoped3A_109 : memref<!tpu.dma_semaphore, #tpu.memory_space<semaphore_mem>>) {add = true}
        %dma_wait3A_124 = arith.constant 0 : i32
        %dma_wait3A_125 = arith.constant 0 : i32
        %dma_wait3A_126 = tpu.memref_slice %arg6[%select_n3A_88, %dma_wait3A_124, %dma_wait3A_125] : memref<2x128x128xf32, #tpu.memory_space<vmem>> -> memref<1x128x128xf32, #tpu.memory_space<vmem>>
        %dma_wait3A_127 = tpu.memref_squeeze %dma_wait3A_126 : memref<1x128x128xf32, #tpu.memory_space<vmem>> -> memref<128x128xf32, #tpu.memory_space<vmem>>
        %dma_wait3A_128 = arith.constant 0 : i32
        %dma_wait3A_129 = arith.constant 0 : i32
        %dma_wait3A_130 = tpu.memref_slice %arg5[%scan3A_65, %dma_wait3A_128, %dma_wait3A_129] : memref<2x40x128xi32, #tpu.memory_space<vmem>> -> memref<1x40x128xi32, #tpu.memory_space<vmem>>
        %dma_wait3A_131 = tpu.memref_squeeze %dma_wait3A_130 : memref<1x40x128xi32, #tpu.memory_space<vmem>> -> memref<40x128xi32, #tpu.memory_space<vmem>>
        %dma_wait3A_132 = arith.constant 0 : i32
        %dma_wait3A_133 = tpu.memref_slice %dma_wait3A_131[%scan3A_78, %dma_wait3A_132] : memref<40x128xi32, #tpu.memory_space<vmem>> -> memref<1x128xi32, #tpu.memory_space<vmem>>
        %dma_wait3A_134 = tpu.memref_squeeze %dma_wait3A_133 : memref<1x128xi32, #tpu.memory_space<vmem>> -> memref<128xi32, #tpu.memory_space<vmem>>
        %dma_wait3A_135 = arith.constant 0 : i32
        %dma_wait3A_136 = arith.constant 0 : i32
        %dma_wait3A_137 = tpu.memref_slice %arg7[%dma_wait3A_135, %dma_wait3A_136] : memref<10112x128xf32, #tpu.memory_space<vmem_shared>> -> memref<10112x128xf32, #tpu.memory_space<vmem_shared>>
        tpu.wait_indirect_dma semaphore(%run_scoped3A_109 : memref<!tpu.dma_semaphore, #tpu.memory_space<semaphore_mem>>) src(%dma_wait3A_127 : memref<128x128xf32, #tpu.memory_space<vmem>>) dst(%dma_wait3A_137 : memref<10112x128xf32, #tpu.memory_space<vmem_shared>>)
        tpu.yield
      }) : () -> ()
    }
    %scan3A_70 = arith.constant 40 : i32
    %barrier3A_71 = arith.constant 0 : index
    tpu.barrier barrier_id(%barrier3A_71)
    %mul3A_72 = arith.constant 624 : i32
    %mul3A_73 = arith.muli %arg1, %mul3A_72 : i32
    %mul3A_74 = arith.constant 624 : i32
    %mul3A_75 = arith.muli %arg1, %mul3A_74 : i32
    "tpu.region"() ({
      %run_scoped3A_78 = tpu.sem_alloc : memref<!tpu.dma_semaphore, #tpu.memory_space<semaphore_mem>>
      %dma_start3A_79 = arith.constant 0 : i32
      %dma_start3A_80 = tpu.memref_slice %arg4[%arg0, %mul3A_75, %dma_start3A_79] : memref<2x10000x128xf32, #tpu.memory_space<hbm>> -> memref<1x624x128xf32, #tpu.memory_space<hbm>>
      %dma_start3A_81 = tpu.memref_squeeze %dma_start3A_80 : memref<1x624x128xf32, #tpu.memory_space<hbm>> -> memref<624x128xf32, #tpu.memory_space<hbm>>
      %dma_start3A_82 = arith.constant 0 : i32
      %dma_start3A_83 = tpu.memref_slice %arg7[%mul3A_73, %dma_start3A_82] : memref<10112x128xf32, #tpu.memory_space<vmem_shared>> -> memref<624x128xf32, #tpu.memory_space<vmem_shared>>
      tpu.enqueue_dma source(%dma_start3A_83 : memref<624x128xf32, #tpu.memory_space<vmem_shared>>) target(%dma_start3A_81 : memref<624x128xf32, #tpu.memory_space<hbm>>) target_semaphore(%run_scoped3A_78 : memref<!tpu.dma_semaphore, #tpu.memory_space<semaphore_mem>>)
      %dma_wait3A = arith.constant 0 : i32
      %dma_wait3A_84 = tpu.memref_slice %arg4[%arg0, %mul3A_75, %dma_wait3A] : memref<2x10000x128xf32, #tpu.memory_space<hbm>> -> memref<1x624x128xf32, #tpu.memory_space<hbm>>
      %dma_wait3A_85 = tpu.memref_squeeze %dma_wait3A_84 : memref<1x624x128xf32, #tpu.memory_space<hbm>> -> memref<624x128xf32, #tpu.memory_space<hbm>>
      %dma_wait3A_86 = arith.constant 0 : i32
      %dma_wait3A_87 = tpu.memref_slice %arg7[%mul3A_73, %dma_wait3A_86] : memref<10112x128xf32, #tpu.memory_space<vmem_shared>> -> memref<624x128xf32, #tpu.memory_space<vmem_shared>>
      tpu.wait_dma2 semaphore(%run_scoped3A_78 : memref<!tpu.dma_semaphore, #tpu.memory_space<semaphore_mem>>) src(%dma_wait3A_87 : memref<624x128xf32, #tpu.memory_space<vmem_shared>>) dst(%dma_wait3A_85 : memref<624x128xf32, #tpu.memory_space<hbm>>)
      tpu.yield
    }) : () -> ()
    %eq3A = arith.constant 15 : i32
    %eq3A_76 = arith.cmpi eq, %arg1, %eq3A : i32
    %convert_element_type3A = arith.extui %eq3A_76 : i1 to i32
    %cond3A = arith.constant 0 : i32
    %cond3A_77 = arith.cmpi ne, %convert_element_type3A, %cond3A : i32
    scf.if %cond3A_77 {
      "tpu.region"() ({
        %run_scoped3A_78 = tpu.sem_alloc : memref<!tpu.dma_semaphore, #tpu.memory_space<semaphore_mem>>
        %dma_start3A_79 = arith.constant 9984 : i32
        %dma_start3A_80 = arith.constant 0 : i32
        %dma_start3A_81 = tpu.memref_slice %arg4[%arg0, %dma_start3A_79, %dma_start3A_80] : memref<2x10000x128xf32, #tpu.memory_space<hbm>> -> memref<1x16x128xf32, #tpu.memory_space<hbm>>
        %dma_start3A_82 = tpu.memref_squeeze %dma_start3A_81 : memref<1x16x128xf32, #tpu.memory_space<hbm>> -> memref<16x128xf32, #tpu.memory_space<hbm>>
        %dma_start3A_83 = arith.constant 9984 : i32
        %dma_start3A_84 = arith.constant 0 : i32
        %dma_start3A_85 = tpu.memref_slice %arg7[%dma_start3A_83, %dma_start3A_84] : memref<10112x128xf32, #tpu.memory_space<vmem_shared>> -> memref<16x128xf32, #tpu.memory_space<vmem_shared>>
        tpu.enqueue_dma source(%dma_start3A_85 : memref<16x128xf32, #tpu.memory_space<vmem_shared>>) target(%dma_start3A_82 : memref<16x128xf32, #tpu.memory_space<hbm>>) target_semaphore(%run_scoped3A_78 : memref<!tpu.dma_semaphore, #tpu.memory_space<semaphore_mem>>)
        %dma_wait3A = arith.constant 9984 : i32
        %dma_wait3A_86 = arith.constant 0 : i32
        %dma_wait3A_87 = tpu.memref_slice %arg4[%arg0, %dma_wait3A, %dma_wait3A_86] : memref<2x10000x128xf32, #tpu.memory_space<hbm>> -> memref<1x16x128xf32, #tpu.memory_space<hbm>>
        %dma_wait3A_88 = tpu.memref_squeeze %dma_wait3A_87 : memref<1x16x128xf32, #tpu.memory_space<hbm>> -> memref<16x128xf32, #tpu.memory_space<hbm>>
        %dma_wait3A_89 = arith.constant 9984 : i32
        %dma_wait3A_90 = arith.constant 0 : i32
        %dma_wait3A_91 = tpu.memref_slice %arg7[%dma_wait3A_89, %dma_wait3A_90] : memref<10112x128xf32, #tpu.memory_space<vmem_shared>> -> memref<16x128xf32, #tpu.memory_space<vmem_shared>>
        tpu.wait_dma2 semaphore(%run_scoped3A_78 : memref<!tpu.dma_semaphore, #tpu.memory_space<semaphore_mem>>) src(%dma_wait3A_91 : memref<16x128xf32, #tpu.memory_space<vmem_shared>>) dst(%dma_wait3A_88 : memref<16x128xf32, #tpu.memory_space<hbm>>)
        tpu.yield
      }) : () -> ()
    } else {
    }
    return
  }
}

#map = affine_map<(d0, d1) -> (0, 0)>
#map1 = affine_map<(d0, d1) -> (0, 0, 0, 0)>
#map2 = affine_map<(d0, d1) -> (0, 0, 0)>
module attributes {stable_mosaic.version = 14 : i64} {
  func.func @_agg_body(%arg0: i32, %arg1: i32, %arg2: memref<10000x128xf32, #tpu.memory_space<hbm>>, %arg3: memref<32x2x80x128xi32, #tpu.memory_space<hbm>>, %arg4: memref<2x10000x128xf32, #tpu.memory_space<hbm>>, %arg5: memref<2x40x128xi32, #tpu.memory_space<vmem>>, %arg6: memref<2x128x128xf32, #tpu.memory_space<vmem>>, %arg7: memref<10112x128xf32, #tpu.memory_space<vmem_shared>>, %arg8: memref<!tpu.dma_semaphore, #tpu.memory_space<semaphore_mem>>) attributes {dimension_semantics = [#tpu.dimension_semantics<core_parallel>, #tpu.dimension_semantics<subcore_parallel>], iteration_bounds = array<i64: 2, 16>, scalar_prefetch = 0 : i64, scratch_operands = 4 : i64, tpu.core_type = #tpu.core_type<sc_vector_subcore>, window_params = [{transform_indices = #map}, {transform_indices = #map1}, {transform_indices = #map2}]} {
    %mul3A = arith.constant 2 : i32
    %mul3A_0 = arith.muli %arg1, %mul3A : i32
    %add3A = arith.addi %mul3A_0, %arg0 : i32
    %scan3A = arith.constant 0 : i32
    %scan3A_1 = arith.constant 0 : i32
    %scan3A_2 = arith.constant 128 : i32
    %scan3A_3 = arith.addi %scan3A_1, %scan3A_2 : i32
    %scan3A_4 = arith.constant 1 : i32
    scf.for %scan3A_78 = %scan3A_1 to %scan3A_3 step %scan3A_4  : i32 {
      %broadcast_in_dim3A = arith.constant 0.000000e+00 : f32
      %broadcast_in_dim3A_79 = vector.broadcast %broadcast_in_dim3A : f32 to vector<16xf32>
      %swap3A = arith.constant 0 : i32
      %swap3A_80 = arith.index_cast %swap3A : i32 to index
      %swap3A_81 = arith.index_cast %scan3A_78 : i32 to index
      %swap3A_82 = arith.constant 0 : index
      %swap3A_83 = tpu.vector_load %arg6[%swap3A_80, %swap3A_81, %swap3A_82] {strides = array<i32>} : memref<2x128x128xf32, #tpu.memory_space<vmem>>, vector<1x1x16xf32>,
      %swap3A_84 = vector.shape_cast %swap3A_83 : vector<1x1x16xf32> to vector<16xf32>
      %swap3A_85 = vector.shape_cast %broadcast_in_dim3A_79 : vector<16xf32> to vector<1x1x16xf32>
      tpu.vector_store %arg6[%swap3A_80, %swap3A_81, %swap3A_82], %swap3A_85 {strides = array<i32>} : memref<2x128x128xf32, #tpu.memory_space<vmem>>, vector<1x1x16xf32>,
      %broadcast_in_dim3A_86 = arith.constant 0.000000e+00 : f32
      %broadcast_in_dim3A_87 = vector.broadcast %broadcast_in_dim3A_86 : f32 to vector<16xf32>
      %swap3A_88 = arith.constant 0 : i32
      %swap3A_89 = arith.index_cast %swap3A_88 : i32 to index
      %swap3A_90 = arith.index_cast %scan3A_78 : i32 to index
      %swap3A_91 = arith.constant 16 : index
      %swap3A_92 = tpu.vector_load %arg6[%swap3A_89, %swap3A_90, %swap3A_91] {strides = array<i32>} : memref<2x128x128xf32, #tpu.memory_space<vmem>>, vector<1x1x16xf32>,
      %swap3A_93 = vector.shape_cast %swap3A_92 : vector<1x1x16xf32> to vector<16xf32>
      %swap3A_94 = vector.shape_cast %broadcast_in_dim3A_87 : vector<16xf32> to vector<1x1x16xf32>
      tpu.vector_store %arg6[%swap3A_89, %swap3A_90, %swap3A_91], %swap3A_94 {strides = array<i32>} : memref<2x128x128xf32, #tpu.memory_space<vmem>>, vector<1x1x16xf32>,
      %broadcast_in_dim3A_95 = arith.constant 0.000000e+00 : f32
      %broadcast_in_dim3A_96 = vector.broadcast %broadcast_in_dim3A_95 : f32 to vector<16xf32>
      %swap3A_97 = arith.constant 0 : i32
      %swap3A_98 = arith.index_cast %swap3A_97 : i32 to index
      %swap3A_99 = arith.index_cast %scan3A_78 : i32 to index
      %swap3A_100 = arith.constant 32 : index
      %swap3A_101 = tpu.vector_load %arg6[%swap3A_98, %swap3A_99, %swap3A_100] {strides = array<i32>} : memref<2x128x128xf32, #tpu.memory_space<vmem>>, vector<1x1x16xf32>,
      %swap3A_102 = vector.shape_cast %swap3A_101 : vector<1x1x16xf32> to vector<16xf32>
      %swap3A_103 = vector.shape_cast %broadcast_in_dim3A_96 : vector<16xf32> to vector<1x1x16xf32>
      tpu.vector_store %arg6[%swap3A_98, %swap3A_99, %swap3A_100], %swap3A_103 {strides = array<i32>} : memref<2x128x128xf32, #tpu.memory_space<vmem>>, vector<1x1x16xf32>,
      %broadcast_in_dim3A_104 = arith.constant 0.000000e+00 : f32
      %broadcast_in_dim3A_105 = vector.broadcast %broadcast_in_dim3A_104 : f32 to vector<16xf32>
      %swap3A_106 = arith.constant 0 : i32
      %swap3A_107 = arith.index_cast %swap3A_106 : i32 to index
      %swap3A_108 = arith.index_cast %scan3A_78 : i32 to index
      %swap3A_109 = arith.constant 48 : index
      %swap3A_110 = tpu.vector_load %arg6[%swap3A_107, %swap3A_108, %swap3A_109] {strides = array<i32>} : memref<2x128x128xf32, #tpu.memory_space<vmem>>, vector<1x1x16xf32>,
      %swap3A_111 = vector.shape_cast %swap3A_110 : vector<1x1x16xf32> to vector<16xf32>
      %swap3A_112 = vector.shape_cast %broadcast_in_dim3A_105 : vector<16xf32> to vector<1x1x16xf32>
      tpu.vector_store %arg6[%swap3A_107, %swap3A_108, %swap3A_109], %swap3A_112 {strides = array<i32>} : memref<2x128x128xf32, #tpu.memory_space<vmem>>, vector<1x1x16xf32>,
      %broadcast_in_dim3A_113 = arith.constant 0.000000e+00 : f32
      %broadcast_in_dim3A_114 = vector.broadcast %broadcast_in_dim3A_113 : f32 to vector<16xf32>
      %swap3A_115 = arith.constant 0 : i32
      %swap3A_116 = arith.index_cast %swap3A_115 : i32 to index
      %swap3A_117 = arith.index_cast %scan3A_78 : i32 to index
      %swap3A_118 = arith.constant 64 : index
      %swap3A_119 = tpu.vector_load %arg6[%swap3A_116, %swap3A_117, %swap3A_118] {strides = array<i32>} : memref<2x128x128xf32, #tpu.memory_space<vmem>>, vector<1x1x16xf32>,
      %swap3A_120 = vector.shape_cast %swap3A_119 : vector<1x1x16xf32> to vector<16xf32>
      %swap3A_121 = vector.shape_cast %broadcast_in_dim3A_114 : vector<16xf32> to vector<1x1x16xf32>
      tpu.vector_store %arg6[%swap3A_116, %swap3A_117, %swap3A_118], %swap3A_121 {strides = array<i32>} : memref<2x128x128xf32, #tpu.memory_space<vmem>>, vector<1x1x16xf32>,
      %broadcast_in_dim3A_122 = arith.constant 0.000000e+00 : f32
      %broadcast_in_dim3A_123 = vector.broadcast %broadcast_in_dim3A_122 : f32 to vector<16xf32>
      %swap3A_124 = arith.constant 0 : i32
      %swap3A_125 = arith.index_cast %swap3A_124 : i32 to index
      %swap3A_126 = arith.index_cast %scan3A_78 : i32 to index
      %swap3A_127 = arith.constant 80 : index
      %swap3A_128 = tpu.vector_load %arg6[%swap3A_125, %swap3A_126, %swap3A_127] {strides = array<i32>} : memref<2x128x128xf32, #tpu.memory_space<vmem>>, vector<1x1x16xf32>,
      %swap3A_129 = vector.shape_cast %swap3A_128 : vector<1x1x16xf32> to vector<16xf32>
      %swap3A_130 = vector.shape_cast %broadcast_in_dim3A_123 : vector<16xf32> to vector<1x1x16xf32>
      tpu.vector_store %arg6[%swap3A_125, %swap3A_126, %swap3A_127], %swap3A_130 {strides = array<i32>} : memref<2x128x128xf32, #tpu.memory_space<vmem>>, vector<1x1x16xf32>,
      %broadcast_in_dim3A_131 = arith.constant 0.000000e+00 : f32
      %broadcast_in_dim3A_132 = vector.broadcast %broadcast_in_dim3A_131 : f32 to vector<16xf32>
      %swap3A_133 = arith.constant 0 : i32
      %swap3A_134 = arith.index_cast %swap3A_133 : i32 to index
      %swap3A_135 = arith.index_cast %scan3A_78 : i32 to index
      %swap3A_136 = arith.constant 96 : index
      %swap3A_137 = tpu.vector_load %arg6[%swap3A_134, %swap3A_135, %swap3A_136] {strides = array<i32>} : memref<2x128x128xf32, #tpu.memory_space<vmem>>, vector<1x1x16xf32>,
      %swap3A_138 = vector.shape_cast %swap3A_137 : vector<1x1x16xf32> to vector<16xf32>
      %swap3A_139 = vector.shape_cast %broadcast_in_dim3A_132 : vector<16xf32> to vector<1x1x16xf32>
      tpu.vector_store %arg6[%swap3A_134, %swap3A_135, %swap3A_136], %swap3A_139 {strides = array<i32>} : memref<2x128x128xf32, #tpu.memory_space<vmem>>, vector<1x1x16xf32>,
      %broadcast_in_dim3A_140 = arith.constant 0.000000e+00 : f32
      %broadcast_in_dim3A_141 = vector.broadcast %broadcast_in_dim3A_140 : f32 to vector<16xf32>
      %swap3A_142 = arith.constant 0 : i32
      %swap3A_143 = arith.index_cast %swap3A_142 : i32 to index
      %swap3A_144 = arith.index_cast %scan3A_78 : i32 to index
      %swap3A_145 = arith.constant 112 : index
      %swap3A_146 = tpu.vector_load %arg6[%swap3A_143, %swap3A_144, %swap3A_145] {strides = array<i32>} : memref<2x128x128xf32, #tpu.memory_space<vmem>>, vector<1x1x16xf32>,
      %swap3A_147 = vector.shape_cast %swap3A_146 : vector<1x1x16xf32> to vector<16xf32>
      %swap3A_148 = vector.shape_cast %broadcast_in_dim3A_141 : vector<16xf32> to vector<1x1x16xf32>
      tpu.vector_store %arg6[%swap3A_143, %swap3A_144, %swap3A_145], %swap3A_148 {strides = array<i32>} : memref<2x128x128xf32, #tpu.memory_space<vmem>>, vector<1x1x16xf32>,
    }
    %scan3A_5 = arith.constant 128 : i32
    %mul3A_6 = arith.constant 632 : i32
    %mul3A_7 = arith.muli %arg1, %mul3A_6 : i32
    %add3A_8 = arith.constant 0 : i32
    %add3A_9 = arith.addi %mul3A_7, %add3A_8 : i32
    %run_scoped3A = arith.constant 0 : i32
    "tpu.region"() ({
      %run_scoped3A_78 = tpu.sem_alloc : memref<!tpu.dma_semaphore, #tpu.memory_space<semaphore_mem>>
      %dma_start3A_79 = arith.constant 0 : i32
      %dma_start3A_80 = arith.constant 0 : i32
      %dma_start3A_81 = tpu.memref_slice %arg6[%run_scoped3A, %dma_start3A_79, %dma_start3A_80] : memref<2x128x128xf32, #tpu.memory_space<vmem>> -> memref<1x128x128xf32, #tpu.memory_space<vmem>>
      %dma_start3A_82 = tpu.memref_squeeze %dma_start3A_81 : memref<1x128x128xf32, #tpu.memory_space<vmem>> -> memref<128x128xf32, #tpu.memory_space<vmem>>
      %dma_start3A_83 = arith.constant 0 : i32
      %dma_start3A_84 = arith.constant 0 : i32
      %dma_start3A_85 = tpu.memref_slice %dma_start3A_82[%dma_start3A_83, %dma_start3A_84] : memref<128x128xf32, #tpu.memory_space<vmem>> -> memref<128x128xf32, #tpu.memory_space<vmem>>
      %dma_start3A_86 = arith.constant 0 : i32
      %dma_start3A_87 = tpu.memref_slice %arg7[%add3A_9, %dma_start3A_86] : memref<10112x128xf32, #tpu.memory_space<vmem_shared>> -> memref<128x128xf32, #tpu.memory_space<vmem_shared>>
      %dma_start3A_88 = arith.constant 0 : i32
      %dma_start3A_89 = tpu.memref_slice %arg7[%add3A_9, %dma_start3A_88] : memref<10112x128xf32, #tpu.memory_space<vmem_shared>> -> memref<128x128xf32, #tpu.memory_space<vmem_shared>>
      %dma_start3A_90 = arith.constant 0 : i32
      %dma_start3A_91 = arith.constant 0 : i32
      %dma_start3A_92 = tpu.memref_slice %arg6[%run_scoped3A, %dma_start3A_90, %dma_start3A_91] : memref<2x128x128xf32, #tpu.memory_space<vmem>> -> memref<1x128x128xf32, #tpu.memory_space<vmem>>
      %dma_start3A_93 = tpu.memref_squeeze %dma_start3A_92 : memref<1x128x128xf32, #tpu.memory_space<vmem>> -> memref<128x128xf32, #tpu.memory_space<vmem>>
      %dma_start3A_94 = arith.constant 0 : i32
      %dma_start3A_95 = arith.constant 0 : i32
      %dma_start3A_96 = tpu.memref_slice %dma_start3A_93[%dma_start3A_94, %dma_start3A_95] : memref<128x128xf32, #tpu.memory_space<vmem>> -> memref<128x128xf32, #tpu.memory_space<vmem>>
      tpu.enqueue_dma source(%dma_start3A_96 : memref<128x128xf32, #tpu.memory_space<vmem>>) target(%dma_start3A_89 : memref<128x128xf32, #tpu.memory_space<vmem_shared>>) target_semaphore(%run_scoped3A_78 : memref<!tpu.dma_semaphore, #tpu.memory_space<semaphore_mem>>)
      %dma_wait3A = arith.constant 0 : i32
      %dma_wait3A_97 = arith.constant 0 : i32
      %dma_wait3A_98 = tpu.memref_slice %arg6[%run_scoped3A, %dma_wait3A, %dma_wait3A_97] : memref<2x128x128xf32, #tpu.memory_space<vmem>> -> memref<1x128x128xf32, #tpu.memory_space<vmem>>
      %dma_wait3A_99 = tpu.memref_squeeze %dma_wait3A_98 : memref<1x128x128xf32, #tpu.memory_space<vmem>> -> memref<128x128xf32, #tpu.memory_space<vmem>>
      %dma_wait3A_100 = arith.constant 0 : i32
      %dma_wait3A_101 = arith.constant 0 : i32
      %dma_wait3A_102 = tpu.memref_slice %dma_wait3A_99[%dma_wait3A_100, %dma_wait3A_101] : memref<128x128xf32, #tpu.memory_space<vmem>> -> memref<128x128xf32, #tpu.memory_space<vmem>>
      %dma_wait3A_103 = arith.constant 0 : i32
      %dma_wait3A_104 = tpu.memref_slice %arg7[%add3A_9, %dma_wait3A_103] : memref<10112x128xf32, #tpu.memory_space<vmem_shared>> -> memref<128x128xf32, #tpu.memory_space<vmem_shared>>
      %dma_wait3A_105 = arith.constant 0 : i32
      %dma_wait3A_106 = tpu.memref_slice %arg7[%add3A_9, %dma_wait3A_105] : memref<10112x128xf32, #tpu.memory_space<vmem_shared>> -> memref<128x128xf32, #tpu.memory_space<vmem_shared>>
      %dma_wait3A_107 = arith.constant 0 : i32
      %dma_wait3A_108 = arith.constant 0 : i32
      %dma_wait3A_109 = tpu.memref_slice %arg6[%run_scoped3A, %dma_wait3A_107, %dma_wait3A_108] : memref<2x128x128xf32, #tpu.memory_space<vmem>> -> memref<1x128x128xf32, #tpu.memory_space<vmem>>
      %dma_wait3A_110 = tpu.memref_squeeze %dma_wait3A_109 : memref<1x128x128xf32, #tpu.memory_space<vmem>> -> memref<128x128xf32, #tpu.memory_space<vmem>>
      %dma_wait3A_111 = arith.constant 0 : i32
      %dma_wait3A_112 = arith.constant 0 : i32
      %dma_wait3A_113 = tpu.memref_slice %dma_wait3A_110[%dma_wait3A_111, %dma_wait3A_112] : memref<128x128xf32, #tpu.memory_space<vmem>> -> memref<128x128xf32, #tpu.memory_space<vmem>>
      tpu.wait_dma2 semaphore(%run_scoped3A_78 : memref<!tpu.dma_semaphore, #tpu.memory_space<semaphore_mem>>) src(%dma_wait3A_113 : memref<128x128xf32, #tpu.memory_space<vmem>>) dst(%dma_wait3A_106 : memref<128x128xf32, #tpu.memory_space<vmem_shared>>)
      tpu.yield
    }) : () -> ()
    %add3A_10 = arith.constant 128 : i32
    %add3A_11 = arith.addi %mul3A_7, %add3A_10 : i32
    %run_scoped3A_12 = arith.constant 0 : i32
    "tpu.region"() ({
      %run_scoped3A_78 = tpu.sem_alloc : memref<!tpu.dma_semaphore, #tpu.memory_space<semaphore_mem>>
      %dma_start3A_79 = arith.constant 0 : i32
      %dma_start3A_80 = arith.constant 0 : i32
      %dma_start3A_81 = tpu.memref_slice %arg6[%run_scoped3A_12, %dma_start3A_79, %dma_start3A_80] : memref<2x128x128xf32, #tpu.memory_space<vmem>> -> memref<1x128x128xf32, #tpu.memory_space<vmem>>
      %dma_start3A_82 = tpu.memref_squeeze %dma_start3A_81 : memref<1x128x128xf32, #tpu.memory_space<vmem>> -> memref<128x128xf32, #tpu.memory_space<vmem>>
      %dma_start3A_83 = arith.constant 0 : i32
      %dma_start3A_84 = arith.constant 0 : i32
      %dma_start3A_85 = tpu.memref_slice %dma_start3A_82[%dma_start3A_83, %dma_start3A_84] : memref<128x128xf32, #tpu.memory_space<vmem>> -> memref<128x128xf32, #tpu.memory_space<vmem>>
      %dma_start3A_86 = arith.constant 0 : i32
      %dma_start3A_87 = tpu.memref_slice %arg7[%add3A_11, %dma_start3A_86] : memref<10112x128xf32, #tpu.memory_space<vmem_shared>> -> memref<128x128xf32, #tpu.memory_space<vmem_shared>>
      %dma_start3A_88 = arith.constant 0 : i32
      %dma_start3A_89 = tpu.memref_slice %arg7[%add3A_11, %dma_start3A_88] : memref<10112x128xf32, #tpu.memory_space<vmem_shared>> -> memref<128x128xf32, #tpu.memory_space<vmem_shared>>
      %dma_start3A_90 = arith.constant 0 : i32
      %dma_start3A_91 = arith.constant 0 : i32
      %dma_start3A_92 = tpu.memref_slice %arg6[%run_scoped3A_12, %dma_start3A_90, %dma_start3A_91] : memref<2x128x128xf32, #tpu.memory_space<vmem>> -> memref<1x128x128xf32, #tpu.memory_space<vmem>>
      %dma_start3A_93 = tpu.memref_squeeze %dma_start3A_92 : memref<1x128x128xf32, #tpu.memory_space<vmem>> -> memref<128x128xf32, #tpu.memory_space<vmem>>
      %dma_start3A_94 = arith.constant 0 : i32
      %dma_start3A_95 = arith.constant 0 : i32
      %dma_start3A_96 = tpu.memref_slice %dma_start3A_93[%dma_start3A_94, %dma_start3A_95] : memref<128x128xf32, #tpu.memory_space<vmem>> -> memref<128x128xf32, #tpu.memory_space<vmem>>
      tpu.enqueue_dma source(%dma_start3A_96 : memref<128x128xf32, #tpu.memory_space<vmem>>) target(%dma_start3A_89 : memref<128x128xf32, #tpu.memory_space<vmem_shared>>) target_semaphore(%run_scoped3A_78 : memref<!tpu.dma_semaphore, #tpu.memory_space<semaphore_mem>>)
      %dma_wait3A = arith.constant 0 : i32
      %dma_wait3A_97 = arith.constant 0 : i32
      %dma_wait3A_98 = tpu.memref_slice %arg6[%run_scoped3A_12, %dma_wait3A, %dma_wait3A_97] : memref<2x128x128xf32, #tpu.memory_space<vmem>> -> memref<1x128x128xf32, #tpu.memory_space<vmem>>
      %dma_wait3A_99 = tpu.memref_squeeze %dma_wait3A_98 : memref<1x128x128xf32, #tpu.memory_space<vmem>> -> memref<128x128xf32, #tpu.memory_space<vmem>>
      %dma_wait3A_100 = arith.constant 0 : i32
      %dma_wait3A_101 = arith.constant 0 : i32
      %dma_wait3A_102 = tpu.memref_slice %dma_wait3A_99[%dma_wait3A_100, %dma_wait3A_101] : memref<128x128xf32, #tpu.memory_space<vmem>> -> memref<128x128xf32, #tpu.memory_space<vmem>>
      %dma_wait3A_103 = arith.constant 0 : i32
      %dma_wait3A_104 = tpu.memref_slice %arg7[%add3A_11, %dma_wait3A_103] : memref<10112x128xf32, #tpu.memory_space<vmem_shared>> -> memref<128x128xf32, #tpu.memory_space<vmem_shared>>
      %dma_wait3A_105 = arith.constant 0 : i32
      %dma_wait3A_106 = tpu.memref_slice %arg7[%add3A_11, %dma_wait3A_105] : memref<10112x128xf32, #tpu.memory_space<vmem_shared>> -> memref<128x128xf32, #tpu.memory_space<vmem_shared>>
      %dma_wait3A_107 = arith.constant 0 : i32
      %dma_wait3A_108 = arith.constant 0 : i32
      %dma_wait3A_109 = tpu.memref_slice %arg6[%run_scoped3A_12, %dma_wait3A_107, %dma_wait3A_108] : memref<2x128x128xf32, #tpu.memory_space<vmem>> -> memref<1x128x128xf32, #tpu.memory_space<vmem>>
      %dma_wait3A_110 = tpu.memref_squeeze %dma_wait3A_109 : memref<1x128x128xf32, #tpu.memory_space<vmem>> -> memref<128x128xf32, #tpu.memory_space<vmem>>
      %dma_wait3A_111 = arith.constant 0 : i32
      %dma_wait3A_112 = arith.constant 0 : i32
      %dma_wait3A_113 = tpu.memref_slice %dma_wait3A_110[%dma_wait3A_111, %dma_wait3A_112] : memref<128x128xf32, #tpu.memory_space<vmem>> -> memref<128x128xf32, #tpu.memory_space<vmem>>
      tpu.wait_dma2 semaphore(%run_scoped3A_78 : memref<!tpu.dma_semaphore, #tpu.memory_space<semaphore_mem>>) src(%dma_wait3A_113 : memref<128x128xf32, #tpu.memory_space<vmem>>) dst(%dma_wait3A_106 : memref<128x128xf32, #tpu.memory_space<vmem_shared>>)
      tpu.yield
    }) : () -> ()
    %add3A_13 = arith.constant 256 : i32
    %add3A_14 = arith.addi %mul3A_7, %add3A_13 : i32
    %run_scoped3A_15 = arith.constant 0 : i32
    "tpu.region"() ({
      %run_scoped3A_78 = tpu.sem_alloc : memref<!tpu.dma_semaphore, #tpu.memory_space<semaphore_mem>>
      %dma_start3A_79 = arith.constant 0 : i32
      %dma_start3A_80 = arith.constant 0 : i32
      %dma_start3A_81 = tpu.memref_slice %arg6[%run_scoped3A_15, %dma_start3A_79, %dma_start3A_80] : memref<2x128x128xf32, #tpu.memory_space<vmem>> -> memref<1x128x128xf32, #tpu.memory_space<vmem>>
      %dma_start3A_82 = tpu.memref_squeeze %dma_start3A_81 : memref<1x128x128xf32, #tpu.memory_space<vmem>> -> memref<128x128xf32, #tpu.memory_space<vmem>>
      %dma_start3A_83 = arith.constant 0 : i32
      %dma_start3A_84 = arith.constant 0 : i32
      %dma_start3A_85 = tpu.memref_slice %dma_start3A_82[%dma_start3A_83, %dma_start3A_84] : memref<128x128xf32, #tpu.memory_space<vmem>> -> memref<128x128xf32, #tpu.memory_space<vmem>>
      %dma_start3A_86 = arith.constant 0 : i32
      %dma_start3A_87 = tpu.memref_slice %arg7[%add3A_14, %dma_start3A_86] : memref<10112x128xf32, #tpu.memory_space<vmem_shared>> -> memref<128x128xf32, #tpu.memory_space<vmem_shared>>
      %dma_start3A_88 = arith.constant 0 : i32
      %dma_start3A_89 = tpu.memref_slice %arg7[%add3A_14, %dma_start3A_88] : memref<10112x128xf32, #tpu.memory_space<vmem_shared>> -> memref<128x128xf32, #tpu.memory_space<vmem_shared>>
      %dma_start3A_90 = arith.constant 0 : i32
      %dma_start3A_91 = arith.constant 0 : i32
      %dma_start3A_92 = tpu.memref_slice %arg6[%run_scoped3A_15, %dma_start3A_90, %dma_start3A_91] : memref<2x128x128xf32, #tpu.memory_space<vmem>> -> memref<1x128x128xf32, #tpu.memory_space<vmem>>
      %dma_start3A_93 = tpu.memref_squeeze %dma_start3A_92 : memref<1x128x128xf32, #tpu.memory_space<vmem>> -> memref<128x128xf32, #tpu.memory_space<vmem>>
      %dma_start3A_94 = arith.constant 0 : i32
      %dma_start3A_95 = arith.constant 0 : i32
      %dma_start3A_96 = tpu.memref_slice %dma_start3A_93[%dma_start3A_94, %dma_start3A_95] : memref<128x128xf32, #tpu.memory_space<vmem>> -> memref<128x128xf32, #tpu.memory_space<vmem>>
      tpu.enqueue_dma source(%dma_start3A_96 : memref<128x128xf32, #tpu.memory_space<vmem>>) target(%dma_start3A_89 : memref<128x128xf32, #tpu.memory_space<vmem_shared>>) target_semaphore(%run_scoped3A_78 : memref<!tpu.dma_semaphore, #tpu.memory_space<semaphore_mem>>)
      %dma_wait3A = arith.constant 0 : i32
      %dma_wait3A_97 = arith.constant 0 : i32
      %dma_wait3A_98 = tpu.memref_slice %arg6[%run_scoped3A_15, %dma_wait3A, %dma_wait3A_97] : memref<2x128x128xf32, #tpu.memory_space<vmem>> -> memref<1x128x128xf32, #tpu.memory_space<vmem>>
      %dma_wait3A_99 = tpu.memref_squeeze %dma_wait3A_98 : memref<1x128x128xf32, #tpu.memory_space<vmem>> -> memref<128x128xf32, #tpu.memory_space<vmem>>
      %dma_wait3A_100 = arith.constant 0 : i32
      %dma_wait3A_101 = arith.constant 0 : i32
      %dma_wait3A_102 = tpu.memref_slice %dma_wait3A_99[%dma_wait3A_100, %dma_wait3A_101] : memref<128x128xf32, #tpu.memory_space<vmem>> -> memref<128x128xf32, #tpu.memory_space<vmem>>
      %dma_wait3A_103 = arith.constant 0 : i32
      %dma_wait3A_104 = tpu.memref_slice %arg7[%add3A_14, %dma_wait3A_103] : memref<10112x128xf32, #tpu.memory_space<vmem_shared>> -> memref<128x128xf32, #tpu.memory_space<vmem_shared>>
      %dma_wait3A_105 = arith.constant 0 : i32
      %dma_wait3A_106 = tpu.memref_slice %arg7[%add3A_14, %dma_wait3A_105] : memref<10112x128xf32, #tpu.memory_space<vmem_shared>> -> memref<128x128xf32, #tpu.memory_space<vmem_shared>>
      %dma_wait3A_107 = arith.constant 0 : i32
      %dma_wait3A_108 = arith.constant 0 : i32
      %dma_wait3A_109 = tpu.memref_slice %arg6[%run_scoped3A_15, %dma_wait3A_107, %dma_wait3A_108] : memref<2x128x128xf32, #tpu.memory_space<vmem>> -> memref<1x128x128xf32, #tpu.memory_space<vmem>>
      %dma_wait3A_110 = tpu.memref_squeeze %dma_wait3A_109 : memref<1x128x128xf32, #tpu.memory_space<vmem>> -> memref<128x128xf32, #tpu.memory_space<vmem>>
      %dma_wait3A_111 = arith.constant 0 : i32
      %dma_wait3A_112 = arith.constant 0 : i32
      %dma_wait3A_113 = tpu.memref_slice %dma_wait3A_110[%dma_wait3A_111, %dma_wait3A_112] : memref<128x128xf32, #tpu.memory_space<vmem>> -> memref<128x128xf32, #tpu.memory_space<vmem>>
      tpu.wait_dma2 semaphore(%run_scoped3A_78 : memref<!tpu.dma_semaphore, #tpu.memory_space<semaphore_mem>>) src(%dma_wait3A_113 : memref<128x128xf32, #tpu.memory_space<vmem>>) dst(%dma_wait3A_106 : memref<128x128xf32, #tpu.memory_space<vmem_shared>>)
      tpu.yield
    }) : () -> ()
    %add3A_16 = arith.constant 384 : i32
    %add3A_17 = arith.addi %mul3A_7, %add3A_16 : i32
    %run_scoped3A_18 = arith.constant 0 : i32
    "tpu.region"() ({
      %run_scoped3A_78 = tpu.sem_alloc : memref<!tpu.dma_semaphore, #tpu.memory_space<semaphore_mem>>
      %dma_start3A_79 = arith.constant 0 : i32
      %dma_start3A_80 = arith.constant 0 : i32
      %dma_start3A_81 = tpu.memref_slice %arg6[%run_scoped3A_18, %dma_start3A_79, %dma_start3A_80] : memref<2x128x128xf32, #tpu.memory_space<vmem>> -> memref<1x128x128xf32, #tpu.memory_space<vmem>>
      %dma_start3A_82 = tpu.memref_squeeze %dma_start3A_81 : memref<1x128x128xf32, #tpu.memory_space<vmem>> -> memref<128x128xf32, #tpu.memory_space<vmem>>
      %dma_start3A_83 = arith.constant 0 : i32
      %dma_start3A_84 = arith.constant 0 : i32
      %dma_start3A_85 = tpu.memref_slice %dma_start3A_82[%dma_start3A_83, %dma_start3A_84] : memref<128x128xf32, #tpu.memory_space<vmem>> -> memref<128x128xf32, #tpu.memory_space<vmem>>
      %dma_start3A_86 = arith.constant 0 : i32
      %dma_start3A_87 = tpu.memref_slice %arg7[%add3A_17, %dma_start3A_86] : memref<10112x128xf32, #tpu.memory_space<vmem_shared>> -> memref<128x128xf32, #tpu.memory_space<vmem_shared>>
      %dma_start3A_88 = arith.constant 0 : i32
      %dma_start3A_89 = tpu.memref_slice %arg7[%add3A_17, %dma_start3A_88] : memref<10112x128xf32, #tpu.memory_space<vmem_shared>> -> memref<128x128xf32, #tpu.memory_space<vmem_shared>>
      %dma_start3A_90 = arith.constant 0 : i32
      %dma_start3A_91 = arith.constant 0 : i32
      %dma_start3A_92 = tpu.memref_slice %arg6[%run_scoped3A_18, %dma_start3A_90, %dma_start3A_91] : memref<2x128x128xf32, #tpu.memory_space<vmem>> -> memref<1x128x128xf32, #tpu.memory_space<vmem>>
      %dma_start3A_93 = tpu.memref_squeeze %dma_start3A_92 : memref<1x128x128xf32, #tpu.memory_space<vmem>> -> memref<128x128xf32, #tpu.memory_space<vmem>>
      %dma_start3A_94 = arith.constant 0 : i32
      %dma_start3A_95 = arith.constant 0 : i32
      %dma_start3A_96 = tpu.memref_slice %dma_start3A_93[%dma_start3A_94, %dma_start3A_95] : memref<128x128xf32, #tpu.memory_space<vmem>> -> memref<128x128xf32, #tpu.memory_space<vmem>>
      tpu.enqueue_dma source(%dma_start3A_96 : memref<128x128xf32, #tpu.memory_space<vmem>>) target(%dma_start3A_89 : memref<128x128xf32, #tpu.memory_space<vmem_shared>>) target_semaphore(%run_scoped3A_78 : memref<!tpu.dma_semaphore, #tpu.memory_space<semaphore_mem>>)
      %dma_wait3A = arith.constant 0 : i32
      %dma_wait3A_97 = arith.constant 0 : i32
      %dma_wait3A_98 = tpu.memref_slice %arg6[%run_scoped3A_18, %dma_wait3A, %dma_wait3A_97] : memref<2x128x128xf32, #tpu.memory_space<vmem>> -> memref<1x128x128xf32, #tpu.memory_space<vmem>>
      %dma_wait3A_99 = tpu.memref_squeeze %dma_wait3A_98 : memref<1x128x128xf32, #tpu.memory_space<vmem>> -> memref<128x128xf32, #tpu.memory_space<vmem>>
      %dma_wait3A_100 = arith.constant 0 : i32
      %dma_wait3A_101 = arith.constant 0 : i32
      %dma_wait3A_102 = tpu.memref_slice %dma_wait3A_99[%dma_wait3A_100, %dma_wait3A_101] : memref<128x128xf32, #tpu.memory_space<vmem>> -> memref<128x128xf32, #tpu.memory_space<vmem>>
      %dma_wait3A_103 = arith.constant 0 : i32
      %dma_wait3A_104 = tpu.memref_slice %arg7[%add3A_17, %dma_wait3A_103] : memref<10112x128xf32, #tpu.memory_space<vmem_shared>> -> memref<128x128xf32, #tpu.memory_space<vmem_shared>>
      %dma_wait3A_105 = arith.constant 0 : i32
      %dma_wait3A_106 = tpu.memref_slice %arg7[%add3A_17, %dma_wait3A_105] : memref<10112x128xf32, #tpu.memory_space<vmem_shared>> -> memref<128x128xf32, #tpu.memory_space<vmem_shared>>
      %dma_wait3A_107 = arith.constant 0 : i32
      %dma_wait3A_108 = arith.constant 0 : i32
      %dma_wait3A_109 = tpu.memref_slice %arg6[%run_scoped3A_18, %dma_wait3A_107, %dma_wait3A_108] : memref<2x128x128xf32, #tpu.memory_space<vmem>> -> memref<1x128x128xf32, #tpu.memory_space<vmem>>
      %dma_wait3A_110 = tpu.memref_squeeze %dma_wait3A_109 : memref<1x128x128xf32, #tpu.memory_space<vmem>> -> memref<128x128xf32, #tpu.memory_space<vmem>>
      %dma_wait3A_111 = arith.constant 0 : i32
      %dma_wait3A_112 = arith.constant 0 : i32
      %dma_wait3A_113 = tpu.memref_slice %dma_wait3A_110[%dma_wait3A_111, %dma_wait3A_112] : memref<128x128xf32, #tpu.memory_space<vmem>> -> memref<128x128xf32, #tpu.memory_space<vmem>>
      tpu.wait_dma2 semaphore(%run_scoped3A_78 : memref<!tpu.dma_semaphore, #tpu.memory_space<semaphore_mem>>) src(%dma_wait3A_113 : memref<128x128xf32, #tpu.memory_space<vmem>>) dst(%dma_wait3A_106 : memref<128x128xf32, #tpu.memory_space<vmem_shared>>)
      tpu.yield
    }) : () -> ()
    %add3A_19 = arith.constant 512 : i32
    %add3A_20 = arith.addi %mul3A_7, %add3A_19 : i32
    %run_scoped3A_21 = arith.constant 0 : i32
    "tpu.region"() ({
      %run_scoped3A_78 = tpu.sem_alloc : memref<!tpu.dma_semaphore, #tpu.memory_space<semaphore_mem>>
      %dma_start3A_79 = arith.constant 0 : i32
      %dma_start3A_80 = arith.constant 0 : i32
      %dma_start3A_81 = tpu.memref_slice %arg6[%run_scoped3A_21, %dma_start3A_79, %dma_start3A_80] : memref<2x128x128xf32, #tpu.memory_space<vmem>> -> memref<1x128x128xf32, #tpu.memory_space<vmem>>
      %dma_start3A_82 = tpu.memref_squeeze %dma_start3A_81 : memref<1x128x128xf32, #tpu.memory_space<vmem>> -> memref<128x128xf32, #tpu.memory_space<vmem>>
      %dma_start3A_83 = arith.constant 0 : i32
      %dma_start3A_84 = arith.constant 0 : i32
      %dma_start3A_85 = tpu.memref_slice %dma_start3A_82[%dma_start3A_83, %dma_start3A_84] : memref<128x128xf32, #tpu.memory_space<vmem>> -> memref<120x128xf32, #tpu.memory_space<vmem>>
      %dma_start3A_86 = arith.constant 0 : i32
      %dma_start3A_87 = tpu.memref_slice %arg7[%add3A_20, %dma_start3A_86] : memref<10112x128xf32, #tpu.memory_space<vmem_shared>> -> memref<120x128xf32, #tpu.memory_space<vmem_shared>>
      %dma_start3A_88 = arith.constant 0 : i32
      %dma_start3A_89 = tpu.memref_slice %arg7[%add3A_20, %dma_start3A_88] : memref<10112x128xf32, #tpu.memory_space<vmem_shared>> -> memref<120x128xf32, #tpu.memory_space<vmem_shared>>
      %dma_start3A_90 = arith.constant 0 : i32
      %dma_start3A_91 = arith.constant 0 : i32
      %dma_start3A_92 = tpu.memref_slice %arg6[%run_scoped3A_21, %dma_start3A_90, %dma_start3A_91] : memref<2x128x128xf32, #tpu.memory_space<vmem>> -> memref<1x128x128xf32, #tpu.memory_space<vmem>>
      %dma_start3A_93 = tpu.memref_squeeze %dma_start3A_92 : memref<1x128x128xf32, #tpu.memory_space<vmem>> -> memref<128x128xf32, #tpu.memory_space<vmem>>
      %dma_start3A_94 = arith.constant 0 : i32
      %dma_start3A_95 = arith.constant 0 : i32
      %dma_start3A_96 = tpu.memref_slice %dma_start3A_93[%dma_start3A_94, %dma_start3A_95] : memref<128x128xf32, #tpu.memory_space<vmem>> -> memref<120x128xf32, #tpu.memory_space<vmem>>
      tpu.enqueue_dma source(%dma_start3A_96 : memref<120x128xf32, #tpu.memory_space<vmem>>) target(%dma_start3A_89 : memref<120x128xf32, #tpu.memory_space<vmem_shared>>) target_semaphore(%run_scoped3A_78 : memref<!tpu.dma_semaphore, #tpu.memory_space<semaphore_mem>>)
      %dma_wait3A = arith.constant 0 : i32
      %dma_wait3A_97 = arith.constant 0 : i32
      %dma_wait3A_98 = tpu.memref_slice %arg6[%run_scoped3A_21, %dma_wait3A, %dma_wait3A_97] : memref<2x128x128xf32, #tpu.memory_space<vmem>> -> memref<1x128x128xf32, #tpu.memory_space<vmem>>
      %dma_wait3A_99 = tpu.memref_squeeze %dma_wait3A_98 : memref<1x128x128xf32, #tpu.memory_space<vmem>> -> memref<128x128xf32, #tpu.memory_space<vmem>>
      %dma_wait3A_100 = arith.constant 0 : i32
      %dma_wait3A_101 = arith.constant 0 : i32
      %dma_wait3A_102 = tpu.memref_slice %dma_wait3A_99[%dma_wait3A_100, %dma_wait3A_101] : memref<128x128xf32, #tpu.memory_space<vmem>> -> memref<120x128xf32, #tpu.memory_space<vmem>>
      %dma_wait3A_103 = arith.constant 0 : i32
      %dma_wait3A_104 = tpu.memref_slice %arg7[%add3A_20, %dma_wait3A_103] : memref<10112x128xf32, #tpu.memory_space<vmem_shared>> -> memref<120x128xf32, #tpu.memory_space<vmem_shared>>
      %dma_wait3A_105 = arith.constant 0 : i32
      %dma_wait3A_106 = tpu.memref_slice %arg7[%add3A_20, %dma_wait3A_105] : memref<10112x128xf32, #tpu.memory_space<vmem_shared>> -> memref<120x128xf32, #tpu.memory_space<vmem_shared>>
      %dma_wait3A_107 = arith.constant 0 : i32
      %dma_wait3A_108 = arith.constant 0 : i32
      %dma_wait3A_109 = tpu.memref_slice %arg6[%run_scoped3A_21, %dma_wait3A_107, %dma_wait3A_108] : memref<2x128x128xf32, #tpu.memory_space<vmem>> -> memref<1x128x128xf32, #tpu.memory_space<vmem>>
      %dma_wait3A_110 = tpu.memref_squeeze %dma_wait3A_109 : memref<1x128x128xf32, #tpu.memory_space<vmem>> -> memref<128x128xf32, #tpu.memory_space<vmem>>
      %dma_wait3A_111 = arith.constant 0 : i32
      %dma_wait3A_112 = arith.constant 0 : i32
      %dma_wait3A_113 = tpu.memref_slice %dma_wait3A_110[%dma_wait3A_111, %dma_wait3A_112] : memref<128x128xf32, #tpu.memory_space<vmem>> -> memref<120x128xf32, #tpu.memory_space<vmem>>
      tpu.wait_dma2 semaphore(%run_scoped3A_78 : memref<!tpu.dma_semaphore, #tpu.memory_space<semaphore_mem>>) src(%dma_wait3A_113 : memref<120x128xf32, #tpu.memory_space<vmem>>) dst(%dma_wait3A_106 : memref<120x128xf32, #tpu.memory_space<vmem_shared>>)
      tpu.yield
    }) : () -> ()
    %barrier3A = arith.constant 0 : index
    tpu.barrier barrier_id(%barrier3A)
    "tpu.region"() ({
      %run_scoped3A_78 = tpu.sem_alloc : memref<!tpu.dma_semaphore, #tpu.memory_space<semaphore_mem>>
      %dma_start3A_79 = arith.constant 0 : i32
      %dma_start3A_80 = arith.constant 0 : i32
      %dma_start3A_81 = arith.constant 0 : i32
      %dma_start3A_82 = tpu.memref_slice %arg3[%add3A, %dma_start3A_79, %dma_start3A_80, %dma_start3A_81] : memref<32x2x80x128xi32, #tpu.memory_space<hbm>> -> memref<1x2x40x128xi32, #tpu.memory_space<hbm>>
      %dma_start3A_83 = tpu.memref_squeeze %dma_start3A_82 : memref<1x2x40x128xi32, #tpu.memory_space<hbm>> -> memref<2x40x128xi32, #tpu.memory_space<hbm>>
      %dma_start3A_84 = arith.constant 0 : i32
      %dma_start3A_85 = arith.constant 0 : i32
      %dma_start3A_86 = arith.constant 0 : i32
      %dma_start3A_87 = tpu.memref_slice %arg3[%add3A, %dma_start3A_84, %dma_start3A_85, %dma_start3A_86] : memref<32x2x80x128xi32, #tpu.memory_space<hbm>> -> memref<1x2x40x128xi32, #tpu.memory_space<hbm>>
      %dma_start3A_88 = tpu.memref_squeeze %dma_start3A_87 : memref<1x2x40x128xi32, #tpu.memory_space<hbm>> -> memref<2x40x128xi32, #tpu.memory_space<hbm>>
      tpu.enqueue_dma source(%dma_start3A_88 : memref<2x40x128xi32, #tpu.memory_space<hbm>>) target(%arg5 : memref<2x40x128xi32, #tpu.memory_space<vmem>>) target_semaphore(%run_scoped3A_78 : memref<!tpu.dma_semaphore, #tpu.memory_space<semaphore_mem>>)
      %dma_wait3A = arith.constant 0 : i32
      %dma_wait3A_89 = arith.constant 0 : i32
      %dma_wait3A_90 = arith.constant 0 : i32
      %dma_wait3A_91 = tpu.memref_slice %arg3[%add3A, %dma_wait3A, %dma_wait3A_89, %dma_wait3A_90] : memref<32x2x80x128xi32, #tpu.memory_space<hbm>> -> memref<1x2x40x128xi32, #tpu.memory_space<hbm>>
      %dma_wait3A_92 = tpu.memref_squeeze %dma_wait3A_91 : memref<1x2x40x128xi32, #tpu.memory_space<hbm>> -> memref<2x40x128xi32, #tpu.memory_space<hbm>>
      %dma_wait3A_93 = arith.constant 0 : i32
      %dma_wait3A_94 = arith.constant 0 : i32
      %dma_wait3A_95 = arith.constant 0 : i32
      %dma_wait3A_96 = tpu.memref_slice %arg3[%add3A, %dma_wait3A_93, %dma_wait3A_94, %dma_wait3A_95] : memref<32x2x80x128xi32, #tpu.memory_space<hbm>> -> memref<1x2x40x128xi32, #tpu.memory_space<hbm>>
      %dma_wait3A_97 = tpu.memref_squeeze %dma_wait3A_96 : memref<1x2x40x128xi32, #tpu.memory_space<hbm>> -> memref<2x40x128xi32, #tpu.memory_space<hbm>>
      tpu.wait_dma2 semaphore(%run_scoped3A_78 : memref<!tpu.dma_semaphore, #tpu.memory_space<semaphore_mem>>) src(%dma_wait3A_97 : memref<2x40x128xi32, #tpu.memory_space<hbm>>) dst(%arg5 : memref<2x40x128xi32, #tpu.memory_space<vmem>>)
      tpu.yield
    }) : () -> ()
    %dma_start3A = arith.constant 0 : i32
    %dma_start3A_22 = arith.constant 0 : i32
    %dma_start3A_23 = arith.constant 0 : i32
    %dma_start3A_24 = arith.constant 0 : i32
    %dma_start3A_25 = arith.constant 0 : i32
    %dma_start3A_26 = tpu.memref_slice %arg6[%dma_start3A_23, %dma_start3A_24, %dma_start3A_25] : memref<2x128x128xf32, #tpu.memory_space<vmem>> -> memref<1x128x128xf32, #tpu.memory_space<vmem>>
    %dma_start3A_27 = tpu.memref_squeeze %dma_start3A_26 : memref<1x128x128xf32, #tpu.memory_space<vmem>> -> memref<128x128xf32, #tpu.memory_space<vmem>>
    %dma_start3A_28 = arith.constant 0 : i32
    %dma_start3A_29 = arith.constant 0 : i32
    %dma_start3A_30 = tpu.memref_slice %arg5[%dma_start3A, %dma_start3A_28, %dma_start3A_29] : memref<2x40x128xi32, #tpu.memory_space<vmem>> -> memref<1x40x128xi32, #tpu.memory_space<vmem>>
    %dma_start3A_31 = tpu.memref_squeeze %dma_start3A_30 : memref<1x40x128xi32, #tpu.memory_space<vmem>> -> memref<40x128xi32, #tpu.memory_space<vmem>>
    %dma_start3A_32 = arith.constant 0 : i32
    %dma_start3A_33 = tpu.memref_slice %dma_start3A_31[%dma_start3A_22, %dma_start3A_32] : memref<40x128xi32, #tpu.memory_space<vmem>> -> memref<1x128xi32, #tpu.memory_space<vmem>>
    %dma_start3A_34 = tpu.memref_squeeze %dma_start3A_33 : memref<1x128xi32, #tpu.memory_space<vmem>> -> memref<128xi32, #tpu.memory_space<vmem>>
    %dma_start3A_35 = arith.constant 0 : i32
    %dma_start3A_36 = arith.constant 0 : i32
    %dma_start3A_37 = tpu.memref_slice %arg2[%dma_start3A_35, %dma_start3A_36] : memref<10000x128xf32, #tpu.memory_space<hbm>> -> memref<10000x128xf32, #tpu.memory_space<hbm>>
    tpu.enqueue_indirect_dma source(%dma_start3A_37 : memref<10000x128xf32, #tpu.memory_space<hbm>>) target(%dma_start3A_27 : memref<128x128xf32, #tpu.memory_space<vmem>>) offsets(%dma_start3A_34 : memref<128xi32, #tpu.memory_space<vmem>>) semaphore(%arg8 : memref<!tpu.dma_semaphore, #tpu.memory_space<semaphore_mem>>)
    %scan3A_38 = arith.constant 0 : i32
    %scan3A_39 = arith.constant 0 : i32
    %scan3A_40 = arith.constant 1 : i32
    %scan3A_41 = arith.constant 0 : i32
    %scan3A_42 = arith.constant 40 : i32
    %scan3A_43 = arith.addi %scan3A_41, %scan3A_42 : i32
    %scan3A_44 = arith.constant 1 : i32
    scf.for %scan3A_78 = %scan3A_41 to %scan3A_43 step %scan3A_44  : i32 {
      %jit3A = arith.constant 2 : i32
      %eq3A_79 = arith.constant 0 : i32
      %eq3A_80 = arith.cmpi eq, %jit3A, %eq3A_79 : i32
      %jit3A_81 = arith.constant 1 : i32
      %select_n3A = arith.select %eq3A_80, %jit3A_81, %jit3A : i32
      %rem3A = arith.remsi %scan3A_78, %select_n3A : i32
      %ne3A = arith.constant 0 : i32
      %ne3A_82 = arith.cmpi ne, %rem3A, %ne3A : i32
      %lt3A = arith.constant 0 : i32
      %lt3A_83 = arith.cmpi slt, %rem3A, %lt3A : i32
      %lt3A_84 = arith.constant 0 : i32
      %lt3A_85 = arith.cmpi slt, %select_n3A, %lt3A_84 : i32
      %ne3A_86 = arith.xori %lt3A_83, %lt3A_85 : i1
      %and3A = arith.andi %ne3A_86, %ne3A_82 : i1
      %add3A_87 = arith.addi %rem3A, %select_n3A : i32
      %select_n3A_88 = arith.select %and3A, %add3A_87, %rem3A : i32
      %dma_wait3A = arith.constant 0 : i32
      %dma_wait3A_89 = arith.constant 0 : i32
      %dma_wait3A_90 = tpu.memref_slice %arg6[%select_n3A_88, %dma_wait3A, %dma_wait3A_89] : memref<2x128x128xf32, #tpu.memory_space<vmem>> -> memref<1x128x128xf32, #tpu.memory_space<vmem>>
      %dma_wait3A_91 = tpu.memref_squeeze %dma_wait3A_90 : memref<1x128x128xf32, #tpu.memory_space<vmem>> -> memref<128x128xf32, #tpu.memory_space<vmem>>
      %dma_wait3A_92 = arith.constant 0 : i32
      %dma_wait3A_93 = arith.constant 0 : i32
      %dma_wait3A_94 = tpu.memref_slice %arg5[%scan3A_39, %dma_wait3A_92, %dma_wait3A_93] : memref<2x40x128xi32, #tpu.memory_space<vmem>> -> memref<1x40x128xi32, #tpu.memory_space<vmem>>
      %dma_wait3A_95 = tpu.memref_squeeze %dma_wait3A_94 : memref<1x40x128xi32, #tpu.memory_space<vmem>> -> memref<40x128xi32, #tpu.memory_space<vmem>>
      %dma_wait3A_96 = arith.constant 0 : i32
      %dma_wait3A_97 = tpu.memref_slice %dma_wait3A_95[%scan3A_78, %dma_wait3A_96] : memref<40x128xi32, #tpu.memory_space<vmem>> -> memref<1x128xi32, #tpu.memory_space<vmem>>
      %dma_wait3A_98 = tpu.memref_squeeze %dma_wait3A_97 : memref<1x128xi32, #tpu.memory_space<vmem>> -> memref<128xi32, #tpu.memory_space<vmem>>
      %dma_wait3A_99 = arith.constant 0 : i32
      %dma_wait3A_100 = arith.constant 0 : i32
      %dma_wait3A_101 = tpu.memref_slice %arg2[%dma_wait3A_99, %dma_wait3A_100] : memref<10000x128xf32, #tpu.memory_space<hbm>> -> memref<10000x128xf32, #tpu.memory_space<hbm>>
      tpu.wait_indirect_dma semaphore(%arg8 : memref<!tpu.dma_semaphore, #tpu.memory_space<semaphore_mem>>) src(%dma_wait3A_101 : memref<10000x128xf32, #tpu.memory_space<hbm>>) dst(%dma_wait3A_91 : memref<128x128xf32, #tpu.memory_space<vmem>>)
      %add3A_102 = arith.constant 1 : i32
      %add3A_103 = arith.addi %scan3A_78, %add3A_102 : i32
      %lt3A_104 = arith.constant 40 : i32
      %lt3A_105 = arith.cmpi slt, %add3A_103, %lt3A_104 : i32
      %convert_element_type3A_106 = arith.extui %lt3A_105 : i1 to i32
      %cond3A_107 = arith.constant 0 : i32
      %cond3A_108 = arith.cmpi ne, %convert_element_type3A_106, %cond3A_107 : i32
      scf.if %cond3A_108 {
        %add3A_109 = arith.constant 1 : i32
        %add3A_110 = arith.addi %scan3A_78, %add3A_109 : i32
        %add3A_111 = arith.constant 1 : i32
        %add3A_112 = arith.addi %scan3A_78, %add3A_111 : i32
        %jit3A_113 = arith.constant 2 : i32
        %eq3A_114 = arith.constant 0 : i32
        %eq3A_115 = arith.cmpi eq, %jit3A_113, %eq3A_114 : i32
        %jit3A_116 = arith.constant 1 : i32
        %select_n3A_117 = arith.select %eq3A_115, %jit3A_116, %jit3A_113 : i32
        %rem3A_118 = arith.remsi %add3A_112, %select_n3A_117 : i32
        %ne3A_119 = arith.constant 0 : i32
        %ne3A_120 = arith.cmpi ne, %rem3A_118, %ne3A_119 : i32
        %lt3A_121 = arith.constant 0 : i32
        %lt3A_122 = arith.cmpi slt, %rem3A_118, %lt3A_121 : i32
        %lt3A_123 = arith.constant 0 : i32
        %lt3A_124 = arith.cmpi slt, %select_n3A_117, %lt3A_123 : i32
        %ne3A_125 = arith.xori %lt3A_122, %lt3A_124 : i1
        %and3A_126 = arith.andi %ne3A_125, %ne3A_120 : i1
        %add3A_127 = arith.addi %rem3A_118, %select_n3A_117 : i32
        %select_n3A_128 = arith.select %and3A_126, %add3A_127, %rem3A_118 : i32
        %dma_start3A_129 = arith.constant 0 : i32
        %dma_start3A_130 = arith.constant 0 : i32
        %dma_start3A_131 = tpu.memref_slice %arg6[%select_n3A_128, %dma_start3A_129, %dma_start3A_130] : memref<2x128x128xf32, #tpu.memory_space<vmem>> -> memref<1x128x128xf32, #tpu.memory_space<vmem>>
        %dma_start3A_132 = tpu.memref_squeeze %dma_start3A_131 : memref<1x128x128xf32, #tpu.memory_space<vmem>> -> memref<128x128xf32, #tpu.memory_space<vmem>>
        %dma_start3A_133 = arith.constant 0 : i32
        %dma_start3A_134 = arith.constant 0 : i32
        %dma_start3A_135 = tpu.memref_slice %arg5[%scan3A_39, %dma_start3A_133, %dma_start3A_134] : memref<2x40x128xi32, #tpu.memory_space<vmem>> -> memref<1x40x128xi32, #tpu.memory_space<vmem>>
        %dma_start3A_136 = tpu.memref_squeeze %dma_start3A_135 : memref<1x40x128xi32, #tpu.memory_space<vmem>> -> memref<40x128xi32, #tpu.memory_space<vmem>>
        %dma_start3A_137 = arith.constant 0 : i32
        %dma_start3A_138 = tpu.memref_slice %dma_start3A_136[%add3A_110, %dma_start3A_137] : memref<40x128xi32, #tpu.memory_space<vmem>> -> memref<1x128xi32, #tpu.memory_space<vmem>>
        %dma_start3A_139 = tpu.memref_squeeze %dma_start3A_138 : memref<1x128xi32, #tpu.memory_space<vmem>> -> memref<128xi32, #tpu.memory_space<vmem>>
        %dma_start3A_140 = arith.constant 0 : i32
        %dma_start3A_141 = arith.constant 0 : i32
        %dma_start3A_142 = tpu.memref_slice %arg2[%dma_start3A_140, %dma_start3A_141] : memref<10000x128xf32, #tpu.memory_space<hbm>> -> memref<10000x128xf32, #tpu.memory_space<hbm>>
        tpu.enqueue_indirect_dma source(%dma_start3A_142 : memref<10000x128xf32, #tpu.memory_space<hbm>>) target(%dma_start3A_132 : memref<128x128xf32, #tpu.memory_space<vmem>>) offsets(%dma_start3A_139 : memref<128xi32, #tpu.memory_space<vmem>>) semaphore(%arg8 : memref<!tpu.dma_semaphore, #tpu.memory_space<semaphore_mem>>)
      } else {
      }
      "tpu.region"() ({
        %run_scoped3A_109 = tpu.sem_alloc : memref<!tpu.dma_semaphore, #tpu.memory_space<semaphore_mem>>
        %dma_start3A_110 = arith.constant 0 : i32
        %dma_start3A_111 = arith.constant 0 : i32
        %dma_start3A_112 = tpu.memref_slice %arg6[%select_n3A_88, %dma_start3A_110, %dma_start3A_111] : memref<2x128x128xf32, #tpu.memory_space<vmem>> -> memref<1x128x128xf32, #tpu.memory_space<vmem>>
        %dma_start3A_113 = tpu.memref_squeeze %dma_start3A_112 : memref<1x128x128xf32, #tpu.memory_space<vmem>> -> memref<128x128xf32, #tpu.memory_space<vmem>>
        %dma_start3A_114 = arith.constant 0 : i32
        %dma_start3A_115 = arith.constant 0 : i32
        %dma_start3A_116 = tpu.memref_slice %arg5[%scan3A_40, %dma_start3A_114, %dma_start3A_115] : memref<2x40x128xi32, #tpu.memory_space<vmem>> -> memref<1x40x128xi32, #tpu.memory_space<vmem>>
        %dma_start3A_117 = tpu.memref_squeeze %dma_start3A_116 : memref<1x40x128xi32, #tpu.memory_space<vmem>> -> memref<40x128xi32, #tpu.memory_space<vmem>>
        %dma_start3A_118 = arith.constant 0 : i32
        %dma_start3A_119 = tpu.memref_slice %dma_start3A_117[%scan3A_78, %dma_start3A_118] : memref<40x128xi32, #tpu.memory_space<vmem>> -> memref<1x128xi32, #tpu.memory_space<vmem>>
        %dma_start3A_120 = tpu.memref_squeeze %dma_start3A_119 : memref<1x128xi32, #tpu.memory_space<vmem>> -> memref<128xi32, #tpu.memory_space<vmem>>
        %dma_start3A_121 = arith.constant 0 : i32
        %dma_start3A_122 = arith.constant 0 : i32
        %dma_start3A_123 = tpu.memref_slice %arg7[%dma_start3A_121, %dma_start3A_122] : memref<10112x128xf32, #tpu.memory_space<vmem_shared>> -> memref<10112x128xf32, #tpu.memory_space<vmem_shared>>
        tpu.enqueue_indirect_dma source(%dma_start3A_113 : memref<128x128xf32, #tpu.memory_space<vmem>>) target(%dma_start3A_123 : memref<10112x128xf32, #tpu.memory_space<vmem_shared>>) offsets(%dma_start3A_120 : memref<128xi32, #tpu.memory_space<vmem>>) semaphore(%run_scoped3A_109 : memref<!tpu.dma_semaphore, #tpu.memory_space<semaphore_mem>>) {add = true}
        %dma_wait3A_124 = arith.constant 0 : i32
        %dma_wait3A_125 = arith.constant 0 : i32
        %dma_wait3A_126 = tpu.memref_slice %arg6[%select_n3A_88, %dma_wait3A_124, %dma_wait3A_125] : memref<2x128x128xf32, #tpu.memory_space<vmem>> -> memref<1x128x128xf32, #tpu.memory_space<vmem>>
        %dma_wait3A_127 = tpu.memref_squeeze %dma_wait3A_126 : memref<1x128x128xf32, #tpu.memory_space<vmem>> -> memref<128x128xf32, #tpu.memory_space<vmem>>
        %dma_wait3A_128 = arith.constant 0 : i32
        %dma_wait3A_129 = arith.constant 0 : i32
        %dma_wait3A_130 = tpu.memref_slice %arg5[%scan3A_40, %dma_wait3A_128, %dma_wait3A_129] : memref<2x40x128xi32, #tpu.memory_space<vmem>> -> memref<1x40x128xi32, #tpu.memory_space<vmem>>
        %dma_wait3A_131 = tpu.memref_squeeze %dma_wait3A_130 : memref<1x40x128xi32, #tpu.memory_space<vmem>> -> memref<40x128xi32, #tpu.memory_space<vmem>>
        %dma_wait3A_132 = arith.constant 0 : i32
        %dma_wait3A_133 = tpu.memref_slice %dma_wait3A_131[%scan3A_78, %dma_wait3A_132] : memref<40x128xi32, #tpu.memory_space<vmem>> -> memref<1x128xi32, #tpu.memory_space<vmem>>
        %dma_wait3A_134 = tpu.memref_squeeze %dma_wait3A_133 : memref<1x128xi32, #tpu.memory_space<vmem>> -> memref<128xi32, #tpu.memory_space<vmem>>
        %dma_wait3A_135 = arith.constant 0 : i32
        %dma_wait3A_136 = arith.constant 0 : i32
        %dma_wait3A_137 = tpu.memref_slice %arg7[%dma_wait3A_135, %dma_wait3A_136] : memref<10112x128xf32, #tpu.memory_space<vmem_shared>> -> memref<10112x128xf32, #tpu.memory_space<vmem_shared>>
        tpu.wait_indirect_dma semaphore(%run_scoped3A_109 : memref<!tpu.dma_semaphore, #tpu.memory_space<semaphore_mem>>) src(%dma_wait3A_127 : memref<128x128xf32, #tpu.memory_space<vmem>>) dst(%dma_wait3A_137 : memref<10112x128xf32, #tpu.memory_space<vmem_shared>>)
        tpu.yield
      }) : () -> ()
    }
    %scan3A_45 = arith.constant 40 : i32
    "tpu.region"() ({
      %run_scoped3A_78 = tpu.sem_alloc : memref<!tpu.dma_semaphore, #tpu.memory_space<semaphore_mem>>
      %dma_start3A_79 = arith.constant 0 : i32
      %dma_start3A_80 = arith.constant 40 : i32
      %dma_start3A_81 = arith.constant 0 : i32
      %dma_start3A_82 = tpu.memref_slice %arg3[%add3A, %dma_start3A_79, %dma_start3A_80, %dma_start3A_81] : memref<32x2x80x128xi32, #tpu.memory_space<hbm>> -> memref<1x2x40x128xi32, #tpu.memory_space<hbm>>
      %dma_start3A_83 = tpu.memref_squeeze %dma_start3A_82 : memref<1x2x40x128xi32, #tpu.memory_space<hbm>> -> memref<2x40x128xi32, #tpu.memory_space<hbm>>
      %dma_start3A_84 = arith.constant 0 : i32
      %dma_start3A_85 = arith.constant 40 : i32
      %dma_start3A_86 = arith.constant 0 : i32
      %dma_start3A_87 = tpu.memref_slice %arg3[%add3A, %dma_start3A_84, %dma_start3A_85, %dma_start3A_86] : memref<32x2x80x128xi32, #tpu.memory_space<hbm>> -> memref<1x2x40x128xi32, #tpu.memory_space<hbm>>
      %dma_start3A_88 = tpu.memref_squeeze %dma_start3A_87 : memref<1x2x40x128xi32, #tpu.memory_space<hbm>> -> memref<2x40x128xi32, #tpu.memory_space<hbm>>
      tpu.enqueue_dma source(%dma_start3A_88 : memref<2x40x128xi32, #tpu.memory_space<hbm>>) target(%arg5 : memref<2x40x128xi32, #tpu.memory_space<vmem>>) target_semaphore(%run_scoped3A_78 : memref<!tpu.dma_semaphore, #tpu.memory_space<semaphore_mem>>)
      %dma_wait3A = arith.constant 0 : i32
      %dma_wait3A_89 = arith.constant 40 : i32
      %dma_wait3A_90 = arith.constant 0 : i32
      %dma_wait3A_91 = tpu.memref_slice %arg3[%add3A, %dma_wait3A, %dma_wait3A_89, %dma_wait3A_90] : memref<32x2x80x128xi32, #tpu.memory_space<hbm>> -> memref<1x2x40x128xi32, #tpu.memory_space<hbm>>
      %dma_wait3A_92 = tpu.memref_squeeze %dma_wait3A_91 : memref<1x2x40x128xi32, #tpu.memory_space<hbm>> -> memref<2x40x128xi32, #tpu.memory_space<hbm>>
      %dma_wait3A_93 = arith.constant 0 : i32
      %dma_wait3A_94 = arith.constant 40 : i32
      %dma_wait3A_95 = arith.constant 0 : i32
      %dma_wait3A_96 = tpu.memref_slice %arg3[%add3A, %dma_wait3A_93, %dma_wait3A_94, %dma_wait3A_95] : memref<32x2x80x128xi32, #tpu.memory_space<hbm>> -> memref<1x2x40x128xi32, #tpu.memory_space<hbm>>
      %dma_wait3A_97 = tpu.memref_squeeze %dma_wait3A_96 : memref<1x2x40x128xi32, #tpu.memory_space<hbm>> -> memref<2x40x128xi32, #tpu.memory_space<hbm>>
      tpu.wait_dma2 semaphore(%run_scoped3A_78 : memref<!tpu.dma_semaphore, #tpu.memory_space<semaphore_mem>>) src(%dma_wait3A_97 : memref<2x40x128xi32, #tpu.memory_space<hbm>>) dst(%arg5 : memref<2x40x128xi32, #tpu.memory_space<vmem>>)
      tpu.yield
    }) : () -> ()
    %dma_start3A_46 = arith.constant 0 : i32
    %dma_start3A_47 = arith.constant 0 : i32
    %dma_start3A_48 = arith.constant 0 : i32
    %dma_start3A_49 = arith.constant 0 : i32
    %dma_start3A_50 = arith.constant 0 : i32
    %dma_start3A_51 = tpu.memref_slice %arg6[%dma_start3A_48, %dma_start3A_49, %dma_start3A_50] : memref<2x128x128xf32, #tpu.memory_space<vmem>> -> memref<1x128x128xf32, #tpu.memory_space<vmem>>
    %dma_start3A_52 = tpu.memref_squeeze %dma_start3A_51 : memref<1x128x128xf32, #tpu.memory_space<vmem>> -> memref<128x128xf32, #tpu.memory_space<vmem>>
    %dma_start3A_53 = arith.constant 0 : i32
    %dma_start3A_54 = arith.constant 0 : i32
    %dma_start3A_55 = tpu.memref_slice %arg5[%dma_start3A_46, %dma_start3A_53, %dma_start3A_54] : memref<2x40x128xi32, #tpu.memory_space<vmem>> -> memref<1x40x128xi32, #tpu.memory_space<vmem>>
    %dma_start3A_56 = tpu.memref_squeeze %dma_start3A_55 : memref<1x40x128xi32, #tpu.memory_space<vmem>> -> memref<40x128xi32, #tpu.memory_space<vmem>>
    %dma_start3A_57 = arith.constant 0 : i32
    %dma_start3A_58 = tpu.memref_slice %dma_start3A_56[%dma_start3A_47, %dma_start3A_57] : memref<40x128xi32, #tpu.memory_space<vmem>> -> memref<1x128xi32, #tpu.memory_space<vmem>>
    %dma_start3A_59 = tpu.memref_squeeze %dma_start3A_58 : memref<1x128xi32, #tpu.memory_space<vmem>> -> memref<128xi32, #tpu.memory_space<vmem>>
    %dma_start3A_60 = arith.constant 0 : i32
    %dma_start3A_61 = arith.constant 0 : i32
    %dma_start3A_62 = tpu.memref_slice %arg2[%dma_start3A_60, %dma_start3A_61] : memref<10000x128xf32, #tpu.memory_space<hbm>> -> memref<10000x128xf32, #tpu.memory_space<hbm>>
    tpu.enqueue_indirect_dma source(%dma_start3A_62 : memref<10000x128xf32, #tpu.memory_space<hbm>>) target(%dma_start3A_52 : memref<128x128xf32, #tpu.memory_space<vmem>>) offsets(%dma_start3A_59 : memref<128xi32, #tpu.memory_space<vmem>>) semaphore(%arg8 : memref<!tpu.dma_semaphore, #tpu.memory_space<semaphore_mem>>)
    %scan3A_63 = arith.constant 0 : i32
    %scan3A_64 = arith.constant 0 : i32
    %scan3A_65 = arith.constant 1 : i32
    %scan3A_66 = arith.constant 0 : i32
    %scan3A_67 = arith.constant 40 : i32
    %scan3A_68 = arith.addi %scan3A_66, %scan3A_67 : i32
    %scan3A_69 = arith.constant 1 : i32
    scf.for %scan3A_78 = %scan3A_66 to %scan3A_68 step %scan3A_69  : i32 {
      %jit3A = arith.constant 2 : i32
      %eq3A_79 = arith.constant 0 : i32
      %eq3A_80 = arith.cmpi eq, %jit3A, %eq3A_79 : i32
      %jit3A_81 = arith.constant 1 : i32
      %select_n3A = arith.select %eq3A_80, %jit3A_81, %jit3A : i32
      %rem3A = arith.remsi %scan3A_78, %select_n3A : i32
      %ne3A = arith.constant 0 : i32
      %ne3A_82 = arith.cmpi ne, %rem3A, %ne3A : i32
      %lt3A = arith.constant 0 : i32
      %lt3A_83 = arith.cmpi slt, %rem3A, %lt3A : i32
      %lt3A_84 = arith.constant 0 : i32
      %lt3A_85 = arith.cmpi slt, %select_n3A, %lt3A_84 : i32
      %ne3A_86 = arith.xori %lt3A_83, %lt3A_85 : i1
      %and3A = arith.andi %ne3A_86, %ne3A_82 : i1
      %add3A_87 = arith.addi %rem3A, %select_n3A : i32
      %select_n3A_88 = arith.select %and3A, %add3A_87, %rem3A : i32
      %dma_wait3A = arith.constant 0 : i32
      %dma_wait3A_89 = arith.constant 0 : i32
      %dma_wait3A_90 = tpu.memref_slice %arg6[%select_n3A_88, %dma_wait3A, %dma_wait3A_89] : memref<2x128x128xf32, #tpu.memory_space<vmem>> -> memref<1x128x128xf32, #tpu.memory_space<vmem>>
      %dma_wait3A_91 = tpu.memref_squeeze %dma_wait3A_90 : memref<1x128x128xf32, #tpu.memory_space<vmem>> -> memref<128x128xf32, #tpu.memory_space<vmem>>
      %dma_wait3A_92 = arith.constant 0 : i32
      %dma_wait3A_93 = arith.constant 0 : i32
      %dma_wait3A_94 = tpu.memref_slice %arg5[%scan3A_64, %dma_wait3A_92, %dma_wait3A_93] : memref<2x40x128xi32, #tpu.memory_space<vmem>> -> memref<1x40x128xi32, #tpu.memory_space<vmem>>
      %dma_wait3A_95 = tpu.memref_squeeze %dma_wait3A_94 : memref<1x40x128xi32, #tpu.memory_space<vmem>> -> memref<40x128xi32, #tpu.memory_space<vmem>>
      %dma_wait3A_96 = arith.constant 0 : i32
      %dma_wait3A_97 = tpu.memref_slice %dma_wait3A_95[%scan3A_78, %dma_wait3A_96] : memref<40x128xi32, #tpu.memory_space<vmem>> -> memref<1x128xi32, #tpu.memory_space<vmem>>
      %dma_wait3A_98 = tpu.memref_squeeze %dma_wait3A_97 : memref<1x128xi32, #tpu.memory_space<vmem>> -> memref<128xi32, #tpu.memory_space<vmem>>
      %dma_wait3A_99 = arith.constant 0 : i32
      %dma_wait3A_100 = arith.constant 0 : i32
      %dma_wait3A_101 = tpu.memref_slice %arg2[%dma_wait3A_99, %dma_wait3A_100] : memref<10000x128xf32, #tpu.memory_space<hbm>> -> memref<10000x128xf32, #tpu.memory_space<hbm>>
      tpu.wait_indirect_dma semaphore(%arg8 : memref<!tpu.dma_semaphore, #tpu.memory_space<semaphore_mem>>) src(%dma_wait3A_101 : memref<10000x128xf32, #tpu.memory_space<hbm>>) dst(%dma_wait3A_91 : memref<128x128xf32, #tpu.memory_space<vmem>>)
      %add3A_102 = arith.constant 1 : i32
      %add3A_103 = arith.addi %scan3A_78, %add3A_102 : i32
      %lt3A_104 = arith.constant 40 : i32
      %lt3A_105 = arith.cmpi slt, %add3A_103, %lt3A_104 : i32
      %convert_element_type3A_106 = arith.extui %lt3A_105 : i1 to i32
      %cond3A_107 = arith.constant 0 : i32
      %cond3A_108 = arith.cmpi ne, %convert_element_type3A_106, %cond3A_107 : i32
      scf.if %cond3A_108 {
        %add3A_109 = arith.constant 1 : i32
        %add3A_110 = arith.addi %scan3A_78, %add3A_109 : i32
        %add3A_111 = arith.constant 1 : i32
        %add3A_112 = arith.addi %scan3A_78, %add3A_111 : i32
        %jit3A_113 = arith.constant 2 : i32
        %eq3A_114 = arith.constant 0 : i32
        %eq3A_115 = arith.cmpi eq, %jit3A_113, %eq3A_114 : i32
        %jit3A_116 = arith.constant 1 : i32
        %select_n3A_117 = arith.select %eq3A_115, %jit3A_116, %jit3A_113 : i32
        %rem3A_118 = arith.remsi %add3A_112, %select_n3A_117 : i32
        %ne3A_119 = arith.constant 0 : i32
        %ne3A_120 = arith.cmpi ne, %rem3A_118, %ne3A_119 : i32
        %lt3A_121 = arith.constant 0 : i32
        %lt3A_122 = arith.cmpi slt, %rem3A_118, %lt3A_121 : i32
        %lt3A_123 = arith.constant 0 : i32
        %lt3A_124 = arith.cmpi slt, %select_n3A_117, %lt3A_123 : i32
        %ne3A_125 = arith.xori %lt3A_122, %lt3A_124 : i1
        %and3A_126 = arith.andi %ne3A_125, %ne3A_120 : i1
        %add3A_127 = arith.addi %rem3A_118, %select_n3A_117 : i32
        %select_n3A_128 = arith.select %and3A_126, %add3A_127, %rem3A_118 : i32
        %dma_start3A_129 = arith.constant 0 : i32
        %dma_start3A_130 = arith.constant 0 : i32
        %dma_start3A_131 = tpu.memref_slice %arg6[%select_n3A_128, %dma_start3A_129, %dma_start3A_130] : memref<2x128x128xf32, #tpu.memory_space<vmem>> -> memref<1x128x128xf32, #tpu.memory_space<vmem>>
        %dma_start3A_132 = tpu.memref_squeeze %dma_start3A_131 : memref<1x128x128xf32, #tpu.memory_space<vmem>> -> memref<128x128xf32, #tpu.memory_space<vmem>>
        %dma_start3A_133 = arith.constant 0 : i32
        %dma_start3A_134 = arith.constant 0 : i32
        %dma_start3A_135 = tpu.memref_slice %arg5[%scan3A_64, %dma_start3A_133, %dma_start3A_134] : memref<2x40x128xi32, #tpu.memory_space<vmem>> -> memref<1x40x128xi32, #tpu.memory_space<vmem>>
        %dma_start3A_136 = tpu.memref_squeeze %dma_start3A_135 : memref<1x40x128xi32, #tpu.memory_space<vmem>> -> memref<40x128xi32, #tpu.memory_space<vmem>>
        %dma_start3A_137 = arith.constant 0 : i32
        %dma_start3A_138 = tpu.memref_slice %dma_start3A_136[%add3A_110, %dma_start3A_137] : memref<40x128xi32, #tpu.memory_space<vmem>> -> memref<1x128xi32, #tpu.memory_space<vmem>>
        %dma_start3A_139 = tpu.memref_squeeze %dma_start3A_138 : memref<1x128xi32, #tpu.memory_space<vmem>> -> memref<128xi32, #tpu.memory_space<vmem>>
        %dma_start3A_140 = arith.constant 0 : i32
        %dma_start3A_141 = arith.constant 0 : i32
        %dma_start3A_142 = tpu.memref_slice %arg2[%dma_start3A_140, %dma_start3A_141] : memref<10000x128xf32, #tpu.memory_space<hbm>> -> memref<10000x128xf32, #tpu.memory_space<hbm>>
        tpu.enqueue_indirect_dma source(%dma_start3A_142 : memref<10000x128xf32, #tpu.memory_space<hbm>>) target(%dma_start3A_132 : memref<128x128xf32, #tpu.memory_space<vmem>>) offsets(%dma_start3A_139 : memref<128xi32, #tpu.memory_space<vmem>>) semaphore(%arg8 : memref<!tpu.dma_semaphore, #tpu.memory_space<semaphore_mem>>)
      } else {
      }
      "tpu.region"() ({
        %run_scoped3A_109 = tpu.sem_alloc : memref<!tpu.dma_semaphore, #tpu.memory_space<semaphore_mem>>
        %dma_start3A_110 = arith.constant 0 : i32
        %dma_start3A_111 = arith.constant 0 : i32
        %dma_start3A_112 = tpu.memref_slice %arg6[%select_n3A_88, %dma_start3A_110, %dma_start3A_111] : memref<2x128x128xf32, #tpu.memory_space<vmem>> -> memref<1x128x128xf32, #tpu.memory_space<vmem>>
        %dma_start3A_113 = tpu.memref_squeeze %dma_start3A_112 : memref<1x128x128xf32, #tpu.memory_space<vmem>> -> memref<128x128xf32, #tpu.memory_space<vmem>>
        %dma_start3A_114 = arith.constant 0 : i32
        %dma_start3A_115 = arith.constant 0 : i32
        %dma_start3A_116 = tpu.memref_slice %arg5[%scan3A_65, %dma_start3A_114, %dma_start3A_115] : memref<2x40x128xi32, #tpu.memory_space<vmem>> -> memref<1x40x128xi32, #tpu.memory_space<vmem>>
        %dma_start3A_117 = tpu.memref_squeeze %dma_start3A_116 : memref<1x40x128xi32, #tpu.memory_space<vmem>> -> memref<40x128xi32, #tpu.memory_space<vmem>>
        %dma_start3A_118 = arith.constant 0 : i32
        %dma_start3A_119 = tpu.memref_slice %dma_start3A_117[%scan3A_78, %dma_start3A_118] : memref<40x128xi32, #tpu.memory_space<vmem>> -> memref<1x128xi32, #tpu.memory_space<vmem>>
        %dma_start3A_120 = tpu.memref_squeeze %dma_start3A_119 : memref<1x128xi32, #tpu.memory_space<vmem>> -> memref<128xi32, #tpu.memory_space<vmem>>
        %dma_start3A_121 = arith.constant 0 : i32
        %dma_start3A_122 = arith.constant 0 : i32
        %dma_start3A_123 = tpu.memref_slice %arg7[%dma_start3A_121, %dma_start3A_122] : memref<10112x128xf32, #tpu.memory_space<vmem_shared>> -> memref<10112x128xf32, #tpu.memory_space<vmem_shared>>
        tpu.enqueue_indirect_dma source(%dma_start3A_113 : memref<128x128xf32, #tpu.memory_space<vmem>>) target(%dma_start3A_123 : memref<10112x128xf32, #tpu.memory_space<vmem_shared>>) offsets(%dma_start3A_120 : memref<128xi32, #tpu.memory_space<vmem>>) semaphore(%run_scoped3A_109 : memref<!tpu.dma_semaphore, #tpu.memory_space<semaphore_mem>>) {add = true}
        %dma_wait3A_124 = arith.constant 0 : i32
        %dma_wait3A_125 = arith.constant 0 : i32
        %dma_wait3A_126 = tpu.memref_slice %arg6[%select_n3A_88, %dma_wait3A_124, %dma_wait3A_125] : memref<2x128x128xf32, #tpu.memory_space<vmem>> -> memref<1x128x128xf32, #tpu.memory_space<vmem>>
        %dma_wait3A_127 = tpu.memref_squeeze %dma_wait3A_126 : memref<1x128x128xf32, #tpu.memory_space<vmem>> -> memref<128x128xf32, #tpu.memory_space<vmem>>
        %dma_wait3A_128 = arith.constant 0 : i32
        %dma_wait3A_129 = arith.constant 0 : i32
        %dma_wait3A_130 = tpu.memref_slice %arg5[%scan3A_65, %dma_wait3A_128, %dma_wait3A_129] : memref<2x40x128xi32, #tpu.memory_space<vmem>> -> memref<1x40x128xi32, #tpu.memory_space<vmem>>
        %dma_wait3A_131 = tpu.memref_squeeze %dma_wait3A_130 : memref<1x40x128xi32, #tpu.memory_space<vmem>> -> memref<40x128xi32, #tpu.memory_space<vmem>>
        %dma_wait3A_132 = arith.constant 0 : i32
        %dma_wait3A_133 = tpu.memref_slice %dma_wait3A_131[%scan3A_78, %dma_wait3A_132] : memref<40x128xi32, #tpu.memory_space<vmem>> -> memref<1x128xi32, #tpu.memory_space<vmem>>
        %dma_wait3A_134 = tpu.memref_squeeze %dma_wait3A_133 : memref<1x128xi32, #tpu.memory_space<vmem>> -> memref<128xi32, #tpu.memory_space<vmem>>
        %dma_wait3A_135 = arith.constant 0 : i32
        %dma_wait3A_136 = arith.constant 0 : i32
        %dma_wait3A_137 = tpu.memref_slice %arg7[%dma_wait3A_135, %dma_wait3A_136] : memref<10112x128xf32, #tpu.memory_space<vmem_shared>> -> memref<10112x128xf32, #tpu.memory_space<vmem_shared>>
        tpu.wait_indirect_dma semaphore(%run_scoped3A_109 : memref<!tpu.dma_semaphore, #tpu.memory_space<semaphore_mem>>) src(%dma_wait3A_127 : memref<128x128xf32, #tpu.memory_space<vmem>>) dst(%dma_wait3A_137 : memref<10112x128xf32, #tpu.memory_space<vmem_shared>>)
        tpu.yield
      }) : () -> ()
    }
    %scan3A_70 = arith.constant 40 : i32
    %barrier3A_71 = arith.constant 0 : index
    tpu.barrier barrier_id(%barrier3A_71)
    %mul3A_72 = arith.constant 624 : i32
    %mul3A_73 = arith.muli %arg1, %mul3A_72 : i32
    %mul3A_74 = arith.constant 624 : i32
    %mul3A_75 = arith.muli %arg1, %mul3A_74 : i32
    "tpu.region"() ({
      %run_scoped3A_78 = tpu.sem_alloc : memref<!tpu.dma_semaphore, #tpu.memory_space<semaphore_mem>>
      %dma_start3A_79 = arith.constant 0 : i32
      %dma_start3A_80 = tpu.memref_slice %arg4[%arg0, %mul3A_75, %dma_start3A_79] : memref<2x10000x128xf32, #tpu.memory_space<hbm>> -> memref<1x624x128xf32, #tpu.memory_space<hbm>>
      %dma_start3A_81 = tpu.memref_squeeze %dma_start3A_80 : memref<1x624x128xf32, #tpu.memory_space<hbm>> -> memref<624x128xf32, #tpu.memory_space<hbm>>
      %dma_start3A_82 = arith.constant 0 : i32
      %dma_start3A_83 = tpu.memref_slice %arg7[%mul3A_73, %dma_start3A_82] : memref<10112x128xf32, #tpu.memory_space<vmem_shared>> -> memref<624x128xf32, #tpu.memory_space<vmem_shared>>
      tpu.enqueue_dma source(%dma_start3A_83 : memref<624x128xf32, #tpu.memory_space<vmem_shared>>) target(%dma_start3A_81 : memref<624x128xf32, #tpu.memory_space<hbm>>) target_semaphore(%run_scoped3A_78 : memref<!tpu.dma_semaphore, #tpu.memory_space<semaphore_mem>>)
      %dma_wait3A = arith.constant 0 : i32
      %dma_wait3A_84 = tpu.memref_slice %arg4[%arg0, %mul3A_75, %dma_wait3A] : memref<2x10000x128xf32, #tpu.memory_space<hbm>> -> memref<1x624x128xf32, #tpu.memory_space<hbm>>
      %dma_wait3A_85 = tpu.memref_squeeze %dma_wait3A_84 : memref<1x624x128xf32, #tpu.memory_space<hbm>> -> memref<624x128xf32, #tpu.memory_space<hbm>>
      %dma_wait3A_86 = arith.constant 0 : i32
      %dma_wait3A_87 = tpu.memref_slice %arg7[%mul3A_73, %dma_wait3A_86] : memref<10112x128xf32, #tpu.memory_space<vmem_shared>> -> memref<624x128xf32, #tpu.memory_space<vmem_shared>>
      tpu.wait_dma2 semaphore(%run_scoped3A_78 : memref<!tpu.dma_semaphore, #tpu.memory_space<semaphore_mem>>) src(%dma_wait3A_87 : memref<624x128xf32, #tpu.memory_space<vmem_shared>>) dst(%dma_wait3A_85 : memref<624x128xf32, #tpu.memory_space<hbm>>)
      tpu.yield
    }) : () -> ()
    %eq3A = arith.constant 15 : i32
    %eq3A_76 = arith.cmpi eq, %arg1, %eq3A : i32
    %convert_element_type3A = arith.extui %eq3A_76 : i1 to i32
    %cond3A = arith.constant 0 : i32
    %cond3A_77 = arith.cmpi ne, %convert_element_type3A, %cond3A : i32
    scf.if %cond3A_77 {
      "tpu.region"() ({
        %run_scoped3A_78 = tpu.sem_alloc : memref<!tpu.dma_semaphore, #tpu.memory_space<semaphore_mem>>
        %dma_start3A_79 = arith.constant 9984 : i32
        %dma_start3A_80 = arith.constant 0 : i32
        %dma_start3A_81 = tpu.memref_slice %arg4[%arg0, %dma_start3A_79, %dma_start3A_80] : memref<2x10000x128xf32, #tpu.memory_space<hbm>> -> memref<1x16x128xf32, #tpu.memory_space<hbm>>
        %dma_start3A_82 = tpu.memref_squeeze %dma_start3A_81 : memref<1x16x128xf32, #tpu.memory_space<hbm>> -> memref<16x128xf32, #tpu.memory_space<hbm>>
        %dma_start3A_83 = arith.constant 9984 : i32
        %dma_start3A_84 = arith.constant 0 : i32
        %dma_start3A_85 = tpu.memref_slice %arg7[%dma_start3A_83, %dma_start3A_84] : memref<10112x128xf32, #tpu.memory_space<vmem_shared>> -> memref<16x128xf32, #tpu.memory_space<vmem_shared>>
        tpu.enqueue_dma source(%dma_start3A_85 : memref<16x128xf32, #tpu.memory_space<vmem_shared>>) target(%dma_start3A_82 : memref<16x128xf32, #tpu.memory_space<hbm>>) target_semaphore(%run_scoped3A_78 : memref<!tpu.dma_semaphore, #tpu.memory_space<semaphore_mem>>)
        %dma_wait3A = arith.constant 9984 : i32
        %dma_wait3A_86 = arith.constant 0 : i32
        %dma_wait3A_87 = tpu.memref_slice %arg4[%arg0, %dma_wait3A, %dma_wait3A_86] : memref<2x10000x128xf32, #tpu.memory_space<hbm>> -> memref<1x16x128xf32, #tpu.memory_space<hbm>>
        %dma_wait3A_88 = tpu.memref_squeeze %dma_wait3A_87 : memref<1x16x128xf32, #tpu.memory_space<hbm>> -> memref<16x128xf32, #tpu.memory_space<hbm>>
        %dma_wait3A_89 = arith.constant 9984 : i32
        %dma_wait3A_90 = arith.constant 0 : i32
        %dma_wait3A_91 = tpu.memref_slice %arg7[%dma_wait3A_89, %dma_wait3A_90] : memref<10112x128xf32, #tpu.memory_space<vmem_shared>> -> memref<16x128xf32, #tpu.memory_space<vmem_shared>>
        tpu.wait_dma2 semaphore(%run_scoped3A_78 : memref<!tpu.dma_semaphore, #tpu.memory_space<semaphore_mem>>) src(%dma_wait3A_91 : memref<16x128xf32, #tpu.memory_space<vmem_shared>>) dst(%dma_wait3A_88 : memref<16x128xf32, #tpu.memory_space<hbm>>)
        tpu.yield
      }) : () -> ()
    } else {
    }
    return
  }
}

module attributes {stable_mosaic.version = 14 : i64} {
  func.func @_prep_body(%arg0: memref<2x10000x1xf32, #tpu.memory_space<vmem>>, %arg1: memref<10000x128xf32, #tpu.memory_space<vmem>>, %arg2: memref<128x128xf32, #tpu.memory_space<vmem>>, %arg3: memref<10000x128xf32, #tpu.memory_space<vmem>>, %arg4: memref<10000x1xf32, #tpu.memory_space<vmem>>) attributes {dimension_semantics = [], scalar_prefetch = 0 : i64, scratch_operands = 0 : i64, tpu.core_type = #tpu.core_type<tc>} {
    %get3A = arith.constant 0 : index
    %get3A_0 = arith.constant 0 : index
    %get3A_1 = arith.constant 0 : index
    %get3A_2 = vector.load %arg0[%get3A, %get3A_0, %get3A_1] : memref<2x10000x1xf32, #tpu.memory_space<vmem>>, vector<1x10000x1xf32>
    %get3A_3 = vector.shape_cast %get3A_2 : vector<1x10000x1xf32> to vector<10000x1xf32>
    %get3A_4 = arith.constant 1 : index
    %get3A_5 = arith.constant 0 : index
    %get3A_6 = arith.constant 0 : index
    %get3A_7 = vector.load %arg0[%get3A_4, %get3A_5, %get3A_6] : memref<2x10000x1xf32, #tpu.memory_space<vmem>>, vector<1x10000x1xf32>
    %get3A_8 = vector.shape_cast %get3A_7 : vector<1x10000x1xf32> to vector<10000x1xf32>
    %add3A = arith.addf %get3A_3, %get3A_8 : vector<10000x1xf32>
    %add3A_9 = arith.constant 1.000000e+00 : f32
    %add3A_10 = vector.broadcast %add3A_9 : f32 to vector<10000x1xf32>
    %add3A_11 = arith.addf %add3A, %add3A_10 : vector<10000x1xf32>
    %rsqrt3A = math.rsqrt %add3A_11 : vector<10000x1xf32>
    %swap3A = arith.constant 0 : index
    %swap3A_12 = arith.constant 0 : index
    %swap3A_13 = vector.load %arg4[%swap3A, %swap3A_12] : memref<10000x1xf32, #tpu.memory_space<vmem>>, vector<10000x1xf32>
    tpu.vector_store %arg4[%swap3A, %swap3A_12], %rsqrt3A {strides = array<i32>} : memref<10000x1xf32, #tpu.memory_space<vmem>>, vector<10000x1xf32>,
    %get3A_14 = arith.constant 0 : index
    %get3A_15 = arith.constant 0 : index
    %get3A_16 = vector.load %arg1[%get3A_14, %get3A_15] : memref<10000x128xf32, #tpu.memory_space<vmem>>, vector<10000x128xf32>
    %get3A_17 = arith.constant 0 : index
    %get3A_18 = arith.constant 0 : index
    %get3A_19 = vector.load %arg2[%get3A_17, %get3A_18] : memref<128x128xf32, #tpu.memory_space<vmem>>, vector<128x128xf32>
    %dot_general3A = arith.constant dense<0.000000e+00> : vector<10000x128xf32>
    %dot_general3A_20 = tpu.matmul %get3A_16, %get3A_19, %dot_general3A {dimension_numbers = #tpu.dot_dimension_numbers<[1], [0], [0], [1], [0, 0, 1, 1], [], []>, transpose_lhs_hint = false} : vector<10000x128xf32>, vector<128x128xf32>, vector<10000x128xf32> -> vector<10000x128xf32>
    %mul3A = vector.broadcast %rsqrt3A : vector<10000x1xf32> to vector<10000x128xf32>
    %mul3A_21 = arith.mulf %mul3A, %dot_general3A_20 : vector<10000x128xf32>
    %swap3A_22 = arith.constant 0 : index
    %swap3A_23 = arith.constant 0 : index
    %swap3A_24 = vector.load %arg3[%swap3A_22, %swap3A_23] : memref<10000x128xf32, #tpu.memory_space<vmem>>, vector<10000x128xf32>
    tpu.vector_store %arg3[%swap3A_22, %swap3A_23], %mul3A_21 {strides = array<i32>} : memref<10000x128xf32, #tpu.memory_space<vmem>>, vector<10000x128xf32>,
    return
  }
}

module attributes {stable_mosaic.version = 14 : i64} {
  func.func @_mid_body(%arg0: memref<2x10000x128xf32, #tpu.memory_space<vmem>>, %arg1: memref<10000x128xf32, #tpu.memory_space<vmem>>, %arg2: memref<10000x1xf32, #tpu.memory_space<vmem>>, %arg3: memref<1x128xf32, #tpu.memory_space<vmem>>, %arg4: memref<1x128xf32, #tpu.memory_space<vmem>>, %arg5: memref<1x128xf32, #tpu.memory_space<vmem>>, %arg6: memref<1x128xf32, #tpu.memory_space<vmem>>, %arg7: memref<1x128xf32, #tpu.memory_space<vmem>>, %arg8: memref<128x128xf32, #tpu.memory_space<vmem>>, %arg9: memref<10000x128xf32, #tpu.memory_space<vmem>>) attributes {dimension_semantics = [], scalar_prefetch = 0 : i64, scratch_operands = 0 : i64, tpu.core_type = #tpu.core_type<tc>} {
    %get3A = arith.constant 0 : index
    %get3A_0 = arith.constant 0 : index
    %get3A_1 = vector.load %arg2[%get3A, %get3A_0] : memref<10000x1xf32, #tpu.memory_space<vmem>>, vector<10000x1xf32>
    %get3A_2 = arith.constant 0 : index
    %get3A_3 = arith.constant 0 : index
    %get3A_4 = arith.constant 0 : index
    %get3A_5 = vector.load %arg0[%get3A_2, %get3A_3, %get3A_4] : memref<2x10000x128xf32, #tpu.memory_space<vmem>>, vector<1x10000x128xf32>
    %get3A_6 = vector.shape_cast %get3A_5 : vector<1x10000x128xf32> to vector<10000x128xf32>
    %get3A_7 = arith.constant 1 : index
    %get3A_8 = arith.constant 0 : index
    %get3A_9 = arith.constant 0 : index
    %get3A_10 = vector.load %arg0[%get3A_7, %get3A_8, %get3A_9] : memref<2x10000x128xf32, #tpu.memory_space<vmem>>, vector<1x10000x128xf32>
    %get3A_11 = vector.shape_cast %get3A_10 : vector<1x10000x128xf32> to vector<10000x128xf32>
    %add3A = arith.addf %get3A_6, %get3A_11 : vector<10000x128xf32>
    %get3A_12 = arith.constant 0 : index
    %get3A_13 = arith.constant 0 : index
    %get3A_14 = vector.load %arg1[%get3A_12, %get3A_13] : memref<10000x128xf32, #tpu.memory_space<vmem>>, vector<10000x128xf32>
    %add3A_15 = arith.addf %add3A, %get3A_14 : vector<10000x128xf32>
    %mul3A = vector.broadcast %get3A_1 : vector<10000x1xf32> to vector<10000x128xf32>
    %mul3A_16 = arith.mulf %mul3A, %add3A_15 : vector<10000x128xf32>
    %get3A_17 = arith.constant 0 : index
    %get3A_18 = arith.constant 0 : index
    %get3A_19 = vector.load %arg3[%get3A_17, %get3A_18] : memref<1x128xf32, #tpu.memory_space<vmem>>, vector<1x128xf32>
    %add3A_20 = vector.broadcast %get3A_19 : vector<1x128xf32> to vector<10000x128xf32>
    %add3A_21 = arith.addf %mul3A_16, %add3A_20 : vector<10000x128xf32>
    %get3A_22 = arith.constant 0 : index
    %get3A_23 = arith.constant 0 : index
    %get3A_24 = vector.load %arg4[%get3A_22, %get3A_23] : memref<1x128xf32, #tpu.memory_space<vmem>>, vector<1x128xf32>
    %get3A_25 = arith.constant 0 : index
    %get3A_26 = arith.constant 0 : index
    %get3A_27 = vector.load %arg7[%get3A_25, %get3A_26] : memref<1x128xf32, #tpu.memory_space<vmem>>, vector<1x128xf32>
    %add3A_28 = arith.constant 9.99999974E-6 : f32
    %add3A_29 = vector.broadcast %add3A_28 : f32 to vector<1x128xf32>
    %add3A_30 = arith.addf %get3A_27, %add3A_29 : vector<1x128xf32>
    %rsqrt3A = math.rsqrt %add3A_30 : vector<1x128xf32>
    %mul3A_31 = arith.mulf %get3A_24, %rsqrt3A : vector<1x128xf32>
    %mul3A_32 = vector.broadcast %mul3A_31 : vector<1x128xf32> to vector<10000x128xf32>
    %mul3A_33 = arith.mulf %add3A_21, %mul3A_32 : vector<10000x128xf32>
    %get3A_34 = arith.constant 0 : index
    %get3A_35 = arith.constant 0 : index
    %get3A_36 = vector.load %arg5[%get3A_34, %get3A_35] : memref<1x128xf32, #tpu.memory_space<vmem>>, vector<1x128xf32>
    %get3A_37 = arith.constant 0 : index
    %get3A_38 = arith.constant 0 : index
    %get3A_39 = vector.load %arg6[%get3A_37, %get3A_38] : memref<1x128xf32, #tpu.memory_space<vmem>>, vector<1x128xf32>
    %mul3A_40 = arith.mulf %get3A_39, %mul3A_31 : vector<1x128xf32>
    %sub3A = arith.subf %get3A_36, %mul3A_40 : vector<1x128xf32>
    %add3A_41 = vector.broadcast %sub3A : vector<1x128xf32> to vector<10000x128xf32>
    %add3A_42 = arith.addf %mul3A_33, %add3A_41 : vector<10000x128xf32>
    %max3A = arith.constant 0.000000e+00 : f32
    %max3A_43 = vector.broadcast %max3A : f32 to vector<10000x128xf32>
    %max3A_44 = arith.maximumf %add3A_42, %max3A_43 : vector<10000x128xf32>
    %get3A_45 = arith.constant 0 : index
    %get3A_46 = arith.constant 0 : index
    %get3A_47 = vector.load %arg8[%get3A_45, %get3A_46] : memref<128x128xf32, #tpu.memory_space<vmem>>, vector<128x128xf32>
    %dot_general3A = arith.constant dense<0.000000e+00> : vector<10000x128xf32>
    %dot_general3A_48 = tpu.matmul %max3A_44, %get3A_47, %dot_general3A {dimension_numbers = #tpu.dot_dimension_numbers<[1], [0], [0], [1], [0, 0, 1, 1], [], []>, transpose_lhs_hint = false} : vector<10000x128xf32>, vector<128x128xf32>, vector<10000x128xf32> -> vector<10000x128xf32>
    %mul3A_49 = vector.broadcast %get3A_1 : vector<10000x1xf32> to vector<10000x128xf32>
    %mul3A_50 = arith.mulf %mul3A_49, %dot_general3A_48 : vector<10000x128xf32>
    %swap3A = arith.constant 0 : index
    %swap3A_51 = arith.constant 0 : index
    %swap3A_52 = vector.load %arg9[%swap3A, %swap3A_51] : memref<10000x128xf32, #tpu.memory_space<vmem>>, vector<10000x128xf32>
    tpu.vector_store %arg9[%swap3A, %swap3A_51], %mul3A_50 {strides = array<i32>} : memref<10000x128xf32, #tpu.memory_space<vmem>>, vector<10000x128xf32>,
    return
  }
}

module attributes {stable_mosaic.version = 14 : i64} {
  func.func @_final_body(%arg0: memref<2x10000x128xf32, #tpu.memory_space<vmem>>, %arg1: memref<10000x128xf32, #tpu.memory_space<vmem>>, %arg2: memref<10000x1xf32, #tpu.memory_space<vmem>>, %arg3: memref<1x128xf32, #tpu.memory_space<vmem>>, %arg4: memref<1x128xf32, #tpu.memory_space<vmem>>, %arg5: memref<1x128xf32, #tpu.memory_space<vmem>>, %arg6: memref<1x128xf32, #tpu.memory_space<vmem>>, %arg7: memref<1x128xf32, #tpu.memory_space<vmem>>, %arg8: memref<1x10000xi32, #tpu.memory_space<vmem>>, %arg9: memref<128x128xf32, #tpu.memory_space<vmem>>, %arg10: memref<1x128xf32, #tpu.memory_space<vmem>>, %arg11: memref<128x2xf32, #tpu.memory_space<vmem>>, %arg12: memref<1x2xf32, #tpu.memory_space<vmem>>, %arg13: memref<64x2xf32, #tpu.memory_space<vmem>>) attributes {dimension_semantics = [], scalar_prefetch = 0 : i64, scratch_operands = 0 : i64, tpu.core_type = #tpu.core_type<tc>} {
    %get3A = arith.constant 0 : index
    %get3A_0 = arith.constant 0 : index
    %get3A_1 = vector.load %arg2[%get3A, %get3A_0] : memref<10000x1xf32, #tpu.memory_space<vmem>>, vector<10000x1xf32>
    %get3A_2 = arith.constant 0 : index
    %get3A_3 = arith.constant 0 : index
    %get3A_4 = arith.constant 0 : index
    %get3A_5 = vector.load %arg0[%get3A_2, %get3A_3, %get3A_4] : memref<2x10000x128xf32, #tpu.memory_space<vmem>>, vector<1x10000x128xf32>
    %get3A_6 = vector.shape_cast %get3A_5 : vector<1x10000x128xf32> to vector<10000x128xf32>
    %get3A_7 = arith.constant 1 : index
    %get3A_8 = arith.constant 0 : index
    %get3A_9 = arith.constant 0 : index
    %get3A_10 = vector.load %arg0[%get3A_7, %get3A_8, %get3A_9] : memref<2x10000x128xf32, #tpu.memory_space<vmem>>, vector<1x10000x128xf32>
    %get3A_11 = vector.shape_cast %get3A_10 : vector<1x10000x128xf32> to vector<10000x128xf32>
    %add3A = arith.addf %get3A_6, %get3A_11 : vector<10000x128xf32>
    %get3A_12 = arith.constant 0 : index
    %get3A_13 = arith.constant 0 : index
    %get3A_14 = vector.load %arg1[%get3A_12, %get3A_13] : memref<10000x128xf32, #tpu.memory_space<vmem>>, vector<10000x128xf32>
    %add3A_15 = arith.addf %add3A, %get3A_14 : vector<10000x128xf32>
    %mul3A = vector.broadcast %get3A_1 : vector<10000x1xf32> to vector<10000x128xf32>
    %mul3A_16 = arith.mulf %mul3A, %add3A_15 : vector<10000x128xf32>
    %get3A_17 = arith.constant 0 : index
    %get3A_18 = arith.constant 0 : index
    %get3A_19 = vector.load %arg3[%get3A_17, %get3A_18] : memref<1x128xf32, #tpu.memory_space<vmem>>, vector<1x128xf32>
    %add3A_20 = vector.broadcast %get3A_19 : vector<1x128xf32> to vector<10000x128xf32>
    %add3A_21 = arith.addf %mul3A_16, %add3A_20 : vector<10000x128xf32>
    %get3A_22 = arith.constant 0 : index
    %get3A_23 = arith.constant 0 : index
    %get3A_24 = vector.load %arg4[%get3A_22, %get3A_23] : memref<1x128xf32, #tpu.memory_space<vmem>>, vector<1x128xf32>
    %get3A_25 = arith.constant 0 : index
    %get3A_26 = arith.constant 0 : index
    %get3A_27 = vector.load %arg7[%get3A_25, %get3A_26] : memref<1x128xf32, #tpu.memory_space<vmem>>, vector<1x128xf32>
    %add3A_28 = arith.constant 9.99999974E-6 : f32
    %add3A_29 = vector.broadcast %add3A_28 : f32 to vector<1x128xf32>
    %add3A_30 = arith.addf %get3A_27, %add3A_29 : vector<1x128xf32>
    %rsqrt3A = math.rsqrt %add3A_30 : vector<1x128xf32>
    %mul3A_31 = arith.mulf %get3A_24, %rsqrt3A : vector<1x128xf32>
    %mul3A_32 = vector.broadcast %mul3A_31 : vector<1x128xf32> to vector<10000x128xf32>
    %mul3A_33 = arith.mulf %add3A_21, %mul3A_32 : vector<10000x128xf32>
    %get3A_34 = arith.constant 0 : index
    %get3A_35 = arith.constant 0 : index
    %get3A_36 = vector.load %arg5[%get3A_34, %get3A_35] : memref<1x128xf32, #tpu.memory_space<vmem>>, vector<1x128xf32>
    %get3A_37 = arith.constant 0 : index
    %get3A_38 = arith.constant 0 : index
    %get3A_39 = vector.load %arg6[%get3A_37, %get3A_38] : memref<1x128xf32, #tpu.memory_space<vmem>>, vector<1x128xf32>
    %mul3A_40 = arith.mulf %get3A_39, %mul3A_31 : vector<1x128xf32>
    %sub3A = arith.subf %get3A_36, %mul3A_40 : vector<1x128xf32>
    %add3A_41 = vector.broadcast %sub3A : vector<1x128xf32> to vector<10000x128xf32>
    %add3A_42 = arith.addf %mul3A_33, %add3A_41 : vector<10000x128xf32>
    %max3A = arith.constant 0.000000e+00 : f32
    %max3A_43 = vector.broadcast %max3A : f32 to vector<10000x128xf32>
    %max3A_44 = arith.maximumf %add3A_42, %max3A_43 : vector<10000x128xf32>
    %iota3A = tpu.iota {dimensions = array<i32: 0>} : vector<64x10000xi32>
    %get3A_45 = arith.constant 0 : index
    %get3A_46 = arith.constant 0 : index
    %get3A_47 = vector.load %arg8[%get3A_45, %get3A_46] : memref<1x10000xi32, #tpu.memory_space<vmem>>, vector<1x10000xi32>
    %eq3A = vector.broadcast %get3A_47 : vector<1x10000xi32> to vector<64x10000xi32>
    %eq3A_48 = arith.cmpi eq, %iota3A, %eq3A : vector<64x10000xi32>
    %jit3A = arith.constant 1.000000e+00 : f32
    %jit3A_49 = arith.constant 0.000000e+00 : f32
    %broadcast_in_dim3A = vector.broadcast %jit3A : f32 to vector<64x10000xf32>
    %broadcast_in_dim3A_50 = vector.broadcast %jit3A_49 : f32 to vector<64x10000xf32>
    %select_n3A = arith.select %eq3A_48, %broadcast_in_dim3A, %broadcast_in_dim3A_50 : vector<64x10000xi1>, vector<64x10000xf32>
    %dot_general3A = arith.constant dense<0.000000e+00> : vector<64x128xf32>
    %dot_general3A_51 = tpu.matmul %select_n3A, %max3A_44, %dot_general3A {dimension_numbers = #tpu.dot_dimension_numbers<[1], [0], [0], [1], [0, 0, 1, 1], [], []>, transpose_lhs_hint = false} : vector<64x10000xf32>, vector<10000x128xf32>, vector<64x128xf32> -> vector<64x128xf32>
    %reduce_sum3A = arith.constant dense<0.000000e+00> : vector<64xf32>
    %reduce_sum3A_52 = vector.multi_reduction <add>, %select_n3A, %reduce_sum3A [1] : vector<64x10000xf32> to vector<64xf32>
    %broadcast_in_dim3A_53 = vector.shape_cast %reduce_sum3A_52 : vector<64xf32> to vector<64x1xf32>
    %max3A_54 = arith.constant 1.000000e+00 : f32
    %max3A_55 = vector.broadcast %max3A_54 : f32 to vector<64x1xf32>
    %max3A_56 = arith.maximumf %broadcast_in_dim3A_53, %max3A_55 : vector<64x1xf32>
    %div3A = vector.broadcast %max3A_56 : vector<64x1xf32> to vector<64x128xf32>
    %div3A_57 = arith.divf %dot_general3A_51, %div3A : vector<64x128xf32>
    %get3A_58 = arith.constant 0 : index
    %get3A_59 = arith.constant 0 : index
    %get3A_60 = vector.load %arg9[%get3A_58, %get3A_59] : memref<128x128xf32, #tpu.memory_space<vmem>>, vector<128x128xf32>
    %dot_general3A_61 = arith.constant dense<0.000000e+00> : vector<64x128xf32>
    %dot_general3A_62 = tpu.matmul %div3A_57, %get3A_60, %dot_general3A_61 {dimension_numbers = #tpu.dot_dimension_numbers<[1], [0], [0], [1], [0, 0, 1, 1], [], []>, transpose_lhs_hint = false} : vector<64x128xf32>, vector<128x128xf32>, vector<64x128xf32> -> vector<64x128xf32>
    %get3A_63 = arith.constant 0 : index
    %get3A_64 = arith.constant 0 : index
    %get3A_65 = vector.load %arg10[%get3A_63, %get3A_64] : memref<1x128xf32, #tpu.memory_space<vmem>>, vector<1x128xf32>
    %add3A_66 = vector.broadcast %get3A_65 : vector<1x128xf32> to vector<64x128xf32>
    %add3A_67 = arith.addf %dot_general3A_62, %add3A_66 : vector<64x128xf32>
    %max3A_68 = arith.constant 0.000000e+00 : f32
    %max3A_69 = vector.broadcast %max3A_68 : f32 to vector<64x128xf32>
    %max3A_70 = arith.maximumf %add3A_67, %max3A_69 : vector<64x128xf32>
    %get3A_71 = arith.constant 0 : index
    %get3A_72 = arith.constant 0 : index
    %get3A_73 = vector.load %arg11[%get3A_71, %get3A_72] : memref<128x2xf32, #tpu.memory_space<vmem>>, vector<128x2xf32>
    %dot_general3A_74 = arith.constant dense<0.000000e+00> : vector<64x2xf32>
    %dot_general3A_75 = tpu.matmul %max3A_70, %get3A_73, %dot_general3A_74 {dimension_numbers = #tpu.dot_dimension_numbers<[1], [0], [0], [1], [0, 0, 1, 1], [], []>, transpose_lhs_hint = false} : vector<64x128xf32>, vector<128x2xf32>, vector<64x2xf32> -> vector<64x2xf32>
    %get3A_76 = arith.constant 0 : index
    %get3A_77 = arith.constant 0 : index
    %get3A_78 = vector.load %arg12[%get3A_76, %get3A_77] : memref<1x2xf32, #tpu.memory_space<vmem>>, vector<1x2xf32>
    %add3A_79 = vector.broadcast %get3A_78 : vector<1x2xf32> to vector<64x2xf32>
    %add3A_80 = arith.addf %dot_general3A_75, %add3A_79 : vector<64x2xf32>
    %reduce_max3A = arith.constant dense<0xFF800000> : vector<64xf32>
    %reduce_max3A_81 = vector.multi_reduction <maximumf>, %add3A_80, %reduce_max3A [1] : vector<64x2xf32> to vector<64xf32>
    %broadcast_in_dim3A_82 = vector.shape_cast %reduce_max3A_81 : vector<64xf32> to vector<64x1xf32>
    %sub3A_83 = vector.broadcast %broadcast_in_dim3A_82 : vector<64x1xf32> to vector<64x2xf32>
    %sub3A_84 = arith.subf %add3A_80, %sub3A_83 : vector<64x2xf32>
    %exp3A = math.exp %sub3A_84 : vector<64x2xf32>
    %sub3A_85 = vector.broadcast %broadcast_in_dim3A_82 : vector<64x1xf32> to vector<64x2xf32>
    %sub3A_86 = arith.subf %add3A_80, %sub3A_85 : vector<64x2xf32>
    %reduce_sum3A_87 = arith.constant dense<0.000000e+00> : vector<64xf32>
    %reduce_sum3A_88 = vector.multi_reduction <add>, %exp3A, %reduce_sum3A_87 [1] : vector<64x2xf32> to vector<64xf32>
    %broadcast_in_dim3A_89 = vector.shape_cast %reduce_sum3A_88 : vector<64xf32> to vector<64x1xf32>
    %log3A = math.log %broadcast_in_dim3A_89 : vector<64x1xf32>
    %sub3A_90 = vector.broadcast %log3A : vector<64x1xf32> to vector<64x2xf32>
    %sub3A_91 = arith.subf %sub3A_86, %sub3A_90 : vector<64x2xf32>
    %swap3A = arith.constant 0 : index
    %swap3A_92 = arith.constant 0 : index
    %swap3A_93 = vector.load %arg13[%swap3A, %swap3A_92] : memref<64x2xf32, #tpu.memory_space<vmem>>, vector<64x2xf32>
    tpu.vector_store %arg13[%swap3A, %swap3A_92], %sub3A_91 {strides = array<i32>} : memref<64x2xf32, #tpu.memory_space<vmem>>, vector<64x2xf32>,
    return
  }
}

</mosaic_0001>

<sc_bundles>
// kernel: kernel.10.cloned.1.call-start
scs
__scs_entry_jumppad:
0x0: {  	(pc) =	sbr.rel $0x88, $3  }
0x1: {  	(tag) =	ssettag $0x0;
	lr =	simm.s32 $0x1  }
0x2: {  	[smem:$0x3F88] =	sst lr;
	_ =	strace $0xD0000000  }
0x3: {  	_ = 	snop  }
0x4: {  	_ = 	snop  }
0x5: {  	_ = 	snop  }
0x6: {  	_ = 	snop  }
0x7: {  	_ = 	snop  }
__scs_overlays_trampoline_lowered:
0x8: {  	[smem:$0x3F97] =	sst s0  }
0x9: {  	[smem:$0x3F98] =	sst s1  }
0xa: {  	[smem:$0x3F99] =	sst s2  }
0xb: {  	[smem:$0x3F9A] =	sst s3  }
0xc: {  	[smem:$0x3F9B] =	sst s4  }
0xd: {  	[smem:$0x3F9C] =	sst s5  }
0xe: {  	[smem:$0x3F9D] =	sst s6  }
0xf: {  	[smem:$0x3F9E] =	sst s7  }
0x10: {  	[smem:$0x3F9F] =	sst s8  }
0x11: {  	[smem:$0x3FA0] =	sst s9;
	s0 =	simm.s32 @!p0 $0x0  }
0x12: {  	s1 =	sld [smem:$0x3F86];
	s0 =	simm.s32 @p0 $0x1  }
0x13: {  	[smem:$0x3FA1] =	sst s0;
	s0 =	simm.s32 @!p1 $0x0  }
0x14: {  	s2 =	sld [smem:$0x3F85];
	s0 =	simm.s32 @p1 $0x1  }
0x15: {  	[smem:$0x3FA2] =	sst s0;
	s0 =	simm.s32 @!p2 $0x0  }
0x16: {  	s3 =	sld [smem:$0x3FDB];
	s0 =	simm.s32 @p2 $0x1  }
0x17: {  	s4 =	simm.s32 $0x1BF5;
	[smem:$0x3FA4] =	sst s0  }
0x18: {  	s0 =	sld [smem:$0x3F87];
	_ =	swait.ge [sflag:s4], $0x0  }
0x19: {  	s7 =	sld [smem:$0x3F88]  }
0x1a: {  	s8 =	sadd.s32 $0xFFFFE003, lr  }
0x1b: {  	s9 =	sadd.s32 $0xFFFFFEF7, lr;
	s5 =	simm.s32 $0xFFFFFFFF;
	p2 =	slt.u32 s8, $0xFFFFF086  }
0x1c: {  	p1 =	slt.u32 s9, $0xF7A;
	s5 =	simm.s32 @!p2 $0x0  }
0x1d: {  	s5 =	simm.s32 @p1 $0x1;
	p0 =	seq.s32 s7, s2  }
0x1e: {  	s7 =	smul.u32 @!p0 $0xF7A, s2;
	p2 =	seq.s32 @!p0 s5, $0x0  }
0x1f: {  	s9 =	smul.u32 $0xF7A, s1;
	s8 =	simm.s32 @!p0 $0x1BF5;
	p2 =	por !p2, p0  }
0x20: {  	[sflag:s8] =	ssyncset.s32 @!p0 $0xFFFFF086;
	s6 =	sadd.s32 @!p0 s3, s7;
	s7 =	simm.s32 @!p0 $0x108  }
0x21: {  	s3 =	sadd.s32 s3, s9;
	s6 =	sadd.s32 @!p0 $0x88, s6;
	s7 =	simm.s32 @p2 $0x1082  }
0x22: {  	[simem:s7], [sflag:s8] =	dma.local @!p0 [hbm:s6], $0xF7A  }
0x23: {  	s9 =	sor.u32 $0xD0000000, s2;
	s6 =	simm.s32 $0x108;
	_ =	swait.ge @!p0 [sflag:s8], $0x0  }
0x24: {  	s3 =	sadd.s32 $0x88, s3;
	s6 =	simm.s32 @!p1 $0x1082;
	[sflag:s4] =	ssyncset.s32 $0xFFFFF086  }
0x25: {  	[simem:s6], [sflag:s4] =	dma.local [hbm:s3], $0xF7A  }
0x26: {  	[smem:$0x3F88] =	sst s1;
	(tag) =	ssettag s2;
	_ =	strace s9  }
0x27: {  	s1 =	sld [smem:$0x3F98]  }
0x28: {  	s2 =	sld [smem:$0x3F99]  }
0x29: {  	s4 =	sld [smem:$0x3F9B]  }
0x2a: {  	p0 =	seq.s32 s5, $0x0;
	s5 =	sld [smem:$0x3F9C]  }
0x2b: {  	s6 =	sld [smem:$0x3F9D]  }
0x2c: {  	s7 =	sld [smem:$0x3F9E]  }
0x2d: {  	s3 =	simm.s32 $0x108;
	s8 =	sld [smem:$0x3F9F]  }
0x2e: {  	s3 =	simm.s32 @!p0 $0x1082;
	s9 =	sld [smem:$0x3FA0]  }
0x2f: {  	lr =	sadd.s32 s0, s3;
	s0 =	sld [smem:$0x3F97]  }
0x30: {  	s3 =	sld [smem:$0x3F9A]  }
0x31: {  	[smem:$0x3FA3] =	sst s10  }
0x32: {  	s10 =	sld [smem:$0x3FA1];
	_ =	sdelay $0x3  }
0x33: {  	p0 =	seq.s32 s10, $0x1;
	s10 =	sld [smem:$0x3FA3];
	_ =	sdelay $0x3  }
0x34: {  	[smem:$0x3FA3] =	sst s10  }
0x35: {  	s10 =	sld [smem:$0x3FA2];
	_ =	sdelay $0x3  }
0x36: {  	p1 =	seq.s32 s10, $0x1;
	s10 =	sld [smem:$0x3FA3];
	_ =	sdelay $0x3  }
0x37: {  	[smem:$0x3FA3] =	sst s10  }
0x38: {  	s10 =	sld [smem:$0x3FA4]  }
0x39: {  	_ = 	snop;
	(pc) =	sbr.ind lr, $3  }
0x3a: {  	_ = 	snop  }
0x3b: {  	_ = 	snop  }
0x3c: {  	p2 =	seq.s32 s10, $0x1;
	s10 =	sld [smem:$0x3FA3]  }
0x3d: {  	_ =	shalt  }
0x3e: {  	_ =	shalt  }
0x3f: {  	_ =	shalt  }
0x40: {  	_ =	shalt  }
0x41: {  	_ =	shalt  }
0x42: {  	_ =	shalt  }
0x43: {  	_ =	shalt  }
0x44: {  	_ =	shalt  }
0x45: {  	_ =	shalt  }
0x46: {  	_ =	shalt  }
0x47: {  	_ =	shalt  }
0x48: {  	_ =	shalt  }
0x49: {  	_ =	shalt  }
0x4a: {  	_ =	shalt  }
0x4b: {  	_ =	shalt  }
0x4c: {  	_ =	shalt  }
0x4d: {  	_ =	shalt  }
0x4e: {  	_ =	shalt  }
0x4f: {  	_ =	shalt  }
0x50: {  	_ =	shalt  }
0x51: {  	_ =	shalt  }
0x52: {  	_ =	shalt  }
0x53: {  	_ =	shalt  }
0x54: {  	_ =	shalt  }
0x55: {  	_ =	shalt  }
0x56: {  	_ =	shalt  }
0x57: {  	_ =	shalt  }
0x58: {  	_ =	shalt  }
0x59: {  	_ =	shalt  }
0x5a: {  	_ =	shalt  }
0x5b: {  	_ =	shalt  }
0x5c: {  	_ =	shalt  }
0x5d: {  	_ =	shalt  }
0x5e: {  	_ =	shalt  }
0x5f: {  	_ =	shalt  }
0x60: {  	_ =	shalt  }
0x61: {  	_ =	shalt  }
0x62: {  	_ =	shalt  }
0x63: {  	_ =	shalt  }
0x64: {  	_ =	shalt  }
0x65: {  	_ =	shalt  }
0x66: {  	_ =	shalt  }
0x67: {  	_ =	shalt  }
0x68: {  	_ =	shalt  }
0x69: {  	_ =	shalt  }
0x6a: {  	_ =	shalt  }
0x6b: {  	_ =	shalt  }
0x6c: {  	_ =	shalt  }
0x6d: {  	_ =	shalt  }
0x6e: {  	_ =	shalt  }
0x6f: {  	_ =	shalt  }
0x70: {  	_ =	shalt  }
0x71: {  	_ =	shalt  }
0x72: {  	_ =	shalt  }
0x73: {  	_ =	shalt  }
0x74: {  	_ =	shalt  }
0x75: {  	_ =	shalt  }
0x76: {  	_ =	shalt  }
0x77: {  	_ =	shalt  }
0x78: {  	_ =	shalt  }
0x79: {  	_ =	shalt  }
0x7a: {  	_ =	shalt  }
0x7b: {  	_ =	shalt  }
0x7c: {  	_ =	shalt  }
0x7d: {  	_ =	shalt  }
0x7e: {  	_ =	shalt  }
0x7f: {  	_ =	shalt  }
0x80: {  	_ =	shalt  }
0x81: {  	_ =	shalt  }
0x82: {  	_ =	shalt  }
0x83: {  	_ =	shalt  }
0x84: {  	_ =	shalt  }
0x85: {  	_ =	shalt  }
0x86: {  	_ =	shalt  }
0x87: {  	_ =	shalt  }
.Lfunc_end0:
.L_simem_size_0:
called_computation_lowered:
.L_overlay_start_0:
0x88: {  	s2 =	sld [smem:$0x3FD9]  }
0x89: {  	s3 =	sld [smem:$0x3FFE];
	_ =	sdelay $0x1  }
0x8a: {  	s1 =	srdreg.scid  }
0x8b: {  	s0 =	sand.u32 $0x1, s1  }
0x8c: {  	s16 =	sshll.u32 s0, $0xA;
	s2 =	sadd.s32 s3, s2  }
0x8d: {  	s2 =	sadd.s32 s2, s16  }
0x8e: {  	[smem:$0x3FAF] =	sst s2  }
0x8f: {  	_ = 	snop  }
0x90: {  	(tm) =	ssettm $0x1  }
0x91: {  	s17 =	sld [smem:$0x3FFB];
	_ =	sdelay $0x3  }
0x92: {  	_ =	strace s17  }
0x93: {  	s2 =	sld [smem:$0x3FFC];
	_ =	sdelay $0x3  }
0x94: {  	_ =	strace s2  }
0x95: {  	s2 =	sld [smem:$0x3FFD];
	_ =	sdelay $0x3  }
0x96: {  	_ =	strace s2  }
0x97: {  	_ =	strace $0x8FFFFFFF  }
0x98: {  	s18 =	sld [smem:$0x3FDB];
	_ =	sdelay $0x1  }
0x99: {  	s19 =	simm.s32 $_scs_section_size  }
0x9a: {  	s4 =	simm.s32 $_size__tile_overlayer_lowered;
	s5 =	simm.s32 $_tile_overlayer_lowered  }
0x9b: {  	s22 =	simm.s32 $0x1BFF;
	s21 =	sshll.u32 s5, $0x1;
	s2 =	sadd.s32 s19, s18  }
0x9c: {  	s6 =	simm.s32 $0x0;
	s20 =	sshll.u32 s4, $0x1;
	s4 =	sadd.s32 s21, s2  }
0x9d: {  	[timem:s6], [sflag:s22] =	dma.local [hbm:s4], s20  }
0x9e: {  	_ =	swait.ge [sflag:s22], s20  }
0x9f: {  	s3 =	ssub.s32 $0x0, s20;
	[sflag:s22] =	ssyncset.done $0x0  }
0xa0: {  	[sflag:s22] =	ssyncadd.s32 s3;
	_ =	sdelay $0x1  }
0xa1: {  	s23 =	simm.s32 $0x1B8B  }
0xa2: {  	_ =	swait.ge [sflag:s23], $0x1  }
0xa3: {  	[sflag:s23] =	ssyncset.done $0x0  }
0xa4: {  	s25 =	simm.s32 $0x1B8E;
	s24 =	sld [smem:$0x3FFE];
	[sflag:s23] =	ssyncadd.s32 $0xFFFFFFFF  }
0xa5: {  	s26 =	simm.s32 $execute0_lowered;
	[smem:$0x3FD2] =	sst s25  }
0xa6: {  	s4 =	sshll.u32 s26, $0x1;
	_ =	strace $0x80000046;
	[dreg:$0x1] =	wrdreg $0xFFFFFFFF  }
0xa7: {  	s28 =	simm.s32 $_size_execute0_lowered;
	s2 =	sadd.s32 s2, s4;
	[dreg:$0x0] =	wrdreg $0x0  }
0xa8: {  	s4 =	sshll.u32 s28, $0x1;
	[dreg:$0x2] =	wrdreg s2  }
0xa9: {  	[dreg:$0x3] =	wrdreg s4  }
0xaa: {  	[dreg:$0x4] =	wrdreg $0xC0  }
0xab: {  	_ =	task [dreg:s6], $0x5FFFF  }
0xac: {  	[dreg:$0x1] =	wrdreg $0xFFFFFFFF  }
0xad: {  	[dreg:$0x0] =	wrdreg $0x60  }
0xae: {  	[dreg:$0x2] =	wrdreg s24  }
0xaf: {  	[dreg:$0x3] =	wrdreg $0x2B000  }
0xb0: {  	[dreg:$0x4] =	wrdreg $0x9  }
0xb1: {  	_ =	task.clear_ibuf [dreg:s6], $0x5FFFF;
	_ =	strace $0x90000046  }
0xb2: {  	s29 =	simm.s32 $0x9;
	_ =	strace $0x80000048  }
0xb3: {  	_ =	swait.ge [sflag:s29], $0x1  }
0xb4: {  	[sflag:s29] =	ssyncadd.s32 $0xFFFFFFFF  }
0xb5: {  	_ =	strace $0x90000048  }
0xb6: {  	_ =	sfence  }
0xb7: {  	s30 =	sld [smem:$0x0];
	_ =	sdelay $0x2  }
0xb8: {  	s31 =	sshll.u32 s1, $0xD;
	s1 =	sshrl.u32 s1, $0x2  }
0xb9: {  	s3 =	sand.u32 $0x4000, s31;
	s1 =	sadd.s32 s1, s30  }
0xba: {  	s0 =	sor.u32 s3, s0;
	s1 =	sshll.u32 s1, $0x11  }
0xbb: {  	s0 =	sor.u32 s1, s0  }
0xbc: {  	s0 =	sadd.s32 $0x8F2B, s0  }
0xbd: {  	[sflag:s0] =	ssyncadd.remote.s32 $0x1  }
0xbe: {  	_ =	sfence.sel $0xFFFF  }
0xbf: {  	[dreg:$0x0] =	wrdreg $0xFFFFFFFF;
	(pc) =	sbr.abs _section_cstart, $3  }
0xc0: {  	[dreg:$0x1] =	wrdreg $0xFFFFFFFF  }
0xc1: {  	_ =	task.clear_ibuf [dreg:s6], $0x2FFFF;
	_ =	strace $0x9FFFFFFF  }
0xc2: {  	(tm) =	ssettm $0x7FFFFFFF  }
0xc3: {  	_ =	shalt  }
tec
execute0_lowered:
.L_overlay_start_1:
0x0: {  	(tag) =	ssettag $0x1  }
0x1: {  	s4 =	rddreg [dreg:$0x0]  }
0x2: {  	s2 =	rddreg [dreg:$0x1]  }
0x3: {  	s0 =	rddreg [dreg:$0x2]  }
0x4: {  	s3 =	srdreg.scid;
	s1 =	stileid.u32  }
0x5: {  	s10 =	simm.s32 $0x80;
	s11 =	simm.s32 $0x2800;
	s14 =	simm.s32 $0x20  }
0x6: {  	s15 =	simm.s32 $0x10;
	s16 =	simm.s32 $0x0;
	s5 =	sand.u32 $0x1, s3  }
0x7: {  	s6 =	smul.u32 $0x500, s1;
	s7 =	sshll.u32 s1, $0x1;
	s3 =	simm.s32 $0x0  }
0x8: {  	s31 =	smul.u32 $0xA00, s1;
	s12 =	sshll.u32 s1, $0x6;
	s8 =	sshll.u32 s5, $0x7  }
0x9: {  	s7 =	sor.u32 s5, s7;
	[smem:$0x7FF] =	sst s3;
	s5 =	ssub.s32 $0x2, s5  }
0xa: {  	s12 =	sor.u32 $0x1C01, s12;
	s6 =	sor.u32 s8, s6;
	s7 =	smul.u32 $0x5000, s7  }
0xb: {  	_ =	strace $0x80000047;
	s9 =	sshrl.u32 s5, $0x1;
	s8 =	sshrl.u32 s31, $0x2  }
0xc: {  	s6 =	sshrl.u32 s6, $0x3;
	s9 =	ssub.s32 s5, s9;
	s7 =	sshrl.u32 s7, $0x3  }
0xd: {  	s6 =	sadd.s32 s6, s4;
	s7 =	sadd.s32 s4, s7;
	s4 =	sadd.s32 s8, s2  }
0xe: {  	s6 =	sadd.s32 $0x19400, s6;
	s8 =	simm.s32 $0x2880;
	s5 =	sadd.s32 $0x5900, s7  }
0xf: {  	v0 =	vimm.f32 $1.000000000e+00;
	v1 =	vimm.f32 $0.0e+00;
	s7 =	smax.u32 s9, $0x1;
	s9 =	simm.s32 $0x1;
	s13 =	sshrl.u32 s4, $0x3  }
.LBB2_1:
0x10: {  	[tilespmem:$0x2800] =	vst v0  }
0x11: {  	[tilespmem:$0x2810] =	vst v0  }
0x12: {  	[tilespmem:$0x2820] =	vst v0  }
0x13: {  	[tilespmem:$0x2830] =	vst v0  }
0x14: {  	[tilespmem:$0x2840] =	vst v0  }
0x15: {  	[tilespmem:$0x2850] =	vst v0  }
0x16: {  	[tilespmem:$0x2860] =	vst v0  }
0x17: {  	[tilespmem:$0x2870] =	vst v0  }
0x18: {  	[tilespmem:$0x2880] =	vst v1  }
0x19: {  	[tilespmem:$0x2890] =	vst v1  }
0x1a: {  	[tilespmem:$0x28A0] =	vst v1  }
0x1b: {  	[tilespmem:$0x28B0] =	vst v1  }
0x1c: {  	[tilespmem:$0x28C0] =	vst v1  }
0x1d: {  	[tilespmem:$0x28D0] =	vst v1  }
0x1e: {  	[tilespmem:$0x28E0] =	vst v1  }
0x1f: {  	[tilespmem:$0x28F0] =	vst v1  }
0x20: {  	[tilespmem:$0x2900] =	vst v1  }
0x21: {  	[tilespmem:$0x2910] =	vst v1  }
0x22: {  	[tilespmem:$0x2920] =	vst v1  }
0x23: {  	[tilespmem:$0x2930] =	vst v1  }
0x24: {  	[tilespmem:$0x2940] =	vst v1  }
0x25: {  	[tilespmem:$0x2950] =	vst v1  }
0x26: {  	[tilespmem:$0x2960] =	vst v1  }
0x27: {  	[tilespmem:$0x2970] =	vst v1  }
0x28: {  	[tilespmem:$0x2980] =	vst v1  }
0x29: {  	[tilespmem:$0x2990] =	vst v1  }
0x2a: {  	[tilespmem:$0x29A0] =	vst v1  }
0x2b: {  	[tilespmem:$0x29B0] =	vst v1  }
0x2c: {  	[tilespmem:$0x29C0] =	vst v1  }
0x2d: {  	[tilespmem:$0x29D0] =	vst v1  }
0x2e: {  	[tilespmem:$0x29E0] =	vst v1  }
0x2f: {  	[tilespmem:$0x29F0] =	vst v1  }
0x30: {  	[tilespmem:$0x2A00] =	vst v1  }
0x31: {  	[tilespmem:$0x2A10] =	vst v1  }
0x32: {  	[tilespmem:$0x2A20] =	vst v1  }
0x33: {  	[tilespmem:$0x2A30] =	vst v1  }
0x34: {  	[tilespmem:$0x2A40] =	vst v1  }
0x35: {  	[tilespmem:$0x2A50] =	vst v1  }
0x36: {  	[tilespmem:$0x2A60] =	vst v1  }
0x37: {  	[tilespmem:$0x2A70] =	vst v1  }
0x38: {  	[tilespmem:$0x2A80] =	vst v1  }
0x39: {  	[tilespmem:$0x2A90] =	vst v1  }
0x3a: {  	[tilespmem:$0x2AA0] =	vst v1  }
0x3b: {  	[tilespmem:$0x2AB0] =	vst v1  }
0x3c: {  	[tilespmem:$0x2AC0] =	vst v1  }
0x3d: {  	[tilespmem:$0x2AD0] =	vst v1  }
0x3e: {  	[tilespmem:$0x2AE0] =	vst v1  }
0x3f: {  	[tilespmem:$0x2AF0] =	vst v1  }
0x40: {  	[spmem:s4] =	stream.linear.scatter [tilespmem:s8], [sflag:$0x1], $0x280, $0x38;
	[tilespmem:$0x2D80] =	vst v63  }
0x41: {  	_ =	swait.ge [sflag:s9], $0x280  }
0x42: {  	[sflag:s9] =	ssyncset.done $0x0  }
0x43: {  	[sflag:s9] =	ssyncadd.s32 $0xFFFFFD80  }
0x44: {  	[tilespmem:s3], [sflag:$0x1] =	stream.linear.gather [hbm4b:s5+s3], $0x2800, $0x38;
	[tilespmem:$0x2D80] =	vst v63  }
0x45: {  	_ =	swait.ge [sflag:s9], $0x2800  }
0x46: {  	[sflag:s9] =	ssyncset.done $0x0  }
0x47: {  	[sflag:s9] =	ssyncadd.s32 $0xFFFFD800  }
0x48: {  	s17 =	simm.s32 $0x0;
	[bflag:$0x0] =	sbarrier.arrive $0xFFFF  }
0x49: {  	[spmem:s2] =	stream.indirect.scatter.add.f32 [tilespmem:s11], [sflag:$0x1], $0x1, s17, s10, $0xb8;
	[tilespmem:$0x2D80] =	vst v63  }
0x4a: {  	_ =	swait.ge [sflag:s9], $0x80  }
0x4b: {  	s17 =	simm.s32 $0x200;
	[sflag:s9] =	ssyncset.done $0x0  }
.LBB2_2:
0x4c: {  	s18 =	sshra.s32 s17, $0x2;
	[sflag:s9] =	ssyncadd.s32 $0xFFFFFF80;
	p0 =	sne.s32 s17, $0x9E00  }
0x4d: {  	[spmem:s2] =	stream.indirect.scatter.add.f32 [tilespmem:s11], [sflag:$0x1], $0x1, s18, s10, $0xb8;
	[tilespmem:$0x2D80] =	vst v63  }
.Ltmp0:
0x4e: {  	_ = 	snop;
	(pc) =	sbr.rel @p0 .LBB2_2-.Ltmp0, $4  }
0x4f: {  	_ = 	snop  }
0x50: {  	s17 =	sadd.s32 $0x200, s17  }
0x51: {  	_ =	swait.ge [sflag:s9], $0x80  }
0x52: {  	[sflag:s9] =	ssyncset.done $0x0  }
0x53: {  	s16 =	sadd.s32 $0x1, s16  }
0x54: {  	[sflag:s9] =	ssyncadd.s32 $0xFFFFFF80;
	p0 =	sne.s32 s16, s7  }
.Ltmp1:
0x55: {  	[bflag:$0x0] =	sbarrier.arrive $0xFFFF;
	(pc) =	sbr.rel @p0 .LBB2_1-.Ltmp1, $4  }
0x56: {  	[hbm:s6@s14], [sflag:s12] =	dma.strided [spmem:s13@s15], $0x50, s9, $0x10   }
0x57: {  	_ =	swait.ge [sflag:s9], $0x50  }
0x58: {  	[sflag:s9] =	ssyncset.done $0x0  }
0x59: {  	[sflag:s9] =	ssyncadd.s32 $0xFFFFFFB0  }
0x5a: {  	_ =	sfence.sel $0x180000  }
0x5b: {  	[bflag:$0x0] =	sbarrier.arrive $0xFFFF  }
0x5c: {  	p0 =	sne.s32 s1, $0x0;
	_ =	strace $0x90000047  }
0x5d: {  	s0 =	sadd.s32 @!p0 $0x100000, s0;
	[bflag:$0x2] =	sbarrier.arrive $0xFFFF  }
0x5e: {  	[sflag:s0] =	ssyncadd.tile.s32 @!p0 $0x1;
	_ =	shalt  }
.Lfunc_end2:
_tile_overlayer_lowered:
.L_overlay_start_2:
0x5f: {  	(tag) =	ssettag $0x2  }
0x60: {  	s0 =	rddreg [dreg:$0x0];
	s2 =	stileid.u32  }
0x61: {  	s1 =	rddreg [dreg:$0x1];
	p0 =	sne.s32 s2, $0x0  }
0x62: {  	s3 =	rddreg [dreg:$0x2];
	[bflag:$0x3] =	sbarrier.arrive $0xFFFF;
	s2 =	simm.s32 @!p0 $0x1C01  }
0x63: {  	[timem:s3], [sflag:s2] =	dma.local @!p0 [hbm:s0], s1  }
0x64: {  	s0 =	simm.s32 @!p0 $0x1  }
0x65: {  	_ =	swait.ge @!p0 [sflag:s0], s1  }
0x66: {  	s1 =	ssub.s32 @!p0 $0x0, s1;
	[sflag:s0] =	ssyncset.done @!p0 $0x0  }
0x67: {  	[sflag:s0] =	ssyncadd.s32 @!p0 s1  }
0x68: {  	[bflag:$0x3] =	sbarrier.arrive $0xFFFF  }
0x69: {  	_ =	shalt  }

// kernel: kernel.13.cloned.1.call-start
scs
__scs_entry_jumppad:
0x0: {  	(pc) =	sbr.rel $0x88, $3  }
0x1: {  	(tag) =	ssettag $0x0;
	lr =	simm.s32 $0x1  }
0x2: {  	[smem:$0x3F88] =	sst lr;
	_ =	strace $0xD0000000  }
0x3: {  	_ = 	snop  }
0x4: {  	_ = 	snop  }
0x5: {  	_ = 	snop  }
0x6: {  	_ = 	snop  }
0x7: {  	_ = 	snop  }
__scs_overlays_trampoline_lowered:
0x8: {  	[smem:$0x3F97] =	sst s0  }
0x9: {  	[smem:$0x3F98] =	sst s1  }
0xa: {  	[smem:$0x3F99] =	sst s2  }
0xb: {  	[smem:$0x3F9A] =	sst s3  }
0xc: {  	[smem:$0x3F9B] =	sst s4  }
0xd: {  	[smem:$0x3F9C] =	sst s5  }
0xe: {  	[smem:$0x3F9D] =	sst s6  }
0xf: {  	[smem:$0x3F9E] =	sst s7  }
0x10: {  	[smem:$0x3F9F] =	sst s8  }
0x11: {  	[smem:$0x3FA0] =	sst s9;
	s0 =	simm.s32 @!p0 $0x0  }
0x12: {  	s1 =	sld [smem:$0x3F86];
	s0 =	simm.s32 @p0 $0x1  }
0x13: {  	[smem:$0x3FA1] =	sst s0;
	s0 =	simm.s32 @!p1 $0x0  }
0x14: {  	s2 =	sld [smem:$0x3F85];
	s0 =	simm.s32 @p1 $0x1  }
0x15: {  	[smem:$0x3FA2] =	sst s0;
	s0 =	simm.s32 @!p2 $0x0  }
0x16: {  	s3 =	sld [smem:$0x3FDB];
	s0 =	simm.s32 @p2 $0x1  }
0x17: {  	s4 =	simm.s32 $0x1BF5;
	[smem:$0x3FA4] =	sst s0  }
0x18: {  	s0 =	sld [smem:$0x3F87];
	_ =	swait.ge [sflag:s4], $0x0  }
0x19: {  	s7 =	sld [smem:$0x3F88]  }
0x1a: {  	s8 =	sadd.s32 $0xFFFFE003, lr  }
0x1b: {  	s9 =	sadd.s32 $0xFFFFFEF7, lr;
	s5 =	simm.s32 $0xFFFFFFFF;
	p2 =	slt.u32 s8, $0xFFFFF086  }
0x1c: {  	p1 =	slt.u32 s9, $0xF7A;
	s5 =	simm.s32 @!p2 $0x0  }
0x1d: {  	s5 =	simm.s32 @p1 $0x1;
	p0 =	seq.s32 s7, s2  }
0x1e: {  	s7 =	smul.u32 @!p0 $0xF7A, s2;
	p2 =	seq.s32 @!p0 s5, $0x0  }
0x1f: {  	s9 =	smul.u32 $0xF7A, s1;
	s8 =	simm.s32 @!p0 $0x1BF5;
	p2 =	por !p2, p0  }
0x20: {  	[sflag:s8] =	ssyncset.s32 @!p0 $0xFFFFF086;
	s6 =	sadd.s32 @!p0 s3, s7;
	s7 =	simm.s32 @!p0 $0x108  }
0x21: {  	s3 =	sadd.s32 s3, s9;
	s6 =	sadd.s32 @!p0 $0x88, s6;
	s7 =	simm.s32 @p2 $0x1082  }
0x22: {  	[simem:s7], [sflag:s8] =	dma.local @!p0 [hbm:s6], $0xF7A  }
0x23: {  	s9 =	sor.u32 $0xD0000000, s2;
	s6 =	simm.s32 $0x108;
	_ =	swait.ge @!p0 [sflag:s8], $0x0  }
0x24: {  	s3 =	sadd.s32 $0x88, s3;
	s6 =	simm.s32 @!p1 $0x1082;
	[sflag:s4] =	ssyncset.s32 $0xFFFFF086  }
0x25: {  	[simem:s6], [sflag:s4] =	dma.local [hbm:s3], $0xF7A  }
0x26: {  	[smem:$0x3F88] =	sst s1;
	(tag) =	ssettag s2;
	_ =	strace s9  }
0x27: {  	s1 =	sld [smem:$0x3F98]  }
0x28: {  	s2 =	sld [smem:$0x3F99]  }
0x29: {  	s4 =	sld [smem:$0x3F9B]  }
0x2a: {  	p0 =	seq.s32 s5, $0x0;
	s5 =	sld [smem:$0x3F9C]  }
0x2b: {  	s6 =	sld [smem:$0x3F9D]  }
0x2c: {  	s7 =	sld [smem:$0x3F9E]  }
0x2d: {  	s3 =	simm.s32 $0x108;
	s8 =	sld [smem:$0x3F9F]  }
0x2e: {  	s3 =	simm.s32 @!p0 $0x1082;
	s9 =	sld [smem:$0x3FA0]  }
0x2f: {  	lr =	sadd.s32 s0, s3;
	s0 =	sld [smem:$0x3F97]  }
0x30: {  	s3 =	sld [smem:$0x3F9A]  }
0x31: {  	[smem:$0x3FA3] =	sst s10  }
0x32: {  	s10 =	sld [smem:$0x3FA1];
	_ =	sdelay $0x3  }
0x33: {  	p0 =	seq.s32 s10, $0x1;
	s10 =	sld [smem:$0x3FA3];
	_ =	sdelay $0x3  }
0x34: {  	[smem:$0x3FA3] =	sst s10  }
0x35: {  	s10 =	sld [smem:$0x3FA2];
	_ =	sdelay $0x3  }
0x36: {  	p1 =	seq.s32 s10, $0x1;
	s10 =	sld [smem:$0x3FA3];
	_ =	sdelay $0x3  }
0x37: {  	[smem:$0x3FA3] =	sst s10  }
0x38: {  	s10 =	sld [smem:$0x3FA4]  }
0x39: {  	_ = 	snop;
	(pc) =	sbr.ind lr, $3  }
0x3a: {  	_ = 	snop  }
0x3b: {  	_ = 	snop  }
0x3c: {  	p2 =	seq.s32 s10, $0x1;
	s10 =	sld [smem:$0x3FA3]  }
0x3d: {  	_ =	shalt  }
0x3e: {  	_ =	shalt  }
0x3f: {  	_ =	shalt  }
0x40: {  	_ =	shalt  }
0x41: {  	_ =	shalt  }
0x42: {  	_ =	shalt  }
0x43: {  	_ =	shalt  }
0x44: {  	_ =	shalt  }
0x45: {  	_ =	shalt  }
0x46: {  	_ =	shalt  }
0x47: {  	_ =	shalt  }
0x48: {  	_ =	shalt  }
0x49: {  	_ =	shalt  }
0x4a: {  	_ =	shalt  }
0x4b: {  	_ =	shalt  }
0x4c: {  	_ =	shalt  }
0x4d: {  	_ =	shalt  }
0x4e: {  	_ =	shalt  }
0x4f: {  	_ =	shalt  }
0x50: {  	_ =	shalt  }
0x51: {  	_ =	shalt  }
0x52: {  	_ =	shalt  }
0x53: {  	_ =	shalt  }
0x54: {  	_ =	shalt  }
0x55: {  	_ =	shalt  }
0x56: {  	_ =	shalt  }
0x57: {  	_ =	shalt  }
0x58: {  	_ =	shalt  }
0x59: {  	_ =	shalt  }
0x5a: {  	_ =	shalt  }
0x5b: {  	_ =	shalt  }
0x5c: {  	_ =	shalt  }
0x5d: {  	_ =	shalt  }
0x5e: {  	_ =	shalt  }
0x5f: {  	_ =	shalt  }
0x60: {  	_ =	shalt  }
0x61: {  	_ =	shalt  }
0x62: {  	_ =	shalt  }
0x63: {  	_ =	shalt  }
0x64: {  	_ =	shalt  }
0x65: {  	_ =	shalt  }
0x66: {  	_ =	shalt  }
0x67: {  	_ =	shalt  }
0x68: {  	_ =	shalt  }
0x69: {  	_ =	shalt  }
0x6a: {  	_ =	shalt  }
0x6b: {  	_ =	shalt  }
0x6c: {  	_ =	shalt  }
0x6d: {  	_ =	shalt  }
0x6e: {  	_ =	shalt  }
0x6f: {  	_ =	shalt  }
0x70: {  	_ =	shalt  }
0x71: {  	_ =	shalt  }
0x72: {  	_ =	shalt  }
0x73: {  	_ =	shalt  }
0x74: {  	_ =	shalt  }
0x75: {  	_ =	shalt  }
0x76: {  	_ =	shalt  }
0x77: {  	_ =	shalt  }
0x78: {  	_ =	shalt  }
0x79: {  	_ =	shalt  }
0x7a: {  	_ =	shalt  }
0x7b: {  	_ =	shalt  }
0x7c: {  	_ =	shalt  }
0x7d: {  	_ =	shalt  }
0x7e: {  	_ =	shalt  }
0x7f: {  	_ =	shalt  }
0x80: {  	_ =	shalt  }
0x81: {  	_ =	shalt  }
0x82: {  	_ =	shalt  }
0x83: {  	_ =	shalt  }
0x84: {  	_ =	shalt  }
0x85: {  	_ =	shalt  }
0x86: {  	_ =	shalt  }
0x87: {  	_ =	shalt  }
.Lfunc_end0:
.L_simem_size_0:
called_computation.1_lowered:
.L_overlay_start_0:
0x88: {  	s2 =	sld [smem:$0x3FD9]  }
0x89: {  	s3 =	sld [smem:$0x3FFE];
	_ =	sdelay $0x1  }
0x8a: {  	s1 =	srdreg.scid  }
0x8b: {  	s0 =	sand.u32 $0x1, s1  }
0x8c: {  	s16 =	sshll.u32 s0, $0xA;
	s2 =	sadd.s32 s3, s2  }
0x8d: {  	s2 =	sadd.s32 s2, s16  }
0x8e: {  	[smem:$0x3FAF] =	sst s2  }
0x8f: {  	_ = 	snop  }
0x90: {  	(tm) =	ssettm $0x1  }
0x91: {  	s17 =	sld [smem:$0x3FFB];
	_ =	sdelay $0x3  }
0x92: {  	_ =	strace s17  }
0x93: {  	s2 =	sld [smem:$0x3FFC];
	_ =	sdelay $0x3  }
0x94: {  	_ =	strace s2  }
0x95: {  	s2 =	sld [smem:$0x3FFD];
	_ =	sdelay $0x3  }
0x96: {  	_ =	strace s2  }
0x97: {  	_ =	strace $0x8FFFFFFF  }
0x98: {  	s18 =	sld [smem:$0x3FDB];
	_ =	sdelay $0x1  }
0x99: {  	s19 =	simm.s32 $_scs_section_size  }
0x9a: {  	s4 =	simm.s32 $_size__tile_overlayer_lowered;
	s5 =	simm.s32 $_tile_overlayer_lowered  }
0x9b: {  	s22 =	simm.s32 $0x1BFF;
	s21 =	sshll.u32 s5, $0x1;
	s2 =	sadd.s32 s19, s18  }
0x9c: {  	s6 =	simm.s32 $0x0;
	s20 =	sshll.u32 s4, $0x1;
	s4 =	sadd.s32 s21, s2  }
0x9d: {  	[timem:s6], [sflag:s22] =	dma.local [hbm:s4], s20  }
0x9e: {  	_ =	swait.ge [sflag:s22], s20  }
0x9f: {  	s3 =	ssub.s32 $0x0, s20;
	[sflag:s22] =	ssyncset.done $0x0  }
0xa0: {  	[sflag:s22] =	ssyncadd.s32 s3;
	_ =	sdelay $0x1  }
0xa1: {  	s23 =	simm.s32 $0x1B8B  }
0xa2: {  	_ =	swait.ge [sflag:s23], $0x1  }
0xa3: {  	[sflag:s23] =	ssyncset.done $0x0  }
0xa4: {  	s25 =	simm.s32 $0x1B8E;
	s24 =	sld [smem:$0x3FFE];
	[sflag:s23] =	ssyncadd.s32 $0xFFFFFFFF  }
0xa5: {  	s26 =	simm.s32 $execute0_lowered;
	[smem:$0x3FD2] =	sst s25  }
0xa6: {  	s4 =	sshll.u32 s26, $0x1;
	_ =	strace $0x80000049;
	[dreg:$0x1] =	wrdreg $0xFFFFFFFF  }
0xa7: {  	s28 =	simm.s32 $_size_execute0_lowered;
	s2 =	sadd.s32 s2, s4;
	[dreg:$0x0] =	wrdreg $0x0  }
0xa8: {  	s4 =	sshll.u32 s28, $0x1;
	[dreg:$0x2] =	wrdreg s2  }
0xa9: {  	[dreg:$0x3] =	wrdreg s4  }
0xaa: {  	[dreg:$0x4] =	wrdreg $0xC0  }
0xab: {  	_ =	task [dreg:s6], $0x5FFFF  }
0xac: {  	[dreg:$0x1] =	wrdreg $0xFFFFFFFF  }
0xad: {  	[dreg:$0x0] =	wrdreg $0x60  }
0xae: {  	[dreg:$0x2] =	wrdreg s24  }
0xaf: {  	[dreg:$0x3] =	wrdreg $0xA8000  }
0xb0: {  	[dreg:$0x4] =	wrdreg $0x9  }
0xb1: {  	_ =	task.clear_ibuf [dreg:s6], $0x5FFFF;
	_ =	strace $0x90000049  }
0xb2: {  	s29 =	simm.s32 $0x9;
	_ =	strace $0x8000004B  }
0xb3: {  	_ =	swait.ge [sflag:s29], $0x1  }
0xb4: {  	[sflag:s29] =	ssyncadd.s32 $0xFFFFFFFF  }
0xb5: {  	_ =	strace $0x9000004B  }
0xb6: {  	_ =	sfence  }
0xb7: {  	s30 =	sld [smem:$0x0];
	_ =	sdelay $0x2  }
0xb8: {  	s31 =	sshll.u32 s1, $0xD;
	s1 =	sshrl.u32 s1, $0x2  }
0xb9: {  	s3 =	sand.u32 $0x4000, s31;
	s1 =	sadd.s32 s1, s30  }
0xba: {  	s0 =	sor.u32 s3, s0;
	s1 =	sshll.u32 s1, $0x11  }
0xbb: {  	s0 =	sor.u32 s1, s0  }
0xbc: {  	s0 =	sadd.s32 $0x8F2B, s0  }
0xbd: {  	[sflag:s0] =	ssyncadd.remote.s32 $0x1  }
0xbe: {  	_ =	sfence.sel $0xFFFF  }
0xbf: {  	[dreg:$0x0] =	wrdreg $0xFFFFFFFF;
	(pc) =	sbr.abs _section_cstart, $3  }
0xc0: {  	[dreg:$0x1] =	wrdreg $0xFFFFFFFF  }
0xc1: {  	_ =	task.clear_ibuf [dreg:s6], $0x2FFFF;
	_ =	strace $0x9FFFFFFF  }
0xc2: {  	(tm) =	ssettm $0x7FFFFFFF  }
0xc3: {  	_ =	shalt  }
tec
execute0_lowered:
.L_overlay_start_1:
0x0: {  	(tag) =	ssettag $0x1  }
0x1: {  	s1 =	srdreg.scid  }
0x2: {  	s0 =	stileid.u32;
	s5 =	rddreg [dreg:$0x0]  }
0x3: {  	s2 =	rddreg [dreg:$0x1];
	s3 =	simm.s32 $0x0;
	s17 =	simm.s32 $0x80  }
0x4: {  	s18 =	simm.s32 $0x1;
	s19 =	simm.s32 $0x2780;
	s20 =	simm.s32 $0x6800  }
0x5: {  	s23 =	simm.s32 $0x0;
	s7 =	sand.u32 $0x1, s1;
	s8 =	smul.u32 $0x4F000, s0  }
0x6: {  	s30 =	sshll.u32 s0, $0x1;
	s1 =	rddreg [dreg:$0x2];
	s15 =	smul.u32 $0x13800, s0  }
0x7: {  	[smem:$0x7FF] =	sst s3;
	s12 =	sadd.s32 $0x40600, s5;
	s16 =	smul.u32 $0x4E000, s0  }
0x8: {  	s22 =	sadd.s32 $0x138000, s2;
	p0 =	sne.s32 s0, $0xF;
	s4 =	sor.u32 s7, s30  }
0x9: {  	_ =	strace $0x8000004A;
	s31 =	ssub.s32 $0x2, s7;
	s13 =	smul.u32 $0x138800, s7  }
0xa: {  	s22 =	sshrl.u32 @!p0 s22, $0x3;
	s6 =	smul.u32 $0x5000, s4;
	s4 =	sadd.s32 $0x19400, s5  }
0xb: {  	s8 =	sshrl.u32 s8, $0x2;
	s9 =	sshrl.u32 s31, $0x1;
	s16 =	sshrl.u32 s16, $0x2  }
0xc: {  	s14 =	ssub.s32 s31, s9;
	s15 =	sadd.s32 s15, s13;
	s13 =	sshrl.u32 s13, $0x3  }
0xd: {  	s21 =	sadd.s32 s16, s2;
	s16 =	simm.s32 $0x2;
	s6 =	sshrl.u32 s6, $0x3  }
0xe: {  	s15 =	sshrl.u32 s15, $0x3;
	s13 =	sadd.s32 s12, s13;
	s14 =	smax.u32 s14, $0x1  }
0xf: {  	s21 =	sshrl.u32 s21, $0x3;
	s11 =	sadd.s32 s6, s5;
	s5 =	sadd.s32 s8, s2  }
0x10: {  	s12 =	sadd.s32 s12, s15;
	s13 =	sadd.s32 $0x27000, s13;
	s15 =	simm.s32 $0x2800  }
0x11: {  	s6 =	sadd.s32 $0x4000, s5;
	s7 =	sadd.s32 $0x8000, s5;
	s8 =	sadd.s32 $0xC000, s5  }
0x12: {  	v0 =	vimm.f32 $0.0e+00;
	s9 =	sadd.s32 $0x10000, s5;
	s10 =	sadd.s32 $0x5400, s11;
	s11 =	sadd.s32 $0x5680, s11  }
.LBB2_1:
0x13: {  	s24 =	simm.s32 $0x0;
	s25 =	simm.s32 $0x200  }
.LBB2_2:
0x14: {  	p1 =	sne.s32 s25, $0xFE00;
	[tilespmem:s24+$0x2870] =	vst v0  }
0x15: {  	[tilespmem:s24+$0x2800] =	vst v0  }
0x16: {  	[tilespmem:s24+$0x2810] =	vst v0  }
.Ltmp0:
0x17: {  	[tilespmem:s24+$0x2820] =	vst v0;
	(pc) =	sbr.rel @p1 .LBB2_2-.Ltmp0, $4  }
0x18: {  	[tilespmem:s24+$0x2830] =	vst v0  }
0x19: {  	[tilespmem:s24+$0x2840] =	vst v0  }
0x1a: {  	[tilespmem:s24+$0x2850] =	vst v0  }
0x1b: {  	[tilespmem:s24+$0x2860] =	vst v0;
	s24 =	sshra.s32 s25, $0x2;
	s25 =	sadd.s32 $0x200, s25  }
0x1c: {  	[tilespmem:s24+$0x2870] =	vst v0  }
0x1d: {  	[tilespmem:s24+$0x2800] =	vst v0  }
0x1e: {  	[tilespmem:s24+$0x2810] =	vst v0  }
0x1f: {  	[tilespmem:s24+$0x2820] =	vst v0  }
0x20: {  	[tilespmem:s24+$0x2830] =	vst v0  }
0x21: {  	[tilespmem:s24+$0x2840] =	vst v0  }
0x22: {  	[tilespmem:s24+$0x2850] =	vst v0  }
0x23: {  	[tilespmem:s24+$0x2860] =	vst v0  }
0x24: {  	[spmem:s5] =	stream.linear.scatter [tilespmem:s15], [sflag:$0x2], $0x4000, $0x38;
	[tilespmem:$0x1E400] =	vst v63  }
0x25: {  	_ =	swait.ge [sflag:s16], $0x4000  }
0x26: {  	[sflag:s16] =	ssyncset.done $0x0  }
0x27: {  	[sflag:s16] =	ssyncadd.s32 $0xFFFFC000  }
0x28: {  	[spmem:s6] =	stream.linear.scatter [tilespmem:s15], [sflag:$0x2], $0x4000, $0x38;
	[tilespmem:$0x1E400] =	vst v63  }
0x29: {  	_ =	swait.ge [sflag:s16], $0x4000  }
0x2a: {  	[sflag:s16] =	ssyncset.done $0x0  }
0x2b: {  	[sflag:s16] =	ssyncadd.s32 $0xFFFFC000  }
0x2c: {  	[spmem:s7] =	stream.linear.scatter [tilespmem:s15], [sflag:$0x2], $0x4000, $0x38;
	[tilespmem:$0x1E400] =	vst v63  }
0x2d: {  	_ =	swait.ge [sflag:s16], $0x4000  }
0x2e: {  	[sflag:s16] =	ssyncset.done $0x0  }
0x2f: {  	[sflag:s16] =	ssyncadd.s32 $0xFFFFC000  }
0x30: {  	[spmem:s8] =	stream.linear.scatter [tilespmem:s15], [sflag:$0x2], $0x4000, $0x38;
	[tilespmem:$0x1E400] =	vst v63  }
0x31: {  	_ =	swait.ge [sflag:s16], $0x4000  }
0x32: {  	[sflag:s16] =	ssyncset.done $0x0  }
0x33: {  	[sflag:s16] =	ssyncadd.s32 $0xFFFFC000  }
0x34: {  	[spmem:s9] =	stream.linear.scatter [tilespmem:s15], [sflag:$0x2], $0x3C00, $0x38;
	[tilespmem:$0x1E400] =	vst v63  }
0x35: {  	_ =	swait.ge [sflag:s16], $0x3C00  }
0x36: {  	[sflag:s16] =	ssyncset.done $0x0  }
0x37: {  	[sflag:s16] =	ssyncadd.s32 $0xFFFFC400  }
0x38: {  	s24 =	simm.s32 $0x1400;
	[bflag:$0x0] =	sbarrier.arrive $0xFFFF  }
0x39: {  	[tilespmem:s3], [sflag:$0x2] =	stream.strided.gather [hbm4b:s10+s24], $0x2800, s15, s24, $0x38;
	[tilespmem:$0x1E400] =	vst v63  }
0x3a: {  	_ =	swait.ge [sflag:s16], $0x2800  }
0x3b: {  	[sflag:s16] =	ssyncset.done $0x0  }
0x3c: {  	[sflag:s16] =	ssyncadd.s32 $0xFFFFD800  }
0x3d: {  	[tilespmem:s15], [sflag:$0x1] =	stream.indirect.gather [hbm4b:s4+s17], $0x80, s3, s17, $0xb8;
	[tilespmem:$0x1E400] =	vst v63  }
0x3e: {  	s25 =	simm.s32 $0x4000;
	s26 =	simm.s32 $0x80;
	_ =	swait.ge [sflag:s18], $0x4000  }
0x3f: {  	s28 =	simm.s32 $0x0;
	s25 =	sand.u32 $0x4000, s25;
	[sflag:s18] =	ssyncset.done $0x0  }
0x40: {  	s28 =	sand.u32 $0x4000, s28;
	s25 =	sor.u32 $0x2800, s25;
	[sflag:s18] =	ssyncadd.s32 $0xFFFFC000  }
0x41: {  	[tilespmem:s25], [sflag:$0x1] =	stream.indirect.gather [hbm4b:s4+s17], $0x80, s26, s17, $0xb8;
	[tilespmem:$0x1E400] =	vst v63  }
0x42: {  	s31 =	sor.u32 $0x2800, s28  }
0x43: {  	[spmem:s2] =	stream.indirect.scatter.add.f32 [tilespmem:s31], [sflag:$0x2], $0x80, s24, s17, $0xb8;
	[tilespmem:$0x1E400] =	vst v63  }
0x44: {  	_ =	swait.ge [sflag:s16], $0x4000  }
0x45: {  	s25 =	simm.s32 $0x8000;
	[sflag:s16] =	ssyncset.done $0x0  }
.LBB2_4:
0x46: {  	p1 =	sne.s32 s25, $0x9C000;
	[sflag:s16] =	ssyncadd.s32 $0xFFFFC000;
	s24 =	sadd.s32 $0x80, s24  }
0x47: {  	s26 =	smov.u32 s25;
	s25 =	sadd.s32 $0x4000, s25  }
0x48: {  	s28 =	sadd.s32 $0xFFFFEC80, s24;
	_ =	swait.ge [sflag:s18], $0x4000  }
0x49: {  	s29 =	sadd.s32 $0xFFFFC000, s26;
	s26 =	sand.u32 $0x4000, s26;
	[sflag:s18] =	ssyncset.done $0x0  }
0x4a: {  	s29 =	sand.u32 $0x4000, s29;
	s26 =	sor.u32 $0x2800, s26;
	[sflag:s18] =	ssyncadd.s32 $0xFFFFC000  }
0x4b: {  	[tilespmem:s26], [sflag:$0x1] =	stream.indirect.gather [hbm4b:s4+s17], $0x80, s28, s17, $0xb8;
	[tilespmem:$0x1E400] =	vst v63  }
.Ltmp1:
0x4c: {  	_ = 	snop;
	(pc) =	sbr.rel @p1 .LBB2_4-.Ltmp1, $4  }
0x4d: {  	s26 =	sor.u32 $0x2800, s29  }
0x4e: {  	[spmem:s2] =	stream.indirect.scatter.add.f32 [tilespmem:s26], [sflag:$0x2], $0x80, s24, s17, $0xb8;
	[tilespmem:$0x1E400] =	vst v63  }
0x4f: {  	_ =	swait.ge [sflag:s16], $0x4000  }
0x50: {  	[sflag:s16] =	ssyncset.done $0x0  }
0x51: {  	[sflag:s16] =	ssyncadd.s32 $0xFFFFC000  }
0x52: {  	_ =	swait.ge [sflag:s18], $0x4000  }
0x53: {  	[sflag:s18] =	ssyncset.done $0x0  }
0x54: {  	[sflag:s18] =	ssyncadd.s32 $0xFFFFC000  }
0x55: {  	[spmem:s2] =	stream.indirect.scatter.add.f32 [tilespmem:s20], [sflag:$0x2], $0x80, s19, s17, $0xb8;
	[tilespmem:$0x1E400] =	vst v63  }
0x56: {  	_ =	swait.ge [sflag:s16], $0x4000  }
0x57: {  	[sflag:s16] =	ssyncset.done $0x0  }
0x58: {  	s24 =	simm.s32 $0x1400;
	[sflag:s16] =	ssyncadd.s32 $0xFFFFC000  }
0x59: {  	[tilespmem:s3], [sflag:$0x2] =	stream.strided.gather [hbm4b:s11+s24], $0x2800, s15, s24, $0x38;
	[tilespmem:$0x1E400] =	vst v63  }
0x5a: {  	_ =	swait.ge [sflag:s16], $0x2800  }
0x5b: {  	[sflag:s16] =	ssyncset.done $0x0  }
0x5c: {  	[sflag:s16] =	ssyncadd.s32 $0xFFFFD800  }
0x5d: {  	[tilespmem:s15], [sflag:$0x1] =	stream.indirect.gather [hbm4b:s4+s17], $0x80, s3, s17, $0xb8;
	[tilespmem:$0x1E400] =	vst v63  }
0x5e: {  	s25 =	simm.s32 $0x4000;
	s26 =	simm.s32 $0x80;
	_ =	swait.ge [sflag:s18], $0x4000  }
0x5f: {  	s28 =	simm.s32 $0x0;
	s25 =	sand.u32 $0x4000, s25;
	[sflag:s18] =	ssyncset.done $0x0  }
0x60: {  	s28 =	sand.u32 $0x4000, s28;
	s25 =	sor.u32 $0x2800, s25;
	[sflag:s18] =	ssyncadd.s32 $0xFFFFC000  }
0x61: {  	[tilespmem:s25], [sflag:$0x1] =	stream.indirect.gather [hbm4b:s4+s17], $0x80, s26, s17, $0xb8;
	[tilespmem:$0x1E400] =	vst v63  }
0x62: {  	s31 =	sor.u32 $0x2800, s28  }
0x63: {  	[spmem:s2] =	stream.indirect.scatter.add.f32 [tilespmem:s31], [sflag:$0x2], $0x80, s24, s17, $0xb8;
	[tilespmem:$0x1E400] =	vst v63  }
0x64: {  	_ =	swait.ge [sflag:s16], $0x4000  }
0x65: {  	s25 =	simm.s32 $0x8000;
	[sflag:s16] =	ssyncset.done $0x0  }
.LBB2_6:
0x66: {  	p1 =	sne.s32 s25, $0x9C000;
	[sflag:s16] =	ssyncadd.s32 $0xFFFFC000;
	s24 =	sadd.s32 $0x80, s24  }
0x67: {  	s26 =	smov.u32 s25;
	s25 =	sadd.s32 $0x4000, s25  }
0x68: {  	s28 =	sadd.s32 $0xFFFFEC80, s24;
	_ =	swait.ge [sflag:s18], $0x4000  }
0x69: {  	s29 =	sadd.s32 $0xFFFFC000, s26;
	s26 =	sand.u32 $0x4000, s26;
	[sflag:s18] =	ssyncset.done $0x0  }
0x6a: {  	s29 =	sand.u32 $0x4000, s29;
	s26 =	sor.u32 $0x2800, s26;
	[sflag:s18] =	ssyncadd.s32 $0xFFFFC000  }
0x6b: {  	[tilespmem:s26], [sflag:$0x1] =	stream.indirect.gather [hbm4b:s4+s17], $0x80, s28, s17, $0xb8;
	[tilespmem:$0x1E400] =	vst v63  }
.Ltmp2:
0x6c: {  	_ = 	snop;
	(pc) =	sbr.rel @p1 .LBB2_6-.Ltmp2, $4  }
0x6d: {  	s26 =	sor.u32 $0x2800, s29  }
0x6e: {  	[spmem:s2] =	stream.indirect.scatter.add.f32 [tilespmem:s26], [sflag:$0x2], $0x80, s24, s17, $0xb8;
	[tilespmem:$0x1E400] =	vst v63  }
0x6f: {  	_ =	swait.ge [sflag:s16], $0x4000  }
0x70: {  	[sflag:s16] =	ssyncset.done $0x0  }
0x71: {  	[sflag:s16] =	ssyncadd.s32 $0xFFFFC000  }
0x72: {  	_ =	swait.ge [sflag:s18], $0x4000  }
0x73: {  	[sflag:s18] =	ssyncset.done $0x0  }
0x74: {  	[sflag:s18] =	ssyncadd.s32 $0xFFFFC000  }
0x75: {  	[spmem:s2] =	stream.indirect.scatter.add.f32 [tilespmem:s20], [sflag:$0x2], $0x80, s19, s17, $0xb8;
	[tilespmem:$0x1E400] =	vst v63  }
0x76: {  	_ =	swait.ge [sflag:s16], $0x4000  }
0x77: {  	[sflag:s16] =	ssyncset.done $0x0  }
0x78: {  	s24 =	sshll.u32 s0, $0x6;
	[sflag:s16] =	ssyncadd.s32 $0xFFFFC000  }
0x79: {  	s24 =	sor.u32 $0x1C02, s24;
	[bflag:$0x0] =	sbarrier.arrive $0xFFFF  }
0x7a: {  	[hbm:s12], [sflag:s24] =	dma.local [spmem:s21], $0x2700  }
0x7b: {  	_ =	swait.ge [sflag:s16], $0x2700  }
0x7c: {  	s23 =	sadd.s32 $0x1, s23;
	[sflag:s16] =	ssyncset.done $0x0  }
0x7d: {  	p1 =	sne.s32 s23, s14;
	[sflag:s16] =	ssyncadd.s32 $0xFFFFD900  }
0x7e: {  	[hbm:s13], [sflag:s24] =	dma.local @!p0 [spmem:s22], $0x100  }
.Ltmp3:
0x7f: {  	_ = 	snop;
	(pc) =	sbr.rel @p1 .LBB2_1-.Ltmp3, $4  }
0x80: {  	s24 =	simm.s32 @!p0 $0x2  }
0x81: {  	_ =	swait.ge @!p0 [sflag:s24], $0x100  }
0x82: {  	[sflag:s24] =	ssyncset.done @!p0 $0x0  }
0x83: {  	[sflag:s24] =	ssyncadd.s32 @!p0 $0xFFFFFF00  }
0x84: {  	_ =	sfence.sel $0x180000  }
0x85: {  	[bflag:$0x0] =	sbarrier.arrive $0xFFFF  }
0x86: {  	p0 =	sne.s32 s0, $0x0;
	_ =	strace $0x9000004A  }
0x87: {  	s0 =	sadd.s32 @!p0 $0x100000, s1;
	[bflag:$0x2] =	sbarrier.arrive $0xFFFF  }
0x88: {  	[sflag:s0] =	ssyncadd.tile.s32 @!p0 $0x1;
	_ =	shalt  }
.Lfunc_end2:
_tile_overlayer_lowered:
.L_overlay_start_2:
0x89: {  	(tag) =	ssettag $0x2  }
0x8a: {  	s0 =	rddreg [dreg:$0x0];
	s2 =	stileid.u32  }
0x8b: {  	s1 =	rddreg [dreg:$0x1];
	p0 =	sne.s32 s2, $0x0  }
0x8c: {  	s3 =	rddreg [dreg:$0x2];
	[bflag:$0x3] =	sbarrier.arrive $0xFFFF;
	s2 =	simm.s32 @!p0 $0x1C02  }
0x8d: {  	[timem:s3], [sflag:s2] =	dma.local @!p0 [hbm:s0], s1  }
0x8e: {  	s0 =	simm.s32 @!p0 $0x2  }
0x8f: {  	_ =	swait.ge @!p0 [sflag:s0], s1  }
0x90: {  	s1 =	ssub.s32 @!p0 $0x0, s1;
	[sflag:s0] =	ssyncset.done @!p0 $0x0  }
0x91: {  	[sflag:s0] =	ssyncadd.s32 @!p0 s1  }
0x92: {  	[bflag:$0x3] =	sbarrier.arrive $0xFFFF  }
0x93: {  	_ =	shalt  }

// kernel: kernel.16.cloned.1.call-start
scs
__scs_entry_jumppad:
0x0: {  	(pc) =	sbr.rel $0x88, $3  }
0x1: {  	(tag) =	ssettag $0x0;
	lr =	simm.s32 $0x1  }
0x2: {  	[smem:$0x3F88] =	sst lr;
	_ =	strace $0xD0000000  }
0x3: {  	_ = 	snop  }
0x4: {  	_ = 	snop  }
0x5: {  	_ = 	snop  }
0x6: {  	_ = 	snop  }
0x7: {  	_ = 	snop  }
__scs_overlays_trampoline_lowered:
0x8: {  	[smem:$0x3F97] =	sst s0  }
0x9: {  	[smem:$0x3F98] =	sst s1  }
0xa: {  	[smem:$0x3F99] =	sst s2  }
0xb: {  	[smem:$0x3F9A] =	sst s3  }
0xc: {  	[smem:$0x3F9B] =	sst s4  }
0xd: {  	[smem:$0x3F9C] =	sst s5  }
0xe: {  	[smem:$0x3F9D] =	sst s6  }
0xf: {  	[smem:$0x3F9E] =	sst s7  }
0x10: {  	[smem:$0x3F9F] =	sst s8  }
0x11: {  	[smem:$0x3FA0] =	sst s9;
	s0 =	simm.s32 @!p0 $0x0  }
0x12: {  	s1 =	sld [smem:$0x3F86];
	s0 =	simm.s32 @p0 $0x1  }
0x13: {  	[smem:$0x3FA1] =	sst s0;
	s0 =	simm.s32 @!p1 $0x0  }
0x14: {  	s2 =	sld [smem:$0x3F85];
	s0 =	simm.s32 @p1 $0x1  }
0x15: {  	[smem:$0x3FA2] =	sst s0;
	s0 =	simm.s32 @!p2 $0x0  }
0x16: {  	s3 =	sld [smem:$0x3FDB];
	s0 =	simm.s32 @p2 $0x1  }
0x17: {  	s4 =	simm.s32 $0x1BF5;
	[smem:$0x3FA4] =	sst s0  }
0x18: {  	s0 =	sld [smem:$0x3F87];
	_ =	swait.ge [sflag:s4], $0x0  }
0x19: {  	s7 =	sld [smem:$0x3F88]  }
0x1a: {  	s8 =	sadd.s32 $0xFFFFE003, lr  }
0x1b: {  	s9 =	sadd.s32 $0xFFFFFEF7, lr;
	s5 =	simm.s32 $0xFFFFFFFF;
	p2 =	slt.u32 s8, $0xFFFFF086  }
0x1c: {  	p1 =	slt.u32 s9, $0xF7A;
	s5 =	simm.s32 @!p2 $0x0  }
0x1d: {  	s5 =	simm.s32 @p1 $0x1;
	p0 =	seq.s32 s7, s2  }
0x1e: {  	s7 =	smul.u32 @!p0 $0xF7A, s2;
	p2 =	seq.s32 @!p0 s5, $0x0  }
0x1f: {  	s9 =	smul.u32 $0xF7A, s1;
	s8 =	simm.s32 @!p0 $0x1BF5;
	p2 =	por !p2, p0  }
0x20: {  	[sflag:s8] =	ssyncset.s32 @!p0 $0xFFFFF086;
	s6 =	sadd.s32 @!p0 s3, s7;
	s7 =	simm.s32 @!p0 $0x108  }
0x21: {  	s3 =	sadd.s32 s3, s9;
	s6 =	sadd.s32 @!p0 $0x88, s6;
	s7 =	simm.s32 @p2 $0x1082  }
0x22: {  	[simem:s7], [sflag:s8] =	dma.local @!p0 [hbm:s6], $0xF7A  }
0x23: {  	s9 =	sor.u32 $0xD0000000, s2;
	s6 =	simm.s32 $0x108;
	_ =	swait.ge @!p0 [sflag:s8], $0x0  }
0x24: {  	s3 =	sadd.s32 $0x88, s3;
	s6 =	simm.s32 @!p1 $0x1082;
	[sflag:s4] =	ssyncset.s32 $0xFFFFF086  }
0x25: {  	[simem:s6], [sflag:s4] =	dma.local [hbm:s3], $0xF7A  }
0x26: {  	[smem:$0x3F88] =	sst s1;
	(tag) =	ssettag s2;
	_ =	strace s9  }
0x27: {  	s1 =	sld [smem:$0x3F98]  }
0x28: {  	s2 =	sld [smem:$0x3F99]  }
0x29: {  	s4 =	sld [smem:$0x3F9B]  }
0x2a: {  	p0 =	seq.s32 s5, $0x0;
	s5 =	sld [smem:$0x3F9C]  }
0x2b: {  	s6 =	sld [smem:$0x3F9D]  }
0x2c: {  	s7 =	sld [smem:$0x3F9E]  }
0x2d: {  	s3 =	simm.s32 $0x108;
	s8 =	sld [smem:$0x3F9F]  }
0x2e: {  	s3 =	simm.s32 @!p0 $0x1082;
	s9 =	sld [smem:$0x3FA0]  }
0x2f: {  	lr =	sadd.s32 s0, s3;
	s0 =	sld [smem:$0x3F97]  }
0x30: {  	s3 =	sld [smem:$0x3F9A]  }
0x31: {  	[smem:$0x3FA3] =	sst s10  }
0x32: {  	s10 =	sld [smem:$0x3FA1];
	_ =	sdelay $0x3  }
0x33: {  	p0 =	seq.s32 s10, $0x1;
	s10 =	sld [smem:$0x3FA3];
	_ =	sdelay $0x3  }
0x34: {  	[smem:$0x3FA3] =	sst s10  }
0x35: {  	s10 =	sld [smem:$0x3FA2];
	_ =	sdelay $0x3  }
0x36: {  	p1 =	seq.s32 s10, $0x1;
	s10 =	sld [smem:$0x3FA3];
	_ =	sdelay $0x3  }
0x37: {  	[smem:$0x3FA3] =	sst s10  }
0x38: {  	s10 =	sld [smem:$0x3FA4]  }
0x39: {  	_ = 	snop;
	(pc) =	sbr.ind lr, $3  }
0x3a: {  	_ = 	snop  }
0x3b: {  	_ = 	snop  }
0x3c: {  	p2 =	seq.s32 s10, $0x1;
	s10 =	sld [smem:$0x3FA3]  }
0x3d: {  	_ =	shalt  }
0x3e: {  	_ =	shalt  }
0x3f: {  	_ =	shalt  }
0x40: {  	_ =	shalt  }
0x41: {  	_ =	shalt  }
0x42: {  	_ =	shalt  }
0x43: {  	_ =	shalt  }
0x44: {  	_ =	shalt  }
0x45: {  	_ =	shalt  }
0x46: {  	_ =	shalt  }
0x47: {  	_ =	shalt  }
0x48: {  	_ =	shalt  }
0x49: {  	_ =	shalt  }
0x4a: {  	_ =	shalt  }
0x4b: {  	_ =	shalt  }
0x4c: {  	_ =	shalt  }
0x4d: {  	_ =	shalt  }
0x4e: {  	_ =	shalt  }
0x4f: {  	_ =	shalt  }
0x50: {  	_ =	shalt  }
0x51: {  	_ =	shalt  }
0x52: {  	_ =	shalt  }
0x53: {  	_ =	shalt  }
0x54: {  	_ =	shalt  }
0x55: {  	_ =	shalt  }
0x56: {  	_ =	shalt  }
0x57: {  	_ =	shalt  }
0x58: {  	_ =	shalt  }
0x59: {  	_ =	shalt  }
0x5a: {  	_ =	shalt  }
0x5b: {  	_ =	shalt  }
0x5c: {  	_ =	shalt  }
0x5d: {  	_ =	shalt  }
0x5e: {  	_ =	shalt  }
0x5f: {  	_ =	shalt  }
0x60: {  	_ =	shalt  }
0x61: {  	_ =	shalt  }
0x62: {  	_ =	shalt  }
0x63: {  	_ =	shalt  }
0x64: {  	_ =	shalt  }
0x65: {  	_ =	shalt  }
0x66: {  	_ =	shalt  }
0x67: {  	_ =	shalt  }
0x68: {  	_ =	shalt  }
0x69: {  	_ =	shalt  }
0x6a: {  	_ =	shalt  }
0x6b: {  	_ =	shalt  }
0x6c: {  	_ =	shalt  }
0x6d: {  	_ =	shalt  }
0x6e: {  	_ =	shalt  }
0x6f: {  	_ =	shalt  }
0x70: {  	_ =	shalt  }
0x71: {  	_ =	shalt  }
0x72: {  	_ =	shalt  }
0x73: {  	_ =	shalt  }
0x74: {  	_ =	shalt  }
0x75: {  	_ =	shalt  }
0x76: {  	_ =	shalt  }
0x77: {  	_ =	shalt  }
0x78: {  	_ =	shalt  }
0x79: {  	_ =	shalt  }
0x7a: {  	_ =	shalt  }
0x7b: {  	_ =	shalt  }
0x7c: {  	_ =	shalt  }
0x7d: {  	_ =	shalt  }
0x7e: {  	_ =	shalt  }
0x7f: {  	_ =	shalt  }
0x80: {  	_ =	shalt  }
0x81: {  	_ =	shalt  }
0x82: {  	_ =	shalt  }
0x83: {  	_ =	shalt  }
0x84: {  	_ =	shalt  }
0x85: {  	_ =	shalt  }
0x86: {  	_ =	shalt  }
0x87: {  	_ =	shalt  }
.Lfunc_end0:
.L_simem_size_0:
called_computation.2_lowered:
.L_overlay_start_0:
0x88: {  	s2 =	sld [smem:$0x3FD9]  }
0x89: {  	s3 =	sld [smem:$0x3FFE];
	_ =	sdelay $0x1  }
0x8a: {  	s1 =	srdreg.scid  }
0x8b: {  	s0 =	sand.u32 $0x1, s1  }
0x8c: {  	s16 =	sshll.u32 s0, $0xA;
	s2 =	sadd.s32 s3, s2  }
0x8d: {  	s2 =	sadd.s32 s2, s16  }
0x8e: {  	[smem:$0x3FAF] =	sst s2  }
0x8f: {  	_ = 	snop  }
0x90: {  	(tm) =	ssettm $0x1  }
0x91: {  	s17 =	sld [smem:$0x3FFB];
	_ =	sdelay $0x3  }
0x92: {  	_ =	strace s17  }
0x93: {  	s2 =	sld [smem:$0x3FFC];
	_ =	sdelay $0x3  }
0x94: {  	_ =	strace s2  }
0x95: {  	s2 =	sld [smem:$0x3FFD];
	_ =	sdelay $0x3  }
0x96: {  	_ =	strace s2  }
0x97: {  	_ =	strace $0x8FFFFFFF  }
0x98: {  	s18 =	sld [smem:$0x3FDB];
	_ =	sdelay $0x1  }
0x99: {  	s19 =	simm.s32 $_scs_section_size  }
0x9a: {  	s4 =	simm.s32 $_size__tile_overlayer_lowered;
	s5 =	simm.s32 $_tile_overlayer_lowered  }
0x9b: {  	s22 =	simm.s32 $0x1BFF;
	s21 =	sshll.u32 s5, $0x1;
	s2 =	sadd.s32 s19, s18  }
0x9c: {  	s6 =	simm.s32 $0x0;
	s20 =	sshll.u32 s4, $0x1;
	s4 =	sadd.s32 s21, s2  }
0x9d: {  	[timem:s6], [sflag:s22] =	dma.local [hbm:s4], s20  }
0x9e: {  	_ =	swait.ge [sflag:s22], s20  }
0x9f: {  	s3 =	ssub.s32 $0x0, s20;
	[sflag:s22] =	ssyncset.done $0x0  }
0xa0: {  	[sflag:s22] =	ssyncadd.s32 s3;
	_ =	sdelay $0x1  }
0xa1: {  	s23 =	simm.s32 $0x1B8B  }
0xa2: {  	_ =	swait.ge [sflag:s23], $0x1  }
0xa3: {  	[sflag:s23] =	ssyncset.done $0x0  }
0xa4: {  	s25 =	simm.s32 $0x1B8E;
	s24 =	sld [smem:$0x3FFE];
	[sflag:s23] =	ssyncadd.s32 $0xFFFFFFFF  }
0xa5: {  	s26 =	simm.s32 $execute0_lowered;
	[smem:$0x3FD2] =	sst s25  }
0xa6: {  	s4 =	sshll.u32 s26, $0x1;
	_ =	strace $0x8000004C;
	[dreg:$0x1] =	wrdreg $0xFFFFFFFF  }
0xa7: {  	s28 =	simm.s32 $_size_execute0_lowered;
	s2 =	sadd.s32 s2, s4;
	[dreg:$0x0] =	wrdreg $0x0  }
0xa8: {  	s4 =	sshll.u32 s28, $0x1;
	[dreg:$0x2] =	wrdreg s2  }
0xa9: {  	[dreg:$0x3] =	wrdreg s4  }
0xaa: {  	[dreg:$0x4] =	wrdreg $0xC0  }
0xab: {  	_ =	task [dreg:s6], $0x5FFFF  }
0xac: {  	[dreg:$0x1] =	wrdreg $0xFFFFFFFF  }
0xad: {  	[dreg:$0x0] =	wrdreg $0x60  }
0xae: {  	[dreg:$0x2] =	wrdreg s24  }
0xaf: {  	[dreg:$0x3] =	wrdreg $0xA8000  }
0xb0: {  	[dreg:$0x4] =	wrdreg $0x9  }
0xb1: {  	_ =	task.clear_ibuf [dreg:s6], $0x5FFFF;
	_ =	strace $0x9000004C  }
0xb2: {  	s29 =	simm.s32 $0x9;
	_ =	strace $0x8000004E  }
0xb3: {  	_ =	swait.ge [sflag:s29], $0x1  }
0xb4: {  	[sflag:s29] =	ssyncadd.s32 $0xFFFFFFFF  }
0xb5: {  	_ =	strace $0x9000004E  }
0xb6: {  	_ =	sfence  }
0xb7: {  	s30 =	sld [smem:$0x0];
	_ =	sdelay $0x2  }
0xb8: {  	s31 =	sshll.u32 s1, $0xD;
	s1 =	sshrl.u32 s1, $0x2  }
0xb9: {  	s3 =	sand.u32 $0x4000, s31;
	s1 =	sadd.s32 s1, s30  }
0xba: {  	s0 =	sor.u32 s3, s0;
	s1 =	sshll.u32 s1, $0x11  }
0xbb: {  	s0 =	sor.u32 s1, s0  }
0xbc: {  	s0 =	sadd.s32 $0x8F2B, s0  }
0xbd: {  	[sflag:s0] =	ssyncadd.remote.s32 $0x1  }
0xbe: {  	_ =	sfence.sel $0xFFFF  }
0xbf: {  	[dreg:$0x0] =	wrdreg $0xFFFFFFFF;
	(pc) =	sbr.abs _section_cstart, $3  }
0xc0: {  	[dreg:$0x1] =	wrdreg $0xFFFFFFFF  }
0xc1: {  	_ =	task.clear_ibuf [dreg:s6], $0x2FFFF;
	_ =	strace $0x9FFFFFFF  }
0xc2: {  	(tm) =	ssettm $0x7FFFFFFF  }
0xc3: {  	_ =	shalt  }
tec
execute0_lowered:
.L_overlay_start_1:
0x0: {  	(tag) =	ssettag $0x1  }
0x1: {  	s1 =	srdreg.scid  }
0x2: {  	s0 =	stileid.u32;
	s5 =	rddreg [dreg:$0x0]  }
0x3: {  	s2 =	rddreg [dreg:$0x1];
	s3 =	simm.s32 $0x0;
	s17 =	simm.s32 $0x80  }
0x4: {  	s18 =	simm.s32 $0x1;
	s19 =	simm.s32 $0x2780;
	s20 =	simm.s32 $0x6800  }
0x5: {  	s23 =	simm.s32 $0x0;
	s7 =	sand.u32 $0x1, s1;
	s8 =	smul.u32 $0x4F000, s0  }
0x6: {  	s30 =	sshll.u32 s0, $0x1;
	s1 =	rddreg [dreg:$0x2];
	s15 =	smul.u32 $0x13800, s0  }
0x7: {  	[smem:$0x7FF] =	sst s3;
	s12 =	sadd.s32 $0x40600, s5;
	s16 =	smul.u32 $0x4E000, s0  }
0x8: {  	s22 =	sadd.s32 $0x138000, s2;
	p0 =	sne.s32 s0, $0xF;
	s4 =	sor.u32 s7, s30  }
0x9: {  	_ =	strace $0x8000004D;
	s31 =	ssub.s32 $0x2, s7;
	s13 =	smul.u32 $0x138800, s7  }
0xa: {  	s22 =	sshrl.u32 @!p0 s22, $0x3;
	s6 =	smul.u32 $0x5000, s4;
	s4 =	sadd.s32 $0x19400, s5  }
0xb: {  	s8 =	sshrl.u32 s8, $0x2;
	s9 =	sshrl.u32 s31, $0x1;
	s16 =	sshrl.u32 s16, $0x2  }
0xc: {  	s14 =	ssub.s32 s31, s9;
	s15 =	sadd.s32 s15, s13;
	s13 =	sshrl.u32 s13, $0x3  }
0xd: {  	s21 =	sadd.s32 s16, s2;
	s16 =	simm.s32 $0x2;
	s6 =	sshrl.u32 s6, $0x3  }
0xe: {  	s15 =	sshrl.u32 s15, $0x3;
	s13 =	sadd.s32 s12, s13;
	s14 =	smax.u32 s14, $0x1  }
0xf: {  	s21 =	sshrl.u32 s21, $0x3;
	s11 =	sadd.s32 s6, s5;
	s5 =	sadd.s32 s8, s2  }
0x10: {  	s12 =	sadd.s32 s12, s15;
	s13 =	sadd.s32 $0x27000, s13;
	s15 =	simm.s32 $0x2800  }
0x11: {  	s6 =	sadd.s32 $0x4000, s5;
	s7 =	sadd.s32 $0x8000, s5;
	s8 =	sadd.s32 $0xC000, s5  }
0x12: {  	v0 =	vimm.f32 $0.0e+00;
	s9 =	sadd.s32 $0x10000, s5;
	s10 =	sadd.s32 $0x5400, s11;
	s11 =	sadd.s32 $0x5680, s11  }
.LBB2_1:
0x13: {  	s24 =	simm.s32 $0x0;
	s25 =	simm.s32 $0x200  }
.LBB2_2:
0x14: {  	p1 =	sne.s32 s25, $0xFE00;
	[tilespmem:s24+$0x2870] =	vst v0  }
0x15: {  	[tilespmem:s24+$0x2800] =	vst v0  }
0x16: {  	[tilespmem:s24+$0x2810] =	vst v0  }
.Ltmp0:
0x17: {  	[tilespmem:s24+$0x2820] =	vst v0;
	(pc) =	sbr.rel @p1 .LBB2_2-.Ltmp0, $4  }
0x18: {  	[tilespmem:s24+$0x2830] =	vst v0  }
0x19: {  	[tilespmem:s24+$0x2840] =	vst v0  }
0x1a: {  	[tilespmem:s24+$0x2850] =	vst v0  }
0x1b: {  	[tilespmem:s24+$0x2860] =	vst v0;
	s24 =	sshra.s32 s25, $0x2;
	s25 =	sadd.s32 $0x200, s25  }
0x1c: {  	[tilespmem:s24+$0x2870] =	vst v0  }
0x1d: {  	[tilespmem:s24+$0x2800] =	vst v0  }
0x1e: {  	[tilespmem:s24+$0x2810] =	vst v0  }
0x1f: {  	[tilespmem:s24+$0x2820] =	vst v0  }
0x20: {  	[tilespmem:s24+$0x2830] =	vst v0  }
0x21: {  	[tilespmem:s24+$0x2840] =	vst v0  }
0x22: {  	[tilespmem:s24+$0x2850] =	vst v0  }
0x23: {  	[tilespmem:s24+$0x2860] =	vst v0  }
0x24: {  	[spmem:s5] =	stream.linear.scatter [tilespmem:s15], [sflag:$0x2], $0x4000, $0x38;
	[tilespmem:$0x1E400] =	vst v63  }
0x25: {  	_ =	swait.ge [sflag:s16], $0x4000  }
0x26: {  	[sflag:s16] =	ssyncset.done $0x0  }
0x27: {  	[sflag:s16] =	ssyncadd.s32 $0xFFFFC000  }
0x28: {  	[spmem:s6] =	stream.linear.scatter [tilespmem:s15], [sflag:$0x2], $0x4000, $0x38;
	[tilespmem:$0x1E400] =	vst v63  }
0x29: {  	_ =	swait.ge [sflag:s16], $0x4000  }
0x2a: {  	[sflag:s16] =	ssyncset.done $0x0  }
0x2b: {  	[sflag:s16] =	ssyncadd.s32 $0xFFFFC000  }
0x2c: {  	[spmem:s7] =	stream.linear.scatter [tilespmem:s15], [sflag:$0x2], $0x4000, $0x38;
	[tilespmem:$0x1E400] =	vst v63  }
0x2d: {  	_ =	swait.ge [sflag:s16], $0x4000  }
0x2e: {  	[sflag:s16] =	ssyncset.done $0x0  }
0x2f: {  	[sflag:s16] =	ssyncadd.s32 $0xFFFFC000  }
0x30: {  	[spmem:s8] =	stream.linear.scatter [tilespmem:s15], [sflag:$0x2], $0x4000, $0x38;
	[tilespmem:$0x1E400] =	vst v63  }
0x31: {  	_ =	swait.ge [sflag:s16], $0x4000  }
0x32: {  	[sflag:s16] =	ssyncset.done $0x0  }
0x33: {  	[sflag:s16] =	ssyncadd.s32 $0xFFFFC000  }
0x34: {  	[spmem:s9] =	stream.linear.scatter [tilespmem:s15], [sflag:$0x2], $0x3C00, $0x38;
	[tilespmem:$0x1E400] =	vst v63  }
0x35: {  	_ =	swait.ge [sflag:s16], $0x3C00  }
0x36: {  	[sflag:s16] =	ssyncset.done $0x0  }
0x37: {  	[sflag:s16] =	ssyncadd.s32 $0xFFFFC400  }
0x38: {  	s24 =	simm.s32 $0x1400;
	[bflag:$0x0] =	sbarrier.arrive $0xFFFF  }
0x39: {  	[tilespmem:s3], [sflag:$0x2] =	stream.strided.gather [hbm4b:s10+s24], $0x2800, s15, s24, $0x38;
	[tilespmem:$0x1E400] =	vst v63  }
0x3a: {  	_ =	swait.ge [sflag:s16], $0x2800  }
0x3b: {  	[sflag:s16] =	ssyncset.done $0x0  }
0x3c: {  	[sflag:s16] =	ssyncadd.s32 $0xFFFFD800  }
0x3d: {  	[tilespmem:s15], [sflag:$0x1] =	stream.indirect.gather [hbm4b:s4+s17], $0x80, s3, s17, $0xb8;
	[tilespmem:$0x1E400] =	vst v63  }
0x3e: {  	s25 =	simm.s32 $0x4000;
	s26 =	simm.s32 $0x80;
	_ =	swait.ge [sflag:s18], $0x4000  }
0x3f: {  	s28 =	simm.s32 $0x0;
	s25 =	sand.u32 $0x4000, s25;
	[sflag:s18] =	ssyncset.done $0x0  }
0x40: {  	s28 =	sand.u32 $0x4000, s28;
	s25 =	sor.u32 $0x2800, s25;
	[sflag:s18] =	ssyncadd.s32 $0xFFFFC000  }
0x41: {  	[tilespmem:s25], [sflag:$0x1] =	stream.indirect.gather [hbm4b:s4+s17], $0x80, s26, s17, $0xb8;
	[tilespmem:$0x1E400] =	vst v63  }
0x42: {  	s31 =	sor.u32 $0x2800, s28  }
0x43: {  	[spmem:s2] =	stream.indirect.scatter.add.f32 [tilespmem:s31], [sflag:$0x2], $0x80, s24, s17, $0xb8;
	[tilespmem:$0x1E400] =	vst v63  }
0x44: {  	_ =	swait.ge [sflag:s16], $0x4000  }
0x45: {  	s25 =	simm.s32 $0x8000;
	[sflag:s16] =	ssyncset.done $0x0  }
.LBB2_4:
0x46: {  	p1 =	sne.s32 s25, $0x9C000;
	[sflag:s16] =	ssyncadd.s32 $0xFFFFC000;
	s24 =	sadd.s32 $0x80, s24  }
0x47: {  	s26 =	smov.u32 s25;
	s25 =	sadd.s32 $0x4000, s25  }
0x48: {  	s28 =	sadd.s32 $0xFFFFEC80, s24;
	_ =	swait.ge [sflag:s18], $0x4000  }
0x49: {  	s29 =	sadd.s32 $0xFFFFC000, s26;
	s26 =	sand.u32 $0x4000, s26;
	[sflag:s18] =	ssyncset.done $0x0  }
0x4a: {  	s29 =	sand.u32 $0x4000, s29;
	s26 =	sor.u32 $0x2800, s26;
	[sflag:s18] =	ssyncadd.s32 $0xFFFFC000  }
0x4b: {  	[tilespmem:s26], [sflag:$0x1] =	stream.indirect.gather [hbm4b:s4+s17], $0x80, s28, s17, $0xb8;
	[tilespmem:$0x1E400] =	vst v63  }
.Ltmp1:
0x4c: {  	_ = 	snop;
	(pc) =	sbr.rel @p1 .LBB2_4-.Ltmp1, $4  }
0x4d: {  	s26 =	sor.u32 $0x2800, s29  }
0x4e: {  	[spmem:s2] =	stream.indirect.scatter.add.f32 [tilespmem:s26], [sflag:$0x2], $0x80, s24, s17, $0xb8;
	[tilespmem:$0x1E400] =	vst v63  }
0x4f: {  	_ =	swait.ge [sflag:s16], $0x4000  }
0x50: {  	[sflag:s16] =	ssyncset.done $0x0  }
0x51: {  	[sflag:s16] =	ssyncadd.s32 $0xFFFFC000  }
0x52: {  	_ =	swait.ge [sflag:s18], $0x4000  }
0x53: {  	[sflag:s18] =	ssyncset.done $0x0  }
0x54: {  	[sflag:s18] =	ssyncadd.s32 $0xFFFFC000  }
0x55: {  	[spmem:s2] =	stream.indirect.scatter.add.f32 [tilespmem:s20], [sflag:$0x2], $0x80, s19, s17, $0xb8;
	[tilespmem:$0x1E400] =	vst v63  }
0x56: {  	_ =	swait.ge [sflag:s16], $0x4000  }
0x57: {  	[sflag:s16] =	ssyncset.done $0x0  }
0x58: {  	s24 =	simm.s32 $0x1400;
	[sflag:s16] =	ssyncadd.s32 $0xFFFFC000  }
0x59: {  	[tilespmem:s3], [sflag:$0x2] =	stream.strided.gather [hbm4b:s11+s24], $0x2800, s15, s24, $0x38;
	[tilespmem:$0x1E400] =	vst v63  }
0x5a: {  	_ =	swait.ge [sflag:s16], $0x2800  }
0x5b: {  	[sflag:s16] =	ssyncset.done $0x0  }
0x5c: {  	[sflag:s16] =	ssyncadd.s32 $0xFFFFD800  }
0x5d: {  	[tilespmem:s15], [sflag:$0x1] =	stream.indirect.gather [hbm4b:s4+s17], $0x80, s3, s17, $0xb8;
	[tilespmem:$0x1E400] =	vst v63  }
0x5e: {  	s25 =	simm.s32 $0x4000;
	s26 =	simm.s32 $0x80;
	_ =	swait.ge [sflag:s18], $0x4000  }
0x5f: {  	s28 =	simm.s32 $0x0;
	s25 =	sand.u32 $0x4000, s25;
	[sflag:s18] =	ssyncset.done $0x0  }
0x60: {  	s28 =	sand.u32 $0x4000, s28;
	s25 =	sor.u32 $0x2800, s25;
	[sflag:s18] =	ssyncadd.s32 $0xFFFFC000  }
0x61: {  	[tilespmem:s25], [sflag:$0x1] =	stream.indirect.gather [hbm4b:s4+s17], $0x80, s26, s17, $0xb8;
	[tilespmem:$0x1E400] =	vst v63  }
0x62: {  	s31 =	sor.u32 $0x2800, s28  }
0x63: {  	[spmem:s2] =	stream.indirect.scatter.add.f32 [tilespmem:s31], [sflag:$0x2], $0x80, s24, s17, $0xb8;
	[tilespmem:$0x1E400] =	vst v63  }
0x64: {  	_ =	swait.ge [sflag:s16], $0x4000  }
0x65: {  	s25 =	simm.s32 $0x8000;
	[sflag:s16] =	ssyncset.done $0x0  }
.LBB2_6:
0x66: {  	p1 =	sne.s32 s25, $0x9C000;
	[sflag:s16] =	ssyncadd.s32 $0xFFFFC000;
	s24 =	sadd.s32 $0x80, s24  }
0x67: {  	s26 =	smov.u32 s25;
	s25 =	sadd.s32 $0x4000, s25  }
0x68: {  	s28 =	sadd.s32 $0xFFFFEC80, s24;
	_ =	swait.ge [sflag:s18], $0x4000  }
0x69: {  	s29 =	sadd.s32 $0xFFFFC000, s26;
	s26 =	sand.u32 $0x4000, s26;
	[sflag:s18] =	ssyncset.done $0x0  }
0x6a: {  	s29 =	sand.u32 $0x4000, s29;
	s26 =	sor.u32 $0x2800, s26;
	[sflag:s18] =	ssyncadd.s32 $0xFFFFC000  }
0x6b: {  	[tilespmem:s26], [sflag:$0x1] =	stream.indirect.gather [hbm4b:s4+s17], $0x80, s28, s17, $0xb8;
	[tilespmem:$0x1E400] =	vst v63  }
.Ltmp2:
0x6c: {  	_ = 	snop;
	(pc) =	sbr.rel @p1 .LBB2_6-.Ltmp2, $4  }
0x6d: {  	s26 =	sor.u32 $0x2800, s29  }
0x6e: {  	[spmem:s2] =	stream.indirect.scatter.add.f32 [tilespmem:s26], [sflag:$0x2], $0x80, s24, s17, $0xb8;
	[tilespmem:$0x1E400] =	vst v63  }
0x6f: {  	_ =	swait.ge [sflag:s16], $0x4000  }
0x70: {  	[sflag:s16] =	ssyncset.done $0x0  }
0x71: {  	[sflag:s16] =	ssyncadd.s32 $0xFFFFC000  }
0x72: {  	_ =	swait.ge [sflag:s18], $0x4000  }
0x73: {  	[sflag:s18] =	ssyncset.done $0x0  }
0x74: {  	[sflag:s18] =	ssyncadd.s32 $0xFFFFC000  }
0x75: {  	[spmem:s2] =	stream.indirect.scatter.add.f32 [tilespmem:s20], [sflag:$0x2], $0x80, s19, s17, $0xb8;
	[tilespmem:$0x1E400] =	vst v63  }
0x76: {  	_ =	swait.ge [sflag:s16], $0x4000  }
0x77: {  	[sflag:s16] =	ssyncset.done $0x0  }
0x78: {  	s24 =	sshll.u32 s0, $0x6;
	[sflag:s16] =	ssyncadd.s32 $0xFFFFC000  }
0x79: {  	s24 =	sor.u32 $0x1C02, s24;
	[bflag:$0x0] =	sbarrier.arrive $0xFFFF  }
0x7a: {  	[hbm:s12], [sflag:s24] =	dma.local [spmem:s21], $0x2700  }
0x7b: {  	_ =	swait.ge [sflag:s16], $0x2700  }
0x7c: {  	s23 =	sadd.s32 $0x1, s23;
	[sflag:s16] =	ssyncset.done $0x0  }
0x7d: {  	p1 =	sne.s32 s23, s14;
	[sflag:s16] =	ssyncadd.s32 $0xFFFFD900  }
0x7e: {  	[hbm:s13], [sflag:s24] =	dma.local @!p0 [spmem:s22], $0x100  }
.Ltmp3:
0x7f: {  	_ = 	snop;
	(pc) =	sbr.rel @p1 .LBB2_1-.Ltmp3, $4  }
0x80: {  	s24 =	simm.s32 @!p0 $0x2  }
0x81: {  	_ =	swait.ge @!p0 [sflag:s24], $0x100  }
0x82: {  	[sflag:s24] =	ssyncset.done @!p0 $0x0  }
0x83: {  	[sflag:s24] =	ssyncadd.s32 @!p0 $0xFFFFFF00  }
0x84: {  	_ =	sfence.sel $0x180000  }
0x85: {  	[bflag:$0x0] =	sbarrier.arrive $0xFFFF  }
0x86: {  	p0 =	sne.s32 s0, $0x0;
	_ =	strace $0x9000004D  }
0x87: {  	s0 =	sadd.s32 @!p0 $0x100000, s1;
	[bflag:$0x2] =	sbarrier.arrive $0xFFFF  }
0x88: {  	[sflag:s0] =	ssyncadd.tile.s32 @!p0 $0x1;
	_ =	shalt  }
.Lfunc_end2:
_tile_overlayer_lowered:
.L_overlay_start_2:
0x89: {  	(tag) =	ssettag $0x2  }
0x8a: {  	s0 =	rddreg [dreg:$0x0];
	s2 =	stileid.u32  }
0x8b: {  	s1 =	rddreg [dreg:$0x1];
	p0 =	sne.s32 s2, $0x0  }
0x8c: {  	s3 =	rddreg [dreg:$0x2];
	[bflag:$0x3] =	sbarrier.arrive $0xFFFF;
	s2 =	simm.s32 @!p0 $0x1C02  }
0x8d: {  	[timem:s3], [sflag:s2] =	dma.local @!p0 [hbm:s0], s1  }
0x8e: {  	s0 =	simm.s32 @!p0 $0x2  }
0x8f: {  	_ =	swait.ge @!p0 [sflag:s0], s1  }
0x90: {  	s1 =	ssub.s32 @!p0 $0x0, s1;
	[sflag:s0] =	ssyncset.done @!p0 $0x0  }
0x91: {  	[sflag:s0] =	ssyncadd.s32 @!p0 s1  }
0x92: {  	[bflag:$0x3] =	sbarrier.arrive $0xFFFF  }
0x93: {  	_ =	shalt  }

// kernel: kernel.19.cloned.1.call-start
scs
__scs_entry_jumppad:
0x0: {  	(pc) =	sbr.rel $0x88, $3  }
0x1: {  	(tag) =	ssettag $0x0;
	lr =	simm.s32 $0x1  }
0x2: {  	[smem:$0x3F88] =	sst lr;
	_ =	strace $0xD0000000  }
0x3: {  	_ = 	snop  }
0x4: {  	_ = 	snop  }
0x5: {  	_ = 	snop  }
0x6: {  	_ = 	snop  }
0x7: {  	_ = 	snop  }
__scs_overlays_trampoline_lowered:
0x8: {  	[smem:$0x3F97] =	sst s0  }
0x9: {  	[smem:$0x3F98] =	sst s1  }
0xa: {  	[smem:$0x3F99] =	sst s2  }
0xb: {  	[smem:$0x3F9A] =	sst s3  }
0xc: {  	[smem:$0x3F9B] =	sst s4  }
0xd: {  	[smem:$0x3F9C] =	sst s5  }
0xe: {  	[smem:$0x3F9D] =	sst s6  }
0xf: {  	[smem:$0x3F9E] =	sst s7  }
0x10: {  	[smem:$0x3F9F] =	sst s8  }
0x11: {  	[smem:$0x3FA0] =	sst s9;
	s0 =	simm.s32 @!p0 $0x0  }
0x12: {  	s1 =	sld [smem:$0x3F86];
	s0 =	simm.s32 @p0 $0x1  }
0x13: {  	[smem:$0x3FA1] =	sst s0;
	s0 =	simm.s32 @!p1 $0x0  }
0x14: {  	s2 =	sld [smem:$0x3F85];
	s0 =	simm.s32 @p1 $0x1  }
0x15: {  	[smem:$0x3FA2] =	sst s0;
	s0 =	simm.s32 @!p2 $0x0  }
0x16: {  	s3 =	sld [smem:$0x3FDB];
	s0 =	simm.s32 @p2 $0x1  }
0x17: {  	s4 =	simm.s32 $0x1BF5;
	[smem:$0x3FA4] =	sst s0  }
0x18: {  	s0 =	sld [smem:$0x3F87];
	_ =	swait.ge [sflag:s4], $0x0  }
0x19: {  	s7 =	sld [smem:$0x3F88]  }
0x1a: {  	s8 =	sadd.s32 $0xFFFFE003, lr  }
0x1b: {  	s9 =	sadd.s32 $0xFFFFFEF7, lr;
	s5 =	simm.s32 $0xFFFFFFFF;
	p2 =	slt.u32 s8, $0xFFFFF086  }
0x1c: {  	p1 =	slt.u32 s9, $0xF7A;
	s5 =	simm.s32 @!p2 $0x0  }
0x1d: {  	s5 =	simm.s32 @p1 $0x1;
	p0 =	seq.s32 s7, s2  }
0x1e: {  	s7 =	smul.u32 @!p0 $0xF7A, s2;
	p2 =	seq.s32 @!p0 s5, $0x0  }
0x1f: {  	s9 =	smul.u32 $0xF7A, s1;
	s8 =	simm.s32 @!p0 $0x1BF5;
	p2 =	por !p2, p0  }
0x20: {  	[sflag:s8] =	ssyncset.s32 @!p0 $0xFFFFF086;
	s6 =	sadd.s32 @!p0 s3, s7;
	s7 =	simm.s32 @!p0 $0x108  }
0x21: {  	s3 =	sadd.s32 s3, s9;
	s6 =	sadd.s32 @!p0 $0x88, s6;
	s7 =	simm.s32 @p2 $0x1082  }
0x22: {  	[simem:s7], [sflag:s8] =	dma.local @!p0 [hbm:s6], $0xF7A  }
0x23: {  	s9 =	sor.u32 $0xD0000000, s2;
	s6 =	simm.s32 $0x108;
	_ =	swait.ge @!p0 [sflag:s8], $0x0  }
0x24: {  	s3 =	sadd.s32 $0x88, s3;
	s6 =	simm.s32 @!p1 $0x1082;
	[sflag:s4] =	ssyncset.s32 $0xFFFFF086  }
0x25: {  	[simem:s6], [sflag:s4] =	dma.local [hbm:s3], $0xF7A  }
0x26: {  	[smem:$0x3F88] =	sst s1;
	(tag) =	ssettag s2;
	_ =	strace s9  }
0x27: {  	s1 =	sld [smem:$0x3F98]  }
0x28: {  	s2 =	sld [smem:$0x3F99]  }
0x29: {  	s4 =	sld [smem:$0x3F9B]  }
0x2a: {  	p0 =	seq.s32 s5, $0x0;
	s5 =	sld [smem:$0x3F9C]  }
0x2b: {  	s6 =	sld [smem:$0x3F9D]  }
0x2c: {  	s7 =	sld [smem:$0x3F9E]  }
0x2d: {  	s3 =	simm.s32 $0x108;
	s8 =	sld [smem:$0x3F9F]  }
0x2e: {  	s3 =	simm.s32 @!p0 $0x1082;
	s9 =	sld [smem:$0x3FA0]  }
0x2f: {  	lr =	sadd.s32 s0, s3;
	s0 =	sld [smem:$0x3F97]  }
0x30: {  	s3 =	sld [smem:$0x3F9A]  }
0x31: {  	[smem:$0x3FA3] =	sst s10  }
0x32: {  	s10 =	sld [smem:$0x3FA1];
	_ =	sdelay $0x3  }
0x33: {  	p0 =	seq.s32 s10, $0x1;
	s10 =	sld [smem:$0x3FA3];
	_ =	sdelay $0x3  }
0x34: {  	[smem:$0x3FA3] =	sst s10  }
0x35: {  	s10 =	sld [smem:$0x3FA2];
	_ =	sdelay $0x3  }
0x36: {  	p1 =	seq.s32 s10, $0x1;
	s10 =	sld [smem:$0x3FA3];
	_ =	sdelay $0x3  }
0x37: {  	[smem:$0x3FA3] =	sst s10  }
0x38: {  	s10 =	sld [smem:$0x3FA4]  }
0x39: {  	_ = 	snop;
	(pc) =	sbr.ind lr, $3  }
0x3a: {  	_ = 	snop  }
0x3b: {  	_ = 	snop  }
0x3c: {  	p2 =	seq.s32 s10, $0x1;
	s10 =	sld [smem:$0x3FA3]  }
0x3d: {  	_ =	shalt  }
0x3e: {  	_ =	shalt  }
0x3f: {  	_ =	shalt  }
0x40: {  	_ =	shalt  }
0x41: {  	_ =	shalt  }
0x42: {  	_ =	shalt  }
0x43: {  	_ =	shalt  }
0x44: {  	_ =	shalt  }
0x45: {  	_ =	shalt  }
0x46: {  	_ =	shalt  }
0x47: {  	_ =	shalt  }
0x48: {  	_ =	shalt  }
0x49: {  	_ =	shalt  }
0x4a: {  	_ =	shalt  }
0x4b: {  	_ =	shalt  }
0x4c: {  	_ =	shalt  }
0x4d: {  	_ =	shalt  }
0x4e: {  	_ =	shalt  }
0x4f: {  	_ =	shalt  }
0x50: {  	_ =	shalt  }
0x51: {  	_ =	shalt  }
0x52: {  	_ =	shalt  }
0x53: {  	_ =	shalt  }
0x54: {  	_ =	shalt  }
0x55: {  	_ =	shalt  }
0x56: {  	_ =	shalt  }
0x57: {  	_ =	shalt  }
0x58: {  	_ =	shalt  }
0x59: {  	_ =	shalt  }
0x5a: {  	_ =	shalt  }
0x5b: {  	_ =	shalt  }
0x5c: {  	_ =	shalt  }
0x5d: {  	_ =	shalt  }
0x5e: {  	_ =	shalt  }
0x5f: {  	_ =	shalt  }
0x60: {  	_ =	shalt  }
0x61: {  	_ =	shalt  }
0x62: {  	_ =	shalt  }
0x63: {  	_ =	shalt  }
0x64: {  	_ =	shalt  }
0x65: {  	_ =	shalt  }
0x66: {  	_ =	shalt  }
0x67: {  	_ =	shalt  }
0x68: {  	_ =	shalt  }
0x69: {  	_ =	shalt  }
0x6a: {  	_ =	shalt  }
0x6b: {  	_ =	shalt  }
0x6c: {  	_ =	shalt  }
0x6d: {  	_ =	shalt  }
0x6e: {  	_ =	shalt  }
0x6f: {  	_ =	shalt  }
0x70: {  	_ =	shalt  }
0x71: {  	_ =	shalt  }
0x72: {  	_ =	shalt  }
0x73: {  	_ =	shalt  }
0x74: {  	_ =	shalt  }
0x75: {  	_ =	shalt  }
0x76: {  	_ =	shalt  }
0x77: {  	_ =	shalt  }
0x78: {  	_ =	shalt  }
0x79: {  	_ =	shalt  }
0x7a: {  	_ =	shalt  }
0x7b: {  	_ =	shalt  }
0x7c: {  	_ =	shalt  }
0x7d: {  	_ =	shalt  }
0x7e: {  	_ =	shalt  }
0x7f: {  	_ =	shalt  }
0x80: {  	_ =	shalt  }
0x81: {  	_ =	shalt  }
0x82: {  	_ =	shalt  }
0x83: {  	_ =	shalt  }
0x84: {  	_ =	shalt  }
0x85: {  	_ =	shalt  }
0x86: {  	_ =	shalt  }
0x87: {  	_ =	shalt  }
.Lfunc_end0:
.L_simem_size_0:
called_computation.3_lowered:
.L_overlay_start_0:
0x88: {  	s2 =	sld [smem:$0x3FD9]  }
0x89: {  	s3 =	sld [smem:$0x3FFE];
	_ =	sdelay $0x1  }
0x8a: {  	s1 =	srdreg.scid  }
0x8b: {  	s0 =	sand.u32 $0x1, s1  }
0x8c: {  	s16 =	sshll.u32 s0, $0xA;
	s2 =	sadd.s32 s3, s2  }
0x8d: {  	s2 =	sadd.s32 s2, s16  }
0x8e: {  	[smem:$0x3FAF] =	sst s2  }
0x8f: {  	_ = 	snop  }
0x90: {  	(tm) =	ssettm $0x1  }
0x91: {  	s17 =	sld [smem:$0x3FFB];
	_ =	sdelay $0x3  }
0x92: {  	_ =	strace s17  }
0x93: {  	s2 =	sld [smem:$0x3FFC];
	_ =	sdelay $0x3  }
0x94: {  	_ =	strace s2  }
0x95: {  	s2 =	sld [smem:$0x3FFD];
	_ =	sdelay $0x3  }
0x96: {  	_ =	strace s2  }
0x97: {  	_ =	strace $0x8FFFFFFF  }
0x98: {  	s18 =	sld [smem:$0x3FDB];
	_ =	sdelay $0x1  }
0x99: {  	s19 =	simm.s32 $_scs_section_size  }
0x9a: {  	s4 =	simm.s32 $_size__tile_overlayer_lowered;
	s5 =	simm.s32 $_tile_overlayer_lowered  }
0x9b: {  	s22 =	simm.s32 $0x1BFF;
	s21 =	sshll.u32 s5, $0x1;
	s2 =	sadd.s32 s19, s18  }
0x9c: {  	s6 =	simm.s32 $0x0;
	s20 =	sshll.u32 s4, $0x1;
	s4 =	sadd.s32 s21, s2  }
0x9d: {  	[timem:s6], [sflag:s22] =	dma.local [hbm:s4], s20  }
0x9e: {  	_ =	swait.ge [sflag:s22], s20  }
0x9f: {  	s3 =	ssub.s32 $0x0, s20;
	[sflag:s22] =	ssyncset.done $0x0  }
0xa0: {  	[sflag:s22] =	ssyncadd.s32 s3;
	_ =	sdelay $0x1  }
0xa1: {  	s23 =	simm.s32 $0x1B8B  }
0xa2: {  	_ =	swait.ge [sflag:s23], $0x1  }
0xa3: {  	[sflag:s23] =	ssyncset.done $0x0  }
0xa4: {  	s25 =	simm.s32 $0x1B8E;
	s24 =	sld [smem:$0x3FFE];
	[sflag:s23] =	ssyncadd.s32 $0xFFFFFFFF  }
0xa5: {  	s26 =	simm.s32 $execute0_lowered;
	[smem:$0x3FD2] =	sst s25  }
0xa6: {  	s4 =	sshll.u32 s26, $0x1;
	_ =	strace $0x8000004F;
	[dreg:$0x1] =	wrdreg $0xFFFFFFFF  }
0xa7: {  	s28 =	simm.s32 $_size_execute0_lowered;
	s2 =	sadd.s32 s2, s4;
	[dreg:$0x0] =	wrdreg $0x0  }
0xa8: {  	s4 =	sshll.u32 s28, $0x1;
	[dreg:$0x2] =	wrdreg s2  }
0xa9: {  	[dreg:$0x3] =	wrdreg s4  }
0xaa: {  	[dreg:$0x4] =	wrdreg $0xC0  }
0xab: {  	_ =	task [dreg:s6], $0x5FFFF  }
0xac: {  	[dreg:$0x1] =	wrdreg $0xFFFFFFFF  }
0xad: {  	[dreg:$0x0] =	wrdreg $0x60  }
0xae: {  	[dreg:$0x2] =	wrdreg s24  }
0xaf: {  	[dreg:$0x3] =	wrdreg $0xA8000  }
0xb0: {  	[dreg:$0x4] =	wrdreg $0x9  }
0xb1: {  	_ =	task.clear_ibuf [dreg:s6], $0x5FFFF;
	_ =	strace $0x9000004F  }
0xb2: {  	s29 =	simm.s32 $0x9;
	_ =	strace $0x80000051  }
0xb3: {  	_ =	swait.ge [sflag:s29], $0x1  }
0xb4: {  	[sflag:s29] =	ssyncadd.s32 $0xFFFFFFFF  }
0xb5: {  	_ =	strace $0x90000051  }
0xb6: {  	_ =	sfence  }
0xb7: {  	s30 =	sld [smem:$0x0];
	_ =	sdelay $0x2  }
0xb8: {  	s31 =	sshll.u32 s1, $0xD;
	s1 =	sshrl.u32 s1, $0x2  }
0xb9: {  	s3 =	sand.u32 $0x4000, s31;
	s1 =	sadd.s32 s1, s30  }
0xba: {  	s0 =	sor.u32 s3, s0;
	s1 =	sshll.u32 s1, $0x11  }
0xbb: {  	s0 =	sor.u32 s1, s0  }
0xbc: {  	s0 =	sadd.s32 $0x8F2B, s0  }
0xbd: {  	[sflag:s0] =	ssyncadd.remote.s32 $0x1  }
0xbe: {  	_ =	sfence.sel $0xFFFF  }
0xbf: {  	[dreg:$0x0] =	wrdreg $0xFFFFFFFF;
	(pc) =	sbr.abs _section_cstart, $3  }
0xc0: {  	[dreg:$0x1] =	wrdreg $0xFFFFFFFF  }
0xc1: {  	_ =	task.clear_ibuf [dreg:s6], $0x2FFFF;
	_ =	strace $0x9FFFFFFF  }
0xc2: {  	(tm) =	ssettm $0x7FFFFFFF  }
0xc3: {  	_ =	shalt  }
tec
execute0_lowered:
.L_overlay_start_1:
0x0: {  	(tag) =	ssettag $0x1  }
0x1: {  	s1 =	srdreg.scid  }
0x2: {  	s0 =	stileid.u32;
	s5 =	rddreg [dreg:$0x0]  }
0x3: {  	s2 =	rddreg [dreg:$0x1];
	s3 =	simm.s32 $0x0;
	s17 =	simm.s32 $0x80  }
0x4: {  	s18 =	simm.s32 $0x1;
	s19 =	simm.s32 $0x2780;
	s20 =	simm.s32 $0x6800  }
0x5: {  	s23 =	simm.s32 $0x0;
	s7 =	sand.u32 $0x1, s1;
	s8 =	smul.u32 $0x4F000, s0  }
0x6: {  	s30 =	sshll.u32 s0, $0x1;
	s1 =	rddreg [dreg:$0x2];
	s15 =	smul.u32 $0x13800, s0  }
0x7: {  	[smem:$0x7FF] =	sst s3;
	s12 =	sadd.s32 $0x40600, s5;
	s16 =	smul.u32 $0x4E000, s0  }
0x8: {  	s22 =	sadd.s32 $0x138000, s2;
	p0 =	sne.s32 s0, $0xF;
	s4 =	sor.u32 s7, s30  }
0x9: {  	_ =	strace $0x80000050;
	s31 =	ssub.s32 $0x2, s7;
	s13 =	smul.u32 $0x138800, s7  }
0xa: {  	s22 =	sshrl.u32 @!p0 s22, $0x3;
	s6 =	smul.u32 $0x5000, s4;
	s4 =	sadd.s32 $0x19400, s5  }
0xb: {  	s8 =	sshrl.u32 s8, $0x2;
	s9 =	sshrl.u32 s31, $0x1;
	s16 =	sshrl.u32 s16, $0x2  }
0xc: {  	s14 =	ssub.s32 s31, s9;
	s15 =	sadd.s32 s15, s13;
	s13 =	sshrl.u32 s13, $0x3  }
0xd: {  	s21 =	sadd.s32 s16, s2;
	s16 =	simm.s32 $0x2;
	s6 =	sshrl.u32 s6, $0x3  }
0xe: {  	s15 =	sshrl.u32 s15, $0x3;
	s13 =	sadd.s32 s12, s13;
	s14 =	smax.u32 s14, $0x1  }
0xf: {  	s21 =	sshrl.u32 s21, $0x3;
	s11 =	sadd.s32 s6, s5;
	s5 =	sadd.s32 s8, s2  }
0x10: {  	s12 =	sadd.s32 s12, s15;
	s13 =	sadd.s32 $0x27000, s13;
	s15 =	simm.s32 $0x2800  }
0x11: {  	s6 =	sadd.s32 $0x4000, s5;
	s7 =	sadd.s32 $0x8000, s5;
	s8 =	sadd.s32 $0xC000, s5  }
0x12: {  	v0 =	vimm.f32 $0.0e+00;
	s9 =	sadd.s32 $0x10000, s5;
	s10 =	sadd.s32 $0x5400, s11;
	s11 =	sadd.s32 $0x5680, s11  }
.LBB2_1:
0x13: {  	s24 =	simm.s32 $0x0;
	s25 =	simm.s32 $0x200  }
.LBB2_2:
0x14: {  	p1 =	sne.s32 s25, $0xFE00;
	[tilespmem:s24+$0x2870] =	vst v0  }
0x15: {  	[tilespmem:s24+$0x2800] =	vst v0  }
0x16: {  	[tilespmem:s24+$0x2810] =	vst v0  }
.Ltmp0:
0x17: {  	[tilespmem:s24+$0x2820] =	vst v0;
	(pc) =	sbr.rel @p1 .LBB2_2-.Ltmp0, $4  }
0x18: {  	[tilespmem:s24+$0x2830] =	vst v0  }
0x19: {  	[tilespmem:s24+$0x2840] =	vst v0  }
0x1a: {  	[tilespmem:s24+$0x2850] =	vst v0  }
0x1b: {  	[tilespmem:s24+$0x2860] =	vst v0;
	s24 =	sshra.s32 s25, $0x2;
	s25 =	sadd.s32 $0x200, s25  }
0x1c: {  	[tilespmem:s24+$0x2870] =	vst v0  }
0x1d: {  	[tilespmem:s24+$0x2800] =	vst v0  }
0x1e: {  	[tilespmem:s24+$0x2810] =	vst v0  }
0x1f: {  	[tilespmem:s24+$0x2820] =	vst v0  }
0x20: {  	[tilespmem:s24+$0x2830] =	vst v0  }
0x21: {  	[tilespmem:s24+$0x2840] =	vst v0  }
0x22: {  	[tilespmem:s24+$0x2850] =	vst v0  }
0x23: {  	[tilespmem:s24+$0x2860] =	vst v0  }
0x24: {  	[spmem:s5] =	stream.linear.scatter [tilespmem:s15], [sflag:$0x2], $0x4000, $0x38;
	[tilespmem:$0x1E400] =	vst v63  }
0x25: {  	_ =	swait.ge [sflag:s16], $0x4000  }
0x26: {  	[sflag:s16] =	ssyncset.done $0x0  }
0x27: {  	[sflag:s16] =	ssyncadd.s32 $0xFFFFC000  }
0x28: {  	[spmem:s6] =	stream.linear.scatter [tilespmem:s15], [sflag:$0x2], $0x4000, $0x38;
	[tilespmem:$0x1E400] =	vst v63  }
0x29: {  	_ =	swait.ge [sflag:s16], $0x4000  }
0x2a: {  	[sflag:s16] =	ssyncset.done $0x0  }
0x2b: {  	[sflag:s16] =	ssyncadd.s32 $0xFFFFC000  }
0x2c: {  	[spmem:s7] =	stream.linear.scatter [tilespmem:s15], [sflag:$0x2], $0x4000, $0x38;
	[tilespmem:$0x1E400] =	vst v63  }
0x2d: {  	_ =	swait.ge [sflag:s16], $0x4000  }
0x2e: {  	[sflag:s16] =	ssyncset.done $0x0  }
0x2f: {  	[sflag:s16] =	ssyncadd.s32 $0xFFFFC000  }
0x30: {  	[spmem:s8] =	stream.linear.scatter [tilespmem:s15], [sflag:$0x2], $0x4000, $0x38;
	[tilespmem:$0x1E400] =	vst v63  }
0x31: {  	_ =	swait.ge [sflag:s16], $0x4000  }
0x32: {  	[sflag:s16] =	ssyncset.done $0x0  }
0x33: {  	[sflag:s16] =	ssyncadd.s32 $0xFFFFC000  }
0x34: {  	[spmem:s9] =	stream.linear.scatter [tilespmem:s15], [sflag:$0x2], $0x3C00, $0x38;
	[tilespmem:$0x1E400] =	vst v63  }
0x35: {  	_ =	swait.ge [sflag:s16], $0x3C00  }
0x36: {  	[sflag:s16] =	ssyncset.done $0x0  }
0x37: {  	[sflag:s16] =	ssyncadd.s32 $0xFFFFC400  }
0x38: {  	s24 =	simm.s32 $0x1400;
	[bflag:$0x0] =	sbarrier.arrive $0xFFFF  }
0x39: {  	[tilespmem:s3], [sflag:$0x2] =	stream.strided.gather [hbm4b:s10+s24], $0x2800, s15, s24, $0x38;
	[tilespmem:$0x1E400] =	vst v63  }
0x3a: {  	_ =	swait.ge [sflag:s16], $0x2800  }
0x3b: {  	[sflag:s16] =	ssyncset.done $0x0  }
0x3c: {  	[sflag:s16] =	ssyncadd.s32 $0xFFFFD800  }
0x3d: {  	[tilespmem:s15], [sflag:$0x1] =	stream.indirect.gather [hbm4b:s4+s17], $0x80, s3, s17, $0xb8;
	[tilespmem:$0x1E400] =	vst v63  }
0x3e: {  	s25 =	simm.s32 $0x4000;
	s26 =	simm.s32 $0x80;
	_ =	swait.ge [sflag:s18], $0x4000  }
0x3f: {  	s28 =	simm.s32 $0x0;
	s25 =	sand.u32 $0x4000, s25;
	[sflag:s18] =	ssyncset.done $0x0  }
0x40: {  	s28 =	sand.u32 $0x4000, s28;
	s25 =	sor.u32 $0x2800, s25;
	[sflag:s18] =	ssyncadd.s32 $0xFFFFC000  }
0x41: {  	[tilespmem:s25], [sflag:$0x1] =	stream.indirect.gather [hbm4b:s4+s17], $0x80, s26, s17, $0xb8;
	[tilespmem:$0x1E400] =	vst v63  }
0x42: {  	s31 =	sor.u32 $0x2800, s28  }
0x43: {  	[spmem:s2] =	stream.indirect.scatter.add.f32 [tilespmem:s31], [sflag:$0x2], $0x80, s24, s17, $0xb8;
	[tilespmem:$0x1E400] =	vst v63  }
0x44: {  	_ =	swait.ge [sflag:s16], $0x4000  }
0x45: {  	s25 =	simm.s32 $0x8000;
	[sflag:s16] =	ssyncset.done $0x0  }
.LBB2_4:
0x46: {  	p1 =	sne.s32 s25, $0x9C000;
	[sflag:s16] =	ssyncadd.s32 $0xFFFFC000;
	s24 =	sadd.s32 $0x80, s24  }
0x47: {  	s26 =	smov.u32 s25;
	s25 =	sadd.s32 $0x4000, s25  }
0x48: {  	s28 =	sadd.s32 $0xFFFFEC80, s24;
	_ =	swait.ge [sflag:s18], $0x4000  }
0x49: {  	s29 =	sadd.s32 $0xFFFFC000, s26;
	s26 =	sand.u32 $0x4000, s26;
	[sflag:s18] =	ssyncset.done $0x0  }
0x4a: {  	s29 =	sand.u32 $0x4000, s29;
	s26 =	sor.u32 $0x2800, s26;
	[sflag:s18] =	ssyncadd.s32 $0xFFFFC000  }
0x4b: {  	[tilespmem:s26], [sflag:$0x1] =	stream.indirect.gather [hbm4b:s4+s17], $0x80, s28, s17, $0xb8;
	[tilespmem:$0x1E400] =	vst v63  }
.Ltmp1:
0x4c: {  	_ = 	snop;
	(pc) =	sbr.rel @p1 .LBB2_4-.Ltmp1, $4  }
0x4d: {  	s26 =	sor.u32 $0x2800, s29  }
0x4e: {  	[spmem:s2] =	stream.indirect.scatter.add.f32 [tilespmem:s26], [sflag:$0x2], $0x80, s24, s17, $0xb8;
	[tilespmem:$0x1E400] =	vst v63  }
0x4f: {  	_ =	swait.ge [sflag:s16], $0x4000  }
0x50: {  	[sflag:s16] =	ssyncset.done $0x0  }
0x51: {  	[sflag:s16] =	ssyncadd.s32 $0xFFFFC000  }
0x52: {  	_ =	swait.ge [sflag:s18], $0x4000  }
0x53: {  	[sflag:s18] =	ssyncset.done $0x0  }
0x54: {  	[sflag:s18] =	ssyncadd.s32 $0xFFFFC000  }
0x55: {  	[spmem:s2] =	stream.indirect.scatter.add.f32 [tilespmem:s20], [sflag:$0x2], $0x80, s19, s17, $0xb8;
	[tilespmem:$0x1E400] =	vst v63  }
0x56: {  	_ =	swait.ge [sflag:s16], $0x4000  }
0x57: {  	[sflag:s16] =	ssyncset.done $0x0  }
0x58: {  	s24 =	simm.s32 $0x1400;
	[sflag:s16] =	ssyncadd.s32 $0xFFFFC000  }
0x59: {  	[tilespmem:s3], [sflag:$0x2] =	stream.strided.gather [hbm4b:s11+s24], $0x2800, s15, s24, $0x38;
	[tilespmem:$0x1E400] =	vst v63  }
0x5a: {  	_ =	swait.ge [sflag:s16], $0x2800  }
0x5b: {  	[sflag:s16] =	ssyncset.done $0x0  }
0x5c: {  	[sflag:s16] =	ssyncadd.s32 $0xFFFFD800  }
0x5d: {  	[tilespmem:s15], [sflag:$0x1] =	stream.indirect.gather [hbm4b:s4+s17], $0x80, s3, s17, $0xb8;
	[tilespmem:$0x1E400] =	vst v63  }
0x5e: {  	s25 =	simm.s32 $0x4000;
	s26 =	simm.s32 $0x80;
	_ =	swait.ge [sflag:s18], $0x4000  }
0x5f: {  	s28 =	simm.s32 $0x0;
	s25 =	sand.u32 $0x4000, s25;
	[sflag:s18] =	ssyncset.done $0x0  }
0x60: {  	s28 =	sand.u32 $0x4000, s28;
	s25 =	sor.u32 $0x2800, s25;
	[sflag:s18] =	ssyncadd.s32 $0xFFFFC000  }
0x61: {  	[tilespmem:s25], [sflag:$0x1] =	stream.indirect.gather [hbm4b:s4+s17], $0x80, s26, s17, $0xb8;
	[tilespmem:$0x1E400] =	vst v63  }
0x62: {  	s31 =	sor.u32 $0x2800, s28  }
0x63: {  	[spmem:s2] =	stream.indirect.scatter.add.f32 [tilespmem:s31], [sflag:$0x2], $0x80, s24, s17, $0xb8;
	[tilespmem:$0x1E400] =	vst v63  }
0x64: {  	_ =	swait.ge [sflag:s16], $0x4000  }
0x65: {  	s25 =	simm.s32 $0x8000;
	[sflag:s16] =	ssyncset.done $0x0  }
.LBB2_6:
0x66: {  	p1 =	sne.s32 s25, $0x9C000;
	[sflag:s16] =	ssyncadd.s32 $0xFFFFC000;
	s24 =	sadd.s32 $0x80, s24  }
0x67: {  	s26 =	smov.u32 s25;
	s25 =	sadd.s32 $0x4000, s25  }
0x68: {  	s28 =	sadd.s32 $0xFFFFEC80, s24;
	_ =	swait.ge [sflag:s18], $0x4000  }
0x69: {  	s29 =	sadd.s32 $0xFFFFC000, s26;
	s26 =	sand.u32 $0x4000, s26;
	[sflag:s18] =	ssyncset.done $0x0  }
0x6a: {  	s29 =	sand.u32 $0x4000, s29;
	s26 =	sor.u32 $0x2800, s26;
	[sflag:s18] =	ssyncadd.s32 $0xFFFFC000  }
0x6b: {  	[tilespmem:s26], [sflag:$0x1] =	stream.indirect.gather [hbm4b:s4+s17], $0x80, s28, s17, $0xb8;
	[tilespmem:$0x1E400] =	vst v63  }
.Ltmp2:
0x6c: {  	_ = 	snop;
	(pc) =	sbr.rel @p1 .LBB2_6-.Ltmp2, $4  }
0x6d: {  	s26 =	sor.u32 $0x2800, s29  }
0x6e: {  	[spmem:s2] =	stream.indirect.scatter.add.f32 [tilespmem:s26], [sflag:$0x2], $0x80, s24, s17, $0xb8;
	[tilespmem:$0x1E400] =	vst v63  }
0x6f: {  	_ =	swait.ge [sflag:s16], $0x4000  }
0x70: {  	[sflag:s16] =	ssyncset.done $0x0  }
0x71: {  	[sflag:s16] =	ssyncadd.s32 $0xFFFFC000  }
0x72: {  	_ =	swait.ge [sflag:s18], $0x4000  }
0x73: {  	[sflag:s18] =	ssyncset.done $0x0  }
0x74: {  	[sflag:s18] =	ssyncadd.s32 $0xFFFFC000  }
0x75: {  	[spmem:s2] =	stream.indirect.scatter.add.f32 [tilespmem:s20], [sflag:$0x2], $0x80, s19, s17, $0xb8;
	[tilespmem:$0x1E400] =	vst v63  }
0x76: {  	_ =	swait.ge [sflag:s16], $0x4000  }
0x77: {  	[sflag:s16] =	ssyncset.done $0x0  }
0x78: {  	s24 =	sshll.u32 s0, $0x6;
	[sflag:s16] =	ssyncadd.s32 $0xFFFFC000  }
0x79: {  	s24 =	sor.u32 $0x1C02, s24;
	[bflag:$0x0] =	sbarrier.arrive $0xFFFF  }
0x7a: {  	[hbm:s12], [sflag:s24] =	dma.local [spmem:s21], $0x2700  }
0x7b: {  	_ =	swait.ge [sflag:s16], $0x2700  }
0x7c: {  	s23 =	sadd.s32 $0x1, s23;
	[sflag:s16] =	ssyncset.done $0x0  }
0x7d: {  	p1 =	sne.s32 s23, s14;
	[sflag:s16] =	ssyncadd.s32 $0xFFFFD900  }
0x7e: {  	[hbm:s13], [sflag:s24] =	dma.local @!p0 [spmem:s22], $0x100  }
.Ltmp3:
0x7f: {  	_ = 	snop;
	(pc) =	sbr.rel @p1 .LBB2_1-.Ltmp3, $4  }
0x80: {  	s24 =	simm.s32 @!p0 $0x2  }
0x81: {  	_ =	swait.ge @!p0 [sflag:s24], $0x100  }
0x82: {  	[sflag:s24] =	ssyncset.done @!p0 $0x0  }
0x83: {  	[sflag:s24] =	ssyncadd.s32 @!p0 $0xFFFFFF00  }
0x84: {  	_ =	sfence.sel $0x180000  }
0x85: {  	[bflag:$0x0] =	sbarrier.arrive $0xFFFF  }
0x86: {  	p0 =	sne.s32 s0, $0x0;
	_ =	strace $0x90000050  }
0x87: {  	s0 =	sadd.s32 @!p0 $0x100000, s1;
	[bflag:$0x2] =	sbarrier.arrive $0xFFFF  }
0x88: {  	[sflag:s0] =	ssyncadd.tile.s32 @!p0 $0x1;
	_ =	shalt  }
.Lfunc_end2:
_tile_overlayer_lowered:
.L_overlay_start_2:
0x89: {  	(tag) =	ssettag $0x2  }
0x8a: {  	s0 =	rddreg [dreg:$0x0];
	s2 =	stileid.u32  }
0x8b: {  	s1 =	rddreg [dreg:$0x1];
	p0 =	sne.s32 s2, $0x0  }
0x8c: {  	s3 =	rddreg [dreg:$0x2];
	[bflag:$0x3] =	sbarrier.arrive $0xFFFF;
	s2 =	simm.s32 @!p0 $0x1C02  }
0x8d: {  	[timem:s3], [sflag:s2] =	dma.local @!p0 [hbm:s0], s1  }
0x8e: {  	s0 =	simm.s32 @!p0 $0x2  }
0x8f: {  	_ =	swait.ge @!p0 [sflag:s0], s1  }
0x90: {  	s1 =	ssub.s32 @!p0 $0x0, s1;
	[sflag:s0] =	ssyncset.done @!p0 $0x0  }
0x91: {  	[sflag:s0] =	ssyncadd.s32 @!p0 s1  }
0x92: {  	[bflag:$0x3] =	sbarrier.arrive $0xFFFF  }
0x93: {  	_ =	shalt  }

</sc_bundles>
